<compile_context>
chip_gen: v7x
topology: tpu7x:2x2x1
jax: 0.10.2.dev20260603
libtpu: 0.0.44.dev20260713+nightly
codegen_flags: <defaults>
</compile_context>

<pallas_src>
import functools

import jax
import jax.numpy as jnp
from jax import lax
from jax.experimental import pallas as pl
from jax.experimental.pallas import tpu as pltpu
from jax.experimental.pallas import tpu_sc as plsc

_VOCAB = 1000
_D = 1000
_BATCH = 1024
_SEQ = 50
_NTV = 125
_NC, _NS = 2, 16
_NW = _NC * _NS
_TPW = 4


@functools.partial(
    pl.kernel,
    mesh=plsc.VectorSubcoreMesh(core_axis_name="c", subcore_axis_name="s"),
    out_type=jax.ShapeDtypeStruct((_SEQ, _NTV, 8, 8, 128), jnp.float32),
    scratch_types=[
        pltpu.VMEM((_TPW, 8 * _VOCAB), jnp.float32),
        pltpu.VMEM((2, _TPW, 8, 8, 128), jnp.float32),
        pltpu.VMEM((2, _BATCH), jnp.int32),
        pltpu.SemaphoreType.DMA((2, _TPW)),
        pltpu.SemaphoreType.DMA((2,)),
    ],
    compiler_params=pltpu.CompilerParams(
        use_tc_tiling_on_sc=False, needs_layout_passes=False
    ),
)
def _gather(table_hbm, idx_hbm, out_hbm, tcols, obuf, ibuf, osem, isem):
    wid = lax.axis_index("s") * _NC + lax.axis_index("c")
    tv0 = wid * _TPW
    pltpu.sync_copy(table_hbm.at[pl.ds(tv0, _TPW)], tcols)

    def idx_dma(s, db):
        return pltpu.make_async_copy(
            idx_hbm.at[s], ibuf.at[db], isem.at[db]
        )

    def out_dma(s, db, t):
        return pltpu.make_async_copy(
            obuf.at[db, t],
            out_hbm.at[s, tv0 + t],
            osem.at[db, t],
        )

    idx_dma(0, 0).start()

    def do_s(s, db):
        idx_dma(s, db).wait()

        @pl.when(s + 1 < _SEQ)
        def _():
            idx_dma(s + 1, 1 - db).start()

        @pl.when(s >= 2)
        def _():
            for t in range(_TPW):
                @pl.when(tv0 + t < _NTV)
                def _():
                    out_dma(s - 2, db, t).wait()

        @plsc.parallel_loop(0, 64, unroll=2)
        def _g_body(g):
            tb = g // 8
            gg = g % 8
            iv = ibuf[db, pl.ds(16 * g, 16)]
            vals = []
            for sub in range(8):
                fidx = iv + jnp.int32(_VOCAB * sub)
                for t in range(_TPW):
                    vals.append(
                        (sub, t, plsc.load_gather(tcols.at[t], [fidx]))
                    )
            for sub, t, v in vals:
                obuf[db, t, tb, sub, pl.ds(16 * gg, 16)] = v

        for t in range(_TPW):
            @pl.when(tv0 + t < _NTV)
            def _():
                out_dma(s, db, t).start()

    def outer(s2, carry):
        for db in range(2):
            do_s(s2 * 2 + db, db)
        return carry

    lax.fori_loop(0, _SEQ // 2, outer, 0)

    for db in range(2):
        for t in range(_TPW):
            @pl.when(tv0 + t < _NTV)
            def _():
                out_dma(_SEQ - 2 + db, db, t).wait()


def kernel(idx, table):
    idx_t = jnp.transpose(idx).astype(jnp.int32)
    table_t = jnp.transpose(table).reshape(_NTV, 8 * _VOCAB)
    table_p = jnp.pad(table_t, ((0, _NW * _TPW - _NTV), (0, 0)))
    out5d = _gather(table_p, idx_t)
    t = jnp.transpose(out5d, (2, 4, 0, 1, 3))
    return t.reshape(_BATCH, _SEQ, _D)

# --- scband reference (transcript-rebuilt; emitter-appended) ---
"""Pipeline reference for scband-bigram-language-model-23089744183553 (READ-ONLY COPY).

The authoritative reference and input builder live on the scoring server;
editing this copy changes nothing except your own understanding.
"""

import jax, jax.numpy as jnp
import numpy as np

VOCAB = 1000
BATCH = 1024
SEQ = 50

def setup_inputs(seed: int = 0) -> dict:
    key = jax.random.key(seed)
    k_idx, k_tab = jax.random.split(key)
    idx = jax.random.randint(k_idx, (BATCH, SEQ), 0, VOCAB)
    table = jax.random.normal(k_tab, (VOCAB, VOCAB), dtype=jnp.float32) * 0.02
    return {"idx": idx, "table": table}

def reference(idx, table):
    # logits = token_embedding_table(idx) -> row gather from [vocab, vocab] table
    logits = jnp.take(table, idx, axis=0)
    return logits

if __name__ == "__main__":
    import jax
    _d = setup_inputs()
    print(jax.jit(kernel)(*tuple(_d.values())))

</pallas_src>

<mosaic_0001>
#map = affine_map<(d0, d1) -> (0, 0)>
#map1 = affine_map<(d0, d1) -> (0, 0, 0, 0, 0)>
module attributes {stable_mosaic.version = 14 : i64} {
  func.func @_gather(%arg0: i32, %arg1: i32, %arg2: memref<128x8000xf32, #tpu.memory_space<hbm>>, %arg3: memref<50x1024xi32, #tpu.memory_space<hbm>>, %arg4: memref<50x125x8x8x128xf32, #tpu.memory_space<hbm>>, %arg5: memref<4x8000xf32, #tpu.memory_space<vmem>>, %arg6: memref<2x4x8x8x128xf32, #tpu.memory_space<vmem>>, %arg7: memref<2x1024xi32, #tpu.memory_space<vmem>>, %arg8: memref<2x4x!tpu.dma_semaphore, #tpu.memory_space<semaphore_mem>>, %arg9: memref<2x!tpu.dma_semaphore, #tpu.memory_space<semaphore_mem>>) attributes {dimension_semantics = [#tpu.dimension_semantics<core_parallel>, #tpu.dimension_semantics<subcore_parallel>], iteration_bounds = array<i64: 2, 16>, scalar_prefetch = 0 : i64, scratch_operands = 5 : i64, tpu.core_type = #tpu.core_type<sc_vector_subcore>, window_params = [{transform_indices = #map}, {transform_indices = #map}, {transform_indices = #map1}]} {
    %mul3A = arith.constant 2 : i32
    %mul3A_0 = arith.muli %arg1, %mul3A : i32
    %add3A = arith.addi %mul3A_0, %arg0 : i32
    %mul3A_1 = arith.constant 4 : i32
    %mul3A_2 = arith.muli %add3A, %mul3A_1 : i32
    "tpu.region"() ({
      %run_scoped3A = tpu.sem_alloc : memref<!tpu.dma_semaphore, #tpu.memory_space<semaphore_mem>>
      %dma_start3A_77 = arith.constant 0 : i32
      %dma_start3A_78 = tpu.memref_slice %arg2[%mul3A_2, %dma_start3A_77] : memref<128x8000xf32, #tpu.memory_space<hbm>> -> memref<4x8000xf32, #tpu.memory_space<hbm>>
      %dma_start3A_79 = arith.constant 0 : i32
      %dma_start3A_80 = tpu.memref_slice %arg2[%mul3A_2, %dma_start3A_79] : memref<128x8000xf32, #tpu.memory_space<hbm>> -> memref<4x8000xf32, #tpu.memory_space<hbm>>
      tpu.enqueue_dma source(%dma_start3A_80 : memref<4x8000xf32, #tpu.memory_space<hbm>>) target(%arg5 : memref<4x8000xf32, #tpu.memory_space<vmem>>) target_semaphore(%run_scoped3A : memref<!tpu.dma_semaphore, #tpu.memory_space<semaphore_mem>>)
      %dma_wait3A = arith.constant 0 : i32
      %dma_wait3A_81 = tpu.memref_slice %arg2[%mul3A_2, %dma_wait3A] : memref<128x8000xf32, #tpu.memory_space<hbm>> -> memref<4x8000xf32, #tpu.memory_space<hbm>>
      %dma_wait3A_82 = arith.constant 0 : i32
      %dma_wait3A_83 = tpu.memref_slice %arg2[%mul3A_2, %dma_wait3A_82] : memref<128x8000xf32, #tpu.memory_space<hbm>> -> memref<4x8000xf32, #tpu.memory_space<hbm>>
      tpu.wait_dma2 semaphore(%run_scoped3A : memref<!tpu.dma_semaphore, #tpu.memory_space<semaphore_mem>>) src(%dma_wait3A_83 : memref<4x8000xf32, #tpu.memory_space<hbm>>) dst(%arg5 : memref<4x8000xf32, #tpu.memory_space<vmem>>)
      tpu.yield
    }) : () -> ()
    %dma_start3A = arith.constant 0 : i32
    %dma_start3A_3 = arith.constant 0 : i32
    %dma_start3A_4 = arith.constant 0 : i32
    %dma_start3A_5 = arith.constant 0 : i32
    %dma_start3A_6 = tpu.memref_slice %arg7[%dma_start3A_3, %dma_start3A_5] : memref<2x1024xi32, #tpu.memory_space<vmem>> -> memref<1x1024xi32, #tpu.memory_space<vmem>>
    %dma_start3A_7 = tpu.memref_squeeze %dma_start3A_6 : memref<1x1024xi32, #tpu.memory_space<vmem>> -> memref<1024xi32, #tpu.memory_space<vmem>>
    %dma_start3A_8 = arith.constant 0 : i32
    %dma_start3A_9 = tpu.memref_slice %arg3[%dma_start3A, %dma_start3A_8] : memref<50x1024xi32, #tpu.memory_space<hbm>> -> memref<1x1024xi32, #tpu.memory_space<hbm>>
    %dma_start3A_10 = tpu.memref_squeeze %dma_start3A_9 : memref<1x1024xi32, #tpu.memory_space<hbm>> -> memref<1024xi32, #tpu.memory_space<hbm>>
    %dma_start3A_11 = tpu.memref_slice %arg9[%dma_start3A_4] : memref<2x!tpu.dma_semaphore, #tpu.memory_space<semaphore_mem>> -> memref<1x!tpu.dma_semaphore, #tpu.memory_space<semaphore_mem>>
    %dma_start3A_12 = tpu.memref_squeeze %dma_start3A_11 : memref<1x!tpu.dma_semaphore, #tpu.memory_space<semaphore_mem>> -> memref<!tpu.dma_semaphore, #tpu.memory_space<semaphore_mem>>
    %dma_start3A_13 = arith.constant 0 : i32
    %dma_start3A_14 = tpu.memref_slice %arg7[%dma_start3A_3, %dma_start3A_13] : memref<2x1024xi32, #tpu.memory_space<vmem>> -> memref<1x1024xi32, #tpu.memory_space<vmem>>
    %dma_start3A_15 = tpu.memref_squeeze %dma_start3A_14 : memref<1x1024xi32, #tpu.memory_space<vmem>> -> memref<1024xi32, #tpu.memory_space<vmem>>
    %dma_start3A_16 = arith.constant 0 : i32
    %dma_start3A_17 = tpu.memref_slice %arg3[%dma_start3A, %dma_start3A_16] : memref<50x1024xi32, #tpu.memory_space<hbm>> -> memref<1x1024xi32, #tpu.memory_space<hbm>>
    %dma_start3A_18 = tpu.memref_squeeze %dma_start3A_17 : memref<1x1024xi32, #tpu.memory_space<hbm>> -> memref<1024xi32, #tpu.memory_space<hbm>>
    tpu.enqueue_dma source(%dma_start3A_18 : memref<1024xi32, #tpu.memory_space<hbm>>) target(%dma_start3A_15 : memref<1024xi32, #tpu.memory_space<vmem>>) target_semaphore(%dma_start3A_12 : memref<!tpu.dma_semaphore, #tpu.memory_space<semaphore_mem>>)
    %scan3A = arith.constant 0 : i32
    %scan3A_19 = arith.constant 0 : i32
    %scan3A_20 = arith.constant 25 : i32
    %scan3A_21 = arith.addi %scan3A_19, %scan3A_20 : i32
    %scan3A_22 = arith.constant 1 : i32
    scf.for %scan3A_77 = %scan3A_19 to %scan3A_21 step %scan3A_22  : i32 {
      %mul3A_78 = arith.constant 2 : i32
      %mul3A_79 = arith.muli %scan3A_77, %mul3A_78 : i32
      %add3A_80 = arith.constant 0 : i32
      %add3A_81 = arith.addi %mul3A_79, %add3A_80 : i32
      %dma_wait3A = arith.constant 0 : i32
      %dma_wait3A_82 = arith.constant 0 : i32
      %dma_wait3A_83 = arith.constant 0 : i32
      %dma_wait3A_84 = tpu.memref_slice %arg7[%dma_wait3A, %dma_wait3A_83] : memref<2x1024xi32, #tpu.memory_space<vmem>> -> memref<1x1024xi32, #tpu.memory_space<vmem>>
      %dma_wait3A_85 = tpu.memref_squeeze %dma_wait3A_84 : memref<1x1024xi32, #tpu.memory_space<vmem>> -> memref<1024xi32, #tpu.memory_space<vmem>>
      %dma_wait3A_86 = arith.constant 0 : i32
      %dma_wait3A_87 = tpu.memref_slice %arg3[%add3A_81, %dma_wait3A_86] : memref<50x1024xi32, #tpu.memory_space<hbm>> -> memref<1x1024xi32, #tpu.memory_space<hbm>>
      %dma_wait3A_88 = tpu.memref_squeeze %dma_wait3A_87 : memref<1x1024xi32, #tpu.memory_space<hbm>> -> memref<1024xi32, #tpu.memory_space<hbm>>
      %dma_wait3A_89 = tpu.memref_slice %arg9[%dma_wait3A_82] : memref<2x!tpu.dma_semaphore, #tpu.memory_space<semaphore_mem>> -> memref<1x!tpu.dma_semaphore, #tpu.memory_space<semaphore_mem>>
      %dma_wait3A_90 = tpu.memref_squeeze %dma_wait3A_89 : memref<1x!tpu.dma_semaphore, #tpu.memory_space<semaphore_mem>> -> memref<!tpu.dma_semaphore, #tpu.memory_space<semaphore_mem>>
      %dma_wait3A_91 = arith.constant 0 : i32
      %dma_wait3A_92 = tpu.memref_slice %arg7[%dma_wait3A, %dma_wait3A_91] : memref<2x1024xi32, #tpu.memory_space<vmem>> -> memref<1x1024xi32, #tpu.memory_space<vmem>>
      %dma_wait3A_93 = tpu.memref_squeeze %dma_wait3A_92 : memref<1x1024xi32, #tpu.memory_space<vmem>> -> memref<1024xi32, #tpu.memory_space<vmem>>
      %dma_wait3A_94 = arith.constant 0 : i32
      %dma_wait3A_95 = tpu.memref_slice %arg3[%add3A_81, %dma_wait3A_94] : memref<50x1024xi32, #tpu.memory_space<hbm>> -> memref<1x1024xi32, #tpu.memory_space<hbm>>
      %dma_wait3A_96 = tpu.memref_squeeze %dma_wait3A_95 : memref<1x1024xi32, #tpu.memory_space<hbm>> -> memref<1024xi32, #tpu.memory_space<hbm>>
      tpu.wait_dma2 semaphore(%dma_wait3A_90 : memref<!tpu.dma_semaphore, #tpu.memory_space<semaphore_mem>>) src(%dma_wait3A_96 : memref<1024xi32, #tpu.memory_space<hbm>>) dst(%dma_wait3A_93 : memref<1024xi32, #tpu.memory_space<vmem>>)
      %add3A_97 = arith.constant 1 : i32
      %add3A_98 = arith.addi %add3A_81, %add3A_97 : i32
      %lt3A_99 = arith.constant 50 : i32
      %lt3A_100 = arith.cmpi slt, %add3A_98, %lt3A_99 : i32
      %convert_element_type3A_101 = arith.extui %lt3A_100 : i1 to i32
      %cond3A_102 = arith.constant 0 : i32
      %cond3A_103 = arith.cmpi ne, %convert_element_type3A_101, %cond3A_102 : i32
      scf.if %cond3A_103 {
        %add3A_201 = arith.constant 1 : i32
        %add3A_202 = arith.addi %add3A_81, %add3A_201 : i32
        %dma_start3A_203 = arith.constant 1 : i32
        %dma_start3A_204 = arith.constant 1 : i32
        %dma_start3A_205 = arith.constant 0 : i32
        %dma_start3A_206 = tpu.memref_slice %arg7[%dma_start3A_203, %dma_start3A_205] : memref<2x1024xi32, #tpu.memory_space<vmem>> -> memref<1x1024xi32, #tpu.memory_space<vmem>>
        %dma_start3A_207 = tpu.memref_squeeze %dma_start3A_206 : memref<1x1024xi32, #tpu.memory_space<vmem>> -> memref<1024xi32, #tpu.memory_space<vmem>>
        %dma_start3A_208 = arith.constant 0 : i32
        %dma_start3A_209 = tpu.memref_slice %arg3[%add3A_202, %dma_start3A_208] : memref<50x1024xi32, #tpu.memory_space<hbm>> -> memref<1x1024xi32, #tpu.memory_space<hbm>>
        %dma_start3A_210 = tpu.memref_squeeze %dma_start3A_209 : memref<1x1024xi32, #tpu.memory_space<hbm>> -> memref<1024xi32, #tpu.memory_space<hbm>>
        %dma_start3A_211 = tpu.memref_slice %arg9[%dma_start3A_204] : memref<2x!tpu.dma_semaphore, #tpu.memory_space<semaphore_mem>> -> memref<1x!tpu.dma_semaphore, #tpu.memory_space<semaphore_mem>>
        %dma_start3A_212 = tpu.memref_squeeze %dma_start3A_211 : memref<1x!tpu.dma_semaphore, #tpu.memory_space<semaphore_mem>> -> memref<!tpu.dma_semaphore, #tpu.memory_space<semaphore_mem>>
        %dma_start3A_213 = arith.constant 0 : i32
        %dma_start3A_214 = tpu.memref_slice %arg7[%dma_start3A_203, %dma_start3A_213] : memref<2x1024xi32, #tpu.memory_space<vmem>> -> memref<1x1024xi32, #tpu.memory_space<vmem>>
        %dma_start3A_215 = tpu.memref_squeeze %dma_start3A_214 : memref<1x1024xi32, #tpu.memory_space<vmem>> -> memref<1024xi32, #tpu.memory_space<vmem>>
        %dma_start3A_216 = arith.constant 0 : i32
        %dma_start3A_217 = tpu.memref_slice %arg3[%add3A_202, %dma_start3A_216] : memref<50x1024xi32, #tpu.memory_space<hbm>> -> memref<1x1024xi32, #tpu.memory_space<hbm>>
        %dma_start3A_218 = tpu.memref_squeeze %dma_start3A_217 : memref<1x1024xi32, #tpu.memory_space<hbm>> -> memref<1024xi32, #tpu.memory_space<hbm>>
        tpu.enqueue_dma source(%dma_start3A_218 : memref<1024xi32, #tpu.memory_space<hbm>>) target(%dma_start3A_215 : memref<1024xi32, #tpu.memory_space<vmem>>) target_semaphore(%dma_start3A_212 : memref<!tpu.dma_semaphore, #tpu.memory_space<semaphore_mem>>)
      } else {
      }
      %ge3A = arith.constant 2 : i32
      %ge3A_104 = arith.cmpi sge, %add3A_81, %ge3A : i32
      %convert_element_type3A_105 = arith.extui %ge3A_104 : i1 to i32
      %cond3A_106 = arith.constant 0 : i32
      %cond3A_107 = arith.cmpi ne, %convert_element_type3A_105, %cond3A_106 : i32
      scf.if %cond3A_107 {
        %add3A_201 = arith.constant 0 : i32
        %add3A_202 = arith.addi %mul3A_2, %add3A_201 : i32
        %lt3A_203 = arith.constant 125 : i32
        %lt3A_204 = arith.cmpi slt, %add3A_202, %lt3A_203 : i32
        %convert_element_type3A_205 = arith.extui %lt3A_204 : i1 to i32
        %cond3A_206 = arith.constant 0 : i32
        %cond3A_207 = arith.cmpi ne, %convert_element_type3A_205, %cond3A_206 : i32
        scf.if %cond3A_207 {
          %sub3A = arith.constant 2 : i32
          %sub3A_229 = arith.subi %add3A_81, %sub3A : i32
          %add3A_230 = arith.constant 0 : i32
          %add3A_231 = arith.addi %mul3A_2, %add3A_230 : i32
          %dma_wait3A_232 = arith.constant 0 : i32
          %dma_wait3A_233 = arith.constant 0 : i32
          %dma_wait3A_234 = arith.constant 0 : i32
          %dma_wait3A_235 = arith.constant 0 : i32
          %dma_wait3A_236 = arith.constant 0 : i32
          %dma_wait3A_237 = arith.constant 0 : i32
          %dma_wait3A_238 = arith.constant 0 : i32
          %dma_wait3A_239 = tpu.memref_slice %arg6[%dma_wait3A_232, %dma_wait3A_233, %dma_wait3A_236, %dma_wait3A_237, %dma_wait3A_238] : memref<2x4x8x8x128xf32, #tpu.memory_space<vmem>> -> memref<1x1x8x8x128xf32, #tpu.memory_space<vmem>>
          %dma_wait3A_240 = tpu.memref_squeeze %dma_wait3A_239 : memref<1x1x8x8x128xf32, #tpu.memory_space<vmem>> -> memref<8x8x128xf32, #tpu.memory_space<vmem>>
          %dma_wait3A_241 = arith.constant 0 : i32
          %dma_wait3A_242 = arith.constant 0 : i32
          %dma_wait3A_243 = arith.constant 0 : i32
          %dma_wait3A_244 = tpu.memref_slice %arg4[%sub3A_229, %add3A_231, %dma_wait3A_241, %dma_wait3A_242, %dma_wait3A_243] : memref<50x125x8x8x128xf32, #tpu.memory_space<hbm>> -> memref<1x1x8x8x128xf32, #tpu.memory_space<hbm>>
          %dma_wait3A_245 = tpu.memref_squeeze %dma_wait3A_244 : memref<1x1x8x8x128xf32, #tpu.memory_space<hbm>> -> memref<8x8x128xf32, #tpu.memory_space<hbm>>
          %dma_wait3A_246 = tpu.memref_slice %arg8[%dma_wait3A_234, %dma_wait3A_235] : memref<2x4x!tpu.dma_semaphore, #tpu.memory_space<semaphore_mem>> -> memref<1x1x!tpu.dma_semaphore, #tpu.memory_space<semaphore_mem>>
          %dma_wait3A_247 = tpu.memref_squeeze %dma_wait3A_246 : memref<1x1x!tpu.dma_semaphore, #tpu.memory_space<semaphore_mem>> -> memref<!tpu.dma_semaphore, #tpu.memory_space<semaphore_mem>>
          %dma_wait3A_248 = arith.constant 0 : i32
          %dma_wait3A_249 = arith.constant 0 : i32
          %dma_wait3A_250 = arith.constant 0 : i32
          %dma_wait3A_251 = tpu.memref_slice %arg4[%sub3A_229, %add3A_231, %dma_wait3A_248, %dma_wait3A_249, %dma_wait3A_250] : memref<50x125x8x8x128xf32, #tpu.memory_space<hbm>> -> memref<1x1x8x8x128xf32, #tpu.memory_space<hbm>>
          %dma_wait3A_252 = tpu.memref_squeeze %dma_wait3A_251 : memref<1x1x8x8x128xf32, #tpu.memory_space<hbm>> -> memref<8x8x128xf32, #tpu.memory_space<hbm>>
          %dma_wait3A_253 = arith.constant 0 : i32
          %dma_wait3A_254 = arith.constant 0 : i32
          %dma_wait3A_255 = arith.constant 0 : i32
          %dma_wait3A_256 = tpu.memref_slice %arg6[%dma_wait3A_232, %dma_wait3A_233, %dma_wait3A_253, %dma_wait3A_254, %dma_wait3A_255] : memref<2x4x8x8x128xf32, #tpu.memory_space<vmem>> -> memref<1x1x8x8x128xf32, #tpu.memory_space<vmem>>
          %dma_wait3A_257 = tpu.memref_squeeze %dma_wait3A_256 : memref<1x1x8x8x128xf32, #tpu.memory_space<vmem>> -> memref<8x8x128xf32, #tpu.memory_space<vmem>>
          tpu.wait_dma2 semaphore(%dma_wait3A_247 : memref<!tpu.dma_semaphore, #tpu.memory_space<semaphore_mem>>) src(%dma_wait3A_257 : memref<8x8x128xf32, #tpu.memory_space<vmem>>) dst(%dma_wait3A_252 : memref<8x8x128xf32, #tpu.memory_space<hbm>>)
        } else {
        }
        %add3A_208 = arith.constant 1 : i32
        %add3A_209 = arith.addi %mul3A_2, %add3A_208 : i32
        %lt3A_210 = arith.constant 125 : i32
        %lt3A_211 = arith.cmpi slt, %add3A_209, %lt3A_210 : i32
        %convert_element_type3A_212 = arith.extui %lt3A_211 : i1 to i32
        %cond3A_213 = arith.constant 0 : i32
        %cond3A_214 = arith.cmpi ne, %convert_element_type3A_212, %cond3A_213 : i32
        scf.if %cond3A_214 {
          %sub3A = arith.constant 2 : i32
          %sub3A_229 = arith.subi %add3A_81, %sub3A : i32
          %add3A_230 = arith.constant 1 : i32
          %add3A_231 = arith.addi %mul3A_2, %add3A_230 : i32
          %dma_wait3A_232 = arith.constant 0 : i32
          %dma_wait3A_233 = arith.constant 1 : i32
          %dma_wait3A_234 = arith.constant 0 : i32
          %dma_wait3A_235 = arith.constant 1 : i32
          %dma_wait3A_236 = arith.constant 0 : i32
          %dma_wait3A_237 = arith.constant 0 : i32
          %dma_wait3A_238 = arith.constant 0 : i32
          %dma_wait3A_239 = tpu.memref_slice %arg6[%dma_wait3A_232, %dma_wait3A_233, %dma_wait3A_236, %dma_wait3A_237, %dma_wait3A_238] : memref<2x4x8x8x128xf32, #tpu.memory_space<vmem>> -> memref<1x1x8x8x128xf32, #tpu.memory_space<vmem>>
          %dma_wait3A_240 = tpu.memref_squeeze %dma_wait3A_239 : memref<1x1x8x8x128xf32, #tpu.memory_space<vmem>> -> memref<8x8x128xf32, #tpu.memory_space<vmem>>
          %dma_wait3A_241 = arith.constant 0 : i32
          %dma_wait3A_242 = arith.constant 0 : i32
          %dma_wait3A_243 = arith.constant 0 : i32
          %dma_wait3A_244 = tpu.memref_slice %arg4[%sub3A_229, %add3A_231, %dma_wait3A_241, %dma_wait3A_242, %dma_wait3A_243] : memref<50x125x8x8x128xf32, #tpu.memory_space<hbm>> -> memref<1x1x8x8x128xf32, #tpu.memory_space<hbm>>
          %dma_wait3A_245 = tpu.memref_squeeze %dma_wait3A_244 : memref<1x1x8x8x128xf32, #tpu.memory_space<hbm>> -> memref<8x8x128xf32, #tpu.memory_space<hbm>>
          %dma_wait3A_246 = tpu.memref_slice %arg8[%dma_wait3A_234, %dma_wait3A_235] : memref<2x4x!tpu.dma_semaphore, #tpu.memory_space<semaphore_mem>> -> memref<1x1x!tpu.dma_semaphore, #tpu.memory_space<semaphore_mem>>
          %dma_wait3A_247 = tpu.memref_squeeze %dma_wait3A_246 : memref<1x1x!tpu.dma_semaphore, #tpu.memory_space<semaphore_mem>> -> memref<!tpu.dma_semaphore, #tpu.memory_space<semaphore_mem>>
          %dma_wait3A_248 = arith.constant 0 : i32
          %dma_wait3A_249 = arith.constant 0 : i32
          %dma_wait3A_250 = arith.constant 0 : i32
          %dma_wait3A_251 = tpu.memref_slice %arg4[%sub3A_229, %add3A_231, %dma_wait3A_248, %dma_wait3A_249, %dma_wait3A_250] : memref<50x125x8x8x128xf32, #tpu.memory_space<hbm>> -> memref<1x1x8x8x128xf32, #tpu.memory_space<hbm>>
          %dma_wait3A_252 = tpu.memref_squeeze %dma_wait3A_251 : memref<1x1x8x8x128xf32, #tpu.memory_space<hbm>> -> memref<8x8x128xf32, #tpu.memory_space<hbm>>
          %dma_wait3A_253 = arith.constant 0 : i32
          %dma_wait3A_254 = arith.constant 0 : i32
          %dma_wait3A_255 = arith.constant 0 : i32
          %dma_wait3A_256 = tpu.memref_slice %arg6[%dma_wait3A_232, %dma_wait3A_233, %dma_wait3A_253, %dma_wait3A_254, %dma_wait3A_255] : memref<2x4x8x8x128xf32, #tpu.memory_space<vmem>> -> memref<1x1x8x8x128xf32, #tpu.memory_space<vmem>>
          %dma_wait3A_257 = tpu.memref_squeeze %dma_wait3A_256 : memref<1x1x8x8x128xf32, #tpu.memory_space<vmem>> -> memref<8x8x128xf32, #tpu.memory_space<vmem>>
          tpu.wait_dma2 semaphore(%dma_wait3A_247 : memref<!tpu.dma_semaphore, #tpu.memory_space<semaphore_mem>>) src(%dma_wait3A_257 : memref<8x8x128xf32, #tpu.memory_space<vmem>>) dst(%dma_wait3A_252 : memref<8x8x128xf32, #tpu.memory_space<hbm>>)
        } else {
        }
        %add3A_215 = arith.constant 2 : i32
        %add3A_216 = arith.addi %mul3A_2, %add3A_215 : i32
        %lt3A_217 = arith.constant 125 : i32
        %lt3A_218 = arith.cmpi slt, %add3A_216, %lt3A_217 : i32
        %convert_element_type3A_219 = arith.extui %lt3A_218 : i1 to i32
        %cond3A_220 = arith.constant 0 : i32
        %cond3A_221 = arith.cmpi ne, %convert_element_type3A_219, %cond3A_220 : i32
        scf.if %cond3A_221 {
          %sub3A = arith.constant 2 : i32
          %sub3A_229 = arith.subi %add3A_81, %sub3A : i32
          %add3A_230 = arith.constant 2 : i32
          %add3A_231 = arith.addi %mul3A_2, %add3A_230 : i32
          %dma_wait3A_232 = arith.constant 0 : i32
          %dma_wait3A_233 = arith.constant 2 : i32
          %dma_wait3A_234 = arith.constant 0 : i32
          %dma_wait3A_235 = arith.constant 2 : i32
          %dma_wait3A_236 = arith.constant 0 : i32
          %dma_wait3A_237 = arith.constant 0 : i32
          %dma_wait3A_238 = arith.constant 0 : i32
          %dma_wait3A_239 = tpu.memref_slice %arg6[%dma_wait3A_232, %dma_wait3A_233, %dma_wait3A_236, %dma_wait3A_237, %dma_wait3A_238] : memref<2x4x8x8x128xf32, #tpu.memory_space<vmem>> -> memref<1x1x8x8x128xf32, #tpu.memory_space<vmem>>
          %dma_wait3A_240 = tpu.memref_squeeze %dma_wait3A_239 : memref<1x1x8x8x128xf32, #tpu.memory_space<vmem>> -> memref<8x8x128xf32, #tpu.memory_space<vmem>>
          %dma_wait3A_241 = arith.constant 0 : i32
          %dma_wait3A_242 = arith.constant 0 : i32
          %dma_wait3A_243 = arith.constant 0 : i32
          %dma_wait3A_244 = tpu.memref_slice %arg4[%sub3A_229, %add3A_231, %dma_wait3A_241, %dma_wait3A_242, %dma_wait3A_243] : memref<50x125x8x8x128xf32, #tpu.memory_space<hbm>> -> memref<1x1x8x8x128xf32, #tpu.memory_space<hbm>>
          %dma_wait3A_245 = tpu.memref_squeeze %dma_wait3A_244 : memref<1x1x8x8x128xf32, #tpu.memory_space<hbm>> -> memref<8x8x128xf32, #tpu.memory_space<hbm>>
          %dma_wait3A_246 = tpu.memref_slice %arg8[%dma_wait3A_234, %dma_wait3A_235] : memref<2x4x!tpu.dma_semaphore, #tpu.memory_space<semaphore_mem>> -> memref<1x1x!tpu.dma_semaphore, #tpu.memory_space<semaphore_mem>>
          %dma_wait3A_247 = tpu.memref_squeeze %dma_wait3A_246 : memref<1x1x!tpu.dma_semaphore, #tpu.memory_space<semaphore_mem>> -> memref<!tpu.dma_semaphore, #tpu.memory_space<semaphore_mem>>
          %dma_wait3A_248 = arith.constant 0 : i32
          %dma_wait3A_249 = arith.constant 0 : i32
          %dma_wait3A_250 = arith.constant 0 : i32
          %dma_wait3A_251 = tpu.memref_slice %arg4[%sub3A_229, %add3A_231, %dma_wait3A_248, %dma_wait3A_249, %dma_wait3A_250] : memref<50x125x8x8x128xf32, #tpu.memory_space<hbm>> -> memref<1x1x8x8x128xf32, #tpu.memory_space<hbm>>
          %dma_wait3A_252 = tpu.memref_squeeze %dma_wait3A_251 : memref<1x1x8x8x128xf32, #tpu.memory_space<hbm>> -> memref<8x8x128xf32, #tpu.memory_space<hbm>>
          %dma_wait3A_253 = arith.constant 0 : i32
          %dma_wait3A_254 = arith.constant 0 : i32
          %dma_wait3A_255 = arith.constant 0 : i32
          %dma_wait3A_256 = tpu.memref_slice %arg6[%dma_wait3A_232, %dma_wait3A_233, %dma_wait3A_253, %dma_wait3A_254, %dma_wait3A_255] : memref<2x4x8x8x128xf32, #tpu.memory_space<vmem>> -> memref<1x1x8x8x128xf32, #tpu.memory_space<vmem>>
          %dma_wait3A_257 = tpu.memref_squeeze %dma_wait3A_256 : memref<1x1x8x8x128xf32, #tpu.memory_space<vmem>> -> memref<8x8x128xf32, #tpu.memory_space<vmem>>
          tpu.wait_dma2 semaphore(%dma_wait3A_247 : memref<!tpu.dma_semaphore, #tpu.memory_space<semaphore_mem>>) src(%dma_wait3A_257 : memref<8x8x128xf32, #tpu.memory_space<vmem>>) dst(%dma_wait3A_252 : memref<8x8x128xf32, #tpu.memory_space<hbm>>)
        } else {
        }
        %add3A_222 = arith.constant 3 : i32
        %add3A_223 = arith.addi %mul3A_2, %add3A_222 : i32
        %lt3A_224 = arith.constant 125 : i32
        %lt3A_225 = arith.cmpi slt, %add3A_223, %lt3A_224 : i32
        %convert_element_type3A_226 = arith.extui %lt3A_225 : i1 to i32
        %cond3A_227 = arith.constant 0 : i32
        %cond3A_228 = arith.cmpi ne, %convert_element_type3A_226, %cond3A_227 : i32
        scf.if %cond3A_228 {
          %sub3A = arith.constant 2 : i32
          %sub3A_229 = arith.subi %add3A_81, %sub3A : i32
          %add3A_230 = arith.constant 3 : i32
          %add3A_231 = arith.addi %mul3A_2, %add3A_230 : i32
          %dma_wait3A_232 = arith.constant 0 : i32
          %dma_wait3A_233 = arith.constant 3 : i32
          %dma_wait3A_234 = arith.constant 0 : i32
          %dma_wait3A_235 = arith.constant 3 : i32
          %dma_wait3A_236 = arith.constant 0 : i32
          %dma_wait3A_237 = arith.constant 0 : i32
          %dma_wait3A_238 = arith.constant 0 : i32
          %dma_wait3A_239 = tpu.memref_slice %arg6[%dma_wait3A_232, %dma_wait3A_233, %dma_wait3A_236, %dma_wait3A_237, %dma_wait3A_238] : memref<2x4x8x8x128xf32, #tpu.memory_space<vmem>> -> memref<1x1x8x8x128xf32, #tpu.memory_space<vmem>>
          %dma_wait3A_240 = tpu.memref_squeeze %dma_wait3A_239 : memref<1x1x8x8x128xf32, #tpu.memory_space<vmem>> -> memref<8x8x128xf32, #tpu.memory_space<vmem>>
          %dma_wait3A_241 = arith.constant 0 : i32
          %dma_wait3A_242 = arith.constant 0 : i32
          %dma_wait3A_243 = arith.constant 0 : i32
          %dma_wait3A_244 = tpu.memref_slice %arg4[%sub3A_229, %add3A_231, %dma_wait3A_241, %dma_wait3A_242, %dma_wait3A_243] : memref<50x125x8x8x128xf32, #tpu.memory_space<hbm>> -> memref<1x1x8x8x128xf32, #tpu.memory_space<hbm>>
          %dma_wait3A_245 = tpu.memref_squeeze %dma_wait3A_244 : memref<1x1x8x8x128xf32, #tpu.memory_space<hbm>> -> memref<8x8x128xf32, #tpu.memory_space<hbm>>
          %dma_wait3A_246 = tpu.memref_slice %arg8[%dma_wait3A_234, %dma_wait3A_235] : memref<2x4x!tpu.dma_semaphore, #tpu.memory_space<semaphore_mem>> -> memref<1x1x!tpu.dma_semaphore, #tpu.memory_space<semaphore_mem>>
          %dma_wait3A_247 = tpu.memref_squeeze %dma_wait3A_246 : memref<1x1x!tpu.dma_semaphore, #tpu.memory_space<semaphore_mem>> -> memref<!tpu.dma_semaphore, #tpu.memory_space<semaphore_mem>>
          %dma_wait3A_248 = arith.constant 0 : i32
          %dma_wait3A_249 = arith.constant 0 : i32
          %dma_wait3A_250 = arith.constant 0 : i32
          %dma_wait3A_251 = tpu.memref_slice %arg4[%sub3A_229, %add3A_231, %dma_wait3A_248, %dma_wait3A_249, %dma_wait3A_250] : memref<50x125x8x8x128xf32, #tpu.memory_space<hbm>> -> memref<1x1x8x8x128xf32, #tpu.memory_space<hbm>>
          %dma_wait3A_252 = tpu.memref_squeeze %dma_wait3A_251 : memref<1x1x8x8x128xf32, #tpu.memory_space<hbm>> -> memref<8x8x128xf32, #tpu.memory_space<hbm>>
          %dma_wait3A_253 = arith.constant 0 : i32
          %dma_wait3A_254 = arith.constant 0 : i32
          %dma_wait3A_255 = arith.constant 0 : i32
          %dma_wait3A_256 = tpu.memref_slice %arg6[%dma_wait3A_232, %dma_wait3A_233, %dma_wait3A_253, %dma_wait3A_254, %dma_wait3A_255] : memref<2x4x8x8x128xf32, #tpu.memory_space<vmem>> -> memref<1x1x8x8x128xf32, #tpu.memory_space<vmem>>
          %dma_wait3A_257 = tpu.memref_squeeze %dma_wait3A_256 : memref<1x1x8x8x128xf32, #tpu.memory_space<vmem>> -> memref<8x8x128xf32, #tpu.memory_space<vmem>>
          tpu.wait_dma2 semaphore(%dma_wait3A_247 : memref<!tpu.dma_semaphore, #tpu.memory_space<semaphore_mem>>) src(%dma_wait3A_257 : memref<8x8x128xf32, #tpu.memory_space<vmem>>) dst(%dma_wait3A_252 : memref<8x8x128xf32, #tpu.memory_space<hbm>>)
        } else {
        }
      } else {
      }
      %parallel_loop3A = arith.constant 0 : i32
      %parallel_loop3A_108 = arith.constant 64 : i32
      %parallel_loop3A_109 = arith.constant 1 : i32
      scf.for %parallel_loop3A_201 = %parallel_loop3A to %parallel_loop3A_108 step %parallel_loop3A_109  : i32 {
        %parallel_loop3A_202 = arith.constant 8 : i32
        %parallel_loop3A_203 = arith.divsi %parallel_loop3A_201, %parallel_loop3A_202 : i32
        %parallel_loop3A_204 = arith.constant 0 : i32
        %parallel_loop3A_205 = arith.cmpi sgt, %parallel_loop3A_201, %parallel_loop3A_204 : i32
        %parallel_loop3A_206 = arith.extui %parallel_loop3A_205 : i1 to i32
        %parallel_loop3A_207 = arith.constant 0 : i32
        %parallel_loop3A_208 = arith.cmpi slt, %parallel_loop3A_201, %parallel_loop3A_207 : i32
        %parallel_loop3A_209 = arith.extui %parallel_loop3A_208 : i1 to i32
        %parallel_loop3A_210 = arith.subi %parallel_loop3A_206, %parallel_loop3A_209 : i32
        %parallel_loop3A_211 = arith.constant 0 : i32
        %parallel_loop3A_212 = arith.cmpi sgt, %parallel_loop3A_202, %parallel_loop3A_211 : i32
        %parallel_loop3A_213 = arith.extui %parallel_loop3A_212 : i1 to i32
        %parallel_loop3A_214 = arith.constant 0 : i32
        %parallel_loop3A_215 = arith.cmpi slt, %parallel_loop3A_202, %parallel_loop3A_214 : i32
        %parallel_loop3A_216 = arith.extui %parallel_loop3A_215 : i1 to i32
        %parallel_loop3A_217 = arith.subi %parallel_loop3A_213, %parallel_loop3A_216 : i32
        %parallel_loop3A_218 = arith.cmpi ne, %parallel_loop3A_210, %parallel_loop3A_217 : i32
        %parallel_loop3A_219 = arith.remsi %parallel_loop3A_201, %parallel_loop3A_202 : i32
        %parallel_loop3A_220 = arith.constant 0 : i32
        %parallel_loop3A_221 = arith.cmpi ne, %parallel_loop3A_219, %parallel_loop3A_220 : i32
        %parallel_loop3A_222 = arith.andi %parallel_loop3A_218, %parallel_loop3A_221 : i1
        %parallel_loop3A_223 = arith.constant 1 : i32
        %parallel_loop3A_224 = arith.subi %parallel_loop3A_203, %parallel_loop3A_223 : i32
        %parallel_loop3A_225 = arith.select %parallel_loop3A_222, %parallel_loop3A_224, %parallel_loop3A_203 : i32
        %parallel_loop3A_226 = arith.constant 8 : i32
        %parallel_loop3A_227 = arith.constant 0 : i32
        %parallel_loop3A_228 = arith.cmpi eq, %parallel_loop3A_226, %parallel_loop3A_227 : i32
        %parallel_loop3A_229 = arith.constant 1 : i32
        %parallel_loop3A_230 = arith.select %parallel_loop3A_228, %parallel_loop3A_229, %parallel_loop3A_226 : i32
        %parallel_loop3A_231 = arith.remsi %parallel_loop3A_201, %parallel_loop3A_230 : i32
        %parallel_loop3A_232 = arith.constant 0 : i32
        %parallel_loop3A_233 = arith.cmpi ne, %parallel_loop3A_231, %parallel_loop3A_232 : i32
        %parallel_loop3A_234 = arith.constant 0 : i32
        %parallel_loop3A_235 = arith.cmpi slt, %parallel_loop3A_231, %parallel_loop3A_234 : i32
        %parallel_loop3A_236 = arith.constant 0 : i32
        %parallel_loop3A_237 = arith.cmpi slt, %parallel_loop3A_230, %parallel_loop3A_236 : i32
        %parallel_loop3A_238 = arith.xori %parallel_loop3A_235, %parallel_loop3A_237 : i1
        %parallel_loop3A_239 = arith.andi %parallel_loop3A_238, %parallel_loop3A_233 : i1
        %parallel_loop3A_240 = arith.addi %parallel_loop3A_231, %parallel_loop3A_230 : i32
        %parallel_loop3A_241 = arith.select %parallel_loop3A_239, %parallel_loop3A_240, %parallel_loop3A_231 : i32
        %parallel_loop3A_242 = arith.constant 16 : i32
        %parallel_loop3A_243 = arith.muli %parallel_loop3A_242, %parallel_loop3A_201 : i32
        %parallel_loop3A_244 = arith.constant 0 : i32
        %parallel_loop3A_245 = arith.index_cast %parallel_loop3A_244 : i32 to index
        %parallel_loop3A_246 = arith.index_cast %parallel_loop3A_243 : i32 to index
        %parallel_loop3A_247 = tpu.vector_load %arg7[%parallel_loop3A_245, %parallel_loop3A_246] {strides = array<i32>} : memref<2x1024xi32, #tpu.memory_space<vmem>>, vector<16xi32>,
        %parallel_loop3A_248 = arith.constant 0 : i32
        %parallel_loop3A_249 = vector.broadcast %parallel_loop3A_248 : i32 to vector<16xi32>
        %parallel_loop3A_250 = arith.addi %parallel_loop3A_247, %parallel_loop3A_249 : vector<16xi32>
        %parallel_loop3A_251 = arith.constant 0 : i32
        %parallel_loop3A_252 = arith.constant 0 : i32
        %parallel_loop3A_253 = tpu.memref_slice %arg5[%parallel_loop3A_251, %parallel_loop3A_252] : memref<4x8000xf32, #tpu.memory_space<vmem>> -> memref<1x8000xf32, #tpu.memory_space<vmem>>
        %parallel_loop3A_254 = tpu.memref_squeeze %parallel_loop3A_253 : memref<1x8000xf32, #tpu.memory_space<vmem>> -> memref<8000xf32, #tpu.memory_space<vmem>>
        %parallel_loop3A_255 = tpu.vector_load_idx %parallel_loop3A_254[%parallel_loop3A_250] : memref<8000xf32, #tpu.memory_space<vmem>>[vector<16xi32>], vector<16xf32>,
        %parallel_loop3A_256 = arith.constant 1 : i32
        %parallel_loop3A_257 = arith.constant 0 : i32
        %parallel_loop3A_258 = tpu.memref_slice %arg5[%parallel_loop3A_256, %parallel_loop3A_257] : memref<4x8000xf32, #tpu.memory_space<vmem>> -> memref<1x8000xf32, #tpu.memory_space<vmem>>
        %parallel_loop3A_259 = tpu.memref_squeeze %parallel_loop3A_258 : memref<1x8000xf32, #tpu.memory_space<vmem>> -> memref<8000xf32, #tpu.memory_space<vmem>>
        %parallel_loop3A_260 = tpu.vector_load_idx %parallel_loop3A_259[%parallel_loop3A_250] : memref<8000xf32, #tpu.memory_space<vmem>>[vector<16xi32>], vector<16xf32>,
        %parallel_loop3A_261 = arith.constant 2 : i32
        %parallel_loop3A_262 = arith.constant 0 : i32
        %parallel_loop3A_263 = tpu.memref_slice %arg5[%parallel_loop3A_261, %parallel_loop3A_262] : memref<4x8000xf32, #tpu.memory_space<vmem>> -> memref<1x8000xf32, #tpu.memory_space<vmem>>
        %parallel_loop3A_264 = tpu.memref_squeeze %parallel_loop3A_263 : memref<1x8000xf32, #tpu.memory_space<vmem>> -> memref<8000xf32, #tpu.memory_space<vmem>>
        %parallel_loop3A_265 = tpu.vector_load_idx %parallel_loop3A_264[%parallel_loop3A_250] : memref<8000xf32, #tpu.memory_space<vmem>>[vector<16xi32>], vector<16xf32>,
        %parallel_loop3A_266 = arith.constant 3 : i32
        %parallel_loop3A_267 = arith.constant 0 : i32
        %parallel_loop3A_268 = tpu.memref_slice %arg5[%parallel_loop3A_266, %parallel_loop3A_267] : memref<4x8000xf32, #tpu.memory_space<vmem>> -> memref<1x8000xf32, #tpu.memory_space<vmem>>
        %parallel_loop3A_269 = tpu.memref_squeeze %parallel_loop3A_268 : memref<1x8000xf32, #tpu.memory_space<vmem>> -> memref<8000xf32, #tpu.memory_space<vmem>>
        %parallel_loop3A_270 = tpu.vector_load_idx %parallel_loop3A_269[%parallel_loop3A_250] : memref<8000xf32, #tpu.memory_space<vmem>>[vector<16xi32>], vector<16xf32>,
        %parallel_loop3A_271 = arith.constant 1000 : i32
        %parallel_loop3A_272 = vector.broadcast %parallel_loop3A_271 : i32 to vector<16xi32>
        %parallel_loop3A_273 = arith.addi %parallel_loop3A_247, %parallel_loop3A_272 : vector<16xi32>
        %parallel_loop3A_274 = arith.constant 0 : i32
        %parallel_loop3A_275 = arith.constant 0 : i32
        %parallel_loop3A_276 = tpu.memref_slice %arg5[%parallel_loop3A_274, %parallel_loop3A_275] : memref<4x8000xf32, #tpu.memory_space<vmem>> -> memref<1x8000xf32, #tpu.memory_space<vmem>>
        %parallel_loop3A_277 = tpu.memref_squeeze %parallel_loop3A_276 : memref<1x8000xf32, #tpu.memory_space<vmem>> -> memref<8000xf32, #tpu.memory_space<vmem>>
        %parallel_loop3A_278 = tpu.vector_load_idx %parallel_loop3A_277[%parallel_loop3A_273] : memref<8000xf32, #tpu.memory_space<vmem>>[vector<16xi32>], vector<16xf32>,
        %parallel_loop3A_279 = arith.constant 1 : i32
        %parallel_loop3A_280 = arith.constant 0 : i32
        %parallel_loop3A_281 = tpu.memref_slice %arg5[%parallel_loop3A_279, %parallel_loop3A_280] : memref<4x8000xf32, #tpu.memory_space<vmem>> -> memref<1x8000xf32, #tpu.memory_space<vmem>>
        %parallel_loop3A_282 = tpu.memref_squeeze %parallel_loop3A_281 : memref<1x8000xf32, #tpu.memory_space<vmem>> -> memref<8000xf32, #tpu.memory_space<vmem>>
        %parallel_loop3A_283 = tpu.vector_load_idx %parallel_loop3A_282[%parallel_loop3A_273] : memref<8000xf32, #tpu.memory_space<vmem>>[vector<16xi32>], vector<16xf32>,
        %parallel_loop3A_284 = arith.constant 2 : i32
        %parallel_loop3A_285 = arith.constant 0 : i32
        %parallel_loop3A_286 = tpu.memref_slice %arg5[%parallel_loop3A_284, %parallel_loop3A_285] : memref<4x8000xf32, #tpu.memory_space<vmem>> -> memref<1x8000xf32, #tpu.memory_space<vmem>>
        %parallel_loop3A_287 = tpu.memref_squeeze %parallel_loop3A_286 : memref<1x8000xf32, #tpu.memory_space<vmem>> -> memref<8000xf32, #tpu.memory_space<vmem>>
        %parallel_loop3A_288 = tpu.vector_load_idx %parallel_loop3A_287[%parallel_loop3A_273] : memref<8000xf32, #tpu.memory_space<vmem>>[vector<16xi32>], vector<16xf32>,
        %parallel_loop3A_289 = arith.constant 3 : i32
        %parallel_loop3A_290 = arith.constant 0 : i32
        %parallel_loop3A_291 = tpu.memref_slice %arg5[%parallel_loop3A_289, %parallel_loop3A_290] : memref<4x8000xf32, #tpu.memory_space<vmem>> -> memref<1x8000xf32, #tpu.memory_space<vmem>>
        %parallel_loop3A_292 = tpu.memref_squeeze %parallel_loop3A_291 : memref<1x8000xf32, #tpu.memory_space<vmem>> -> memref<8000xf32, #tpu.memory_space<vmem>>
        %parallel_loop3A_293 = tpu.vector_load_idx %parallel_loop3A_292[%parallel_loop3A_273] : memref<8000xf32, #tpu.memory_space<vmem>>[vector<16xi32>], vector<16xf32>,
        %parallel_loop3A_294 = arith.constant 2000 : i32
        %parallel_loop3A_295 = vector.broadcast %parallel_loop3A_294 : i32 to vector<16xi32>
        %parallel_loop3A_296 = arith.addi %parallel_loop3A_247, %parallel_loop3A_295 : vector<16xi32>
        %parallel_loop3A_297 = arith.constant 0 : i32
        %parallel_loop3A_298 = arith.constant 0 : i32
        %parallel_loop3A_299 = tpu.memref_slice %arg5[%parallel_loop3A_297, %parallel_loop3A_298] : memref<4x8000xf32, #tpu.memory_space<vmem>> -> memref<1x8000xf32, #tpu.memory_space<vmem>>
        %parallel_loop3A_300 = tpu.memref_squeeze %parallel_loop3A_299 : memref<1x8000xf32, #tpu.memory_space<vmem>> -> memref<8000xf32, #tpu.memory_space<vmem>>
        %parallel_loop3A_301 = tpu.vector_load_idx %parallel_loop3A_300[%parallel_loop3A_296] : memref<8000xf32, #tpu.memory_space<vmem>>[vector<16xi32>], vector<16xf32>,
        %parallel_loop3A_302 = arith.constant 1 : i32
        %parallel_loop3A_303 = arith.constant 0 : i32
        %parallel_loop3A_304 = tpu.memref_slice %arg5[%parallel_loop3A_302, %parallel_loop3A_303] : memref<4x8000xf32, #tpu.memory_space<vmem>> -> memref<1x8000xf32, #tpu.memory_space<vmem>>
        %parallel_loop3A_305 = tpu.memref_squeeze %parallel_loop3A_304 : memref<1x8000xf32, #tpu.memory_space<vmem>> -> memref<8000xf32, #tpu.memory_space<vmem>>
        %parallel_loop3A_306 = tpu.vector_load_idx %parallel_loop3A_305[%parallel_loop3A_296] : memref<8000xf32, #tpu.memory_space<vmem>>[vector<16xi32>], vector<16xf32>,
        %parallel_loop3A_307 = arith.constant 2 : i32
        %parallel_loop3A_308 = arith.constant 0 : i32
        %parallel_loop3A_309 = tpu.memref_slice %arg5[%parallel_loop3A_307, %parallel_loop3A_308] : memref<4x8000xf32, #tpu.memory_space<vmem>> -> memref<1x8000xf32, #tpu.memory_space<vmem>>
        %parallel_loop3A_310 = tpu.memref_squeeze %parallel_loop3A_309 : memref<1x8000xf32, #tpu.memory_space<vmem>> -> memref<8000xf32, #tpu.memory_space<vmem>>
        %parallel_loop3A_311 = tpu.vector_load_idx %parallel_loop3A_310[%parallel_loop3A_296] : memref<8000xf32, #tpu.memory_space<vmem>>[vector<16xi32>], vector<16xf32>,
        %parallel_loop3A_312 = arith.constant 3 : i32
        %parallel_loop3A_313 = arith.constant 0 : i32
        %parallel_loop3A_314 = tpu.memref_slice %arg5[%parallel_loop3A_312, %parallel_loop3A_313] : memref<4x8000xf32, #tpu.memory_space<vmem>> -> memref<1x8000xf32, #tpu.memory_space<vmem>>
        %parallel_loop3A_315 = tpu.memref_squeeze %parallel_loop3A_314 : memref<1x8000xf32, #tpu.memory_space<vmem>> -> memref<8000xf32, #tpu.memory_space<vmem>>
        %parallel_loop3A_316 = tpu.vector_load_idx %parallel_loop3A_315[%parallel_loop3A_296] : memref<8000xf32, #tpu.memory_space<vmem>>[vector<16xi32>], vector<16xf32>,
        %parallel_loop3A_317 = arith.constant 3000 : i32
        %parallel_loop3A_318 = vector.broadcast %parallel_loop3A_317 : i32 to vector<16xi32>
        %parallel_loop3A_319 = arith.addi %parallel_loop3A_247, %parallel_loop3A_318 : vector<16xi32>
        %parallel_loop3A_320 = arith.constant 0 : i32
        %parallel_loop3A_321 = arith.constant 0 : i32
        %parallel_loop3A_322 = tpu.memref_slice %arg5[%parallel_loop3A_320, %parallel_loop3A_321] : memref<4x8000xf32, #tpu.memory_space<vmem>> -> memref<1x8000xf32, #tpu.memory_space<vmem>>
        %parallel_loop3A_323 = tpu.memref_squeeze %parallel_loop3A_322 : memref<1x8000xf32, #tpu.memory_space<vmem>> -> memref<8000xf32, #tpu.memory_space<vmem>>
        %parallel_loop3A_324 = tpu.vector_load_idx %parallel_loop3A_323[%parallel_loop3A_319] : memref<8000xf32, #tpu.memory_space<vmem>>[vector<16xi32>], vector<16xf32>,
        %parallel_loop3A_325 = arith.constant 1 : i32
        %parallel_loop3A_326 = arith.constant 0 : i32
        %parallel_loop3A_327 = tpu.memref_slice %arg5[%parallel_loop3A_325, %parallel_loop3A_326] : memref<4x8000xf32, #tpu.memory_space<vmem>> -> memref<1x8000xf32, #tpu.memory_space<vmem>>
        %parallel_loop3A_328 = tpu.memref_squeeze %parallel_loop3A_327 : memref<1x8000xf32, #tpu.memory_space<vmem>> -> memref<8000xf32, #tpu.memory_space<vmem>>
        %parallel_loop3A_329 = tpu.vector_load_idx %parallel_loop3A_328[%parallel_loop3A_319] : memref<8000xf32, #tpu.memory_space<vmem>>[vector<16xi32>], vector<16xf32>,
        %parallel_loop3A_330 = arith.constant 2 : i32
        %parallel_loop3A_331 = arith.constant 0 : i32
        %parallel_loop3A_332 = tpu.memref_slice %arg5[%parallel_loop3A_330, %parallel_loop3A_331] : memref<4x8000xf32, #tpu.memory_space<vmem>> -> memref<1x8000xf32, #tpu.memory_space<vmem>>
        %parallel_loop3A_333 = tpu.memref_squeeze %parallel_loop3A_332 : memref<1x8000xf32, #tpu.memory_space<vmem>> -> memref<8000xf32, #tpu.memory_space<vmem>>
        %parallel_loop3A_334 = tpu.vector_load_idx %parallel_loop3A_333[%parallel_loop3A_319] : memref<8000xf32, #tpu.memory_space<vmem>>[vector<16xi32>], vector<16xf32>,
        %parallel_loop3A_335 = arith.constant 3 : i32
        %parallel_loop3A_336 = arith.constant 0 : i32
        %parallel_loop3A_337 = tpu.memref_slice %arg5[%parallel_loop3A_335, %parallel_loop3A_336] : memref<4x8000xf32, #tpu.memory_space<vmem>> -> memref<1x8000xf32, #tpu.memory_space<vmem>>
        %parallel_loop3A_338 = tpu.memref_squeeze %parallel_loop3A_337 : memref<1x8000xf32, #tpu.memory_space<vmem>> -> memref<8000xf32, #tpu.memory_space<vmem>>
        %parallel_loop3A_339 = tpu.vector_load_idx %parallel_loop3A_338[%parallel_loop3A_319] : memref<8000xf32, #tpu.memory_space<vmem>>[vector<16xi32>], vector<16xf32>,
        %parallel_loop3A_340 = arith.constant 4000 : i32
        %parallel_loop3A_341 = vector.broadcast %parallel_loop3A_340 : i32 to vector<16xi32>
        %parallel_loop3A_342 = arith.addi %parallel_loop3A_247, %parallel_loop3A_341 : vector<16xi32>
        %parallel_loop3A_343 = arith.constant 0 : i32
        %parallel_loop3A_344 = arith.constant 0 : i32
        %parallel_loop3A_345 = tpu.memref_slice %arg5[%parallel_loop3A_343, %parallel_loop3A_344] : memref<4x8000xf32, #tpu.memory_space<vmem>> -> memref<1x8000xf32, #tpu.memory_space<vmem>>
        %parallel_loop3A_346 = tpu.memref_squeeze %parallel_loop3A_345 : memref<1x8000xf32, #tpu.memory_space<vmem>> -> memref<8000xf32, #tpu.memory_space<vmem>>
        %parallel_loop3A_347 = tpu.vector_load_idx %parallel_loop3A_346[%parallel_loop3A_342] : memref<8000xf32, #tpu.memory_space<vmem>>[vector<16xi32>], vector<16xf32>,
        %parallel_loop3A_348 = arith.constant 1 : i32
        %parallel_loop3A_349 = arith.constant 0 : i32
        %parallel_loop3A_350 = tpu.memref_slice %arg5[%parallel_loop3A_348, %parallel_loop3A_349] : memref<4x8000xf32, #tpu.memory_space<vmem>> -> memref<1x8000xf32, #tpu.memory_space<vmem>>
        %parallel_loop3A_351 = tpu.memref_squeeze %parallel_loop3A_350 : memref<1x8000xf32, #tpu.memory_space<vmem>> -> memref<8000xf32, #tpu.memory_space<vmem>>
        %parallel_loop3A_352 = tpu.vector_load_idx %parallel_loop3A_351[%parallel_loop3A_342] : memref<8000xf32, #tpu.memory_space<vmem>>[vector<16xi32>], vector<16xf32>,
        %parallel_loop3A_353 = arith.constant 2 : i32
        %parallel_loop3A_354 = arith.constant 0 : i32
        %parallel_loop3A_355 = tpu.memref_slice %arg5[%parallel_loop3A_353, %parallel_loop3A_354] : memref<4x8000xf32, #tpu.memory_space<vmem>> -> memref<1x8000xf32, #tpu.memory_space<vmem>>
        %parallel_loop3A_356 = tpu.memref_squeeze %parallel_loop3A_355 : memref<1x8000xf32, #tpu.memory_space<vmem>> -> memref<8000xf32, #tpu.memory_space<vmem>>
        %parallel_loop3A_357 = tpu.vector_load_idx %parallel_loop3A_356[%parallel_loop3A_342] : memref<8000xf32, #tpu.memory_space<vmem>>[vector<16xi32>], vector<16xf32>,
        %parallel_loop3A_358 = arith.constant 3 : i32
        %parallel_loop3A_359 = arith.constant 0 : i32
        %parallel_loop3A_360 = tpu.memref_slice %arg5[%parallel_loop3A_358, %parallel_loop3A_359] : memref<4x8000xf32, #tpu.memory_space<vmem>> -> memref<1x8000xf32, #tpu.memory_space<vmem>>
        %parallel_loop3A_361 = tpu.memref_squeeze %parallel_loop3A_360 : memref<1x8000xf32, #tpu.memory_space<vmem>> -> memref<8000xf32, #tpu.memory_space<vmem>>
        %parallel_loop3A_362 = tpu.vector_load_idx %parallel_loop3A_361[%parallel_loop3A_342] : memref<8000xf32, #tpu.memory_space<vmem>>[vector<16xi32>], vector<16xf32>,
        %parallel_loop3A_363 = arith.constant 5000 : i32
        %parallel_loop3A_364 = vector.broadcast %parallel_loop3A_363 : i32 to vector<16xi32>
        %parallel_loop3A_365 = arith.addi %parallel_loop3A_247, %parallel_loop3A_364 : vector<16xi32>
        %parallel_loop3A_366 = arith.constant 0 : i32
        %parallel_loop3A_367 = arith.constant 0 : i32
        %parallel_loop3A_368 = tpu.memref_slice %arg5[%parallel_loop3A_366, %parallel_loop3A_367] : memref<4x8000xf32, #tpu.memory_space<vmem>> -> memref<1x8000xf32, #tpu.memory_space<vmem>>
        %parallel_loop3A_369 = tpu.memref_squeeze %parallel_loop3A_368 : memref<1x8000xf32, #tpu.memory_space<vmem>> -> memref<8000xf32, #tpu.memory_space<vmem>>
        %parallel_loop3A_370 = tpu.vector_load_idx %parallel_loop3A_369[%parallel_loop3A_365] : memref<8000xf32, #tpu.memory_space<vmem>>[vector<16xi32>], vector<16xf32>,
        %parallel_loop3A_371 = arith.constant 1 : i32
        %parallel_loop3A_372 = arith.constant 0 : i32
        %parallel_loop3A_373 = tpu.memref_slice %arg5[%parallel_loop3A_371, %parallel_loop3A_372] : memref<4x8000xf32, #tpu.memory_space<vmem>> -> memref<1x8000xf32, #tpu.memory_space<vmem>>
        %parallel_loop3A_374 = tpu.memref_squeeze %parallel_loop3A_373 : memref<1x8000xf32, #tpu.memory_space<vmem>> -> memref<8000xf32, #tpu.memory_space<vmem>>
        %parallel_loop3A_375 = tpu.vector_load_idx %parallel_loop3A_374[%parallel_loop3A_365] : memref<8000xf32, #tpu.memory_space<vmem>>[vector<16xi32>], vector<16xf32>,
        %parallel_loop3A_376 = arith.constant 2 : i32
        %parallel_loop3A_377 = arith.constant 0 : i32
        %parallel_loop3A_378 = tpu.memref_slice %arg5[%parallel_loop3A_376, %parallel_loop3A_377] : memref<4x8000xf32, #tpu.memory_space<vmem>> -> memref<1x8000xf32, #tpu.memory_space<vmem>>
        %parallel_loop3A_379 = tpu.memref_squeeze %parallel_loop3A_378 : memref<1x8000xf32, #tpu.memory_space<vmem>> -> memref<8000xf32, #tpu.memory_space<vmem>>
        %parallel_loop3A_380 = tpu.vector_load_idx %parallel_loop3A_379[%parallel_loop3A_365] : memref<8000xf32, #tpu.memory_space<vmem>>[vector<16xi32>], vector<16xf32>,
        %parallel_loop3A_381 = arith.constant 3 : i32
        %parallel_loop3A_382 = arith.constant 0 : i32
        %parallel_loop3A_383 = tpu.memref_slice %arg5[%parallel_loop3A_381, %parallel_loop3A_382] : memref<4x8000xf32, #tpu.memory_space<vmem>> -> memref<1x8000xf32, #tpu.memory_space<vmem>>
        %parallel_loop3A_384 = tpu.memref_squeeze %parallel_loop3A_383 : memref<1x8000xf32, #tpu.memory_space<vmem>> -> memref<8000xf32, #tpu.memory_space<vmem>>
        %parallel_loop3A_385 = tpu.vector_load_idx %parallel_loop3A_384[%parallel_loop3A_365] : memref<8000xf32, #tpu.memory_space<vmem>>[vector<16xi32>], vector<16xf32>,
        %parallel_loop3A_386 = arith.constant 6000 : i32
        %parallel_loop3A_387 = vector.broadcast %parallel_loop3A_386 : i32 to vector<16xi32>
        %parallel_loop3A_388 = arith.addi %parallel_loop3A_247, %parallel_loop3A_387 : vector<16xi32>
        %parallel_loop3A_389 = arith.constant 0 : i32
        %parallel_loop3A_390 = arith.constant 0 : i32
        %parallel_loop3A_391 = tpu.memref_slice %arg5[%parallel_loop3A_389, %parallel_loop3A_390] : memref<4x8000xf32, #tpu.memory_space<vmem>> -> memref<1x8000xf32, #tpu.memory_space<vmem>>
        %parallel_loop3A_392 = tpu.memref_squeeze %parallel_loop3A_391 : memref<1x8000xf32, #tpu.memory_space<vmem>> -> memref<8000xf32, #tpu.memory_space<vmem>>
        %parallel_loop3A_393 = tpu.vector_load_idx %parallel_loop3A_392[%parallel_loop3A_388] : memref<8000xf32, #tpu.memory_space<vmem>>[vector<16xi32>], vector<16xf32>,
        %parallel_loop3A_394 = arith.constant 1 : i32
        %parallel_loop3A_395 = arith.constant 0 : i32
        %parallel_loop3A_396 = tpu.memref_slice %arg5[%parallel_loop3A_394, %parallel_loop3A_395] : memref<4x8000xf32, #tpu.memory_space<vmem>> -> memref<1x8000xf32, #tpu.memory_space<vmem>>
        %parallel_loop3A_397 = tpu.memref_squeeze %parallel_loop3A_396 : memref<1x8000xf32, #tpu.memory_space<vmem>> -> memref<8000xf32, #tpu.memory_space<vmem>>
        %parallel_loop3A_398 = tpu.vector_load_idx %parallel_loop3A_397[%parallel_loop3A_388] : memref<8000xf32, #tpu.memory_space<vmem>>[vector<16xi32>], vector<16xf32>,
        %parallel_loop3A_399 = arith.constant 2 : i32
        %parallel_loop3A_400 = arith.constant 0 : i32
        %parallel_loop3A_401 = tpu.memref_slice %arg5[%parallel_loop3A_399, %parallel_loop3A_400] : memref<4x8000xf32, #tpu.memory_space<vmem>> -> memref<1x8000xf32, #tpu.memory_space<vmem>>
        %parallel_loop3A_402 = tpu.memref_squeeze %parallel_loop3A_401 : memref<1x8000xf32, #tpu.memory_space<vmem>> -> memref<8000xf32, #tpu.memory_space<vmem>>
        %parallel_loop3A_403 = tpu.vector_load_idx %parallel_loop3A_402[%parallel_loop3A_388] : memref<8000xf32, #tpu.memory_space<vmem>>[vector<16xi32>], vector<16xf32>,
        %parallel_loop3A_404 = arith.constant 3 : i32
        %parallel_loop3A_405 = arith.constant 0 : i32
        %parallel_loop3A_406 = tpu.memref_slice %arg5[%parallel_loop3A_404, %parallel_loop3A_405] : memref<4x8000xf32, #tpu.memory_space<vmem>> -> memref<1x8000xf32, #tpu.memory_space<vmem>>
        %parallel_loop3A_407 = tpu.memref_squeeze %parallel_loop3A_406 : memref<1x8000xf32, #tpu.memory_space<vmem>> -> memref<8000xf32, #tpu.memory_space<vmem>>
        %parallel_loop3A_408 = tpu.vector_load_idx %parallel_loop3A_407[%parallel_loop3A_388] : memref<8000xf32, #tpu.memory_space<vmem>>[vector<16xi32>], vector<16xf32>,
        %parallel_loop3A_409 = arith.constant 7000 : i32
        %parallel_loop3A_410 = vector.broadcast %parallel_loop3A_409 : i32 to vector<16xi32>
        %parallel_loop3A_411 = arith.addi %parallel_loop3A_247, %parallel_loop3A_410 : vector<16xi32>
        %parallel_loop3A_412 = arith.constant 0 : i32
        %parallel_loop3A_413 = arith.constant 0 : i32
        %parallel_loop3A_414 = tpu.memref_slice %arg5[%parallel_loop3A_412, %parallel_loop3A_413] : memref<4x8000xf32, #tpu.memory_space<vmem>> -> memref<1x8000xf32, #tpu.memory_space<vmem>>
        %parallel_loop3A_415 = tpu.memref_squeeze %parallel_loop3A_414 : memref<1x8000xf32, #tpu.memory_space<vmem>> -> memref<8000xf32, #tpu.memory_space<vmem>>
        %parallel_loop3A_416 = tpu.vector_load_idx %parallel_loop3A_415[%parallel_loop3A_411] : memref<8000xf32, #tpu.memory_space<vmem>>[vector<16xi32>], vector<16xf32>,
        %parallel_loop3A_417 = arith.constant 1 : i32
        %parallel_loop3A_418 = arith.constant 0 : i32
        %parallel_loop3A_419 = tpu.memref_slice %arg5[%parallel_loop3A_417, %parallel_loop3A_418] : memref<4x8000xf32, #tpu.memory_space<vmem>> -> memref<1x8000xf32, #tpu.memory_space<vmem>>
        %parallel_loop3A_420 = tpu.memref_squeeze %parallel_loop3A_419 : memref<1x8000xf32, #tpu.memory_space<vmem>> -> memref<8000xf32, #tpu.memory_space<vmem>>
        %parallel_loop3A_421 = tpu.vector_load_idx %parallel_loop3A_420[%parallel_loop3A_411] : memref<8000xf32, #tpu.memory_space<vmem>>[vector<16xi32>], vector<16xf32>,
        %parallel_loop3A_422 = arith.constant 2 : i32
        %parallel_loop3A_423 = arith.constant 0 : i32
        %parallel_loop3A_424 = tpu.memref_slice %arg5[%parallel_loop3A_422, %parallel_loop3A_423] : memref<4x8000xf32, #tpu.memory_space<vmem>> -> memref<1x8000xf32, #tpu.memory_space<vmem>>
        %parallel_loop3A_425 = tpu.memref_squeeze %parallel_loop3A_424 : memref<1x8000xf32, #tpu.memory_space<vmem>> -> memref<8000xf32, #tpu.memory_space<vmem>>
        %parallel_loop3A_426 = tpu.vector_load_idx %parallel_loop3A_425[%parallel_loop3A_411] : memref<8000xf32, #tpu.memory_space<vmem>>[vector<16xi32>], vector<16xf32>,
        %parallel_loop3A_427 = arith.constant 3 : i32
        %parallel_loop3A_428 = arith.constant 0 : i32
        %parallel_loop3A_429 = tpu.memref_slice %arg5[%parallel_loop3A_427, %parallel_loop3A_428] : memref<4x8000xf32, #tpu.memory_space<vmem>> -> memref<1x8000xf32, #tpu.memory_space<vmem>>
        %parallel_loop3A_430 = tpu.memref_squeeze %parallel_loop3A_429 : memref<1x8000xf32, #tpu.memory_space<vmem>> -> memref<8000xf32, #tpu.memory_space<vmem>>
        %parallel_loop3A_431 = tpu.vector_load_idx %parallel_loop3A_430[%parallel_loop3A_411] : memref<8000xf32, #tpu.memory_space<vmem>>[vector<16xi32>], vector<16xf32>,
        %parallel_loop3A_432 = arith.constant 16 : i32
        %parallel_loop3A_433 = arith.muli %parallel_loop3A_432, %parallel_loop3A_241 : i32
        %parallel_loop3A_434 = arith.constant 0 : i32
        %parallel_loop3A_435 = arith.constant 0 : i32
        %parallel_loop3A_436 = arith.constant 0 : i32
        %parallel_loop3A_437 = arith.index_cast %parallel_loop3A_434 : i32 to index
        %parallel_loop3A_438 = arith.index_cast %parallel_loop3A_435 : i32 to index
        %parallel_loop3A_439 = arith.index_cast %parallel_loop3A_225 : i32 to index
        %parallel_loop3A_440 = arith.index_cast %parallel_loop3A_436 : i32 to index
        %parallel_loop3A_441 = arith.index_cast %parallel_loop3A_433 : i32 to index
        %parallel_loop3A_442 = tpu.vector_load %arg6[%parallel_loop3A_437, %parallel_loop3A_438, %parallel_loop3A_439, %parallel_loop3A_440, %parallel_loop3A_441] {strides = array<i32>} : memref<2x4x8x8x128xf32, #tpu.memory_space<vmem>>, vector<16xf32>,
        tpu.vector_store %arg6[%parallel_loop3A_437, %parallel_loop3A_438, %parallel_loop3A_439, %parallel_loop3A_440, %parallel_loop3A_441], %parallel_loop3A_255 {strides = array<i32>} : memref<2x4x8x8x128xf32, #tpu.memory_space<vmem>>, vector<16xf32>,
        %parallel_loop3A_443 = arith.constant 16 : i32
        %parallel_loop3A_444 = arith.muli %parallel_loop3A_443, %parallel_loop3A_241 : i32
        %parallel_loop3A_445 = arith.constant 0 : i32
        %parallel_loop3A_446 = arith.constant 1 : i32
        %parallel_loop3A_447 = arith.constant 0 : i32
        %parallel_loop3A_448 = arith.index_cast %parallel_loop3A_445 : i32 to index
        %parallel_loop3A_449 = arith.index_cast %parallel_loop3A_446 : i32 to index
        %parallel_loop3A_450 = arith.index_cast %parallel_loop3A_225 : i32 to index
        %parallel_loop3A_451 = arith.index_cast %parallel_loop3A_447 : i32 to index
        %parallel_loop3A_452 = arith.index_cast %parallel_loop3A_444 : i32 to index
        %parallel_loop3A_453 = tpu.vector_load %arg6[%parallel_loop3A_448, %parallel_loop3A_449, %parallel_loop3A_450, %parallel_loop3A_451, %parallel_loop3A_452] {strides = array<i32>} : memref<2x4x8x8x128xf32, #tpu.memory_space<vmem>>, vector<16xf32>,
        tpu.vector_store %arg6[%parallel_loop3A_448, %parallel_loop3A_449, %parallel_loop3A_450, %parallel_loop3A_451, %parallel_loop3A_452], %parallel_loop3A_260 {strides = array<i32>} : memref<2x4x8x8x128xf32, #tpu.memory_space<vmem>>, vector<16xf32>,
        %parallel_loop3A_454 = arith.constant 16 : i32
        %parallel_loop3A_455 = arith.muli %parallel_loop3A_454, %parallel_loop3A_241 : i32
        %parallel_loop3A_456 = arith.constant 0 : i32
        %parallel_loop3A_457 = arith.constant 2 : i32
        %parallel_loop3A_458 = arith.constant 0 : i32
        %parallel_loop3A_459 = arith.index_cast %parallel_loop3A_456 : i32 to index
        %parallel_loop3A_460 = arith.index_cast %parallel_loop3A_457 : i32 to index
        %parallel_loop3A_461 = arith.index_cast %parallel_loop3A_225 : i32 to index
        %parallel_loop3A_462 = arith.index_cast %parallel_loop3A_458 : i32 to index
        %parallel_loop3A_463 = arith.index_cast %parallel_loop3A_455 : i32 to index
        %parallel_loop3A_464 = tpu.vector_load %arg6[%parallel_loop3A_459, %parallel_loop3A_460, %parallel_loop3A_461, %parallel_loop3A_462, %parallel_loop3A_463] {strides = array<i32>} : memref<2x4x8x8x128xf32, #tpu.memory_space<vmem>>, vector<16xf32>,
        tpu.vector_store %arg6[%parallel_loop3A_459, %parallel_loop3A_460, %parallel_loop3A_461, %parallel_loop3A_462, %parallel_loop3A_463], %parallel_loop3A_265 {strides = array<i32>} : memref<2x4x8x8x128xf32, #tpu.memory_space<vmem>>, vector<16xf32>,
        %parallel_loop3A_465 = arith.constant 16 : i32
        %parallel_loop3A_466 = arith.muli %parallel_loop3A_465, %parallel_loop3A_241 : i32
        %parallel_loop3A_467 = arith.constant 0 : i32
        %parallel_loop3A_468 = arith.constant 3 : i32
        %parallel_loop3A_469 = arith.constant 0 : i32
        %parallel_loop3A_470 = arith.index_cast %parallel_loop3A_467 : i32 to index
        %parallel_loop3A_471 = arith.index_cast %parallel_loop3A_468 : i32 to index
        %parallel_loop3A_472 = arith.index_cast %parallel_loop3A_225 : i32 to index
        %parallel_loop3A_473 = arith.index_cast %parallel_loop3A_469 : i32 to index
        %parallel_loop3A_474 = arith.index_cast %parallel_loop3A_466 : i32 to index
        %parallel_loop3A_475 = tpu.vector_load %arg6[%parallel_loop3A_470, %parallel_loop3A_471, %parallel_loop3A_472, %parallel_loop3A_473, %parallel_loop3A_474] {strides = array<i32>} : memref<2x4x8x8x128xf32, #tpu.memory_space<vmem>>, vector<16xf32>,
        tpu.vector_store %arg6[%parallel_loop3A_470, %parallel_loop3A_471, %parallel_loop3A_472, %parallel_loop3A_473, %parallel_loop3A_474], %parallel_loop3A_270 {strides = array<i32>} : memref<2x4x8x8x128xf32, #tpu.memory_space<vmem>>, vector<16xf32>,
        %parallel_loop3A_476 = arith.constant 16 : i32
        %parallel_loop3A_477 = arith.muli %parallel_loop3A_476, %parallel_loop3A_241 : i32
        %parallel_loop3A_478 = arith.constant 0 : i32
        %parallel_loop3A_479 = arith.constant 0 : i32
        %parallel_loop3A_480 = arith.constant 1 : i32
        %parallel_loop3A_481 = arith.index_cast %parallel_loop3A_478 : i32 to index
        %parallel_loop3A_482 = arith.index_cast %parallel_loop3A_479 : i32 to index
        %parallel_loop3A_483 = arith.index_cast %parallel_loop3A_225 : i32 to index
        %parallel_loop3A_484 = arith.index_cast %parallel_loop3A_480 : i32 to index
        %parallel_loop3A_485 = arith.index_cast %parallel_loop3A_477 : i32 to index
        %parallel_loop3A_486 = tpu.vector_load %arg6[%parallel_loop3A_481, %parallel_loop3A_482, %parallel_loop3A_483, %parallel_loop3A_484, %parallel_loop3A_485] {strides = array<i32>} : memref<2x4x8x8x128xf32, #tpu.memory_space<vmem>>, vector<16xf32>,
        tpu.vector_store %arg6[%parallel_loop3A_481, %parallel_loop3A_482, %parallel_loop3A_483, %parallel_loop3A_484, %parallel_loop3A_485], %parallel_loop3A_278 {strides = array<i32>} : memref<2x4x8x8x128xf32, #tpu.memory_space<vmem>>, vector<16xf32>,
        %parallel_loop3A_487 = arith.constant 16 : i32
        %parallel_loop3A_488 = arith.muli %parallel_loop3A_487, %parallel_loop3A_241 : i32
        %parallel_loop3A_489 = arith.constant 0 : i32
        %parallel_loop3A_490 = arith.constant 1 : i32
        %parallel_loop3A_491 = arith.constant 1 : i32
        %parallel_loop3A_492 = arith.index_cast %parallel_loop3A_489 : i32 to index
        %parallel_loop3A_493 = arith.index_cast %parallel_loop3A_490 : i32 to index
        %parallel_loop3A_494 = arith.index_cast %parallel_loop3A_225 : i32 to index
        %parallel_loop3A_495 = arith.index_cast %parallel_loop3A_491 : i32 to index
        %parallel_loop3A_496 = arith.index_cast %parallel_loop3A_488 : i32 to index
        %parallel_loop3A_497 = tpu.vector_load %arg6[%parallel_loop3A_492, %parallel_loop3A_493, %parallel_loop3A_494, %parallel_loop3A_495, %parallel_loop3A_496] {strides = array<i32>} : memref<2x4x8x8x128xf32, #tpu.memory_space<vmem>>, vector<16xf32>,
        tpu.vector_store %arg6[%parallel_loop3A_492, %parallel_loop3A_493, %parallel_loop3A_494, %parallel_loop3A_495, %parallel_loop3A_496], %parallel_loop3A_283 {strides = array<i32>} : memref<2x4x8x8x128xf32, #tpu.memory_space<vmem>>, vector<16xf32>,
        %parallel_loop3A_498 = arith.constant 16 : i32
        %parallel_loop3A_499 = arith.muli %parallel_loop3A_498, %parallel_loop3A_241 : i32
        %parallel_loop3A_500 = arith.constant 0 : i32
        %parallel_loop3A_501 = arith.constant 2 : i32
        %parallel_loop3A_502 = arith.constant 1 : i32
        %parallel_loop3A_503 = arith.index_cast %parallel_loop3A_500 : i32 to index
        %parallel_loop3A_504 = arith.index_cast %parallel_loop3A_501 : i32 to index
        %parallel_loop3A_505 = arith.index_cast %parallel_loop3A_225 : i32 to index
        %parallel_loop3A_506 = arith.index_cast %parallel_loop3A_502 : i32 to index
        %parallel_loop3A_507 = arith.index_cast %parallel_loop3A_499 : i32 to index
        %parallel_loop3A_508 = tpu.vector_load %arg6[%parallel_loop3A_503, %parallel_loop3A_504, %parallel_loop3A_505, %parallel_loop3A_506, %parallel_loop3A_507] {strides = array<i32>} : memref<2x4x8x8x128xf32, #tpu.memory_space<vmem>>, vector<16xf32>,
        tpu.vector_store %arg6[%parallel_loop3A_503, %parallel_loop3A_504, %parallel_loop3A_505, %parallel_loop3A_506, %parallel_loop3A_507], %parallel_loop3A_288 {strides = array<i32>} : memref<2x4x8x8x128xf32, #tpu.memory_space<vmem>>, vector<16xf32>,
        %parallel_loop3A_509 = arith.constant 16 : i32
        %parallel_loop3A_510 = arith.muli %parallel_loop3A_509, %parallel_loop3A_241 : i32
        %parallel_loop3A_511 = arith.constant 0 : i32
        %parallel_loop3A_512 = arith.constant 3 : i32
        %parallel_loop3A_513 = arith.constant 1 : i32
        %parallel_loop3A_514 = arith.index_cast %parallel_loop3A_511 : i32 to index
        %parallel_loop3A_515 = arith.index_cast %parallel_loop3A_512 : i32 to index
        %parallel_loop3A_516 = arith.index_cast %parallel_loop3A_225 : i32 to index
        %parallel_loop3A_517 = arith.index_cast %parallel_loop3A_513 : i32 to index
        %parallel_loop3A_518 = arith.index_cast %parallel_loop3A_510 : i32 to index
        %parallel_loop3A_519 = tpu.vector_load %arg6[%parallel_loop3A_514, %parallel_loop3A_515, %parallel_loop3A_516, %parallel_loop3A_517, %parallel_loop3A_518] {strides = array<i32>} : memref<2x4x8x8x128xf32, #tpu.memory_space<vmem>>, vector<16xf32>,
        tpu.vector_store %arg6[%parallel_loop3A_514, %parallel_loop3A_515, %parallel_loop3A_516, %parallel_loop3A_517, %parallel_loop3A_518], %parallel_loop3A_293 {strides = array<i32>} : memref<2x4x8x8x128xf32, #tpu.memory_space<vmem>>, vector<16xf32>,
        %parallel_loop3A_520 = arith.constant 16 : i32
        %parallel_loop3A_521 = arith.muli %parallel_loop3A_520, %parallel_loop3A_241 : i32
        %parallel_loop3A_522 = arith.constant 0 : i32
        %parallel_loop3A_523 = arith.constant 0 : i32
        %parallel_loop3A_524 = arith.constant 2 : i32
        %parallel_loop3A_525 = arith.index_cast %parallel_loop3A_522 : i32 to index
        %parallel_loop3A_526 = arith.index_cast %parallel_loop3A_523 : i32 to index
        %parallel_loop3A_527 = arith.index_cast %parallel_loop3A_225 : i32 to index
        %parallel_loop3A_528 = arith.index_cast %parallel_loop3A_524 : i32 to index
        %parallel_loop3A_529 = arith.index_cast %parallel_loop3A_521 : i32 to index
        %parallel_loop3A_530 = tpu.vector_load %arg6[%parallel_loop3A_525, %parallel_loop3A_526, %parallel_loop3A_527, %parallel_loop3A_528, %parallel_loop3A_529] {strides = array<i32>} : memref<2x4x8x8x128xf32, #tpu.memory_space<vmem>>, vector<16xf32>,
        tpu.vector_store %arg6[%parallel_loop3A_525, %parallel_loop3A_526, %parallel_loop3A_527, %parallel_loop3A_528, %parallel_loop3A_529], %parallel_loop3A_301 {strides = array<i32>} : memref<2x4x8x8x128xf32, #tpu.memory_space<vmem>>, vector<16xf32>,
        %parallel_loop3A_531 = arith.constant 16 : i32
        %parallel_loop3A_532 = arith.muli %parallel_loop3A_531, %parallel_loop3A_241 : i32
        %parallel_loop3A_533 = arith.constant 0 : i32
        %parallel_loop3A_534 = arith.constant 1 : i32
        %parallel_loop3A_535 = arith.constant 2 : i32
        %parallel_loop3A_536 = arith.index_cast %parallel_loop3A_533 : i32 to index
        %parallel_loop3A_537 = arith.index_cast %parallel_loop3A_534 : i32 to index
        %parallel_loop3A_538 = arith.index_cast %parallel_loop3A_225 : i32 to index
        %parallel_loop3A_539 = arith.index_cast %parallel_loop3A_535 : i32 to index
        %parallel_loop3A_540 = arith.index_cast %parallel_loop3A_532 : i32 to index
        %parallel_loop3A_541 = tpu.vector_load %arg6[%parallel_loop3A_536, %parallel_loop3A_537, %parallel_loop3A_538, %parallel_loop3A_539, %parallel_loop3A_540] {strides = array<i32>} : memref<2x4x8x8x128xf32, #tpu.memory_space<vmem>>, vector<16xf32>,
        tpu.vector_store %arg6[%parallel_loop3A_536, %parallel_loop3A_537, %parallel_loop3A_538, %parallel_loop3A_539, %parallel_loop3A_540], %parallel_loop3A_306 {strides = array<i32>} : memref<2x4x8x8x128xf32, #tpu.memory_space<vmem>>, vector<16xf32>,
        %parallel_loop3A_542 = arith.constant 16 : i32
        %parallel_loop3A_543 = arith.muli %parallel_loop3A_542, %parallel_loop3A_241 : i32
        %parallel_loop3A_544 = arith.constant 0 : i32
        %parallel_loop3A_545 = arith.constant 2 : i32
        %parallel_loop3A_546 = arith.constant 2 : i32
        %parallel_loop3A_547 = arith.index_cast %parallel_loop3A_544 : i32 to index
        %parallel_loop3A_548 = arith.index_cast %parallel_loop3A_545 : i32 to index
        %parallel_loop3A_549 = arith.index_cast %parallel_loop3A_225 : i32 to index
        %parallel_loop3A_550 = arith.index_cast %parallel_loop3A_546 : i32 to index
        %parallel_loop3A_551 = arith.index_cast %parallel_loop3A_543 : i32 to index
        %parallel_loop3A_552 = tpu.vector_load %arg6[%parallel_loop3A_547, %parallel_loop3A_548, %parallel_loop3A_549, %parallel_loop3A_550, %parallel_loop3A_551] {strides = array<i32>} : memref<2x4x8x8x128xf32, #tpu.memory_space<vmem>>, vector<16xf32>,
        tpu.vector_store %arg6[%parallel_loop3A_547, %parallel_loop3A_548, %parallel_loop3A_549, %parallel_loop3A_550, %parallel_loop3A_551], %parallel_loop3A_311 {strides = array<i32>} : memref<2x4x8x8x128xf32, #tpu.memory_space<vmem>>, vector<16xf32>,
        %parallel_loop3A_553 = arith.constant 16 : i32
        %parallel_loop3A_554 = arith.muli %parallel_loop3A_553, %parallel_loop3A_241 : i32
        %parallel_loop3A_555 = arith.constant 0 : i32
        %parallel_loop3A_556 = arith.constant 3 : i32
        %parallel_loop3A_557 = arith.constant 2 : i32
        %parallel_loop3A_558 = arith.index_cast %parallel_loop3A_555 : i32 to index
        %parallel_loop3A_559 = arith.index_cast %parallel_loop3A_556 : i32 to index
        %parallel_loop3A_560 = arith.index_cast %parallel_loop3A_225 : i32 to index
        %parallel_loop3A_561 = arith.index_cast %parallel_loop3A_557 : i32 to index
        %parallel_loop3A_562 = arith.index_cast %parallel_loop3A_554 : i32 to index
        %parallel_loop3A_563 = tpu.vector_load %arg6[%parallel_loop3A_558, %parallel_loop3A_559, %parallel_loop3A_560, %parallel_loop3A_561, %parallel_loop3A_562] {strides = array<i32>} : memref<2x4x8x8x128xf32, #tpu.memory_space<vmem>>, vector<16xf32>,
        tpu.vector_store %arg6[%parallel_loop3A_558, %parallel_loop3A_559, %parallel_loop3A_560, %parallel_loop3A_561, %parallel_loop3A_562], %parallel_loop3A_316 {strides = array<i32>} : memref<2x4x8x8x128xf32, #tpu.memory_space<vmem>>, vector<16xf32>,
        %parallel_loop3A_564 = arith.constant 16 : i32
        %parallel_loop3A_565 = arith.muli %parallel_loop3A_564, %parallel_loop3A_241 : i32
        %parallel_loop3A_566 = arith.constant 0 : i32
        %parallel_loop3A_567 = arith.constant 0 : i32
        %parallel_loop3A_568 = arith.constant 3 : i32
        %parallel_loop3A_569 = arith.index_cast %parallel_loop3A_566 : i32 to index
        %parallel_loop3A_570 = arith.index_cast %parallel_loop3A_567 : i32 to index
        %parallel_loop3A_571 = arith.index_cast %parallel_loop3A_225 : i32 to index
        %parallel_loop3A_572 = arith.index_cast %parallel_loop3A_568 : i32 to index
        %parallel_loop3A_573 = arith.index_cast %parallel_loop3A_565 : i32 to index
        %parallel_loop3A_574 = tpu.vector_load %arg6[%parallel_loop3A_569, %parallel_loop3A_570, %parallel_loop3A_571, %parallel_loop3A_572, %parallel_loop3A_573] {strides = array<i32>} : memref<2x4x8x8x128xf32, #tpu.memory_space<vmem>>, vector<16xf32>,
        tpu.vector_store %arg6[%parallel_loop3A_569, %parallel_loop3A_570, %parallel_loop3A_571, %parallel_loop3A_572, %parallel_loop3A_573], %parallel_loop3A_324 {strides = array<i32>} : memref<2x4x8x8x128xf32, #tpu.memory_space<vmem>>, vector<16xf32>,
        %parallel_loop3A_575 = arith.constant 16 : i32
        %parallel_loop3A_576 = arith.muli %parallel_loop3A_575, %parallel_loop3A_241 : i32
        %parallel_loop3A_577 = arith.constant 0 : i32
        %parallel_loop3A_578 = arith.constant 1 : i32
        %parallel_loop3A_579 = arith.constant 3 : i32
        %parallel_loop3A_580 = arith.index_cast %parallel_loop3A_577 : i32 to index
        %parallel_loop3A_581 = arith.index_cast %parallel_loop3A_578 : i32 to index
        %parallel_loop3A_582 = arith.index_cast %parallel_loop3A_225 : i32 to index
        %parallel_loop3A_583 = arith.index_cast %parallel_loop3A_579 : i32 to index
        %parallel_loop3A_584 = arith.index_cast %parallel_loop3A_576 : i32 to index
        %parallel_loop3A_585 = tpu.vector_load %arg6[%parallel_loop3A_580, %parallel_loop3A_581, %parallel_loop3A_582, %parallel_loop3A_583, %parallel_loop3A_584] {strides = array<i32>} : memref<2x4x8x8x128xf32, #tpu.memory_space<vmem>>, vector<16xf32>,
        tpu.vector_store %arg6[%parallel_loop3A_580, %parallel_loop3A_581, %parallel_loop3A_582, %parallel_loop3A_583, %parallel_loop3A_584], %parallel_loop3A_329 {strides = array<i32>} : memref<2x4x8x8x128xf32, #tpu.memory_space<vmem>>, vector<16xf32>,
        %parallel_loop3A_586 = arith.constant 16 : i32
        %parallel_loop3A_587 = arith.muli %parallel_loop3A_586, %parallel_loop3A_241 : i32
        %parallel_loop3A_588 = arith.constant 0 : i32
        %parallel_loop3A_589 = arith.constant 2 : i32
        %parallel_loop3A_590 = arith.constant 3 : i32
        %parallel_loop3A_591 = arith.index_cast %parallel_loop3A_588 : i32 to index
        %parallel_loop3A_592 = arith.index_cast %parallel_loop3A_589 : i32 to index
        %parallel_loop3A_593 = arith.index_cast %parallel_loop3A_225 : i32 to index
        %parallel_loop3A_594 = arith.index_cast %parallel_loop3A_590 : i32 to index
        %parallel_loop3A_595 = arith.index_cast %parallel_loop3A_587 : i32 to index
        %parallel_loop3A_596 = tpu.vector_load %arg6[%parallel_loop3A_591, %parallel_loop3A_592, %parallel_loop3A_593, %parallel_loop3A_594, %parallel_loop3A_595] {strides = array<i32>} : memref<2x4x8x8x128xf32, #tpu.memory_space<vmem>>, vector<16xf32>,
        tpu.vector_store %arg6[%parallel_loop3A_591, %parallel_loop3A_592, %parallel_loop3A_593, %parallel_loop3A_594, %parallel_loop3A_595], %parallel_loop3A_334 {strides = array<i32>} : memref<2x4x8x8x128xf32, #tpu.memory_space<vmem>>, vector<16xf32>,
        %parallel_loop3A_597 = arith.constant 16 : i32
        %parallel_loop3A_598 = arith.muli %parallel_loop3A_597, %parallel_loop3A_241 : i32
        %parallel_loop3A_599 = arith.constant 0 : i32
        %parallel_loop3A_600 = arith.constant 3 : i32
        %parallel_loop3A_601 = arith.constant 3 : i32
        %parallel_loop3A_602 = arith.index_cast %parallel_loop3A_599 : i32 to index
        %parallel_loop3A_603 = arith.index_cast %parallel_loop3A_600 : i32 to index
        %parallel_loop3A_604 = arith.index_cast %parallel_loop3A_225 : i32 to index
        %parallel_loop3A_605 = arith.index_cast %parallel_loop3A_601 : i32 to index
        %parallel_loop3A_606 = arith.index_cast %parallel_loop3A_598 : i32 to index
        %parallel_loop3A_607 = tpu.vector_load %arg6[%parallel_loop3A_602, %parallel_loop3A_603, %parallel_loop3A_604, %parallel_loop3A_605, %parallel_loop3A_606] {strides = array<i32>} : memref<2x4x8x8x128xf32, #tpu.memory_space<vmem>>, vector<16xf32>,
        tpu.vector_store %arg6[%parallel_loop3A_602, %parallel_loop3A_603, %parallel_loop3A_604, %parallel_loop3A_605, %parallel_loop3A_606], %parallel_loop3A_339 {strides = array<i32>} : memref<2x4x8x8x128xf32, #tpu.memory_space<vmem>>, vector<16xf32>,
        %parallel_loop3A_608 = arith.constant 16 : i32
        %parallel_loop3A_609 = arith.muli %parallel_loop3A_608, %parallel_loop3A_241 : i32
        %parallel_loop3A_610 = arith.constant 0 : i32
        %parallel_loop3A_611 = arith.constant 0 : i32
        %parallel_loop3A_612 = arith.constant 4 : i32
        %parallel_loop3A_613 = arith.index_cast %parallel_loop3A_610 : i32 to index
        %parallel_loop3A_614 = arith.index_cast %parallel_loop3A_611 : i32 to index
        %parallel_loop3A_615 = arith.index_cast %parallel_loop3A_225 : i32 to index
        %parallel_loop3A_616 = arith.index_cast %parallel_loop3A_612 : i32 to index
        %parallel_loop3A_617 = arith.index_cast %parallel_loop3A_609 : i32 to index
        %parallel_loop3A_618 = tpu.vector_load %arg6[%parallel_loop3A_613, %parallel_loop3A_614, %parallel_loop3A_615, %parallel_loop3A_616, %parallel_loop3A_617] {strides = array<i32>} : memref<2x4x8x8x128xf32, #tpu.memory_space<vmem>>, vector<16xf32>,
        tpu.vector_store %arg6[%parallel_loop3A_613, %parallel_loop3A_614, %parallel_loop3A_615, %parallel_loop3A_616, %parallel_loop3A_617], %parallel_loop3A_347 {strides = array<i32>} : memref<2x4x8x8x128xf32, #tpu.memory_space<vmem>>, vector<16xf32>,
        %parallel_loop3A_619 = arith.constant 16 : i32
        %parallel_loop3A_620 = arith.muli %parallel_loop3A_619, %parallel_loop3A_241 : i32
        %parallel_loop3A_621 = arith.constant 0 : i32
        %parallel_loop3A_622 = arith.constant 1 : i32
        %parallel_loop3A_623 = arith.constant 4 : i32
        %parallel_loop3A_624 = arith.index_cast %parallel_loop3A_621 : i32 to index
        %parallel_loop3A_625 = arith.index_cast %parallel_loop3A_622 : i32 to index
        %parallel_loop3A_626 = arith.index_cast %parallel_loop3A_225 : i32 to index
        %parallel_loop3A_627 = arith.index_cast %parallel_loop3A_623 : i32 to index
        %parallel_loop3A_628 = arith.index_cast %parallel_loop3A_620 : i32 to index
        %parallel_loop3A_629 = tpu.vector_load %arg6[%parallel_loop3A_624, %parallel_loop3A_625, %parallel_loop3A_626, %parallel_loop3A_627, %parallel_loop3A_628] {strides = array<i32>} : memref<2x4x8x8x128xf32, #tpu.memory_space<vmem>>, vector<16xf32>,
        tpu.vector_store %arg6[%parallel_loop3A_624, %parallel_loop3A_625, %parallel_loop3A_626, %parallel_loop3A_627, %parallel_loop3A_628], %parallel_loop3A_352 {strides = array<i32>} : memref<2x4x8x8x128xf32, #tpu.memory_space<vmem>>, vector<16xf32>,
        %parallel_loop3A_630 = arith.constant 16 : i32
        %parallel_loop3A_631 = arith.muli %parallel_loop3A_630, %parallel_loop3A_241 : i32
        %parallel_loop3A_632 = arith.constant 0 : i32
        %parallel_loop3A_633 = arith.constant 2 : i32
        %parallel_loop3A_634 = arith.constant 4 : i32
        %parallel_loop3A_635 = arith.index_cast %parallel_loop3A_632 : i32 to index
        %parallel_loop3A_636 = arith.index_cast %parallel_loop3A_633 : i32 to index
        %parallel_loop3A_637 = arith.index_cast %parallel_loop3A_225 : i32 to index
        %parallel_loop3A_638 = arith.index_cast %parallel_loop3A_634 : i32 to index
        %parallel_loop3A_639 = arith.index_cast %parallel_loop3A_631 : i32 to index
        %parallel_loop3A_640 = tpu.vector_load %arg6[%parallel_loop3A_635, %parallel_loop3A_636, %parallel_loop3A_637, %parallel_loop3A_638, %parallel_loop3A_639] {strides = array<i32>} : memref<2x4x8x8x128xf32, #tpu.memory_space<vmem>>, vector<16xf32>,
        tpu.vector_store %arg6[%parallel_loop3A_635, %parallel_loop3A_636, %parallel_loop3A_637, %parallel_loop3A_638, %parallel_loop3A_639], %parallel_loop3A_357 {strides = array<i32>} : memref<2x4x8x8x128xf32, #tpu.memory_space<vmem>>, vector<16xf32>,
        %parallel_loop3A_641 = arith.constant 16 : i32
        %parallel_loop3A_642 = arith.muli %parallel_loop3A_641, %parallel_loop3A_241 : i32
        %parallel_loop3A_643 = arith.constant 0 : i32
        %parallel_loop3A_644 = arith.constant 3 : i32
        %parallel_loop3A_645 = arith.constant 4 : i32
        %parallel_loop3A_646 = arith.index_cast %parallel_loop3A_643 : i32 to index
        %parallel_loop3A_647 = arith.index_cast %parallel_loop3A_644 : i32 to index
        %parallel_loop3A_648 = arith.index_cast %parallel_loop3A_225 : i32 to index
        %parallel_loop3A_649 = arith.index_cast %parallel_loop3A_645 : i32 to index
        %parallel_loop3A_650 = arith.index_cast %parallel_loop3A_642 : i32 to index
        %parallel_loop3A_651 = tpu.vector_load %arg6[%parallel_loop3A_646, %parallel_loop3A_647, %parallel_loop3A_648, %parallel_loop3A_649, %parallel_loop3A_650] {strides = array<i32>} : memref<2x4x8x8x128xf32, #tpu.memory_space<vmem>>, vector<16xf32>,
        tpu.vector_store %arg6[%parallel_loop3A_646, %parallel_loop3A_647, %parallel_loop3A_648, %parallel_loop3A_649, %parallel_loop3A_650], %parallel_loop3A_362 {strides = array<i32>} : memref<2x4x8x8x128xf32, #tpu.memory_space<vmem>>, vector<16xf32>,
        %parallel_loop3A_652 = arith.constant 16 : i32
        %parallel_loop3A_653 = arith.muli %parallel_loop3A_652, %parallel_loop3A_241 : i32
        %parallel_loop3A_654 = arith.constant 0 : i32
        %parallel_loop3A_655 = arith.constant 0 : i32
        %parallel_loop3A_656 = arith.constant 5 : i32
        %parallel_loop3A_657 = arith.index_cast %parallel_loop3A_654 : i32 to index
        %parallel_loop3A_658 = arith.index_cast %parallel_loop3A_655 : i32 to index
        %parallel_loop3A_659 = arith.index_cast %parallel_loop3A_225 : i32 to index
        %parallel_loop3A_660 = arith.index_cast %parallel_loop3A_656 : i32 to index
        %parallel_loop3A_661 = arith.index_cast %parallel_loop3A_653 : i32 to index
        %parallel_loop3A_662 = tpu.vector_load %arg6[%parallel_loop3A_657, %parallel_loop3A_658, %parallel_loop3A_659, %parallel_loop3A_660, %parallel_loop3A_661] {strides = array<i32>} : memref<2x4x8x8x128xf32, #tpu.memory_space<vmem>>, vector<16xf32>,
        tpu.vector_store %arg6[%parallel_loop3A_657, %parallel_loop3A_658, %parallel_loop3A_659, %parallel_loop3A_660, %parallel_loop3A_661], %parallel_loop3A_370 {strides = array<i32>} : memref<2x4x8x8x128xf32, #tpu.memory_space<vmem>>, vector<16xf32>,
        %parallel_loop3A_663 = arith.constant 16 : i32
        %parallel_loop3A_664 = arith.muli %parallel_loop3A_663, %parallel_loop3A_241 : i32
        %parallel_loop3A_665 = arith.constant 0 : i32
        %parallel_loop3A_666 = arith.constant 1 : i32
        %parallel_loop3A_667 = arith.constant 5 : i32
        %parallel_loop3A_668 = arith.index_cast %parallel_loop3A_665 : i32 to index
        %parallel_loop3A_669 = arith.index_cast %parallel_loop3A_666 : i32 to index
        %parallel_loop3A_670 = arith.index_cast %parallel_loop3A_225 : i32 to index
        %parallel_loop3A_671 = arith.index_cast %parallel_loop3A_667 : i32 to index
        %parallel_loop3A_672 = arith.index_cast %parallel_loop3A_664 : i32 to index
        %parallel_loop3A_673 = tpu.vector_load %arg6[%parallel_loop3A_668, %parallel_loop3A_669, %parallel_loop3A_670, %parallel_loop3A_671, %parallel_loop3A_672] {strides = array<i32>} : memref<2x4x8x8x128xf32, #tpu.memory_space<vmem>>, vector<16xf32>,
        tpu.vector_store %arg6[%parallel_loop3A_668, %parallel_loop3A_669, %parallel_loop3A_670, %parallel_loop3A_671, %parallel_loop3A_672], %parallel_loop3A_375 {strides = array<i32>} : memref<2x4x8x8x128xf32, #tpu.memory_space<vmem>>, vector<16xf32>,
        %parallel_loop3A_674 = arith.constant 16 : i32
        %parallel_loop3A_675 = arith.muli %parallel_loop3A_674, %parallel_loop3A_241 : i32
        %parallel_loop3A_676 = arith.constant 0 : i32
        %parallel_loop3A_677 = arith.constant 2 : i32
        %parallel_loop3A_678 = arith.constant 5 : i32
        %parallel_loop3A_679 = arith.index_cast %parallel_loop3A_676 : i32 to index
        %parallel_loop3A_680 = arith.index_cast %parallel_loop3A_677 : i32 to index
        %parallel_loop3A_681 = arith.index_cast %parallel_loop3A_225 : i32 to index
        %parallel_loop3A_682 = arith.index_cast %parallel_loop3A_678 : i32 to index
        %parallel_loop3A_683 = arith.index_cast %parallel_loop3A_675 : i32 to index
        %parallel_loop3A_684 = tpu.vector_load %arg6[%parallel_loop3A_679, %parallel_loop3A_680, %parallel_loop3A_681, %parallel_loop3A_682, %parallel_loop3A_683] {strides = array<i32>} : memref<2x4x8x8x128xf32, #tpu.memory_space<vmem>>, vector<16xf32>,
        tpu.vector_store %arg6[%parallel_loop3A_679, %parallel_loop3A_680, %parallel_loop3A_681, %parallel_loop3A_682, %parallel_loop3A_683], %parallel_loop3A_380 {strides = array<i32>} : memref<2x4x8x8x128xf32, #tpu.memory_space<vmem>>, vector<16xf32>,
        %parallel_loop3A_685 = arith.constant 16 : i32
        %parallel_loop3A_686 = arith.muli %parallel_loop3A_685, %parallel_loop3A_241 : i32
        %parallel_loop3A_687 = arith.constant 0 : i32
        %parallel_loop3A_688 = arith.constant 3 : i32
        %parallel_loop3A_689 = arith.constant 5 : i32
        %parallel_loop3A_690 = arith.index_cast %parallel_loop3A_687 : i32 to index
        %parallel_loop3A_691 = arith.index_cast %parallel_loop3A_688 : i32 to index
        %parallel_loop3A_692 = arith.index_cast %parallel_loop3A_225 : i32 to index
        %parallel_loop3A_693 = arith.index_cast %parallel_loop3A_689 : i32 to index
        %parallel_loop3A_694 = arith.index_cast %parallel_loop3A_686 : i32 to index
        %parallel_loop3A_695 = tpu.vector_load %arg6[%parallel_loop3A_690, %parallel_loop3A_691, %parallel_loop3A_692, %parallel_loop3A_693, %parallel_loop3A_694] {strides = array<i32>} : memref<2x4x8x8x128xf32, #tpu.memory_space<vmem>>, vector<16xf32>,
        tpu.vector_store %arg6[%parallel_loop3A_690, %parallel_loop3A_691, %parallel_loop3A_692, %parallel_loop3A_693, %parallel_loop3A_694], %parallel_loop3A_385 {strides = array<i32>} : memref<2x4x8x8x128xf32, #tpu.memory_space<vmem>>, vector<16xf32>,
        %parallel_loop3A_696 = arith.constant 16 : i32
        %parallel_loop3A_697 = arith.muli %parallel_loop3A_696, %parallel_loop3A_241 : i32
        %parallel_loop3A_698 = arith.constant 0 : i32
        %parallel_loop3A_699 = arith.constant 0 : i32
        %parallel_loop3A_700 = arith.constant 6 : i32
        %parallel_loop3A_701 = arith.index_cast %parallel_loop3A_698 : i32 to index
        %parallel_loop3A_702 = arith.index_cast %parallel_loop3A_699 : i32 to index
        %parallel_loop3A_703 = arith.index_cast %parallel_loop3A_225 : i32 to index
        %parallel_loop3A_704 = arith.index_cast %parallel_loop3A_700 : i32 to index
        %parallel_loop3A_705 = arith.index_cast %parallel_loop3A_697 : i32 to index
        %parallel_loop3A_706 = tpu.vector_load %arg6[%parallel_loop3A_701, %parallel_loop3A_702, %parallel_loop3A_703, %parallel_loop3A_704, %parallel_loop3A_705] {strides = array<i32>} : memref<2x4x8x8x128xf32, #tpu.memory_space<vmem>>, vector<16xf32>,
        tpu.vector_store %arg6[%parallel_loop3A_701, %parallel_loop3A_702, %parallel_loop3A_703, %parallel_loop3A_704, %parallel_loop3A_705], %parallel_loop3A_393 {strides = array<i32>} : memref<2x4x8x8x128xf32, #tpu.memory_space<vmem>>, vector<16xf32>,
        %parallel_loop3A_707 = arith.constant 16 : i32
        %parallel_loop3A_708 = arith.muli %parallel_loop3A_707, %parallel_loop3A_241 : i32
        %parallel_loop3A_709 = arith.constant 0 : i32
        %parallel_loop3A_710 = arith.constant 1 : i32
        %parallel_loop3A_711 = arith.constant 6 : i32
        %parallel_loop3A_712 = arith.index_cast %parallel_loop3A_709 : i32 to index
        %parallel_loop3A_713 = arith.index_cast %parallel_loop3A_710 : i32 to index
        %parallel_loop3A_714 = arith.index_cast %parallel_loop3A_225 : i32 to index
        %parallel_loop3A_715 = arith.index_cast %parallel_loop3A_711 : i32 to index
        %parallel_loop3A_716 = arith.index_cast %parallel_loop3A_708 : i32 to index
        %parallel_loop3A_717 = tpu.vector_load %arg6[%parallel_loop3A_712, %parallel_loop3A_713, %parallel_loop3A_714, %parallel_loop3A_715, %parallel_loop3A_716] {strides = array<i32>} : memref<2x4x8x8x128xf32, #tpu.memory_space<vmem>>, vector<16xf32>,
        tpu.vector_store %arg6[%parallel_loop3A_712, %parallel_loop3A_713, %parallel_loop3A_714, %parallel_loop3A_715, %parallel_loop3A_716], %parallel_loop3A_398 {strides = array<i32>} : memref<2x4x8x8x128xf32, #tpu.memory_space<vmem>>, vector<16xf32>,
        %parallel_loop3A_718 = arith.constant 16 : i32
        %parallel_loop3A_719 = arith.muli %parallel_loop3A_718, %parallel_loop3A_241 : i32
        %parallel_loop3A_720 = arith.constant 0 : i32
        %parallel_loop3A_721 = arith.constant 2 : i32
        %parallel_loop3A_722 = arith.constant 6 : i32
        %parallel_loop3A_723 = arith.index_cast %parallel_loop3A_720 : i32 to index
        %parallel_loop3A_724 = arith.index_cast %parallel_loop3A_721 : i32 to index
        %parallel_loop3A_725 = arith.index_cast %parallel_loop3A_225 : i32 to index
        %parallel_loop3A_726 = arith.index_cast %parallel_loop3A_722 : i32 to index
        %parallel_loop3A_727 = arith.index_cast %parallel_loop3A_719 : i32 to index
        %parallel_loop3A_728 = tpu.vector_load %arg6[%parallel_loop3A_723, %parallel_loop3A_724, %parallel_loop3A_725, %parallel_loop3A_726, %parallel_loop3A_727] {strides = array<i32>} : memref<2x4x8x8x128xf32, #tpu.memory_space<vmem>>, vector<16xf32>,
        tpu.vector_store %arg6[%parallel_loop3A_723, %parallel_loop3A_724, %parallel_loop3A_725, %parallel_loop3A_726, %parallel_loop3A_727], %parallel_loop3A_403 {strides = array<i32>} : memref<2x4x8x8x128xf32, #tpu.memory_space<vmem>>, vector<16xf32>,
        %parallel_loop3A_729 = arith.constant 16 : i32
        %parallel_loop3A_730 = arith.muli %parallel_loop3A_729, %parallel_loop3A_241 : i32
        %parallel_loop3A_731 = arith.constant 0 : i32
        %parallel_loop3A_732 = arith.constant 3 : i32
        %parallel_loop3A_733 = arith.constant 6 : i32
        %parallel_loop3A_734 = arith.index_cast %parallel_loop3A_731 : i32 to index
        %parallel_loop3A_735 = arith.index_cast %parallel_loop3A_732 : i32 to index
        %parallel_loop3A_736 = arith.index_cast %parallel_loop3A_225 : i32 to index
        %parallel_loop3A_737 = arith.index_cast %parallel_loop3A_733 : i32 to index
        %parallel_loop3A_738 = arith.index_cast %parallel_loop3A_730 : i32 to index
        %parallel_loop3A_739 = tpu.vector_load %arg6[%parallel_loop3A_734, %parallel_loop3A_735, %parallel_loop3A_736, %parallel_loop3A_737, %parallel_loop3A_738] {strides = array<i32>} : memref<2x4x8x8x128xf32, #tpu.memory_space<vmem>>, vector<16xf32>,
        tpu.vector_store %arg6[%parallel_loop3A_734, %parallel_loop3A_735, %parallel_loop3A_736, %parallel_loop3A_737, %parallel_loop3A_738], %parallel_loop3A_408 {strides = array<i32>} : memref<2x4x8x8x128xf32, #tpu.memory_space<vmem>>, vector<16xf32>,
        %parallel_loop3A_740 = arith.constant 16 : i32
        %parallel_loop3A_741 = arith.muli %parallel_loop3A_740, %parallel_loop3A_241 : i32
        %parallel_loop3A_742 = arith.constant 0 : i32
        %parallel_loop3A_743 = arith.constant 0 : i32
        %parallel_loop3A_744 = arith.constant 7 : i32
        %parallel_loop3A_745 = arith.index_cast %parallel_loop3A_742 : i32 to index
        %parallel_loop3A_746 = arith.index_cast %parallel_loop3A_743 : i32 to index
        %parallel_loop3A_747 = arith.index_cast %parallel_loop3A_225 : i32 to index
        %parallel_loop3A_748 = arith.index_cast %parallel_loop3A_744 : i32 to index
        %parallel_loop3A_749 = arith.index_cast %parallel_loop3A_741 : i32 to index
        %parallel_loop3A_750 = tpu.vector_load %arg6[%parallel_loop3A_745, %parallel_loop3A_746, %parallel_loop3A_747, %parallel_loop3A_748, %parallel_loop3A_749] {strides = array<i32>} : memref<2x4x8x8x128xf32, #tpu.memory_space<vmem>>, vector<16xf32>,
        tpu.vector_store %arg6[%parallel_loop3A_745, %parallel_loop3A_746, %parallel_loop3A_747, %parallel_loop3A_748, %parallel_loop3A_749], %parallel_loop3A_416 {strides = array<i32>} : memref<2x4x8x8x128xf32, #tpu.memory_space<vmem>>, vector<16xf32>,
        %parallel_loop3A_751 = arith.constant 16 : i32
        %parallel_loop3A_752 = arith.muli %parallel_loop3A_751, %parallel_loop3A_241 : i32
        %parallel_loop3A_753 = arith.constant 0 : i32
        %parallel_loop3A_754 = arith.constant 1 : i32
        %parallel_loop3A_755 = arith.constant 7 : i32
        %parallel_loop3A_756 = arith.index_cast %parallel_loop3A_753 : i32 to index
        %parallel_loop3A_757 = arith.index_cast %parallel_loop3A_754 : i32 to index
        %parallel_loop3A_758 = arith.index_cast %parallel_loop3A_225 : i32 to index
        %parallel_loop3A_759 = arith.index_cast %parallel_loop3A_755 : i32 to index
        %parallel_loop3A_760 = arith.index_cast %parallel_loop3A_752 : i32 to index
        %parallel_loop3A_761 = tpu.vector_load %arg6[%parallel_loop3A_756, %parallel_loop3A_757, %parallel_loop3A_758, %parallel_loop3A_759, %parallel_loop3A_760] {strides = array<i32>} : memref<2x4x8x8x128xf32, #tpu.memory_space<vmem>>, vector<16xf32>,
        tpu.vector_store %arg6[%parallel_loop3A_756, %parallel_loop3A_757, %parallel_loop3A_758, %parallel_loop3A_759, %parallel_loop3A_760], %parallel_loop3A_421 {strides = array<i32>} : memref<2x4x8x8x128xf32, #tpu.memory_space<vmem>>, vector<16xf32>,
        %parallel_loop3A_762 = arith.constant 16 : i32
        %parallel_loop3A_763 = arith.muli %parallel_loop3A_762, %parallel_loop3A_241 : i32
        %parallel_loop3A_764 = arith.constant 0 : i32
        %parallel_loop3A_765 = arith.constant 2 : i32
        %parallel_loop3A_766 = arith.constant 7 : i32
        %parallel_loop3A_767 = arith.index_cast %parallel_loop3A_764 : i32 to index
        %parallel_loop3A_768 = arith.index_cast %parallel_loop3A_765 : i32 to index
        %parallel_loop3A_769 = arith.index_cast %parallel_loop3A_225 : i32 to index
        %parallel_loop3A_770 = arith.index_cast %parallel_loop3A_766 : i32 to index
        %parallel_loop3A_771 = arith.index_cast %parallel_loop3A_763 : i32 to index
        %parallel_loop3A_772 = tpu.vector_load %arg6[%parallel_loop3A_767, %parallel_loop3A_768, %parallel_loop3A_769, %parallel_loop3A_770, %parallel_loop3A_771] {strides = array<i32>} : memref<2x4x8x8x128xf32, #tpu.memory_space<vmem>>, vector<16xf32>,
        tpu.vector_store %arg6[%parallel_loop3A_767, %parallel_loop3A_768, %parallel_loop3A_769, %parallel_loop3A_770, %parallel_loop3A_771], %parallel_loop3A_426 {strides = array<i32>} : memref<2x4x8x8x128xf32, #tpu.memory_space<vmem>>, vector<16xf32>,
        %parallel_loop3A_773 = arith.constant 16 : i32
        %parallel_loop3A_774 = arith.muli %parallel_loop3A_773, %parallel_loop3A_241 : i32
        %parallel_loop3A_775 = arith.constant 0 : i32
        %parallel_loop3A_776 = arith.constant 3 : i32
        %parallel_loop3A_777 = arith.constant 7 : i32
        %parallel_loop3A_778 = arith.index_cast %parallel_loop3A_775 : i32 to index
        %parallel_loop3A_779 = arith.index_cast %parallel_loop3A_776 : i32 to index
        %parallel_loop3A_780 = arith.index_cast %parallel_loop3A_225 : i32 to index
        %parallel_loop3A_781 = arith.index_cast %parallel_loop3A_777 : i32 to index
        %parallel_loop3A_782 = arith.index_cast %parallel_loop3A_774 : i32 to index
        %parallel_loop3A_783 = tpu.vector_load %arg6[%parallel_loop3A_778, %parallel_loop3A_779, %parallel_loop3A_780, %parallel_loop3A_781, %parallel_loop3A_782] {strides = array<i32>} : memref<2x4x8x8x128xf32, #tpu.memory_space<vmem>>, vector<16xf32>,
        tpu.vector_store %arg6[%parallel_loop3A_778, %parallel_loop3A_779, %parallel_loop3A_780, %parallel_loop3A_781, %parallel_loop3A_782], %parallel_loop3A_431 {strides = array<i32>} : memref<2x4x8x8x128xf32, #tpu.memory_space<vmem>>, vector<16xf32>,
      } {sc.loop_unroll_factor = 2 : i64, sc.parallel_access}
      %add3A_110 = arith.constant 0 : i32
      %add3A_111 = arith.addi %mul3A_2, %add3A_110 : i32
      %lt3A_112 = arith.constant 125 : i32
      %lt3A_113 = arith.cmpi slt, %add3A_111, %lt3A_112 : i32
      %convert_element_type3A_114 = arith.extui %lt3A_113 : i1 to i32
      %cond3A_115 = arith.constant 0 : i32
      %cond3A_116 = arith.cmpi ne, %convert_element_type3A_114, %cond3A_115 : i32
      scf.if %cond3A_116 {
        %add3A_201 = arith.constant 0 : i32
        %add3A_202 = arith.addi %mul3A_2, %add3A_201 : i32
        %dma_start3A_203 = arith.constant 0 : i32
        %dma_start3A_204 = arith.constant 0 : i32
        %dma_start3A_205 = arith.constant 0 : i32
        %dma_start3A_206 = arith.constant 0 : i32
        %dma_start3A_207 = arith.constant 0 : i32
        %dma_start3A_208 = arith.constant 0 : i32
        %dma_start3A_209 = arith.constant 0 : i32
        %dma_start3A_210 = tpu.memref_slice %arg6[%dma_start3A_203, %dma_start3A_204, %dma_start3A_207, %dma_start3A_208, %dma_start3A_209] : memref<2x4x8x8x128xf32, #tpu.memory_space<vmem>> -> memref<1x1x8x8x128xf32, #tpu.memory_space<vmem>>
        %dma_start3A_211 = tpu.memref_squeeze %dma_start3A_210 : memref<1x1x8x8x128xf32, #tpu.memory_space<vmem>> -> memref<8x8x128xf32, #tpu.memory_space<vmem>>
        %dma_start3A_212 = arith.constant 0 : i32
        %dma_start3A_213 = arith.constant 0 : i32
        %dma_start3A_214 = arith.constant 0 : i32
        %dma_start3A_215 = tpu.memref_slice %arg4[%add3A_81, %add3A_202, %dma_start3A_212, %dma_start3A_213, %dma_start3A_214] : memref<50x125x8x8x128xf32, #tpu.memory_space<hbm>> -> memref<1x1x8x8x128xf32, #tpu.memory_space<hbm>>
        %dma_start3A_216 = tpu.memref_squeeze %dma_start3A_215 : memref<1x1x8x8x128xf32, #tpu.memory_space<hbm>> -> memref<8x8x128xf32, #tpu.memory_space<hbm>>
        %dma_start3A_217 = tpu.memref_slice %arg8[%dma_start3A_205, %dma_start3A_206] : memref<2x4x!tpu.dma_semaphore, #tpu.memory_space<semaphore_mem>> -> memref<1x1x!tpu.dma_semaphore, #tpu.memory_space<semaphore_mem>>
        %dma_start3A_218 = tpu.memref_squeeze %dma_start3A_217 : memref<1x1x!tpu.dma_semaphore, #tpu.memory_space<semaphore_mem>> -> memref<!tpu.dma_semaphore, #tpu.memory_space<semaphore_mem>>
        %dma_start3A_219 = arith.constant 0 : i32
        %dma_start3A_220 = arith.constant 0 : i32
        %dma_start3A_221 = arith.constant 0 : i32
        %dma_start3A_222 = tpu.memref_slice %arg4[%add3A_81, %add3A_202, %dma_start3A_219, %dma_start3A_220, %dma_start3A_221] : memref<50x125x8x8x128xf32, #tpu.memory_space<hbm>> -> memref<1x1x8x8x128xf32, #tpu.memory_space<hbm>>
        %dma_start3A_223 = tpu.memref_squeeze %dma_start3A_222 : memref<1x1x8x8x128xf32, #tpu.memory_space<hbm>> -> memref<8x8x128xf32, #tpu.memory_space<hbm>>
        %dma_start3A_224 = arith.constant 0 : i32
        %dma_start3A_225 = arith.constant 0 : i32
        %dma_start3A_226 = arith.constant 0 : i32
        %dma_start3A_227 = tpu.memref_slice %arg6[%dma_start3A_203, %dma_start3A_204, %dma_start3A_224, %dma_start3A_225, %dma_start3A_226] : memref<2x4x8x8x128xf32, #tpu.memory_space<vmem>> -> memref<1x1x8x8x128xf32, #tpu.memory_space<vmem>>
        %dma_start3A_228 = tpu.memref_squeeze %dma_start3A_227 : memref<1x1x8x8x128xf32, #tpu.memory_space<vmem>> -> memref<8x8x128xf32, #tpu.memory_space<vmem>>
        tpu.enqueue_dma source(%dma_start3A_228 : memref<8x8x128xf32, #tpu.memory_space<vmem>>) target(%dma_start3A_223 : memref<8x8x128xf32, #tpu.memory_space<hbm>>) target_semaphore(%dma_start3A_218 : memref<!tpu.dma_semaphore, #tpu.memory_space<semaphore_mem>>)
      } else {
      }
      %add3A_117 = arith.constant 1 : i32
      %add3A_118 = arith.addi %mul3A_2, %add3A_117 : i32
      %lt3A_119 = arith.constant 125 : i32
      %lt3A_120 = arith.cmpi slt, %add3A_118, %lt3A_119 : i32
      %convert_element_type3A_121 = arith.extui %lt3A_120 : i1 to i32
      %cond3A_122 = arith.constant 0 : i32
      %cond3A_123 = arith.cmpi ne, %convert_element_type3A_121, %cond3A_122 : i32
      scf.if %cond3A_123 {
        %add3A_201 = arith.constant 1 : i32
        %add3A_202 = arith.addi %mul3A_2, %add3A_201 : i32
        %dma_start3A_203 = arith.constant 0 : i32
        %dma_start3A_204 = arith.constant 1 : i32
        %dma_start3A_205 = arith.constant 0 : i32
        %dma_start3A_206 = arith.constant 1 : i32
        %dma_start3A_207 = arith.constant 0 : i32
        %dma_start3A_208 = arith.constant 0 : i32
        %dma_start3A_209 = arith.constant 0 : i32
        %dma_start3A_210 = tpu.memref_slice %arg6[%dma_start3A_203, %dma_start3A_204, %dma_start3A_207, %dma_start3A_208, %dma_start3A_209] : memref<2x4x8x8x128xf32, #tpu.memory_space<vmem>> -> memref<1x1x8x8x128xf32, #tpu.memory_space<vmem>>
        %dma_start3A_211 = tpu.memref_squeeze %dma_start3A_210 : memref<1x1x8x8x128xf32, #tpu.memory_space<vmem>> -> memref<8x8x128xf32, #tpu.memory_space<vmem>>
        %dma_start3A_212 = arith.constant 0 : i32
        %dma_start3A_213 = arith.constant 0 : i32
        %dma_start3A_214 = arith.constant 0 : i32
        %dma_start3A_215 = tpu.memref_slice %arg4[%add3A_81, %add3A_202, %dma_start3A_212, %dma_start3A_213, %dma_start3A_214] : memref<50x125x8x8x128xf32, #tpu.memory_space<hbm>> -> memref<1x1x8x8x128xf32, #tpu.memory_space<hbm>>
        %dma_start3A_216 = tpu.memref_squeeze %dma_start3A_215 : memref<1x1x8x8x128xf32, #tpu.memory_space<hbm>> -> memref<8x8x128xf32, #tpu.memory_space<hbm>>
        %dma_start3A_217 = tpu.memref_slice %arg8[%dma_start3A_205, %dma_start3A_206] : memref<2x4x!tpu.dma_semaphore, #tpu.memory_space<semaphore_mem>> -> memref<1x1x!tpu.dma_semaphore, #tpu.memory_space<semaphore_mem>>
        %dma_start3A_218 = tpu.memref_squeeze %dma_start3A_217 : memref<1x1x!tpu.dma_semaphore, #tpu.memory_space<semaphore_mem>> -> memref<!tpu.dma_semaphore, #tpu.memory_space<semaphore_mem>>
        %dma_start3A_219 = arith.constant 0 : i32
        %dma_start3A_220 = arith.constant 0 : i32
        %dma_start3A_221 = arith.constant 0 : i32
        %dma_start3A_222 = tpu.memref_slice %arg4[%add3A_81, %add3A_202, %dma_start3A_219, %dma_start3A_220, %dma_start3A_221] : memref<50x125x8x8x128xf32, #tpu.memory_space<hbm>> -> memref<1x1x8x8x128xf32, #tpu.memory_space<hbm>>
        %dma_start3A_223 = tpu.memref_squeeze %dma_start3A_222 : memref<1x1x8x8x128xf32, #tpu.memory_space<hbm>> -> memref<8x8x128xf32, #tpu.memory_space<hbm>>
        %dma_start3A_224 = arith.constant 0 : i32
        %dma_start3A_225 = arith.constant 0 : i32
        %dma_start3A_226 = arith.constant 0 : i32
        %dma_start3A_227 = tpu.memref_slice %arg6[%dma_start3A_203, %dma_start3A_204, %dma_start3A_224, %dma_start3A_225, %dma_start3A_226] : memref<2x4x8x8x128xf32, #tpu.memory_space<vmem>> -> memref<1x1x8x8x128xf32, #tpu.memory_space<vmem>>
        %dma_start3A_228 = tpu.memref_squeeze %dma_start3A_227 : memref<1x1x8x8x128xf32, #tpu.memory_space<vmem>> -> memref<8x8x128xf32, #tpu.memory_space<vmem>>
        tpu.enqueue_dma source(%dma_start3A_228 : memref<8x8x128xf32, #tpu.memory_space<vmem>>) target(%dma_start3A_223 : memref<8x8x128xf32, #tpu.memory_space<hbm>>) target_semaphore(%dma_start3A_218 : memref<!tpu.dma_semaphore, #tpu.memory_space<semaphore_mem>>)
      } else {
      }
      %add3A_124 = arith.constant 2 : i32
      %add3A_125 = arith.addi %mul3A_2, %add3A_124 : i32
      %lt3A_126 = arith.constant 125 : i32
      %lt3A_127 = arith.cmpi slt, %add3A_125, %lt3A_126 : i32
      %convert_element_type3A_128 = arith.extui %lt3A_127 : i1 to i32
      %cond3A_129 = arith.constant 0 : i32
      %cond3A_130 = arith.cmpi ne, %convert_element_type3A_128, %cond3A_129 : i32
      scf.if %cond3A_130 {
        %add3A_201 = arith.constant 2 : i32
        %add3A_202 = arith.addi %mul3A_2, %add3A_201 : i32
        %dma_start3A_203 = arith.constant 0 : i32
        %dma_start3A_204 = arith.constant 2 : i32
        %dma_start3A_205 = arith.constant 0 : i32
        %dma_start3A_206 = arith.constant 2 : i32
        %dma_start3A_207 = arith.constant 0 : i32
        %dma_start3A_208 = arith.constant 0 : i32
        %dma_start3A_209 = arith.constant 0 : i32
        %dma_start3A_210 = tpu.memref_slice %arg6[%dma_start3A_203, %dma_start3A_204, %dma_start3A_207, %dma_start3A_208, %dma_start3A_209] : memref<2x4x8x8x128xf32, #tpu.memory_space<vmem>> -> memref<1x1x8x8x128xf32, #tpu.memory_space<vmem>>
        %dma_start3A_211 = tpu.memref_squeeze %dma_start3A_210 : memref<1x1x8x8x128xf32, #tpu.memory_space<vmem>> -> memref<8x8x128xf32, #tpu.memory_space<vmem>>
        %dma_start3A_212 = arith.constant 0 : i32
        %dma_start3A_213 = arith.constant 0 : i32
        %dma_start3A_214 = arith.constant 0 : i32
        %dma_start3A_215 = tpu.memref_slice %arg4[%add3A_81, %add3A_202, %dma_start3A_212, %dma_start3A_213, %dma_start3A_214] : memref<50x125x8x8x128xf32, #tpu.memory_space<hbm>> -> memref<1x1x8x8x128xf32, #tpu.memory_space<hbm>>
        %dma_start3A_216 = tpu.memref_squeeze %dma_start3A_215 : memref<1x1x8x8x128xf32, #tpu.memory_space<hbm>> -> memref<8x8x128xf32, #tpu.memory_space<hbm>>
        %dma_start3A_217 = tpu.memref_slice %arg8[%dma_start3A_205, %dma_start3A_206] : memref<2x4x!tpu.dma_semaphore, #tpu.memory_space<semaphore_mem>> -> memref<1x1x!tpu.dma_semaphore, #tpu.memory_space<semaphore_mem>>
        %dma_start3A_218 = tpu.memref_squeeze %dma_start3A_217 : memref<1x1x!tpu.dma_semaphore, #tpu.memory_space<semaphore_mem>> -> memref<!tpu.dma_semaphore, #tpu.memory_space<semaphore_mem>>
        %dma_start3A_219 = arith.constant 0 : i32
        %dma_start3A_220 = arith.constant 0 : i32
        %dma_start3A_221 = arith.constant 0 : i32
        %dma_start3A_222 = tpu.memref_slice %arg4[%add3A_81, %add3A_202, %dma_start3A_219, %dma_start3A_220, %dma_start3A_221] : memref<50x125x8x8x128xf32, #tpu.memory_space<hbm>> -> memref<1x1x8x8x128xf32, #tpu.memory_space<hbm>>
        %dma_start3A_223 = tpu.memref_squeeze %dma_start3A_222 : memref<1x1x8x8x128xf32, #tpu.memory_space<hbm>> -> memref<8x8x128xf32, #tpu.memory_space<hbm>>
        %dma_start3A_224 = arith.constant 0 : i32
        %dma_start3A_225 = arith.constant 0 : i32
        %dma_start3A_226 = arith.constant 0 : i32
        %dma_start3A_227 = tpu.memref_slice %arg6[%dma_start3A_203, %dma_start3A_204, %dma_start3A_224, %dma_start3A_225, %dma_start3A_226] : memref<2x4x8x8x128xf32, #tpu.memory_space<vmem>> -> memref<1x1x8x8x128xf32, #tpu.memory_space<vmem>>
        %dma_start3A_228 = tpu.memref_squeeze %dma_start3A_227 : memref<1x1x8x8x128xf32, #tpu.memory_space<vmem>> -> memref<8x8x128xf32, #tpu.memory_space<vmem>>
        tpu.enqueue_dma source(%dma_start3A_228 : memref<8x8x128xf32, #tpu.memory_space<vmem>>) target(%dma_start3A_223 : memref<8x8x128xf32, #tpu.memory_space<hbm>>) target_semaphore(%dma_start3A_218 : memref<!tpu.dma_semaphore, #tpu.memory_space<semaphore_mem>>)
      } else {
      }
      %add3A_131 = arith.constant 3 : i32
      %add3A_132 = arith.addi %mul3A_2, %add3A_131 : i32
      %lt3A_133 = arith.constant 125 : i32
      %lt3A_134 = arith.cmpi slt, %add3A_132, %lt3A_133 : i32
      %convert_element_type3A_135 = arith.extui %lt3A_134 : i1 to i32
      %cond3A_136 = arith.constant 0 : i32
      %cond3A_137 = arith.cmpi ne, %convert_element_type3A_135, %cond3A_136 : i32
      scf.if %cond3A_137 {
        %add3A_201 = arith.constant 3 : i32
        %add3A_202 = arith.addi %mul3A_2, %add3A_201 : i32
        %dma_start3A_203 = arith.constant 0 : i32
        %dma_start3A_204 = arith.constant 3 : i32
        %dma_start3A_205 = arith.constant 0 : i32
        %dma_start3A_206 = arith.constant 3 : i32
        %dma_start3A_207 = arith.constant 0 : i32
        %dma_start3A_208 = arith.constant 0 : i32
        %dma_start3A_209 = arith.constant 0 : i32
        %dma_start3A_210 = tpu.memref_slice %arg6[%dma_start3A_203, %dma_start3A_204, %dma_start3A_207, %dma_start3A_208, %dma_start3A_209] : memref<2x4x8x8x128xf32, #tpu.memory_space<vmem>> -> memref<1x1x8x8x128xf32, #tpu.memory_space<vmem>>
        %dma_start3A_211 = tpu.memref_squeeze %dma_start3A_210 : memref<1x1x8x8x128xf32, #tpu.memory_space<vmem>> -> memref<8x8x128xf32, #tpu.memory_space<vmem>>
        %dma_start3A_212 = arith.constant 0 : i32
        %dma_start3A_213 = arith.constant 0 : i32
        %dma_start3A_214 = arith.constant 0 : i32
        %dma_start3A_215 = tpu.memref_slice %arg4[%add3A_81, %add3A_202, %dma_start3A_212, %dma_start3A_213, %dma_start3A_214] : memref<50x125x8x8x128xf32, #tpu.memory_space<hbm>> -> memref<1x1x8x8x128xf32, #tpu.memory_space<hbm>>
        %dma_start3A_216 = tpu.memref_squeeze %dma_start3A_215 : memref<1x1x8x8x128xf32, #tpu.memory_space<hbm>> -> memref<8x8x128xf32, #tpu.memory_space<hbm>>
        %dma_start3A_217 = tpu.memref_slice %arg8[%dma_start3A_205, %dma_start3A_206] : memref<2x4x!tpu.dma_semaphore, #tpu.memory_space<semaphore_mem>> -> memref<1x1x!tpu.dma_semaphore, #tpu.memory_space<semaphore_mem>>
        %dma_start3A_218 = tpu.memref_squeeze %dma_start3A_217 : memref<1x1x!tpu.dma_semaphore, #tpu.memory_space<semaphore_mem>> -> memref<!tpu.dma_semaphore, #tpu.memory_space<semaphore_mem>>
        %dma_start3A_219 = arith.constant 0 : i32
        %dma_start3A_220 = arith.constant 0 : i32
        %dma_start3A_221 = arith.constant 0 : i32
        %dma_start3A_222 = tpu.memref_slice %arg4[%add3A_81, %add3A_202, %dma_start3A_219, %dma_start3A_220, %dma_start3A_221] : memref<50x125x8x8x128xf32, #tpu.memory_space<hbm>> -> memref<1x1x8x8x128xf32, #tpu.memory_space<hbm>>
        %dma_start3A_223 = tpu.memref_squeeze %dma_start3A_222 : memref<1x1x8x8x128xf32, #tpu.memory_space<hbm>> -> memref<8x8x128xf32, #tpu.memory_space<hbm>>
        %dma_start3A_224 = arith.constant 0 : i32
        %dma_start3A_225 = arith.constant 0 : i32
        %dma_start3A_226 = arith.constant 0 : i32
        %dma_start3A_227 = tpu.memref_slice %arg6[%dma_start3A_203, %dma_start3A_204, %dma_start3A_224, %dma_start3A_225, %dma_start3A_226] : memref<2x4x8x8x128xf32, #tpu.memory_space<vmem>> -> memref<1x1x8x8x128xf32, #tpu.memory_space<vmem>>
        %dma_start3A_228 = tpu.memref_squeeze %dma_start3A_227 : memref<1x1x8x8x128xf32, #tpu.memory_space<vmem>> -> memref<8x8x128xf32, #tpu.memory_space<vmem>>
        tpu.enqueue_dma source(%dma_start3A_228 : memref<8x8x128xf32, #tpu.memory_space<vmem>>) target(%dma_start3A_223 : memref<8x8x128xf32, #tpu.memory_space<hbm>>) target_semaphore(%dma_start3A_218 : memref<!tpu.dma_semaphore, #tpu.memory_space<semaphore_mem>>)
      } else {
      }
      %mul3A_138 = arith.constant 2 : i32
      %mul3A_139 = arith.muli %scan3A_77, %mul3A_138 : i32
      %add3A_140 = arith.constant 1 : i32
      %add3A_141 = arith.addi %mul3A_139, %add3A_140 : i32
      %dma_wait3A_142 = arith.constant 1 : i32
      %dma_wait3A_143 = arith.constant 1 : i32
      %dma_wait3A_144 = arith.constant 0 : i32
      %dma_wait3A_145 = tpu.memref_slice %arg7[%dma_wait3A_142, %dma_wait3A_144] : memref<2x1024xi32, #tpu.memory_space<vmem>> -> memref<1x1024xi32, #tpu.memory_space<vmem>>
      %dma_wait3A_146 = tpu.memref_squeeze %dma_wait3A_145 : memref<1x1024xi32, #tpu.memory_space<vmem>> -> memref<1024xi32, #tpu.memory_space<vmem>>
      %dma_wait3A_147 = arith.constant 0 : i32
      %dma_wait3A_148 = tpu.memref_slice %arg3[%add3A_141, %dma_wait3A_147] : memref<50x1024xi32, #tpu.memory_space<hbm>> -> memref<1x1024xi32, #tpu.memory_space<hbm>>
      %dma_wait3A_149 = tpu.memref_squeeze %dma_wait3A_148 : memref<1x1024xi32, #tpu.memory_space<hbm>> -> memref<1024xi32, #tpu.memory_space<hbm>>
      %dma_wait3A_150 = tpu.memref_slice %arg9[%dma_wait3A_143] : memref<2x!tpu.dma_semaphore, #tpu.memory_space<semaphore_mem>> -> memref<1x!tpu.dma_semaphore, #tpu.memory_space<semaphore_mem>>
      %dma_wait3A_151 = tpu.memref_squeeze %dma_wait3A_150 : memref<1x!tpu.dma_semaphore, #tpu.memory_space<semaphore_mem>> -> memref<!tpu.dma_semaphore, #tpu.memory_space<semaphore_mem>>
      %dma_wait3A_152 = arith.constant 0 : i32
      %dma_wait3A_153 = tpu.memref_slice %arg7[%dma_wait3A_142, %dma_wait3A_152] : memref<2x1024xi32, #tpu.memory_space<vmem>> -> memref<1x1024xi32, #tpu.memory_space<vmem>>
      %dma_wait3A_154 = tpu.memref_squeeze %dma_wait3A_153 : memref<1x1024xi32, #tpu.memory_space<vmem>> -> memref<1024xi32, #tpu.memory_space<vmem>>
      %dma_wait3A_155 = arith.constant 0 : i32
      %dma_wait3A_156 = tpu.memref_slice %arg3[%add3A_141, %dma_wait3A_155] : memref<50x1024xi32, #tpu.memory_space<hbm>> -> memref<1x1024xi32, #tpu.memory_space<hbm>>
      %dma_wait3A_157 = tpu.memref_squeeze %dma_wait3A_156 : memref<1x1024xi32, #tpu.memory_space<hbm>> -> memref<1024xi32, #tpu.memory_space<hbm>>
      tpu.wait_dma2 semaphore(%dma_wait3A_151 : memref<!tpu.dma_semaphore, #tpu.memory_space<semaphore_mem>>) src(%dma_wait3A_157 : memref<1024xi32, #tpu.memory_space<hbm>>) dst(%dma_wait3A_154 : memref<1024xi32, #tpu.memory_space<vmem>>)
      %add3A_158 = arith.constant 1 : i32
      %add3A_159 = arith.addi %add3A_141, %add3A_158 : i32
      %lt3A_160 = arith.constant 50 : i32
      %lt3A_161 = arith.cmpi slt, %add3A_159, %lt3A_160 : i32
      %convert_element_type3A_162 = arith.extui %lt3A_161 : i1 to i32
      %cond3A_163 = arith.constant 0 : i32
      %cond3A_164 = arith.cmpi ne, %convert_element_type3A_162, %cond3A_163 : i32
      scf.if %cond3A_164 {
        %add3A_201 = arith.constant 1 : i32
        %add3A_202 = arith.addi %add3A_141, %add3A_201 : i32
        %dma_start3A_203 = arith.constant 0 : i32
        %dma_start3A_204 = arith.constant 0 : i32
        %dma_start3A_205 = arith.constant 0 : i32
        %dma_start3A_206 = tpu.memref_slice %arg7[%dma_start3A_203, %dma_start3A_205] : memref<2x1024xi32, #tpu.memory_space<vmem>> -> memref<1x1024xi32, #tpu.memory_space<vmem>>
        %dma_start3A_207 = tpu.memref_squeeze %dma_start3A_206 : memref<1x1024xi32, #tpu.memory_space<vmem>> -> memref<1024xi32, #tpu.memory_space<vmem>>
        %dma_start3A_208 = arith.constant 0 : i32
        %dma_start3A_209 = tpu.memref_slice %arg3[%add3A_202, %dma_start3A_208] : memref<50x1024xi32, #tpu.memory_space<hbm>> -> memref<1x1024xi32, #tpu.memory_space<hbm>>
        %dma_start3A_210 = tpu.memref_squeeze %dma_start3A_209 : memref<1x1024xi32, #tpu.memory_space<hbm>> -> memref<1024xi32, #tpu.memory_space<hbm>>
        %dma_start3A_211 = tpu.memref_slice %arg9[%dma_start3A_204] : memref<2x!tpu.dma_semaphore, #tpu.memory_space<semaphore_mem>> -> memref<1x!tpu.dma_semaphore, #tpu.memory_space<semaphore_mem>>
        %dma_start3A_212 = tpu.memref_squeeze %dma_start3A_211 : memref<1x!tpu.dma_semaphore, #tpu.memory_space<semaphore_mem>> -> memref<!tpu.dma_semaphore, #tpu.memory_space<semaphore_mem>>
        %dma_start3A_213 = arith.constant 0 : i32
        %dma_start3A_214 = tpu.memref_slice %arg7[%dma_start3A_203, %dma_start3A_213] : memref<2x1024xi32, #tpu.memory_space<vmem>> -> memref<1x1024xi32, #tpu.memory_space<vmem>>
        %dma_start3A_215 = tpu.memref_squeeze %dma_start3A_214 : memref<1x1024xi32, #tpu.memory_space<vmem>> -> memref<1024xi32, #tpu.memory_space<vmem>>
        %dma_start3A_216 = arith.constant 0 : i32
        %dma_start3A_217 = tpu.memref_slice %arg3[%add3A_202, %dma_start3A_216] : memref<50x1024xi32, #tpu.memory_space<hbm>> -> memref<1x1024xi32, #tpu.memory_space<hbm>>
        %dma_start3A_218 = tpu.memref_squeeze %dma_start3A_217 : memref<1x1024xi32, #tpu.memory_space<hbm>> -> memref<1024xi32, #tpu.memory_space<hbm>>
        tpu.enqueue_dma source(%dma_start3A_218 : memref<1024xi32, #tpu.memory_space<hbm>>) target(%dma_start3A_215 : memref<1024xi32, #tpu.memory_space<vmem>>) target_semaphore(%dma_start3A_212 : memref<!tpu.dma_semaphore, #tpu.memory_space<semaphore_mem>>)
      } else {
      }
      %ge3A_165 = arith.constant 2 : i32
      %ge3A_166 = arith.cmpi sge, %add3A_141, %ge3A_165 : i32
      %convert_element_type3A_167 = arith.extui %ge3A_166 : i1 to i32
      %cond3A_168 = arith.constant 0 : i32
      %cond3A_169 = arith.cmpi ne, %convert_element_type3A_167, %cond3A_168 : i32
      scf.if %cond3A_169 {
        %add3A_201 = arith.constant 0 : i32
        %add3A_202 = arith.addi %mul3A_2, %add3A_201 : i32
        %lt3A_203 = arith.constant 125 : i32
        %lt3A_204 = arith.cmpi slt, %add3A_202, %lt3A_203 : i32
        %convert_element_type3A_205 = arith.extui %lt3A_204 : i1 to i32
        %cond3A_206 = arith.constant 0 : i32
        %cond3A_207 = arith.cmpi ne, %convert_element_type3A_205, %cond3A_206 : i32
        scf.if %cond3A_207 {
          %sub3A = arith.constant 2 : i32
          %sub3A_229 = arith.subi %add3A_141, %sub3A : i32
          %add3A_230 = arith.constant 0 : i32
          %add3A_231 = arith.addi %mul3A_2, %add3A_230 : i32
          %dma_wait3A_232 = arith.constant 1 : i32
          %dma_wait3A_233 = arith.constant 0 : i32
          %dma_wait3A_234 = arith.constant 1 : i32
          %dma_wait3A_235 = arith.constant 0 : i32
          %dma_wait3A_236 = arith.constant 0 : i32
          %dma_wait3A_237 = arith.constant 0 : i32
          %dma_wait3A_238 = arith.constant 0 : i32
          %dma_wait3A_239 = tpu.memref_slice %arg6[%dma_wait3A_232, %dma_wait3A_233, %dma_wait3A_236, %dma_wait3A_237, %dma_wait3A_238] : memref<2x4x8x8x128xf32, #tpu.memory_space<vmem>> -> memref<1x1x8x8x128xf32, #tpu.memory_space<vmem>>
          %dma_wait3A_240 = tpu.memref_squeeze %dma_wait3A_239 : memref<1x1x8x8x128xf32, #tpu.memory_space<vmem>> -> memref<8x8x128xf32, #tpu.memory_space<vmem>>
          %dma_wait3A_241 = arith.constant 0 : i32
          %dma_wait3A_242 = arith.constant 0 : i32
          %dma_wait3A_243 = arith.constant 0 : i32
          %dma_wait3A_244 = tpu.memref_slice %arg4[%sub3A_229, %add3A_231, %dma_wait3A_241, %dma_wait3A_242, %dma_wait3A_243] : memref<50x125x8x8x128xf32, #tpu.memory_space<hbm>> -> memref<1x1x8x8x128xf32, #tpu.memory_space<hbm>>
          %dma_wait3A_245 = tpu.memref_squeeze %dma_wait3A_244 : memref<1x1x8x8x128xf32, #tpu.memory_space<hbm>> -> memref<8x8x128xf32, #tpu.memory_space<hbm>>
          %dma_wait3A_246 = tpu.memref_slice %arg8[%dma_wait3A_234, %dma_wait3A_235] : memref<2x4x!tpu.dma_semaphore, #tpu.memory_space<semaphore_mem>> -> memref<1x1x!tpu.dma_semaphore, #tpu.memory_space<semaphore_mem>>
          %dma_wait3A_247 = tpu.memref_squeeze %dma_wait3A_246 : memref<1x1x!tpu.dma_semaphore, #tpu.memory_space<semaphore_mem>> -> memref<!tpu.dma_semaphore, #tpu.memory_space<semaphore_mem>>
          %dma_wait3A_248 = arith.constant 0 : i32
          %dma_wait3A_249 = arith.constant 0 : i32
          %dma_wait3A_250 = arith.constant 0 : i32
          %dma_wait3A_251 = tpu.memref_slice %arg4[%sub3A_229, %add3A_231, %dma_wait3A_248, %dma_wait3A_249, %dma_wait3A_250] : memref<50x125x8x8x128xf32, #tpu.memory_space<hbm>> -> memref<1x1x8x8x128xf32, #tpu.memory_space<hbm>>
          %dma_wait3A_252 = tpu.memref_squeeze %dma_wait3A_251 : memref<1x1x8x8x128xf32, #tpu.memory_space<hbm>> -> memref<8x8x128xf32, #tpu.memory_space<hbm>>
          %dma_wait3A_253 = arith.constant 0 : i32
          %dma_wait3A_254 = arith.constant 0 : i32
          %dma_wait3A_255 = arith.constant 0 : i32
          %dma_wait3A_256 = tpu.memref_slice %arg6[%dma_wait3A_232, %dma_wait3A_233, %dma_wait3A_253, %dma_wait3A_254, %dma_wait3A_255] : memref<2x4x8x8x128xf32, #tpu.memory_space<vmem>> -> memref<1x1x8x8x128xf32, #tpu.memory_space<vmem>>
          %dma_wait3A_257 = tpu.memref_squeeze %dma_wait3A_256 : memref<1x1x8x8x128xf32, #tpu.memory_space<vmem>> -> memref<8x8x128xf32, #tpu.memory_space<vmem>>
          tpu.wait_dma2 semaphore(%dma_wait3A_247 : memref<!tpu.dma_semaphore, #tpu.memory_space<semaphore_mem>>) src(%dma_wait3A_257 : memref<8x8x128xf32, #tpu.memory_space<vmem>>) dst(%dma_wait3A_252 : memref<8x8x128xf32, #tpu.memory_space<hbm>>)
        } else {
        }
        %add3A_208 = arith.constant 1 : i32
        %add3A_209 = arith.addi %mul3A_2, %add3A_208 : i32
        %lt3A_210 = arith.constant 125 : i32
        %lt3A_211 = arith.cmpi slt, %add3A_209, %lt3A_210 : i32
        %convert_element_type3A_212 = arith.extui %lt3A_211 : i1 to i32
        %cond3A_213 = arith.constant 0 : i32
        %cond3A_214 = arith.cmpi ne, %convert_element_type3A_212, %cond3A_213 : i32
        scf.if %cond3A_214 {
          %sub3A = arith.constant 2 : i32
          %sub3A_229 = arith.subi %add3A_141, %sub3A : i32
          %add3A_230 = arith.constant 1 : i32
          %add3A_231 = arith.addi %mul3A_2, %add3A_230 : i32
          %dma_wait3A_232 = arith.constant 1 : i32
          %dma_wait3A_233 = arith.constant 1 : i32
          %dma_wait3A_234 = arith.constant 1 : i32
          %dma_wait3A_235 = arith.constant 1 : i32
          %dma_wait3A_236 = arith.constant 0 : i32
          %dma_wait3A_237 = arith.constant 0 : i32
          %dma_wait3A_238 = arith.constant 0 : i32
          %dma_wait3A_239 = tpu.memref_slice %arg6[%dma_wait3A_232, %dma_wait3A_233, %dma_wait3A_236, %dma_wait3A_237, %dma_wait3A_238] : memref<2x4x8x8x128xf32, #tpu.memory_space<vmem>> -> memref<1x1x8x8x128xf32, #tpu.memory_space<vmem>>
          %dma_wait3A_240 = tpu.memref_squeeze %dma_wait3A_239 : memref<1x1x8x8x128xf32, #tpu.memory_space<vmem>> -> memref<8x8x128xf32, #tpu.memory_space<vmem>>
          %dma_wait3A_241 = arith.constant 0 : i32
          %dma_wait3A_242 = arith.constant 0 : i32
          %dma_wait3A_243 = arith.constant 0 : i32
          %dma_wait3A_244 = tpu.memref_slice %arg4[%sub3A_229, %add3A_231, %dma_wait3A_241, %dma_wait3A_242, %dma_wait3A_243] : memref<50x125x8x8x128xf32, #tpu.memory_space<hbm>> -> memref<1x1x8x8x128xf32, #tpu.memory_space<hbm>>
          %dma_wait3A_245 = tpu.memref_squeeze %dma_wait3A_244 : memref<1x1x8x8x128xf32, #tpu.memory_space<hbm>> -> memref<8x8x128xf32, #tpu.memory_space<hbm>>
          %dma_wait3A_246 = tpu.memref_slice %arg8[%dma_wait3A_234, %dma_wait3A_235] : memref<2x4x!tpu.dma_semaphore, #tpu.memory_space<semaphore_mem>> -> memref<1x1x!tpu.dma_semaphore, #tpu.memory_space<semaphore_mem>>
          %dma_wait3A_247 = tpu.memref_squeeze %dma_wait3A_246 : memref<1x1x!tpu.dma_semaphore, #tpu.memory_space<semaphore_mem>> -> memref<!tpu.dma_semaphore, #tpu.memory_space<semaphore_mem>>
          %dma_wait3A_248 = arith.constant 0 : i32
          %dma_wait3A_249 = arith.constant 0 : i32
          %dma_wait3A_250 = arith.constant 0 : i32
          %dma_wait3A_251 = tpu.memref_slice %arg4[%sub3A_229, %add3A_231, %dma_wait3A_248, %dma_wait3A_249, %dma_wait3A_250] : memref<50x125x8x8x128xf32, #tpu.memory_space<hbm>> -> memref<1x1x8x8x128xf32, #tpu.memory_space<hbm>>
          %dma_wait3A_252 = tpu.memref_squeeze %dma_wait3A_251 : memref<1x1x8x8x128xf32, #tpu.memory_space<hbm>> -> memref<8x8x128xf32, #tpu.memory_space<hbm>>
          %dma_wait3A_253 = arith.constant 0 : i32
          %dma_wait3A_254 = arith.constant 0 : i32
          %dma_wait3A_255 = arith.constant 0 : i32
          %dma_wait3A_256 = tpu.memref_slice %arg6[%dma_wait3A_232, %dma_wait3A_233, %dma_wait3A_253, %dma_wait3A_254, %dma_wait3A_255] : memref<2x4x8x8x128xf32, #tpu.memory_space<vmem>> -> memref<1x1x8x8x128xf32, #tpu.memory_space<vmem>>
          %dma_wait3A_257 = tpu.memref_squeeze %dma_wait3A_256 : memref<1x1x8x8x128xf32, #tpu.memory_space<vmem>> -> memref<8x8x128xf32, #tpu.memory_space<vmem>>
          tpu.wait_dma2 semaphore(%dma_wait3A_247 : memref<!tpu.dma_semaphore, #tpu.memory_space<semaphore_mem>>) src(%dma_wait3A_257 : memref<8x8x128xf32, #tpu.memory_space<vmem>>) dst(%dma_wait3A_252 : memref<8x8x128xf32, #tpu.memory_space<hbm>>)
        } else {
        }
        %add3A_215 = arith.constant 2 : i32
        %add3A_216 = arith.addi %mul3A_2, %add3A_215 : i32
        %lt3A_217 = arith.constant 125 : i32
        %lt3A_218 = arith.cmpi slt, %add3A_216, %lt3A_217 : i32
        %convert_element_type3A_219 = arith.extui %lt3A_218 : i1 to i32
        %cond3A_220 = arith.constant 0 : i32
        %cond3A_221 = arith.cmpi ne, %convert_element_type3A_219, %cond3A_220 : i32
        scf.if %cond3A_221 {
          %sub3A = arith.constant 2 : i32
          %sub3A_229 = arith.subi %add3A_141, %sub3A : i32
          %add3A_230 = arith.constant 2 : i32
          %add3A_231 = arith.addi %mul3A_2, %add3A_230 : i32
          %dma_wait3A_232 = arith.constant 1 : i32
          %dma_wait3A_233 = arith.constant 2 : i32
          %dma_wait3A_234 = arith.constant 1 : i32
          %dma_wait3A_235 = arith.constant 2 : i32
          %dma_wait3A_236 = arith.constant 0 : i32
          %dma_wait3A_237 = arith.constant 0 : i32
          %dma_wait3A_238 = arith.constant 0 : i32
          %dma_wait3A_239 = tpu.memref_slice %arg6[%dma_wait3A_232, %dma_wait3A_233, %dma_wait3A_236, %dma_wait3A_237, %dma_wait3A_238] : memref<2x4x8x8x128xf32, #tpu.memory_space<vmem>> -> memref<1x1x8x8x128xf32, #tpu.memory_space<vmem>>
          %dma_wait3A_240 = tpu.memref_squeeze %dma_wait3A_239 : memref<1x1x8x8x128xf32, #tpu.memory_space<vmem>> -> memref<8x8x128xf32, #tpu.memory_space<vmem>>
          %dma_wait3A_241 = arith.constant 0 : i32
          %dma_wait3A_242 = arith.constant 0 : i32
          %dma_wait3A_243 = arith.constant 0 : i32
          %dma_wait3A_244 = tpu.memref_slice %arg4[%sub3A_229, %add3A_231, %dma_wait3A_241, %dma_wait3A_242, %dma_wait3A_243] : memref<50x125x8x8x128xf32, #tpu.memory_space<hbm>> -> memref<1x1x8x8x128xf32, #tpu.memory_space<hbm>>
          %dma_wait3A_245 = tpu.memref_squeeze %dma_wait3A_244 : memref<1x1x8x8x128xf32, #tpu.memory_space<hbm>> -> memref<8x8x128xf32, #tpu.memory_space<hbm>>
          %dma_wait3A_246 = tpu.memref_slice %arg8[%dma_wait3A_234, %dma_wait3A_235] : memref<2x4x!tpu.dma_semaphore, #tpu.memory_space<semaphore_mem>> -> memref<1x1x!tpu.dma_semaphore, #tpu.memory_space<semaphore_mem>>
          %dma_wait3A_247 = tpu.memref_squeeze %dma_wait3A_246 : memref<1x1x!tpu.dma_semaphore, #tpu.memory_space<semaphore_mem>> -> memref<!tpu.dma_semaphore, #tpu.memory_space<semaphore_mem>>
          %dma_wait3A_248 = arith.constant 0 : i32
          %dma_wait3A_249 = arith.constant 0 : i32
          %dma_wait3A_250 = arith.constant 0 : i32
          %dma_wait3A_251 = tpu.memref_slice %arg4[%sub3A_229, %add3A_231, %dma_wait3A_248, %dma_wait3A_249, %dma_wait3A_250] : memref<50x125x8x8x128xf32, #tpu.memory_space<hbm>> -> memref<1x1x8x8x128xf32, #tpu.memory_space<hbm>>
          %dma_wait3A_252 = tpu.memref_squeeze %dma_wait3A_251 : memref<1x1x8x8x128xf32, #tpu.memory_space<hbm>> -> memref<8x8x128xf32, #tpu.memory_space<hbm>>
          %dma_wait3A_253 = arith.constant 0 : i32
          %dma_wait3A_254 = arith.constant 0 : i32
          %dma_wait3A_255 = arith.constant 0 : i32
          %dma_wait3A_256 = tpu.memref_slice %arg6[%dma_wait3A_232, %dma_wait3A_233, %dma_wait3A_253, %dma_wait3A_254, %dma_wait3A_255] : memref<2x4x8x8x128xf32, #tpu.memory_space<vmem>> -> memref<1x1x8x8x128xf32, #tpu.memory_space<vmem>>
          %dma_wait3A_257 = tpu.memref_squeeze %dma_wait3A_256 : memref<1x1x8x8x128xf32, #tpu.memory_space<vmem>> -> memref<8x8x128xf32, #tpu.memory_space<vmem>>
          tpu.wait_dma2 semaphore(%dma_wait3A_247 : memref<!tpu.dma_semaphore, #tpu.memory_space<semaphore_mem>>) src(%dma_wait3A_257 : memref<8x8x128xf32, #tpu.memory_space<vmem>>) dst(%dma_wait3A_252 : memref<8x8x128xf32, #tpu.memory_space<hbm>>)
        } else {
        }
        %add3A_222 = arith.constant 3 : i32
        %add3A_223 = arith.addi %mul3A_2, %add3A_222 : i32
        %lt3A_224 = arith.constant 125 : i32
        %lt3A_225 = arith.cmpi slt, %add3A_223, %lt3A_224 : i32
        %convert_element_type3A_226 = arith.extui %lt3A_225 : i1 to i32
        %cond3A_227 = arith.constant 0 : i32
        %cond3A_228 = arith.cmpi ne, %convert_element_type3A_226, %cond3A_227 : i32
        scf.if %cond3A_228 {
          %sub3A = arith.constant 2 : i32
          %sub3A_229 = arith.subi %add3A_141, %sub3A : i32
          %add3A_230 = arith.constant 3 : i32
          %add3A_231 = arith.addi %mul3A_2, %add3A_230 : i32
          %dma_wait3A_232 = arith.constant 1 : i32
          %dma_wait3A_233 = arith.constant 3 : i32
          %dma_wait3A_234 = arith.constant 1 : i32
          %dma_wait3A_235 = arith.constant 3 : i32
          %dma_wait3A_236 = arith.constant 0 : i32
          %dma_wait3A_237 = arith.constant 0 : i32
          %dma_wait3A_238 = arith.constant 0 : i32
          %dma_wait3A_239 = tpu.memref_slice %arg6[%dma_wait3A_232, %dma_wait3A_233, %dma_wait3A_236, %dma_wait3A_237, %dma_wait3A_238] : memref<2x4x8x8x128xf32, #tpu.memory_space<vmem>> -> memref<1x1x8x8x128xf32, #tpu.memory_space<vmem>>
          %dma_wait3A_240 = tpu.memref_squeeze %dma_wait3A_239 : memref<1x1x8x8x128xf32, #tpu.memory_space<vmem>> -> memref<8x8x128xf32, #tpu.memory_space<vmem>>
          %dma_wait3A_241 = arith.constant 0 : i32
          %dma_wait3A_242 = arith.constant 0 : i32
          %dma_wait3A_243 = arith.constant 0 : i32
          %dma_wait3A_244 = tpu.memref_slice %arg4[%sub3A_229, %add3A_231, %dma_wait3A_241, %dma_wait3A_242, %dma_wait3A_243] : memref<50x125x8x8x128xf32, #tpu.memory_space<hbm>> -> memref<1x1x8x8x128xf32, #tpu.memory_space<hbm>>
          %dma_wait3A_245 = tpu.memref_squeeze %dma_wait3A_244 : memref<1x1x8x8x128xf32, #tpu.memory_space<hbm>> -> memref<8x8x128xf32, #tpu.memory_space<hbm>>
          %dma_wait3A_246 = tpu.memref_slice %arg8[%dma_wait3A_234, %dma_wait3A_235] : memref<2x4x!tpu.dma_semaphore, #tpu.memory_space<semaphore_mem>> -> memref<1x1x!tpu.dma_semaphore, #tpu.memory_space<semaphore_mem>>
          %dma_wait3A_247 = tpu.memref_squeeze %dma_wait3A_246 : memref<1x1x!tpu.dma_semaphore, #tpu.memory_space<semaphore_mem>> -> memref<!tpu.dma_semaphore, #tpu.memory_space<semaphore_mem>>
          %dma_wait3A_248 = arith.constant 0 : i32
          %dma_wait3A_249 = arith.constant 0 : i32
          %dma_wait3A_250 = arith.constant 0 : i32
          %dma_wait3A_251 = tpu.memref_slice %arg4[%sub3A_229, %add3A_231, %dma_wait3A_248, %dma_wait3A_249, %dma_wait3A_250] : memref<50x125x8x8x128xf32, #tpu.memory_space<hbm>> -> memref<1x1x8x8x128xf32, #tpu.memory_space<hbm>>
          %dma_wait3A_252 = tpu.memref_squeeze %dma_wait3A_251 : memref<1x1x8x8x128xf32, #tpu.memory_space<hbm>> -> memref<8x8x128xf32, #tpu.memory_space<hbm>>
          %dma_wait3A_253 = arith.constant 0 : i32
          %dma_wait3A_254 = arith.constant 0 : i32
          %dma_wait3A_255 = arith.constant 0 : i32
          %dma_wait3A_256 = tpu.memref_slice %arg6[%dma_wait3A_232, %dma_wait3A_233, %dma_wait3A_253, %dma_wait3A_254, %dma_wait3A_255] : memref<2x4x8x8x128xf32, #tpu.memory_space<vmem>> -> memref<1x1x8x8x128xf32, #tpu.memory_space<vmem>>
          %dma_wait3A_257 = tpu.memref_squeeze %dma_wait3A_256 : memref<1x1x8x8x128xf32, #tpu.memory_space<vmem>> -> memref<8x8x128xf32, #tpu.memory_space<vmem>>
          tpu.wait_dma2 semaphore(%dma_wait3A_247 : memref<!tpu.dma_semaphore, #tpu.memory_space<semaphore_mem>>) src(%dma_wait3A_257 : memref<8x8x128xf32, #tpu.memory_space<vmem>>) dst(%dma_wait3A_252 : memref<8x8x128xf32, #tpu.memory_space<hbm>>)
        } else {
        }
      } else {
      }
      %parallel_loop3A_170 = arith.constant 0 : i32
      %parallel_loop3A_171 = arith.constant 64 : i32
      %parallel_loop3A_172 = arith.constant 1 : i32
      scf.for %parallel_loop3A_201 = %parallel_loop3A_170 to %parallel_loop3A_171 step %parallel_loop3A_172  : i32 {
        %parallel_loop3A_202 = arith.constant 8 : i32
        %parallel_loop3A_203 = arith.divsi %parallel_loop3A_201, %parallel_loop3A_202 : i32
        %parallel_loop3A_204 = arith.constant 0 : i32
        %parallel_loop3A_205 = arith.cmpi sgt, %parallel_loop3A_201, %parallel_loop3A_204 : i32
        %parallel_loop3A_206 = arith.extui %parallel_loop3A_205 : i1 to i32
        %parallel_loop3A_207 = arith.constant 0 : i32
        %parallel_loop3A_208 = arith.cmpi slt, %parallel_loop3A_201, %parallel_loop3A_207 : i32
        %parallel_loop3A_209 = arith.extui %parallel_loop3A_208 : i1 to i32
        %parallel_loop3A_210 = arith.subi %parallel_loop3A_206, %parallel_loop3A_209 : i32
        %parallel_loop3A_211 = arith.constant 0 : i32
        %parallel_loop3A_212 = arith.cmpi sgt, %parallel_loop3A_202, %parallel_loop3A_211 : i32
        %parallel_loop3A_213 = arith.extui %parallel_loop3A_212 : i1 to i32
        %parallel_loop3A_214 = arith.constant 0 : i32
        %parallel_loop3A_215 = arith.cmpi slt, %parallel_loop3A_202, %parallel_loop3A_214 : i32
        %parallel_loop3A_216 = arith.extui %parallel_loop3A_215 : i1 to i32
        %parallel_loop3A_217 = arith.subi %parallel_loop3A_213, %parallel_loop3A_216 : i32
        %parallel_loop3A_218 = arith.cmpi ne, %parallel_loop3A_210, %parallel_loop3A_217 : i32
        %parallel_loop3A_219 = arith.remsi %parallel_loop3A_201, %parallel_loop3A_202 : i32
        %parallel_loop3A_220 = arith.constant 0 : i32
        %parallel_loop3A_221 = arith.cmpi ne, %parallel_loop3A_219, %parallel_loop3A_220 : i32
        %parallel_loop3A_222 = arith.andi %parallel_loop3A_218, %parallel_loop3A_221 : i1
        %parallel_loop3A_223 = arith.constant 1 : i32
        %parallel_loop3A_224 = arith.subi %parallel_loop3A_203, %parallel_loop3A_223 : i32
        %parallel_loop3A_225 = arith.select %parallel_loop3A_222, %parallel_loop3A_224, %parallel_loop3A_203 : i32
        %parallel_loop3A_226 = arith.constant 8 : i32
        %parallel_loop3A_227 = arith.constant 0 : i32
        %parallel_loop3A_228 = arith.cmpi eq, %parallel_loop3A_226, %parallel_loop3A_227 : i32
        %parallel_loop3A_229 = arith.constant 1 : i32
        %parallel_loop3A_230 = arith.select %parallel_loop3A_228, %parallel_loop3A_229, %parallel_loop3A_226 : i32
        %parallel_loop3A_231 = arith.remsi %parallel_loop3A_201, %parallel_loop3A_230 : i32
        %parallel_loop3A_232 = arith.constant 0 : i32
        %parallel_loop3A_233 = arith.cmpi ne, %parallel_loop3A_231, %parallel_loop3A_232 : i32
        %parallel_loop3A_234 = arith.constant 0 : i32
        %parallel_loop3A_235 = arith.cmpi slt, %parallel_loop3A_231, %parallel_loop3A_234 : i32
        %parallel_loop3A_236 = arith.constant 0 : i32
        %parallel_loop3A_237 = arith.cmpi slt, %parallel_loop3A_230, %parallel_loop3A_236 : i32
        %parallel_loop3A_238 = arith.xori %parallel_loop3A_235, %parallel_loop3A_237 : i1
        %parallel_loop3A_239 = arith.andi %parallel_loop3A_238, %parallel_loop3A_233 : i1
        %parallel_loop3A_240 = arith.addi %parallel_loop3A_231, %parallel_loop3A_230 : i32
        %parallel_loop3A_241 = arith.select %parallel_loop3A_239, %parallel_loop3A_240, %parallel_loop3A_231 : i32
        %parallel_loop3A_242 = arith.constant 16 : i32
        %parallel_loop3A_243 = arith.muli %parallel_loop3A_242, %parallel_loop3A_201 : i32
        %parallel_loop3A_244 = arith.constant 1 : i32
        %parallel_loop3A_245 = arith.index_cast %parallel_loop3A_244 : i32 to index
        %parallel_loop3A_246 = arith.index_cast %parallel_loop3A_243 : i32 to index
        %parallel_loop3A_247 = tpu.vector_load %arg7[%parallel_loop3A_245, %parallel_loop3A_246] {strides = array<i32>} : memref<2x1024xi32, #tpu.memory_space<vmem>>, vector<16xi32>,
        %parallel_loop3A_248 = arith.constant 0 : i32
        %parallel_loop3A_249 = vector.broadcast %parallel_loop3A_248 : i32 to vector<16xi32>
        %parallel_loop3A_250 = arith.addi %parallel_loop3A_247, %parallel_loop3A_249 : vector<16xi32>
        %parallel_loop3A_251 = arith.constant 0 : i32
        %parallel_loop3A_252 = arith.constant 0 : i32
        %parallel_loop3A_253 = tpu.memref_slice %arg5[%parallel_loop3A_251, %parallel_loop3A_252] : memref<4x8000xf32, #tpu.memory_space<vmem>> -> memref<1x8000xf32, #tpu.memory_space<vmem>>
        %parallel_loop3A_254 = tpu.memref_squeeze %parallel_loop3A_253 : memref<1x8000xf32, #tpu.memory_space<vmem>> -> memref<8000xf32, #tpu.memory_space<vmem>>
        %parallel_loop3A_255 = tpu.vector_load_idx %parallel_loop3A_254[%parallel_loop3A_250] : memref<8000xf32, #tpu.memory_space<vmem>>[vector<16xi32>], vector<16xf32>,
        %parallel_loop3A_256 = arith.constant 1 : i32
        %parallel_loop3A_257 = arith.constant 0 : i32
        %parallel_loop3A_258 = tpu.memref_slice %arg5[%parallel_loop3A_256, %parallel_loop3A_257] : memref<4x8000xf32, #tpu.memory_space<vmem>> -> memref<1x8000xf32, #tpu.memory_space<vmem>>
        %parallel_loop3A_259 = tpu.memref_squeeze %parallel_loop3A_258 : memref<1x8000xf32, #tpu.memory_space<vmem>> -> memref<8000xf32, #tpu.memory_space<vmem>>
        %parallel_loop3A_260 = tpu.vector_load_idx %parallel_loop3A_259[%parallel_loop3A_250] : memref<8000xf32, #tpu.memory_space<vmem>>[vector<16xi32>], vector<16xf32>,
        %parallel_loop3A_261 = arith.constant 2 : i32
        %parallel_loop3A_262 = arith.constant 0 : i32
        %parallel_loop3A_263 = tpu.memref_slice %arg5[%parallel_loop3A_261, %parallel_loop3A_262] : memref<4x8000xf32, #tpu.memory_space<vmem>> -> memref<1x8000xf32, #tpu.memory_space<vmem>>
        %parallel_loop3A_264 = tpu.memref_squeeze %parallel_loop3A_263 : memref<1x8000xf32, #tpu.memory_space<vmem>> -> memref<8000xf32, #tpu.memory_space<vmem>>
        %parallel_loop3A_265 = tpu.vector_load_idx %parallel_loop3A_264[%parallel_loop3A_250] : memref<8000xf32, #tpu.memory_space<vmem>>[vector<16xi32>], vector<16xf32>,
        %parallel_loop3A_266 = arith.constant 3 : i32
        %parallel_loop3A_267 = arith.constant 0 : i32
        %parallel_loop3A_268 = tpu.memref_slice %arg5[%parallel_loop3A_266, %parallel_loop3A_267] : memref<4x8000xf32, #tpu.memory_space<vmem>> -> memref<1x8000xf32, #tpu.memory_space<vmem>>
        %parallel_loop3A_269 = tpu.memref_squeeze %parallel_loop3A_268 : memref<1x8000xf32, #tpu.memory_space<vmem>> -> memref<8000xf32, #tpu.memory_space<vmem>>
        %parallel_loop3A_270 = tpu.vector_load_idx %parallel_loop3A_269[%parallel_loop3A_250] : memref<8000xf32, #tpu.memory_space<vmem>>[vector<16xi32>], vector<16xf32>,
        %parallel_loop3A_271 = arith.constant 1000 : i32
        %parallel_loop3A_272 = vector.broadcast %parallel_loop3A_271 : i32 to vector<16xi32>
        %parallel_loop3A_273 = arith.addi %parallel_loop3A_247, %parallel_loop3A_272 : vector<16xi32>
        %parallel_loop3A_274 = arith.constant 0 : i32
        %parallel_loop3A_275 = arith.constant 0 : i32
        %parallel_loop3A_276 = tpu.memref_slice %arg5[%parallel_loop3A_274, %parallel_loop3A_275] : memref<4x8000xf32, #tpu.memory_space<vmem>> -> memref<1x8000xf32, #tpu.memory_space<vmem>>
        %parallel_loop3A_277 = tpu.memref_squeeze %parallel_loop3A_276 : memref<1x8000xf32, #tpu.memory_space<vmem>> -> memref<8000xf32, #tpu.memory_space<vmem>>
        %parallel_loop3A_278 = tpu.vector_load_idx %parallel_loop3A_277[%parallel_loop3A_273] : memref<8000xf32, #tpu.memory_space<vmem>>[vector<16xi32>], vector<16xf32>,
        %parallel_loop3A_279 = arith.constant 1 : i32
        %parallel_loop3A_280 = arith.constant 0 : i32
        %parallel_loop3A_281 = tpu.memref_slice %arg5[%parallel_loop3A_279, %parallel_loop3A_280] : memref<4x8000xf32, #tpu.memory_space<vmem>> -> memref<1x8000xf32, #tpu.memory_space<vmem>>
        %parallel_loop3A_282 = tpu.memref_squeeze %parallel_loop3A_281 : memref<1x8000xf32, #tpu.memory_space<vmem>> -> memref<8000xf32, #tpu.memory_space<vmem>>
        %parallel_loop3A_283 = tpu.vector_load_idx %parallel_loop3A_282[%parallel_loop3A_273] : memref<8000xf32, #tpu.memory_space<vmem>>[vector<16xi32>], vector<16xf32>,
        %parallel_loop3A_284 = arith.constant 2 : i32
        %parallel_loop3A_285 = arith.constant 0 : i32
        %parallel_loop3A_286 = tpu.memref_slice %arg5[%parallel_loop3A_284, %parallel_loop3A_285] : memref<4x8000xf32, #tpu.memory_space<vmem>> -> memref<1x8000xf32, #tpu.memory_space<vmem>>
        %parallel_loop3A_287 = tpu.memref_squeeze %parallel_loop3A_286 : memref<1x8000xf32, #tpu.memory_space<vmem>> -> memref<8000xf32, #tpu.memory_space<vmem>>
        %parallel_loop3A_288 = tpu.vector_load_idx %parallel_loop3A_287[%parallel_loop3A_273] : memref<8000xf32, #tpu.memory_space<vmem>>[vector<16xi32>], vector<16xf32>,
        %parallel_loop3A_289 = arith.constant 3 : i32
        %parallel_loop3A_290 = arith.constant 0 : i32
        %parallel_loop3A_291 = tpu.memref_slice %arg5[%parallel_loop3A_289, %parallel_loop3A_290] : memref<4x8000xf32, #tpu.memory_space<vmem>> -> memref<1x8000xf32, #tpu.memory_space<vmem>>
        %parallel_loop3A_292 = tpu.memref_squeeze %parallel_loop3A_291 : memref<1x8000xf32, #tpu.memory_space<vmem>> -> memref<8000xf32, #tpu.memory_space<vmem>>
        %parallel_loop3A_293 = tpu.vector_load_idx %parallel_loop3A_292[%parallel_loop3A_273] : memref<8000xf32, #tpu.memory_space<vmem>>[vector<16xi32>], vector<16xf32>,
        %parallel_loop3A_294 = arith.constant 2000 : i32
        %parallel_loop3A_295 = vector.broadcast %parallel_loop3A_294 : i32 to vector<16xi32>
        %parallel_loop3A_296 = arith.addi %parallel_loop3A_247, %parallel_loop3A_295 : vector<16xi32>
        %parallel_loop3A_297 = arith.constant 0 : i32
        %parallel_loop3A_298 = arith.constant 0 : i32
        %parallel_loop3A_299 = tpu.memref_slice %arg5[%parallel_loop3A_297, %parallel_loop3A_298] : memref<4x8000xf32, #tpu.memory_space<vmem>> -> memref<1x8000xf32, #tpu.memory_space<vmem>>
        %parallel_loop3A_300 = tpu.memref_squeeze %parallel_loop3A_299 : memref<1x8000xf32, #tpu.memory_space<vmem>> -> memref<8000xf32, #tpu.memory_space<vmem>>
        %parallel_loop3A_301 = tpu.vector_load_idx %parallel_loop3A_300[%parallel_loop3A_296] : memref<8000xf32, #tpu.memory_space<vmem>>[vector<16xi32>], vector<16xf32>,
        %parallel_loop3A_302 = arith.constant 1 : i32
        %parallel_loop3A_303 = arith.constant 0 : i32
        %parallel_loop3A_304 = tpu.memref_slice %arg5[%parallel_loop3A_302, %parallel_loop3A_303] : memref<4x8000xf32, #tpu.memory_space<vmem>> -> memref<1x8000xf32, #tpu.memory_space<vmem>>
        %parallel_loop3A_305 = tpu.memref_squeeze %parallel_loop3A_304 : memref<1x8000xf32, #tpu.memory_space<vmem>> -> memref<8000xf32, #tpu.memory_space<vmem>>
        %parallel_loop3A_306 = tpu.vector_load_idx %parallel_loop3A_305[%parallel_loop3A_296] : memref<8000xf32, #tpu.memory_space<vmem>>[vector<16xi32>], vector<16xf32>,
        %parallel_loop3A_307 = arith.constant 2 : i32
        %parallel_loop3A_308 = arith.constant 0 : i32
        %parallel_loop3A_309 = tpu.memref_slice %arg5[%parallel_loop3A_307, %parallel_loop3A_308] : memref<4x8000xf32, #tpu.memory_space<vmem>> -> memref<1x8000xf32, #tpu.memory_space<vmem>>
        %parallel_loop3A_310 = tpu.memref_squeeze %parallel_loop3A_309 : memref<1x8000xf32, #tpu.memory_space<vmem>> -> memref<8000xf32, #tpu.memory_space<vmem>>
        %parallel_loop3A_311 = tpu.vector_load_idx %parallel_loop3A_310[%parallel_loop3A_296] : memref<8000xf32, #tpu.memory_space<vmem>>[vector<16xi32>], vector<16xf32>,
        %parallel_loop3A_312 = arith.constant 3 : i32
        %parallel_loop3A_313 = arith.constant 0 : i32
        %parallel_loop3A_314 = tpu.memref_slice %arg5[%parallel_loop3A_312, %parallel_loop3A_313] : memref<4x8000xf32, #tpu.memory_space<vmem>> -> memref<1x8000xf32, #tpu.memory_space<vmem>>
        %parallel_loop3A_315 = tpu.memref_squeeze %parallel_loop3A_314 : memref<1x8000xf32, #tpu.memory_space<vmem>> -> memref<8000xf32, #tpu.memory_space<vmem>>
        %parallel_loop3A_316 = tpu.vector_load_idx %parallel_loop3A_315[%parallel_loop3A_296] : memref<8000xf32, #tpu.memory_space<vmem>>[vector<16xi32>], vector<16xf32>,
        %parallel_loop3A_317 = arith.constant 3000 : i32
        %parallel_loop3A_318 = vector.broadcast %parallel_loop3A_317 : i32 to vector<16xi32>
        %parallel_loop3A_319 = arith.addi %parallel_loop3A_247, %parallel_loop3A_318 : vector<16xi32>
        %parallel_loop3A_320 = arith.constant 0 : i32
        %parallel_loop3A_321 = arith.constant 0 : i32
        %parallel_loop3A_322 = tpu.memref_slice %arg5[%parallel_loop3A_320, %parallel_loop3A_321] : memref<4x8000xf32, #tpu.memory_space<vmem>> -> memref<1x8000xf32, #tpu.memory_space<vmem>>
        %parallel_loop3A_323 = tpu.memref_squeeze %parallel_loop3A_322 : memref<1x8000xf32, #tpu.memory_space<vmem>> -> memref<8000xf32, #tpu.memory_space<vmem>>
        %parallel_loop3A_324 = tpu.vector_load_idx %parallel_loop3A_323[%parallel_loop3A_319] : memref<8000xf32, #tpu.memory_space<vmem>>[vector<16xi32>], vector<16xf32>,
        %parallel_loop3A_325 = arith.constant 1 : i32
        %parallel_loop3A_326 = arith.constant 0 : i32
        %parallel_loop3A_327 = tpu.memref_slice %arg5[%parallel_loop3A_325, %parallel_loop3A_326] : memref<4x8000xf32, #tpu.memory_space<vmem>> -> memref<1x8000xf32, #tpu.memory_space<vmem>>
        %parallel_loop3A_328 = tpu.memref_squeeze %parallel_loop3A_327 : memref<1x8000xf32, #tpu.memory_space<vmem>> -> memref<8000xf32, #tpu.memory_space<vmem>>
        %parallel_loop3A_329 = tpu.vector_load_idx %parallel_loop3A_328[%parallel_loop3A_319] : memref<8000xf32, #tpu.memory_space<vmem>>[vector<16xi32>], vector<16xf32>,
        %parallel_loop3A_330 = arith.constant 2 : i32
        %parallel_loop3A_331 = arith.constant 0 : i32
        %parallel_loop3A_332 = tpu.memref_slice %arg5[%parallel_loop3A_330, %parallel_loop3A_331] : memref<4x8000xf32, #tpu.memory_space<vmem>> -> memref<1x8000xf32, #tpu.memory_space<vmem>>
        %parallel_loop3A_333 = tpu.memref_squeeze %parallel_loop3A_332 : memref<1x8000xf32, #tpu.memory_space<vmem>> -> memref<8000xf32, #tpu.memory_space<vmem>>
        %parallel_loop3A_334 = tpu.vector_load_idx %parallel_loop3A_333[%parallel_loop3A_319] : memref<8000xf32, #tpu.memory_space<vmem>>[vector<16xi32>], vector<16xf32>,
        %parallel_loop3A_335 = arith.constant 3 : i32
        %parallel_loop3A_336 = arith.constant 0 : i32
        %parallel_loop3A_337 = tpu.memref_slice %arg5[%parallel_loop3A_335, %parallel_loop3A_336] : memref<4x8000xf32, #tpu.memory_space<vmem>> -> memref<1x8000xf32, #tpu.memory_space<vmem>>
        %parallel_loop3A_338 = tpu.memref_squeeze %parallel_loop3A_337 : memref<1x8000xf32, #tpu.memory_space<vmem>> -> memref<8000xf32, #tpu.memory_space<vmem>>
        %parallel_loop3A_339 = tpu.vector_load_idx %parallel_loop3A_338[%parallel_loop3A_319] : memref<8000xf32, #tpu.memory_space<vmem>>[vector<16xi32>], vector<16xf32>,
        %parallel_loop3A_340 = arith.constant 4000 : i32
        %parallel_loop3A_341 = vector.broadcast %parallel_loop3A_340 : i32 to vector<16xi32>
        %parallel_loop3A_342 = arith.addi %parallel_loop3A_247, %parallel_loop3A_341 : vector<16xi32>
        %parallel_loop3A_343 = arith.constant 0 : i32
        %parallel_loop3A_344 = arith.constant 0 : i32
        %parallel_loop3A_345 = tpu.memref_slice %arg5[%parallel_loop3A_343, %parallel_loop3A_344] : memref<4x8000xf32, #tpu.memory_space<vmem>> -> memref<1x8000xf32, #tpu.memory_space<vmem>>
        %parallel_loop3A_346 = tpu.memref_squeeze %parallel_loop3A_345 : memref<1x8000xf32, #tpu.memory_space<vmem>> -> memref<8000xf32, #tpu.memory_space<vmem>>
        %parallel_loop3A_347 = tpu.vector_load_idx %parallel_loop3A_346[%parallel_loop3A_342] : memref<8000xf32, #tpu.memory_space<vmem>>[vector<16xi32>], vector<16xf32>,
        %parallel_loop3A_348 = arith.constant 1 : i32
        %parallel_loop3A_349 = arith.constant 0 : i32
        %parallel_loop3A_350 = tpu.memref_slice %arg5[%parallel_loop3A_348, %parallel_loop3A_349] : memref<4x8000xf32, #tpu.memory_space<vmem>> -> memref<1x8000xf32, #tpu.memory_space<vmem>>
        %parallel_loop3A_351 = tpu.memref_squeeze %parallel_loop3A_350 : memref<1x8000xf32, #tpu.memory_space<vmem>> -> memref<8000xf32, #tpu.memory_space<vmem>>
        %parallel_loop3A_352 = tpu.vector_load_idx %parallel_loop3A_351[%parallel_loop3A_342] : memref<8000xf32, #tpu.memory_space<vmem>>[vector<16xi32>], vector<16xf32>,
        %parallel_loop3A_353 = arith.constant 2 : i32
        %parallel_loop3A_354 = arith.constant 0 : i32
        %parallel_loop3A_355 = tpu.memref_slice %arg5[%parallel_loop3A_353, %parallel_loop3A_354] : memref<4x8000xf32, #tpu.memory_space<vmem>> -> memref<1x8000xf32, #tpu.memory_space<vmem>>
        %parallel_loop3A_356 = tpu.memref_squeeze %parallel_loop3A_355 : memref<1x8000xf32, #tpu.memory_space<vmem>> -> memref<8000xf32, #tpu.memory_space<vmem>>
        %parallel_loop3A_357 = tpu.vector_load_idx %parallel_loop3A_356[%parallel_loop3A_342] : memref<8000xf32, #tpu.memory_space<vmem>>[vector<16xi32>], vector<16xf32>,
        %parallel_loop3A_358 = arith.constant 3 : i32
        %parallel_loop3A_359 = arith.constant 0 : i32
        %parallel_loop3A_360 = tpu.memref_slice %arg5[%parallel_loop3A_358, %parallel_loop3A_359] : memref<4x8000xf32, #tpu.memory_space<vmem>> -> memref<1x8000xf32, #tpu.memory_space<vmem>>
        %parallel_loop3A_361 = tpu.memref_squeeze %parallel_loop3A_360 : memref<1x8000xf32, #tpu.memory_space<vmem>> -> memref<8000xf32, #tpu.memory_space<vmem>>
        %parallel_loop3A_362 = tpu.vector_load_idx %parallel_loop3A_361[%parallel_loop3A_342] : memref<8000xf32, #tpu.memory_space<vmem>>[vector<16xi32>], vector<16xf32>,
        %parallel_loop3A_363 = arith.constant 5000 : i32
        %parallel_loop3A_364 = vector.broadcast %parallel_loop3A_363 : i32 to vector<16xi32>
        %parallel_loop3A_365 = arith.addi %parallel_loop3A_247, %parallel_loop3A_364 : vector<16xi32>
        %parallel_loop3A_366 = arith.constant 0 : i32
        %parallel_loop3A_367 = arith.constant 0 : i32
        %parallel_loop3A_368 = tpu.memref_slice %arg5[%parallel_loop3A_366, %parallel_loop3A_367] : memref<4x8000xf32, #tpu.memory_space<vmem>> -> memref<1x8000xf32, #tpu.memory_space<vmem>>
        %parallel_loop3A_369 = tpu.memref_squeeze %parallel_loop3A_368 : memref<1x8000xf32, #tpu.memory_space<vmem>> -> memref<8000xf32, #tpu.memory_space<vmem>>
        %parallel_loop3A_370 = tpu.vector_load_idx %parallel_loop3A_369[%parallel_loop3A_365] : memref<8000xf32, #tpu.memory_space<vmem>>[vector<16xi32>], vector<16xf32>,
        %parallel_loop3A_371 = arith.constant 1 : i32
        %parallel_loop3A_372 = arith.constant 0 : i32
        %parallel_loop3A_373 = tpu.memref_slice %arg5[%parallel_loop3A_371, %parallel_loop3A_372] : memref<4x8000xf32, #tpu.memory_space<vmem>> -> memref<1x8000xf32, #tpu.memory_space<vmem>>
        %parallel_loop3A_374 = tpu.memref_squeeze %parallel_loop3A_373 : memref<1x8000xf32, #tpu.memory_space<vmem>> -> memref<8000xf32, #tpu.memory_space<vmem>>
        %parallel_loop3A_375 = tpu.vector_load_idx %parallel_loop3A_374[%parallel_loop3A_365] : memref<8000xf32, #tpu.memory_space<vmem>>[vector<16xi32>], vector<16xf32>,
        %parallel_loop3A_376 = arith.constant 2 : i32
        %parallel_loop3A_377 = arith.constant 0 : i32
        %parallel_loop3A_378 = tpu.memref_slice %arg5[%parallel_loop3A_376, %parallel_loop3A_377] : memref<4x8000xf32, #tpu.memory_space<vmem>> -> memref<1x8000xf32, #tpu.memory_space<vmem>>
        %parallel_loop3A_379 = tpu.memref_squeeze %parallel_loop3A_378 : memref<1x8000xf32, #tpu.memory_space<vmem>> -> memref<8000xf32, #tpu.memory_space<vmem>>
        %parallel_loop3A_380 = tpu.vector_load_idx %parallel_loop3A_379[%parallel_loop3A_365] : memref<8000xf32, #tpu.memory_space<vmem>>[vector<16xi32>], vector<16xf32>,
        %parallel_loop3A_381 = arith.constant 3 : i32
        %parallel_loop3A_382 = arith.constant 0 : i32
        %parallel_loop3A_383 = tpu.memref_slice %arg5[%parallel_loop3A_381, %parallel_loop3A_382] : memref<4x8000xf32, #tpu.memory_space<vmem>> -> memref<1x8000xf32, #tpu.memory_space<vmem>>
        %parallel_loop3A_384 = tpu.memref_squeeze %parallel_loop3A_383 : memref<1x8000xf32, #tpu.memory_space<vmem>> -> memref<8000xf32, #tpu.memory_space<vmem>>
        %parallel_loop3A_385 = tpu.vector_load_idx %parallel_loop3A_384[%parallel_loop3A_365] : memref<8000xf32, #tpu.memory_space<vmem>>[vector<16xi32>], vector<16xf32>,
        %parallel_loop3A_386 = arith.constant 6000 : i32
        %parallel_loop3A_387 = vector.broadcast %parallel_loop3A_386 : i32 to vector<16xi32>
        %parallel_loop3A_388 = arith.addi %parallel_loop3A_247, %parallel_loop3A_387 : vector<16xi32>
        %parallel_loop3A_389 = arith.constant 0 : i32
        %parallel_loop3A_390 = arith.constant 0 : i32
        %parallel_loop3A_391 = tpu.memref_slice %arg5[%parallel_loop3A_389, %parallel_loop3A_390] : memref<4x8000xf32, #tpu.memory_space<vmem>> -> memref<1x8000xf32, #tpu.memory_space<vmem>>
        %parallel_loop3A_392 = tpu.memref_squeeze %parallel_loop3A_391 : memref<1x8000xf32, #tpu.memory_space<vmem>> -> memref<8000xf32, #tpu.memory_space<vmem>>
        %parallel_loop3A_393 = tpu.vector_load_idx %parallel_loop3A_392[%parallel_loop3A_388] : memref<8000xf32, #tpu.memory_space<vmem>>[vector<16xi32>], vector<16xf32>,
        %parallel_loop3A_394 = arith.constant 1 : i32
        %parallel_loop3A_395 = arith.constant 0 : i32
        %parallel_loop3A_396 = tpu.memref_slice %arg5[%parallel_loop3A_394, %parallel_loop3A_395] : memref<4x8000xf32, #tpu.memory_space<vmem>> -> memref<1x8000xf32, #tpu.memory_space<vmem>>
        %parallel_loop3A_397 = tpu.memref_squeeze %parallel_loop3A_396 : memref<1x8000xf32, #tpu.memory_space<vmem>> -> memref<8000xf32, #tpu.memory_space<vmem>>
        %parallel_loop3A_398 = tpu.vector_load_idx %parallel_loop3A_397[%parallel_loop3A_388] : memref<8000xf32, #tpu.memory_space<vmem>>[vector<16xi32>], vector<16xf32>,
        %parallel_loop3A_399 = arith.constant 2 : i32
        %parallel_loop3A_400 = arith.constant 0 : i32
        %parallel_loop3A_401 = tpu.memref_slice %arg5[%parallel_loop3A_399, %parallel_loop3A_400] : memref<4x8000xf32, #tpu.memory_space<vmem>> -> memref<1x8000xf32, #tpu.memory_space<vmem>>
        %parallel_loop3A_402 = tpu.memref_squeeze %parallel_loop3A_401 : memref<1x8000xf32, #tpu.memory_space<vmem>> -> memref<8000xf32, #tpu.memory_space<vmem>>
        %parallel_loop3A_403 = tpu.vector_load_idx %parallel_loop3A_402[%parallel_loop3A_388] : memref<8000xf32, #tpu.memory_space<vmem>>[vector<16xi32>], vector<16xf32>,
        %parallel_loop3A_404 = arith.constant 3 : i32
        %parallel_loop3A_405 = arith.constant 0 : i32
        %parallel_loop3A_406 = tpu.memref_slice %arg5[%parallel_loop3A_404, %parallel_loop3A_405] : memref<4x8000xf32, #tpu.memory_space<vmem>> -> memref<1x8000xf32, #tpu.memory_space<vmem>>
        %parallel_loop3A_407 = tpu.memref_squeeze %parallel_loop3A_406 : memref<1x8000xf32, #tpu.memory_space<vmem>> -> memref<8000xf32, #tpu.memory_space<vmem>>
        %parallel_loop3A_408 = tpu.vector_load_idx %parallel_loop3A_407[%parallel_loop3A_388] : memref<8000xf32, #tpu.memory_space<vmem>>[vector<16xi32>], vector<16xf32>,
        %parallel_loop3A_409 = arith.constant 7000 : i32
        %parallel_loop3A_410 = vector.broadcast %parallel_loop3A_409 : i32 to vector<16xi32>
        %parallel_loop3A_411 = arith.addi %parallel_loop3A_247, %parallel_loop3A_410 : vector<16xi32>
        %parallel_loop3A_412 = arith.constant 0 : i32
        %parallel_loop3A_413 = arith.constant 0 : i32
        %parallel_loop3A_414 = tpu.memref_slice %arg5[%parallel_loop3A_412, %parallel_loop3A_413] : memref<4x8000xf32, #tpu.memory_space<vmem>> -> memref<1x8000xf32, #tpu.memory_space<vmem>>
        %parallel_loop3A_415 = tpu.memref_squeeze %parallel_loop3A_414 : memref<1x8000xf32, #tpu.memory_space<vmem>> -> memref<8000xf32, #tpu.memory_space<vmem>>
        %parallel_loop3A_416 = tpu.vector_load_idx %parallel_loop3A_415[%parallel_loop3A_411] : memref<8000xf32, #tpu.memory_space<vmem>>[vector<16xi32>], vector<16xf32>,
        %parallel_loop3A_417 = arith.constant 1 : i32
        %parallel_loop3A_418 = arith.constant 0 : i32
        %parallel_loop3A_419 = tpu.memref_slice %arg5[%parallel_loop3A_417, %parallel_loop3A_418] : memref<4x8000xf32, #tpu.memory_space<vmem>> -> memref<1x8000xf32, #tpu.memory_space<vmem>>
        %parallel_loop3A_420 = tpu.memref_squeeze %parallel_loop3A_419 : memref<1x8000xf32, #tpu.memory_space<vmem>> -> memref<8000xf32, #tpu.memory_space<vmem>>
        %parallel_loop3A_421 = tpu.vector_load_idx %parallel_loop3A_420[%parallel_loop3A_411] : memref<8000xf32, #tpu.memory_space<vmem>>[vector<16xi32>], vector<16xf32>,
        %parallel_loop3A_422 = arith.constant 2 : i32
        %parallel_loop3A_423 = arith.constant 0 : i32
        %parallel_loop3A_424 = tpu.memref_slice %arg5[%parallel_loop3A_422, %parallel_loop3A_423] : memref<4x8000xf32, #tpu.memory_space<vmem>> -> memref<1x8000xf32, #tpu.memory_space<vmem>>
        %parallel_loop3A_425 = tpu.memref_squeeze %parallel_loop3A_424 : memref<1x8000xf32, #tpu.memory_space<vmem>> -> memref<8000xf32, #tpu.memory_space<vmem>>
        %parallel_loop3A_426 = tpu.vector_load_idx %parallel_loop3A_425[%parallel_loop3A_411] : memref<8000xf32, #tpu.memory_space<vmem>>[vector<16xi32>], vector<16xf32>,
        %parallel_loop3A_427 = arith.constant 3 : i32
        %parallel_loop3A_428 = arith.constant 0 : i32
        %parallel_loop3A_429 = tpu.memref_slice %arg5[%parallel_loop3A_427, %parallel_loop3A_428] : memref<4x8000xf32, #tpu.memory_space<vmem>> -> memref<1x8000xf32, #tpu.memory_space<vmem>>
        %parallel_loop3A_430 = tpu.memref_squeeze %parallel_loop3A_429 : memref<1x8000xf32, #tpu.memory_space<vmem>> -> memref<8000xf32, #tpu.memory_space<vmem>>
        %parallel_loop3A_431 = tpu.vector_load_idx %parallel_loop3A_430[%parallel_loop3A_411] : memref<8000xf32, #tpu.memory_space<vmem>>[vector<16xi32>], vector<16xf32>,
        %parallel_loop3A_432 = arith.constant 16 : i32
        %parallel_loop3A_433 = arith.muli %parallel_loop3A_432, %parallel_loop3A_241 : i32
        %parallel_loop3A_434 = arith.constant 1 : i32
        %parallel_loop3A_435 = arith.constant 0 : i32
        %parallel_loop3A_436 = arith.constant 0 : i32
        %parallel_loop3A_437 = arith.index_cast %parallel_loop3A_434 : i32 to index
        %parallel_loop3A_438 = arith.index_cast %parallel_loop3A_435 : i32 to index
        %parallel_loop3A_439 = arith.index_cast %parallel_loop3A_225 : i32 to index
        %parallel_loop3A_440 = arith.index_cast %parallel_loop3A_436 : i32 to index
        %parallel_loop3A_441 = arith.index_cast %parallel_loop3A_433 : i32 to index
        %parallel_loop3A_442 = tpu.vector_load %arg6[%parallel_loop3A_437, %parallel_loop3A_438, %parallel_loop3A_439, %parallel_loop3A_440, %parallel_loop3A_441] {strides = array<i32>} : memref<2x4x8x8x128xf32, #tpu.memory_space<vmem>>, vector<16xf32>,
        tpu.vector_store %arg6[%parallel_loop3A_437, %parallel_loop3A_438, %parallel_loop3A_439, %parallel_loop3A_440, %parallel_loop3A_441], %parallel_loop3A_255 {strides = array<i32>} : memref<2x4x8x8x128xf32, #tpu.memory_space<vmem>>, vector<16xf32>,
        %parallel_loop3A_443 = arith.constant 16 : i32
        %parallel_loop3A_444 = arith.muli %parallel_loop3A_443, %parallel_loop3A_241 : i32
        %parallel_loop3A_445 = arith.constant 1 : i32
        %parallel_loop3A_446 = arith.constant 1 : i32
        %parallel_loop3A_447 = arith.constant 0 : i32
        %parallel_loop3A_448 = arith.index_cast %parallel_loop3A_445 : i32 to index
        %parallel_loop3A_449 = arith.index_cast %parallel_loop3A_446 : i32 to index
        %parallel_loop3A_450 = arith.index_cast %parallel_loop3A_225 : i32 to index
        %parallel_loop3A_451 = arith.index_cast %parallel_loop3A_447 : i32 to index
        %parallel_loop3A_452 = arith.index_cast %parallel_loop3A_444 : i32 to index
        %parallel_loop3A_453 = tpu.vector_load %arg6[%parallel_loop3A_448, %parallel_loop3A_449, %parallel_loop3A_450, %parallel_loop3A_451, %parallel_loop3A_452] {strides = array<i32>} : memref<2x4x8x8x128xf32, #tpu.memory_space<vmem>>, vector<16xf32>,
        tpu.vector_store %arg6[%parallel_loop3A_448, %parallel_loop3A_449, %parallel_loop3A_450, %parallel_loop3A_451, %parallel_loop3A_452], %parallel_loop3A_260 {strides = array<i32>} : memref<2x4x8x8x128xf32, #tpu.memory_space<vmem>>, vector<16xf32>,
        %parallel_loop3A_454 = arith.constant 16 : i32
        %parallel_loop3A_455 = arith.muli %parallel_loop3A_454, %parallel_loop3A_241 : i32
        %parallel_loop3A_456 = arith.constant 1 : i32
        %parallel_loop3A_457 = arith.constant 2 : i32
        %parallel_loop3A_458 = arith.constant 0 : i32
        %parallel_loop3A_459 = arith.index_cast %parallel_loop3A_456 : i32 to index
        %parallel_loop3A_460 = arith.index_cast %parallel_loop3A_457 : i32 to index
        %parallel_loop3A_461 = arith.index_cast %parallel_loop3A_225 : i32 to index
        %parallel_loop3A_462 = arith.index_cast %parallel_loop3A_458 : i32 to index
        %parallel_loop3A_463 = arith.index_cast %parallel_loop3A_455 : i32 to index
        %parallel_loop3A_464 = tpu.vector_load %arg6[%parallel_loop3A_459, %parallel_loop3A_460, %parallel_loop3A_461, %parallel_loop3A_462, %parallel_loop3A_463] {strides = array<i32>} : memref<2x4x8x8x128xf32, #tpu.memory_space<vmem>>, vector<16xf32>,
        tpu.vector_store %arg6[%parallel_loop3A_459, %parallel_loop3A_460, %parallel_loop3A_461, %parallel_loop3A_462, %parallel_loop3A_463], %parallel_loop3A_265 {strides = array<i32>} : memref<2x4x8x8x128xf32, #tpu.memory_space<vmem>>, vector<16xf32>,
        %parallel_loop3A_465 = arith.constant 16 : i32
        %parallel_loop3A_466 = arith.muli %parallel_loop3A_465, %parallel_loop3A_241 : i32
        %parallel_loop3A_467 = arith.constant 1 : i32
        %parallel_loop3A_468 = arith.constant 3 : i32
        %parallel_loop3A_469 = arith.constant 0 : i32
        %parallel_loop3A_470 = arith.index_cast %parallel_loop3A_467 : i32 to index
        %parallel_loop3A_471 = arith.index_cast %parallel_loop3A_468 : i32 to index
        %parallel_loop3A_472 = arith.index_cast %parallel_loop3A_225 : i32 to index
        %parallel_loop3A_473 = arith.index_cast %parallel_loop3A_469 : i32 to index
        %parallel_loop3A_474 = arith.index_cast %parallel_loop3A_466 : i32 to index
        %parallel_loop3A_475 = tpu.vector_load %arg6[%parallel_loop3A_470, %parallel_loop3A_471, %parallel_loop3A_472, %parallel_loop3A_473, %parallel_loop3A_474] {strides = array<i32>} : memref<2x4x8x8x128xf32, #tpu.memory_space<vmem>>, vector<16xf32>,
        tpu.vector_store %arg6[%parallel_loop3A_470, %parallel_loop3A_471, %parallel_loop3A_472, %parallel_loop3A_473, %parallel_loop3A_474], %parallel_loop3A_270 {strides = array<i32>} : memref<2x4x8x8x128xf32, #tpu.memory_space<vmem>>, vector<16xf32>,
        %parallel_loop3A_476 = arith.constant 16 : i32
        %parallel_loop3A_477 = arith.muli %parallel_loop3A_476, %parallel_loop3A_241 : i32
        %parallel_loop3A_478 = arith.constant 1 : i32
        %parallel_loop3A_479 = arith.constant 0 : i32
        %parallel_loop3A_480 = arith.constant 1 : i32
        %parallel_loop3A_481 = arith.index_cast %parallel_loop3A_478 : i32 to index
        %parallel_loop3A_482 = arith.index_cast %parallel_loop3A_479 : i32 to index
        %parallel_loop3A_483 = arith.index_cast %parallel_loop3A_225 : i32 to index
        %parallel_loop3A_484 = arith.index_cast %parallel_loop3A_480 : i32 to index
        %parallel_loop3A_485 = arith.index_cast %parallel_loop3A_477 : i32 to index
        %parallel_loop3A_486 = tpu.vector_load %arg6[%parallel_loop3A_481, %parallel_loop3A_482, %parallel_loop3A_483, %parallel_loop3A_484, %parallel_loop3A_485] {strides = array<i32>} : memref<2x4x8x8x128xf32, #tpu.memory_space<vmem>>, vector<16xf32>,
        tpu.vector_store %arg6[%parallel_loop3A_481, %parallel_loop3A_482, %parallel_loop3A_483, %parallel_loop3A_484, %parallel_loop3A_485], %parallel_loop3A_278 {strides = array<i32>} : memref<2x4x8x8x128xf32, #tpu.memory_space<vmem>>, vector<16xf32>,
        %parallel_loop3A_487 = arith.constant 16 : i32
        %parallel_loop3A_488 = arith.muli %parallel_loop3A_487, %parallel_loop3A_241 : i32
        %parallel_loop3A_489 = arith.constant 1 : i32
        %parallel_loop3A_490 = arith.constant 1 : i32
        %parallel_loop3A_491 = arith.constant 1 : i32
        %parallel_loop3A_492 = arith.index_cast %parallel_loop3A_489 : i32 to index
        %parallel_loop3A_493 = arith.index_cast %parallel_loop3A_490 : i32 to index
        %parallel_loop3A_494 = arith.index_cast %parallel_loop3A_225 : i32 to index
        %parallel_loop3A_495 = arith.index_cast %parallel_loop3A_491 : i32 to index
        %parallel_loop3A_496 = arith.index_cast %parallel_loop3A_488 : i32 to index
        %parallel_loop3A_497 = tpu.vector_load %arg6[%parallel_loop3A_492, %parallel_loop3A_493, %parallel_loop3A_494, %parallel_loop3A_495, %parallel_loop3A_496] {strides = array<i32>} : memref<2x4x8x8x128xf32, #tpu.memory_space<vmem>>, vector<16xf32>,
        tpu.vector_store %arg6[%parallel_loop3A_492, %parallel_loop3A_493, %parallel_loop3A_494, %parallel_loop3A_495, %parallel_loop3A_496], %parallel_loop3A_283 {strides = array<i32>} : memref<2x4x8x8x128xf32, #tpu.memory_space<vmem>>, vector<16xf32>,
        %parallel_loop3A_498 = arith.constant 16 : i32
        %parallel_loop3A_499 = arith.muli %parallel_loop3A_498, %parallel_loop3A_241 : i32
        %parallel_loop3A_500 = arith.constant 1 : i32
        %parallel_loop3A_501 = arith.constant 2 : i32
        %parallel_loop3A_502 = arith.constant 1 : i32
        %parallel_loop3A_503 = arith.index_cast %parallel_loop3A_500 : i32 to index
        %parallel_loop3A_504 = arith.index_cast %parallel_loop3A_501 : i32 to index
        %parallel_loop3A_505 = arith.index_cast %parallel_loop3A_225 : i32 to index
        %parallel_loop3A_506 = arith.index_cast %parallel_loop3A_502 : i32 to index
        %parallel_loop3A_507 = arith.index_cast %parallel_loop3A_499 : i32 to index
        %parallel_loop3A_508 = tpu.vector_load %arg6[%parallel_loop3A_503, %parallel_loop3A_504, %parallel_loop3A_505, %parallel_loop3A_506, %parallel_loop3A_507] {strides = array<i32>} : memref<2x4x8x8x128xf32, #tpu.memory_space<vmem>>, vector<16xf32>,
        tpu.vector_store %arg6[%parallel_loop3A_503, %parallel_loop3A_504, %parallel_loop3A_505, %parallel_loop3A_506, %parallel_loop3A_507], %parallel_loop3A_288 {strides = array<i32>} : memref<2x4x8x8x128xf32, #tpu.memory_space<vmem>>, vector<16xf32>,
        %parallel_loop3A_509 = arith.constant 16 : i32
        %parallel_loop3A_510 = arith.muli %parallel_loop3A_509, %parallel_loop3A_241 : i32
        %parallel_loop3A_511 = arith.constant 1 : i32
        %parallel_loop3A_512 = arith.constant 3 : i32
        %parallel_loop3A_513 = arith.constant 1 : i32
        %parallel_loop3A_514 = arith.index_cast %parallel_loop3A_511 : i32 to index
        %parallel_loop3A_515 = arith.index_cast %parallel_loop3A_512 : i32 to index
        %parallel_loop3A_516 = arith.index_cast %parallel_loop3A_225 : i32 to index
        %parallel_loop3A_517 = arith.index_cast %parallel_loop3A_513 : i32 to index
        %parallel_loop3A_518 = arith.index_cast %parallel_loop3A_510 : i32 to index
        %parallel_loop3A_519 = tpu.vector_load %arg6[%parallel_loop3A_514, %parallel_loop3A_515, %parallel_loop3A_516, %parallel_loop3A_517, %parallel_loop3A_518] {strides = array<i32>} : memref<2x4x8x8x128xf32, #tpu.memory_space<vmem>>, vector<16xf32>,
        tpu.vector_store %arg6[%parallel_loop3A_514, %parallel_loop3A_515, %parallel_loop3A_516, %parallel_loop3A_517, %parallel_loop3A_518], %parallel_loop3A_293 {strides = array<i32>} : memref<2x4x8x8x128xf32, #tpu.memory_space<vmem>>, vector<16xf32>,
        %parallel_loop3A_520 = arith.constant 16 : i32
        %parallel_loop3A_521 = arith.muli %parallel_loop3A_520, %parallel_loop3A_241 : i32
        %parallel_loop3A_522 = arith.constant 1 : i32
        %parallel_loop3A_523 = arith.constant 0 : i32
        %parallel_loop3A_524 = arith.constant 2 : i32
        %parallel_loop3A_525 = arith.index_cast %parallel_loop3A_522 : i32 to index
        %parallel_loop3A_526 = arith.index_cast %parallel_loop3A_523 : i32 to index
        %parallel_loop3A_527 = arith.index_cast %parallel_loop3A_225 : i32 to index
        %parallel_loop3A_528 = arith.index_cast %parallel_loop3A_524 : i32 to index
        %parallel_loop3A_529 = arith.index_cast %parallel_loop3A_521 : i32 to index
        %parallel_loop3A_530 = tpu.vector_load %arg6[%parallel_loop3A_525, %parallel_loop3A_526, %parallel_loop3A_527, %parallel_loop3A_528, %parallel_loop3A_529] {strides = array<i32>} : memref<2x4x8x8x128xf32, #tpu.memory_space<vmem>>, vector<16xf32>,
        tpu.vector_store %arg6[%parallel_loop3A_525, %parallel_loop3A_526, %parallel_loop3A_527, %parallel_loop3A_528, %parallel_loop3A_529], %parallel_loop3A_301 {strides = array<i32>} : memref<2x4x8x8x128xf32, #tpu.memory_space<vmem>>, vector<16xf32>,
        %parallel_loop3A_531 = arith.constant 16 : i32
        %parallel_loop3A_532 = arith.muli %parallel_loop3A_531, %parallel_loop3A_241 : i32
        %parallel_loop3A_533 = arith.constant 1 : i32
        %parallel_loop3A_534 = arith.constant 1 : i32
        %parallel_loop3A_535 = arith.constant 2 : i32
        %parallel_loop3A_536 = arith.index_cast %parallel_loop3A_533 : i32 to index
        %parallel_loop3A_537 = arith.index_cast %parallel_loop3A_534 : i32 to index
        %parallel_loop3A_538 = arith.index_cast %parallel_loop3A_225 : i32 to index
        %parallel_loop3A_539 = arith.index_cast %parallel_loop3A_535 : i32 to index
        %parallel_loop3A_540 = arith.index_cast %parallel_loop3A_532 : i32 to index
        %parallel_loop3A_541 = tpu.vector_load %arg6[%parallel_loop3A_536, %parallel_loop3A_537, %parallel_loop3A_538, %parallel_loop3A_539, %parallel_loop3A_540] {strides = array<i32>} : memref<2x4x8x8x128xf32, #tpu.memory_space<vmem>>, vector<16xf32>,
        tpu.vector_store %arg6[%parallel_loop3A_536, %parallel_loop3A_537, %parallel_loop3A_538, %parallel_loop3A_539, %parallel_loop3A_540], %parallel_loop3A_306 {strides = array<i32>} : memref<2x4x8x8x128xf32, #tpu.memory_space<vmem>>, vector<16xf32>,
        %parallel_loop3A_542 = arith.constant 16 : i32
        %parallel_loop3A_543 = arith.muli %parallel_loop3A_542, %parallel_loop3A_241 : i32
        %parallel_loop3A_544 = arith.constant 1 : i32
        %parallel_loop3A_545 = arith.constant 2 : i32
        %parallel_loop3A_546 = arith.constant 2 : i32
        %parallel_loop3A_547 = arith.index_cast %parallel_loop3A_544 : i32 to index
        %parallel_loop3A_548 = arith.index_cast %parallel_loop3A_545 : i32 to index
        %parallel_loop3A_549 = arith.index_cast %parallel_loop3A_225 : i32 to index
        %parallel_loop3A_550 = arith.index_cast %parallel_loop3A_546 : i32 to index
        %parallel_loop3A_551 = arith.index_cast %parallel_loop3A_543 : i32 to index
        %parallel_loop3A_552 = tpu.vector_load %arg6[%parallel_loop3A_547, %parallel_loop3A_548, %parallel_loop3A_549, %parallel_loop3A_550, %parallel_loop3A_551] {strides = array<i32>} : memref<2x4x8x8x128xf32, #tpu.memory_space<vmem>>, vector<16xf32>,
        tpu.vector_store %arg6[%parallel_loop3A_547, %parallel_loop3A_548, %parallel_loop3A_549, %parallel_loop3A_550, %parallel_loop3A_551], %parallel_loop3A_311 {strides = array<i32>} : memref<2x4x8x8x128xf32, #tpu.memory_space<vmem>>, vector<16xf32>,
        %parallel_loop3A_553 = arith.constant 16 : i32
        %parallel_loop3A_554 = arith.muli %parallel_loop3A_553, %parallel_loop3A_241 : i32
        %parallel_loop3A_555 = arith.constant 1 : i32
        %parallel_loop3A_556 = arith.constant 3 : i32
        %parallel_loop3A_557 = arith.constant 2 : i32
        %parallel_loop3A_558 = arith.index_cast %parallel_loop3A_555 : i32 to index
        %parallel_loop3A_559 = arith.index_cast %parallel_loop3A_556 : i32 to index
        %parallel_loop3A_560 = arith.index_cast %parallel_loop3A_225 : i32 to index
        %parallel_loop3A_561 = arith.index_cast %parallel_loop3A_557 : i32 to index
        %parallel_loop3A_562 = arith.index_cast %parallel_loop3A_554 : i32 to index
        %parallel_loop3A_563 = tpu.vector_load %arg6[%parallel_loop3A_558, %parallel_loop3A_559, %parallel_loop3A_560, %parallel_loop3A_561, %parallel_loop3A_562] {strides = array<i32>} : memref<2x4x8x8x128xf32, #tpu.memory_space<vmem>>, vector<16xf32>,
        tpu.vector_store %arg6[%parallel_loop3A_558, %parallel_loop3A_559, %parallel_loop3A_560, %parallel_loop3A_561, %parallel_loop3A_562], %parallel_loop3A_316 {strides = array<i32>} : memref<2x4x8x8x128xf32, #tpu.memory_space<vmem>>, vector<16xf32>,
        %parallel_loop3A_564 = arith.constant 16 : i32
        %parallel_loop3A_565 = arith.muli %parallel_loop3A_564, %parallel_loop3A_241 : i32
        %parallel_loop3A_566 = arith.constant 1 : i32
        %parallel_loop3A_567 = arith.constant 0 : i32
        %parallel_loop3A_568 = arith.constant 3 : i32
        %parallel_loop3A_569 = arith.index_cast %parallel_loop3A_566 : i32 to index
        %parallel_loop3A_570 = arith.index_cast %parallel_loop3A_567 : i32 to index
        %parallel_loop3A_571 = arith.index_cast %parallel_loop3A_225 : i32 to index
        %parallel_loop3A_572 = arith.index_cast %parallel_loop3A_568 : i32 to index
        %parallel_loop3A_573 = arith.index_cast %parallel_loop3A_565 : i32 to index
        %parallel_loop3A_574 = tpu.vector_load %arg6[%parallel_loop3A_569, %parallel_loop3A_570, %parallel_loop3A_571, %parallel_loop3A_572, %parallel_loop3A_573] {strides = array<i32>} : memref<2x4x8x8x128xf32, #tpu.memory_space<vmem>>, vector<16xf32>,
        tpu.vector_store %arg6[%parallel_loop3A_569, %parallel_loop3A_570, %parallel_loop3A_571, %parallel_loop3A_572, %parallel_loop3A_573], %parallel_loop3A_324 {strides = array<i32>} : memref<2x4x8x8x128xf32, #tpu.memory_space<vmem>>, vector<16xf32>,
        %parallel_loop3A_575 = arith.constant 16 : i32
        %parallel_loop3A_576 = arith.muli %parallel_loop3A_575, %parallel_loop3A_241 : i32
        %parallel_loop3A_577 = arith.constant 1 : i32
        %parallel_loop3A_578 = arith.constant 1 : i32
        %parallel_loop3A_579 = arith.constant 3 : i32
        %parallel_loop3A_580 = arith.index_cast %parallel_loop3A_577 : i32 to index
        %parallel_loop3A_581 = arith.index_cast %parallel_loop3A_578 : i32 to index
        %parallel_loop3A_582 = arith.index_cast %parallel_loop3A_225 : i32 to index
        %parallel_loop3A_583 = arith.index_cast %parallel_loop3A_579 : i32 to index
        %parallel_loop3A_584 = arith.index_cast %parallel_loop3A_576 : i32 to index
        %parallel_loop3A_585 = tpu.vector_load %arg6[%parallel_loop3A_580, %parallel_loop3A_581, %parallel_loop3A_582, %parallel_loop3A_583, %parallel_loop3A_584] {strides = array<i32>} : memref<2x4x8x8x128xf32, #tpu.memory_space<vmem>>, vector<16xf32>,
        tpu.vector_store %arg6[%parallel_loop3A_580, %parallel_loop3A_581, %parallel_loop3A_582, %parallel_loop3A_583, %parallel_loop3A_584], %parallel_loop3A_329 {strides = array<i32>} : memref<2x4x8x8x128xf32, #tpu.memory_space<vmem>>, vector<16xf32>,
        %parallel_loop3A_586 = arith.constant 16 : i32
        %parallel_loop3A_587 = arith.muli %parallel_loop3A_586, %parallel_loop3A_241 : i32
        %parallel_loop3A_588 = arith.constant 1 : i32
        %parallel_loop3A_589 = arith.constant 2 : i32
        %parallel_loop3A_590 = arith.constant 3 : i32
        %parallel_loop3A_591 = arith.index_cast %parallel_loop3A_588 : i32 to index
        %parallel_loop3A_592 = arith.index_cast %parallel_loop3A_589 : i32 to index
        %parallel_loop3A_593 = arith.index_cast %parallel_loop3A_225 : i32 to index
        %parallel_loop3A_594 = arith.index_cast %parallel_loop3A_590 : i32 to index
        %parallel_loop3A_595 = arith.index_cast %parallel_loop3A_587 : i32 to index
        %parallel_loop3A_596 = tpu.vector_load %arg6[%parallel_loop3A_591, %parallel_loop3A_592, %parallel_loop3A_593, %parallel_loop3A_594, %parallel_loop3A_595] {strides = array<i32>} : memref<2x4x8x8x128xf32, #tpu.memory_space<vmem>>, vector<16xf32>,
        tpu.vector_store %arg6[%parallel_loop3A_591, %parallel_loop3A_592, %parallel_loop3A_593, %parallel_loop3A_594, %parallel_loop3A_595], %parallel_loop3A_334 {strides = array<i32>} : memref<2x4x8x8x128xf32, #tpu.memory_space<vmem>>, vector<16xf32>,
        %parallel_loop3A_597 = arith.constant 16 : i32
        %parallel_loop3A_598 = arith.muli %parallel_loop3A_597, %parallel_loop3A_241 : i32
        %parallel_loop3A_599 = arith.constant 1 : i32
        %parallel_loop3A_600 = arith.constant 3 : i32
        %parallel_loop3A_601 = arith.constant 3 : i32
        %parallel_loop3A_602 = arith.index_cast %parallel_loop3A_599 : i32 to index
        %parallel_loop3A_603 = arith.index_cast %parallel_loop3A_600 : i32 to index
        %parallel_loop3A_604 = arith.index_cast %parallel_loop3A_225 : i32 to index
        %parallel_loop3A_605 = arith.index_cast %parallel_loop3A_601 : i32 to index
        %parallel_loop3A_606 = arith.index_cast %parallel_loop3A_598 : i32 to index
        %parallel_loop3A_607 = tpu.vector_load %arg6[%parallel_loop3A_602, %parallel_loop3A_603, %parallel_loop3A_604, %parallel_loop3A_605, %parallel_loop3A_606] {strides = array<i32>} : memref<2x4x8x8x128xf32, #tpu.memory_space<vmem>>, vector<16xf32>,
        tpu.vector_store %arg6[%parallel_loop3A_602, %parallel_loop3A_603, %parallel_loop3A_604, %parallel_loop3A_605, %parallel_loop3A_606], %parallel_loop3A_339 {strides = array<i32>} : memref<2x4x8x8x128xf32, #tpu.memory_space<vmem>>, vector<16xf32>,
        %parallel_loop3A_608 = arith.constant 16 : i32
        %parallel_loop3A_609 = arith.muli %parallel_loop3A_608, %parallel_loop3A_241 : i32
        %parallel_loop3A_610 = arith.constant 1 : i32
        %parallel_loop3A_611 = arith.constant 0 : i32
        %parallel_loop3A_612 = arith.constant 4 : i32
        %parallel_loop3A_613 = arith.index_cast %parallel_loop3A_610 : i32 to index
        %parallel_loop3A_614 = arith.index_cast %parallel_loop3A_611 : i32 to index
        %parallel_loop3A_615 = arith.index_cast %parallel_loop3A_225 : i32 to index
        %parallel_loop3A_616 = arith.index_cast %parallel_loop3A_612 : i32 to index
        %parallel_loop3A_617 = arith.index_cast %parallel_loop3A_609 : i32 to index
        %parallel_loop3A_618 = tpu.vector_load %arg6[%parallel_loop3A_613, %parallel_loop3A_614, %parallel_loop3A_615, %parallel_loop3A_616, %parallel_loop3A_617] {strides = array<i32>} : memref<2x4x8x8x128xf32, #tpu.memory_space<vmem>>, vector<16xf32>,
        tpu.vector_store %arg6[%parallel_loop3A_613, %parallel_loop3A_614, %parallel_loop3A_615, %parallel_loop3A_616, %parallel_loop3A_617], %parallel_loop3A_347 {strides = array<i32>} : memref<2x4x8x8x128xf32, #tpu.memory_space<vmem>>, vector<16xf32>,
        %parallel_loop3A_619 = arith.constant 16 : i32
        %parallel_loop3A_620 = arith.muli %parallel_loop3A_619, %parallel_loop3A_241 : i32
        %parallel_loop3A_621 = arith.constant 1 : i32
        %parallel_loop3A_622 = arith.constant 1 : i32
        %parallel_loop3A_623 = arith.constant 4 : i32
        %parallel_loop3A_624 = arith.index_cast %parallel_loop3A_621 : i32 to index
        %parallel_loop3A_625 = arith.index_cast %parallel_loop3A_622 : i32 to index
        %parallel_loop3A_626 = arith.index_cast %parallel_loop3A_225 : i32 to index
        %parallel_loop3A_627 = arith.index_cast %parallel_loop3A_623 : i32 to index
        %parallel_loop3A_628 = arith.index_cast %parallel_loop3A_620 : i32 to index
        %parallel_loop3A_629 = tpu.vector_load %arg6[%parallel_loop3A_624, %parallel_loop3A_625, %parallel_loop3A_626, %parallel_loop3A_627, %parallel_loop3A_628] {strides = array<i32>} : memref<2x4x8x8x128xf32, #tpu.memory_space<vmem>>, vector<16xf32>,
        tpu.vector_store %arg6[%parallel_loop3A_624, %parallel_loop3A_625, %parallel_loop3A_626, %parallel_loop3A_627, %parallel_loop3A_628], %parallel_loop3A_352 {strides = array<i32>} : memref<2x4x8x8x128xf32, #tpu.memory_space<vmem>>, vector<16xf32>,
        %parallel_loop3A_630 = arith.constant 16 : i32
        %parallel_loop3A_631 = arith.muli %parallel_loop3A_630, %parallel_loop3A_241 : i32
        %parallel_loop3A_632 = arith.constant 1 : i32
        %parallel_loop3A_633 = arith.constant 2 : i32
        %parallel_loop3A_634 = arith.constant 4 : i32
        %parallel_loop3A_635 = arith.index_cast %parallel_loop3A_632 : i32 to index
        %parallel_loop3A_636 = arith.index_cast %parallel_loop3A_633 : i32 to index
        %parallel_loop3A_637 = arith.index_cast %parallel_loop3A_225 : i32 to index
        %parallel_loop3A_638 = arith.index_cast %parallel_loop3A_634 : i32 to index
        %parallel_loop3A_639 = arith.index_cast %parallel_loop3A_631 : i32 to index
        %parallel_loop3A_640 = tpu.vector_load %arg6[%parallel_loop3A_635, %parallel_loop3A_636, %parallel_loop3A_637, %parallel_loop3A_638, %parallel_loop3A_639] {strides = array<i32>} : memref<2x4x8x8x128xf32, #tpu.memory_space<vmem>>, vector<16xf32>,
        tpu.vector_store %arg6[%parallel_loop3A_635, %parallel_loop3A_636, %parallel_loop3A_637, %parallel_loop3A_638, %parallel_loop3A_639], %parallel_loop3A_357 {strides = array<i32>} : memref<2x4x8x8x128xf32, #tpu.memory_space<vmem>>, vector<16xf32>,
        %parallel_loop3A_641 = arith.constant 16 : i32
        %parallel_loop3A_642 = arith.muli %parallel_loop3A_641, %parallel_loop3A_241 : i32
        %parallel_loop3A_643 = arith.constant 1 : i32
        %parallel_loop3A_644 = arith.constant 3 : i32
        %parallel_loop3A_645 = arith.constant 4 : i32
        %parallel_loop3A_646 = arith.index_cast %parallel_loop3A_643 : i32 to index
        %parallel_loop3A_647 = arith.index_cast %parallel_loop3A_644 : i32 to index
        %parallel_loop3A_648 = arith.index_cast %parallel_loop3A_225 : i32 to index
        %parallel_loop3A_649 = arith.index_cast %parallel_loop3A_645 : i32 to index
        %parallel_loop3A_650 = arith.index_cast %parallel_loop3A_642 : i32 to index
        %parallel_loop3A_651 = tpu.vector_load %arg6[%parallel_loop3A_646, %parallel_loop3A_647, %parallel_loop3A_648, %parallel_loop3A_649, %parallel_loop3A_650] {strides = array<i32>} : memref<2x4x8x8x128xf32, #tpu.memory_space<vmem>>, vector<16xf32>,
        tpu.vector_store %arg6[%parallel_loop3A_646, %parallel_loop3A_647, %parallel_loop3A_648, %parallel_loop3A_649, %parallel_loop3A_650], %parallel_loop3A_362 {strides = array<i32>} : memref<2x4x8x8x128xf32, #tpu.memory_space<vmem>>, vector<16xf32>,
        %parallel_loop3A_652 = arith.constant 16 : i32
        %parallel_loop3A_653 = arith.muli %parallel_loop3A_652, %parallel_loop3A_241 : i32
        %parallel_loop3A_654 = arith.constant 1 : i32
        %parallel_loop3A_655 = arith.constant 0 : i32
        %parallel_loop3A_656 = arith.constant 5 : i32
        %parallel_loop3A_657 = arith.index_cast %parallel_loop3A_654 : i32 to index
        %parallel_loop3A_658 = arith.index_cast %parallel_loop3A_655 : i32 to index
        %parallel_loop3A_659 = arith.index_cast %parallel_loop3A_225 : i32 to index
        %parallel_loop3A_660 = arith.index_cast %parallel_loop3A_656 : i32 to index
        %parallel_loop3A_661 = arith.index_cast %parallel_loop3A_653 : i32 to index
        %parallel_loop3A_662 = tpu.vector_load %arg6[%parallel_loop3A_657, %parallel_loop3A_658, %parallel_loop3A_659, %parallel_loop3A_660, %parallel_loop3A_661] {strides = array<i32>} : memref<2x4x8x8x128xf32, #tpu.memory_space<vmem>>, vector<16xf32>,
        tpu.vector_store %arg6[%parallel_loop3A_657, %parallel_loop3A_658, %parallel_loop3A_659, %parallel_loop3A_660, %parallel_loop3A_661], %parallel_loop3A_370 {strides = array<i32>} : memref<2x4x8x8x128xf32, #tpu.memory_space<vmem>>, vector<16xf32>,
        %parallel_loop3A_663 = arith.constant 16 : i32
        %parallel_loop3A_664 = arith.muli %parallel_loop3A_663, %parallel_loop3A_241 : i32
        %parallel_loop3A_665 = arith.constant 1 : i32
        %parallel_loop3A_666 = arith.constant 1 : i32
        %parallel_loop3A_667 = arith.constant 5 : i32
        %parallel_loop3A_668 = arith.index_cast %parallel_loop3A_665 : i32 to index
        %parallel_loop3A_669 = arith.index_cast %parallel_loop3A_666 : i32 to index
        %parallel_loop3A_670 = arith.index_cast %parallel_loop3A_225 : i32 to index
        %parallel_loop3A_671 = arith.index_cast %parallel_loop3A_667 : i32 to index
        %parallel_loop3A_672 = arith.index_cast %parallel_loop3A_664 : i32 to index
        %parallel_loop3A_673 = tpu.vector_load %arg6[%parallel_loop3A_668, %parallel_loop3A_669, %parallel_loop3A_670, %parallel_loop3A_671, %parallel_loop3A_672] {strides = array<i32>} : memref<2x4x8x8x128xf32, #tpu.memory_space<vmem>>, vector<16xf32>,
        tpu.vector_store %arg6[%parallel_loop3A_668, %parallel_loop3A_669, %parallel_loop3A_670, %parallel_loop3A_671, %parallel_loop3A_672], %parallel_loop3A_375 {strides = array<i32>} : memref<2x4x8x8x128xf32, #tpu.memory_space<vmem>>, vector<16xf32>,
        %parallel_loop3A_674 = arith.constant 16 : i32
        %parallel_loop3A_675 = arith.muli %parallel_loop3A_674, %parallel_loop3A_241 : i32
        %parallel_loop3A_676 = arith.constant 1 : i32
        %parallel_loop3A_677 = arith.constant 2 : i32
        %parallel_loop3A_678 = arith.constant 5 : i32
        %parallel_loop3A_679 = arith.index_cast %parallel_loop3A_676 : i32 to index
        %parallel_loop3A_680 = arith.index_cast %parallel_loop3A_677 : i32 to index
        %parallel_loop3A_681 = arith.index_cast %parallel_loop3A_225 : i32 to index
        %parallel_loop3A_682 = arith.index_cast %parallel_loop3A_678 : i32 to index
        %parallel_loop3A_683 = arith.index_cast %parallel_loop3A_675 : i32 to index
        %parallel_loop3A_684 = tpu.vector_load %arg6[%parallel_loop3A_679, %parallel_loop3A_680, %parallel_loop3A_681, %parallel_loop3A_682, %parallel_loop3A_683] {strides = array<i32>} : memref<2x4x8x8x128xf32, #tpu.memory_space<vmem>>, vector<16xf32>,
        tpu.vector_store %arg6[%parallel_loop3A_679, %parallel_loop3A_680, %parallel_loop3A_681, %parallel_loop3A_682, %parallel_loop3A_683], %parallel_loop3A_380 {strides = array<i32>} : memref<2x4x8x8x128xf32, #tpu.memory_space<vmem>>, vector<16xf32>,
        %parallel_loop3A_685 = arith.constant 16 : i32
        %parallel_loop3A_686 = arith.muli %parallel_loop3A_685, %parallel_loop3A_241 : i32
        %parallel_loop3A_687 = arith.constant 1 : i32
        %parallel_loop3A_688 = arith.constant 3 : i32
        %parallel_loop3A_689 = arith.constant 5 : i32
        %parallel_loop3A_690 = arith.index_cast %parallel_loop3A_687 : i32 to index
        %parallel_loop3A_691 = arith.index_cast %parallel_loop3A_688 : i32 to index
        %parallel_loop3A_692 = arith.index_cast %parallel_loop3A_225 : i32 to index
        %parallel_loop3A_693 = arith.index_cast %parallel_loop3A_689 : i32 to index
        %parallel_loop3A_694 = arith.index_cast %parallel_loop3A_686 : i32 to index
        %parallel_loop3A_695 = tpu.vector_load %arg6[%parallel_loop3A_690, %parallel_loop3A_691, %parallel_loop3A_692, %parallel_loop3A_693, %parallel_loop3A_694] {strides = array<i32>} : memref<2x4x8x8x128xf32, #tpu.memory_space<vmem>>, vector<16xf32>,
        tpu.vector_store %arg6[%parallel_loop3A_690, %parallel_loop3A_691, %parallel_loop3A_692, %parallel_loop3A_693, %parallel_loop3A_694], %parallel_loop3A_385 {strides = array<i32>} : memref<2x4x8x8x128xf32, #tpu.memory_space<vmem>>, vector<16xf32>,
        %parallel_loop3A_696 = arith.constant 16 : i32
        %parallel_loop3A_697 = arith.muli %parallel_loop3A_696, %parallel_loop3A_241 : i32
        %parallel_loop3A_698 = arith.constant 1 : i32
        %parallel_loop3A_699 = arith.constant 0 : i32
        %parallel_loop3A_700 = arith.constant 6 : i32
        %parallel_loop3A_701 = arith.index_cast %parallel_loop3A_698 : i32 to index
        %parallel_loop3A_702 = arith.index_cast %parallel_loop3A_699 : i32 to index
        %parallel_loop3A_703 = arith.index_cast %parallel_loop3A_225 : i32 to index
        %parallel_loop3A_704 = arith.index_cast %parallel_loop3A_700 : i32 to index
        %parallel_loop3A_705 = arith.index_cast %parallel_loop3A_697 : i32 to index
        %parallel_loop3A_706 = tpu.vector_load %arg6[%parallel_loop3A_701, %parallel_loop3A_702, %parallel_loop3A_703, %parallel_loop3A_704, %parallel_loop3A_705] {strides = array<i32>} : memref<2x4x8x8x128xf32, #tpu.memory_space<vmem>>, vector<16xf32>,
        tpu.vector_store %arg6[%parallel_loop3A_701, %parallel_loop3A_702, %parallel_loop3A_703, %parallel_loop3A_704, %parallel_loop3A_705], %parallel_loop3A_393 {strides = array<i32>} : memref<2x4x8x8x128xf32, #tpu.memory_space<vmem>>, vector<16xf32>,
        %parallel_loop3A_707 = arith.constant 16 : i32
        %parallel_loop3A_708 = arith.muli %parallel_loop3A_707, %parallel_loop3A_241 : i32
        %parallel_loop3A_709 = arith.constant 1 : i32
        %parallel_loop3A_710 = arith.constant 1 : i32
        %parallel_loop3A_711 = arith.constant 6 : i32
        %parallel_loop3A_712 = arith.index_cast %parallel_loop3A_709 : i32 to index
        %parallel_loop3A_713 = arith.index_cast %parallel_loop3A_710 : i32 to index
        %parallel_loop3A_714 = arith.index_cast %parallel_loop3A_225 : i32 to index
        %parallel_loop3A_715 = arith.index_cast %parallel_loop3A_711 : i32 to index
        %parallel_loop3A_716 = arith.index_cast %parallel_loop3A_708 : i32 to index
        %parallel_loop3A_717 = tpu.vector_load %arg6[%parallel_loop3A_712, %parallel_loop3A_713, %parallel_loop3A_714, %parallel_loop3A_715, %parallel_loop3A_716] {strides = array<i32>} : memref<2x4x8x8x128xf32, #tpu.memory_space<vmem>>, vector<16xf32>,
        tpu.vector_store %arg6[%parallel_loop3A_712, %parallel_loop3A_713, %parallel_loop3A_714, %parallel_loop3A_715, %parallel_loop3A_716], %parallel_loop3A_398 {strides = array<i32>} : memref<2x4x8x8x128xf32, #tpu.memory_space<vmem>>, vector<16xf32>,
        %parallel_loop3A_718 = arith.constant 16 : i32
        %parallel_loop3A_719 = arith.muli %parallel_loop3A_718, %parallel_loop3A_241 : i32
        %parallel_loop3A_720 = arith.constant 1 : i32
        %parallel_loop3A_721 = arith.constant 2 : i32
        %parallel_loop3A_722 = arith.constant 6 : i32
        %parallel_loop3A_723 = arith.index_cast %parallel_loop3A_720 : i32 to index
        %parallel_loop3A_724 = arith.index_cast %parallel_loop3A_721 : i32 to index
        %parallel_loop3A_725 = arith.index_cast %parallel_loop3A_225 : i32 to index
        %parallel_loop3A_726 = arith.index_cast %parallel_loop3A_722 : i32 to index
        %parallel_loop3A_727 = arith.index_cast %parallel_loop3A_719 : i32 to index
        %parallel_loop3A_728 = tpu.vector_load %arg6[%parallel_loop3A_723, %parallel_loop3A_724, %parallel_loop3A_725, %parallel_loop3A_726, %parallel_loop3A_727] {strides = array<i32>} : memref<2x4x8x8x128xf32, #tpu.memory_space<vmem>>, vector<16xf32>,
        tpu.vector_store %arg6[%parallel_loop3A_723, %parallel_loop3A_724, %parallel_loop3A_725, %parallel_loop3A_726, %parallel_loop3A_727], %parallel_loop3A_403 {strides = array<i32>} : memref<2x4x8x8x128xf32, #tpu.memory_space<vmem>>, vector<16xf32>,
        %parallel_loop3A_729 = arith.constant 16 : i32
        %parallel_loop3A_730 = arith.muli %parallel_loop3A_729, %parallel_loop3A_241 : i32
        %parallel_loop3A_731 = arith.constant 1 : i32
        %parallel_loop3A_732 = arith.constant 3 : i32
        %parallel_loop3A_733 = arith.constant 6 : i32
        %parallel_loop3A_734 = arith.index_cast %parallel_loop3A_731 : i32 to index
        %parallel_loop3A_735 = arith.index_cast %parallel_loop3A_732 : i32 to index
        %parallel_loop3A_736 = arith.index_cast %parallel_loop3A_225 : i32 to index
        %parallel_loop3A_737 = arith.index_cast %parallel_loop3A_733 : i32 to index
        %parallel_loop3A_738 = arith.index_cast %parallel_loop3A_730 : i32 to index
        %parallel_loop3A_739 = tpu.vector_load %arg6[%parallel_loop3A_734, %parallel_loop3A_735, %parallel_loop3A_736, %parallel_loop3A_737, %parallel_loop3A_738] {strides = array<i32>} : memref<2x4x8x8x128xf32, #tpu.memory_space<vmem>>, vector<16xf32>,
        tpu.vector_store %arg6[%parallel_loop3A_734, %parallel_loop3A_735, %parallel_loop3A_736, %parallel_loop3A_737, %parallel_loop3A_738], %parallel_loop3A_408 {strides = array<i32>} : memref<2x4x8x8x128xf32, #tpu.memory_space<vmem>>, vector<16xf32>,
        %parallel_loop3A_740 = arith.constant 16 : i32
        %parallel_loop3A_741 = arith.muli %parallel_loop3A_740, %parallel_loop3A_241 : i32
        %parallel_loop3A_742 = arith.constant 1 : i32
        %parallel_loop3A_743 = arith.constant 0 : i32
        %parallel_loop3A_744 = arith.constant 7 : i32
        %parallel_loop3A_745 = arith.index_cast %parallel_loop3A_742 : i32 to index
        %parallel_loop3A_746 = arith.index_cast %parallel_loop3A_743 : i32 to index
        %parallel_loop3A_747 = arith.index_cast %parallel_loop3A_225 : i32 to index
        %parallel_loop3A_748 = arith.index_cast %parallel_loop3A_744 : i32 to index
        %parallel_loop3A_749 = arith.index_cast %parallel_loop3A_741 : i32 to index
        %parallel_loop3A_750 = tpu.vector_load %arg6[%parallel_loop3A_745, %parallel_loop3A_746, %parallel_loop3A_747, %parallel_loop3A_748, %parallel_loop3A_749] {strides = array<i32>} : memref<2x4x8x8x128xf32, #tpu.memory_space<vmem>>, vector<16xf32>,
        tpu.vector_store %arg6[%parallel_loop3A_745, %parallel_loop3A_746, %parallel_loop3A_747, %parallel_loop3A_748, %parallel_loop3A_749], %parallel_loop3A_416 {strides = array<i32>} : memref<2x4x8x8x128xf32, #tpu.memory_space<vmem>>, vector<16xf32>,
        %parallel_loop3A_751 = arith.constant 16 : i32
        %parallel_loop3A_752 = arith.muli %parallel_loop3A_751, %parallel_loop3A_241 : i32
        %parallel_loop3A_753 = arith.constant 1 : i32
        %parallel_loop3A_754 = arith.constant 1 : i32
        %parallel_loop3A_755 = arith.constant 7 : i32
        %parallel_loop3A_756 = arith.index_cast %parallel_loop3A_753 : i32 to index
        %parallel_loop3A_757 = arith.index_cast %parallel_loop3A_754 : i32 to index
        %parallel_loop3A_758 = arith.index_cast %parallel_loop3A_225 : i32 to index
        %parallel_loop3A_759 = arith.index_cast %parallel_loop3A_755 : i32 to index
        %parallel_loop3A_760 = arith.index_cast %parallel_loop3A_752 : i32 to index
        %parallel_loop3A_761 = tpu.vector_load %arg6[%parallel_loop3A_756, %parallel_loop3A_757, %parallel_loop3A_758, %parallel_loop3A_759, %parallel_loop3A_760] {strides = array<i32>} : memref<2x4x8x8x128xf32, #tpu.memory_space<vmem>>, vector<16xf32>,
        tpu.vector_store %arg6[%parallel_loop3A_756, %parallel_loop3A_757, %parallel_loop3A_758, %parallel_loop3A_759, %parallel_loop3A_760], %parallel_loop3A_421 {strides = array<i32>} : memref<2x4x8x8x128xf32, #tpu.memory_space<vmem>>, vector<16xf32>,
        %parallel_loop3A_762 = arith.constant 16 : i32
        %parallel_loop3A_763 = arith.muli %parallel_loop3A_762, %parallel_loop3A_241 : i32
        %parallel_loop3A_764 = arith.constant 1 : i32
        %parallel_loop3A_765 = arith.constant 2 : i32
        %parallel_loop3A_766 = arith.constant 7 : i32
        %parallel_loop3A_767 = arith.index_cast %parallel_loop3A_764 : i32 to index
        %parallel_loop3A_768 = arith.index_cast %parallel_loop3A_765 : i32 to index
        %parallel_loop3A_769 = arith.index_cast %parallel_loop3A_225 : i32 to index
        %parallel_loop3A_770 = arith.index_cast %parallel_loop3A_766 : i32 to index
        %parallel_loop3A_771 = arith.index_cast %parallel_loop3A_763 : i32 to index
        %parallel_loop3A_772 = tpu.vector_load %arg6[%parallel_loop3A_767, %parallel_loop3A_768, %parallel_loop3A_769, %parallel_loop3A_770, %parallel_loop3A_771] {strides = array<i32>} : memref<2x4x8x8x128xf32, #tpu.memory_space<vmem>>, vector<16xf32>,
        tpu.vector_store %arg6[%parallel_loop3A_767, %parallel_loop3A_768, %parallel_loop3A_769, %parallel_loop3A_770, %parallel_loop3A_771], %parallel_loop3A_426 {strides = array<i32>} : memref<2x4x8x8x128xf32, #tpu.memory_space<vmem>>, vector<16xf32>,
        %parallel_loop3A_773 = arith.constant 16 : i32
        %parallel_loop3A_774 = arith.muli %parallel_loop3A_773, %parallel_loop3A_241 : i32
        %parallel_loop3A_775 = arith.constant 1 : i32
        %parallel_loop3A_776 = arith.constant 3 : i32
        %parallel_loop3A_777 = arith.constant 7 : i32
        %parallel_loop3A_778 = arith.index_cast %parallel_loop3A_775 : i32 to index
        %parallel_loop3A_779 = arith.index_cast %parallel_loop3A_776 : i32 to index
        %parallel_loop3A_780 = arith.index_cast %parallel_loop3A_225 : i32 to index
        %parallel_loop3A_781 = arith.index_cast %parallel_loop3A_777 : i32 to index
        %parallel_loop3A_782 = arith.index_cast %parallel_loop3A_774 : i32 to index
        %parallel_loop3A_783 = tpu.vector_load %arg6[%parallel_loop3A_778, %parallel_loop3A_779, %parallel_loop3A_780, %parallel_loop3A_781, %parallel_loop3A_782] {strides = array<i32>} : memref<2x4x8x8x128xf32, #tpu.memory_space<vmem>>, vector<16xf32>,
        tpu.vector_store %arg6[%parallel_loop3A_778, %parallel_loop3A_779, %parallel_loop3A_780, %parallel_loop3A_781, %parallel_loop3A_782], %parallel_loop3A_431 {strides = array<i32>} : memref<2x4x8x8x128xf32, #tpu.memory_space<vmem>>, vector<16xf32>,
      } {sc.loop_unroll_factor = 2 : i64, sc.parallel_access}
      %add3A_173 = arith.constant 0 : i32
      %add3A_174 = arith.addi %mul3A_2, %add3A_173 : i32
      %lt3A_175 = arith.constant 125 : i32
      %lt3A_176 = arith.cmpi slt, %add3A_174, %lt3A_175 : i32
      %convert_element_type3A_177 = arith.extui %lt3A_176 : i1 to i32
      %cond3A_178 = arith.constant 0 : i32
      %cond3A_179 = arith.cmpi ne, %convert_element_type3A_177, %cond3A_178 : i32
      scf.if %cond3A_179 {
        %add3A_201 = arith.constant 0 : i32
        %add3A_202 = arith.addi %mul3A_2, %add3A_201 : i32
        %dma_start3A_203 = arith.constant 1 : i32
        %dma_start3A_204 = arith.constant 0 : i32
        %dma_start3A_205 = arith.constant 1 : i32
        %dma_start3A_206 = arith.constant 0 : i32
        %dma_start3A_207 = arith.constant 0 : i32
        %dma_start3A_208 = arith.constant 0 : i32
        %dma_start3A_209 = arith.constant 0 : i32
        %dma_start3A_210 = tpu.memref_slice %arg6[%dma_start3A_203, %dma_start3A_204, %dma_start3A_207, %dma_start3A_208, %dma_start3A_209] : memref<2x4x8x8x128xf32, #tpu.memory_space<vmem>> -> memref<1x1x8x8x128xf32, #tpu.memory_space<vmem>>
        %dma_start3A_211 = tpu.memref_squeeze %dma_start3A_210 : memref<1x1x8x8x128xf32, #tpu.memory_space<vmem>> -> memref<8x8x128xf32, #tpu.memory_space<vmem>>
        %dma_start3A_212 = arith.constant 0 : i32
        %dma_start3A_213 = arith.constant 0 : i32
        %dma_start3A_214 = arith.constant 0 : i32
        %dma_start3A_215 = tpu.memref_slice %arg4[%add3A_141, %add3A_202, %dma_start3A_212, %dma_start3A_213, %dma_start3A_214] : memref<50x125x8x8x128xf32, #tpu.memory_space<hbm>> -> memref<1x1x8x8x128xf32, #tpu.memory_space<hbm>>
        %dma_start3A_216 = tpu.memref_squeeze %dma_start3A_215 : memref<1x1x8x8x128xf32, #tpu.memory_space<hbm>> -> memref<8x8x128xf32, #tpu.memory_space<hbm>>
        %dma_start3A_217 = tpu.memref_slice %arg8[%dma_start3A_205, %dma_start3A_206] : memref<2x4x!tpu.dma_semaphore, #tpu.memory_space<semaphore_mem>> -> memref<1x1x!tpu.dma_semaphore, #tpu.memory_space<semaphore_mem>>
        %dma_start3A_218 = tpu.memref_squeeze %dma_start3A_217 : memref<1x1x!tpu.dma_semaphore, #tpu.memory_space<semaphore_mem>> -> memref<!tpu.dma_semaphore, #tpu.memory_space<semaphore_mem>>
        %dma_start3A_219 = arith.constant 0 : i32
        %dma_start3A_220 = arith.constant 0 : i32
        %dma_start3A_221 = arith.constant 0 : i32
        %dma_start3A_222 = tpu.memref_slice %arg4[%add3A_141, %add3A_202, %dma_start3A_219, %dma_start3A_220, %dma_start3A_221] : memref<50x125x8x8x128xf32, #tpu.memory_space<hbm>> -> memref<1x1x8x8x128xf32, #tpu.memory_space<hbm>>
        %dma_start3A_223 = tpu.memref_squeeze %dma_start3A_222 : memref<1x1x8x8x128xf32, #tpu.memory_space<hbm>> -> memref<8x8x128xf32, #tpu.memory_space<hbm>>
        %dma_start3A_224 = arith.constant 0 : i32
        %dma_start3A_225 = arith.constant 0 : i32
        %dma_start3A_226 = arith.constant 0 : i32
        %dma_start3A_227 = tpu.memref_slice %arg6[%dma_start3A_203, %dma_start3A_204, %dma_start3A_224, %dma_start3A_225, %dma_start3A_226] : memref<2x4x8x8x128xf32, #tpu.memory_space<vmem>> -> memref<1x1x8x8x128xf32, #tpu.memory_space<vmem>>
        %dma_start3A_228 = tpu.memref_squeeze %dma_start3A_227 : memref<1x1x8x8x128xf32, #tpu.memory_space<vmem>> -> memref<8x8x128xf32, #tpu.memory_space<vmem>>
        tpu.enqueue_dma source(%dma_start3A_228 : memref<8x8x128xf32, #tpu.memory_space<vmem>>) target(%dma_start3A_223 : memref<8x8x128xf32, #tpu.memory_space<hbm>>) target_semaphore(%dma_start3A_218 : memref<!tpu.dma_semaphore, #tpu.memory_space<semaphore_mem>>)
      } else {
      }
      %add3A_180 = arith.constant 1 : i32
      %add3A_181 = arith.addi %mul3A_2, %add3A_180 : i32
      %lt3A_182 = arith.constant 125 : i32
      %lt3A_183 = arith.cmpi slt, %add3A_181, %lt3A_182 : i32
      %convert_element_type3A_184 = arith.extui %lt3A_183 : i1 to i32
      %cond3A_185 = arith.constant 0 : i32
      %cond3A_186 = arith.cmpi ne, %convert_element_type3A_184, %cond3A_185 : i32
      scf.if %cond3A_186 {
        %add3A_201 = arith.constant 1 : i32
        %add3A_202 = arith.addi %mul3A_2, %add3A_201 : i32
        %dma_start3A_203 = arith.constant 1 : i32
        %dma_start3A_204 = arith.constant 1 : i32
        %dma_start3A_205 = arith.constant 1 : i32
        %dma_start3A_206 = arith.constant 1 : i32
        %dma_start3A_207 = arith.constant 0 : i32
        %dma_start3A_208 = arith.constant 0 : i32
        %dma_start3A_209 = arith.constant 0 : i32
        %dma_start3A_210 = tpu.memref_slice %arg6[%dma_start3A_203, %dma_start3A_204, %dma_start3A_207, %dma_start3A_208, %dma_start3A_209] : memref<2x4x8x8x128xf32, #tpu.memory_space<vmem>> -> memref<1x1x8x8x128xf32, #tpu.memory_space<vmem>>
        %dma_start3A_211 = tpu.memref_squeeze %dma_start3A_210 : memref<1x1x8x8x128xf32, #tpu.memory_space<vmem>> -> memref<8x8x128xf32, #tpu.memory_space<vmem>>
        %dma_start3A_212 = arith.constant 0 : i32
        %dma_start3A_213 = arith.constant 0 : i32
        %dma_start3A_214 = arith.constant 0 : i32
        %dma_start3A_215 = tpu.memref_slice %arg4[%add3A_141, %add3A_202, %dma_start3A_212, %dma_start3A_213, %dma_start3A_214] : memref<50x125x8x8x128xf32, #tpu.memory_space<hbm>> -> memref<1x1x8x8x128xf32, #tpu.memory_space<hbm>>
        %dma_start3A_216 = tpu.memref_squeeze %dma_start3A_215 : memref<1x1x8x8x128xf32, #tpu.memory_space<hbm>> -> memref<8x8x128xf32, #tpu.memory_space<hbm>>
        %dma_start3A_217 = tpu.memref_slice %arg8[%dma_start3A_205, %dma_start3A_206] : memref<2x4x!tpu.dma_semaphore, #tpu.memory_space<semaphore_mem>> -> memref<1x1x!tpu.dma_semaphore, #tpu.memory_space<semaphore_mem>>
        %dma_start3A_218 = tpu.memref_squeeze %dma_start3A_217 : memref<1x1x!tpu.dma_semaphore, #tpu.memory_space<semaphore_mem>> -> memref<!tpu.dma_semaphore, #tpu.memory_space<semaphore_mem>>
        %dma_start3A_219 = arith.constant 0 : i32
        %dma_start3A_220 = arith.constant 0 : i32
        %dma_start3A_221 = arith.constant 0 : i32
        %dma_start3A_222 = tpu.memref_slice %arg4[%add3A_141, %add3A_202, %dma_start3A_219, %dma_start3A_220, %dma_start3A_221] : memref<50x125x8x8x128xf32, #tpu.memory_space<hbm>> -> memref<1x1x8x8x128xf32, #tpu.memory_space<hbm>>
        %dma_start3A_223 = tpu.memref_squeeze %dma_start3A_222 : memref<1x1x8x8x128xf32, #tpu.memory_space<hbm>> -> memref<8x8x128xf32, #tpu.memory_space<hbm>>
        %dma_start3A_224 = arith.constant 0 : i32
        %dma_start3A_225 = arith.constant 0 : i32
        %dma_start3A_226 = arith.constant 0 : i32
        %dma_start3A_227 = tpu.memref_slice %arg6[%dma_start3A_203, %dma_start3A_204, %dma_start3A_224, %dma_start3A_225, %dma_start3A_226] : memref<2x4x8x8x128xf32, #tpu.memory_space<vmem>> -> memref<1x1x8x8x128xf32, #tpu.memory_space<vmem>>
        %dma_start3A_228 = tpu.memref_squeeze %dma_start3A_227 : memref<1x1x8x8x128xf32, #tpu.memory_space<vmem>> -> memref<8x8x128xf32, #tpu.memory_space<vmem>>
        tpu.enqueue_dma source(%dma_start3A_228 : memref<8x8x128xf32, #tpu.memory_space<vmem>>) target(%dma_start3A_223 : memref<8x8x128xf32, #tpu.memory_space<hbm>>) target_semaphore(%dma_start3A_218 : memref<!tpu.dma_semaphore, #tpu.memory_space<semaphore_mem>>)
      } else {
      }
      %add3A_187 = arith.constant 2 : i32
      %add3A_188 = arith.addi %mul3A_2, %add3A_187 : i32
      %lt3A_189 = arith.constant 125 : i32
      %lt3A_190 = arith.cmpi slt, %add3A_188, %lt3A_189 : i32
      %convert_element_type3A_191 = arith.extui %lt3A_190 : i1 to i32
      %cond3A_192 = arith.constant 0 : i32
      %cond3A_193 = arith.cmpi ne, %convert_element_type3A_191, %cond3A_192 : i32
      scf.if %cond3A_193 {
        %add3A_201 = arith.constant 2 : i32
        %add3A_202 = arith.addi %mul3A_2, %add3A_201 : i32
        %dma_start3A_203 = arith.constant 1 : i32
        %dma_start3A_204 = arith.constant 2 : i32
        %dma_start3A_205 = arith.constant 1 : i32
        %dma_start3A_206 = arith.constant 2 : i32
        %dma_start3A_207 = arith.constant 0 : i32
        %dma_start3A_208 = arith.constant 0 : i32
        %dma_start3A_209 = arith.constant 0 : i32
        %dma_start3A_210 = tpu.memref_slice %arg6[%dma_start3A_203, %dma_start3A_204, %dma_start3A_207, %dma_start3A_208, %dma_start3A_209] : memref<2x4x8x8x128xf32, #tpu.memory_space<vmem>> -> memref<1x1x8x8x128xf32, #tpu.memory_space<vmem>>
        %dma_start3A_211 = tpu.memref_squeeze %dma_start3A_210 : memref<1x1x8x8x128xf32, #tpu.memory_space<vmem>> -> memref<8x8x128xf32, #tpu.memory_space<vmem>>
        %dma_start3A_212 = arith.constant 0 : i32
        %dma_start3A_213 = arith.constant 0 : i32
        %dma_start3A_214 = arith.constant 0 : i32
        %dma_start3A_215 = tpu.memref_slice %arg4[%add3A_141, %add3A_202, %dma_start3A_212, %dma_start3A_213, %dma_start3A_214] : memref<50x125x8x8x128xf32, #tpu.memory_space<hbm>> -> memref<1x1x8x8x128xf32, #tpu.memory_space<hbm>>
        %dma_start3A_216 = tpu.memref_squeeze %dma_start3A_215 : memref<1x1x8x8x128xf32, #tpu.memory_space<hbm>> -> memref<8x8x128xf32, #tpu.memory_space<hbm>>
        %dma_start3A_217 = tpu.memref_slice %arg8[%dma_start3A_205, %dma_start3A_206] : memref<2x4x!tpu.dma_semaphore, #tpu.memory_space<semaphore_mem>> -> memref<1x1x!tpu.dma_semaphore, #tpu.memory_space<semaphore_mem>>
        %dma_start3A_218 = tpu.memref_squeeze %dma_start3A_217 : memref<1x1x!tpu.dma_semaphore, #tpu.memory_space<semaphore_mem>> -> memref<!tpu.dma_semaphore, #tpu.memory_space<semaphore_mem>>
        %dma_start3A_219 = arith.constant 0 : i32
        %dma_start3A_220 = arith.constant 0 : i32
        %dma_start3A_221 = arith.constant 0 : i32
        %dma_start3A_222 = tpu.memref_slice %arg4[%add3A_141, %add3A_202, %dma_start3A_219, %dma_start3A_220, %dma_start3A_221] : memref<50x125x8x8x128xf32, #tpu.memory_space<hbm>> -> memref<1x1x8x8x128xf32, #tpu.memory_space<hbm>>
        %dma_start3A_223 = tpu.memref_squeeze %dma_start3A_222 : memref<1x1x8x8x128xf32, #tpu.memory_space<hbm>> -> memref<8x8x128xf32, #tpu.memory_space<hbm>>
        %dma_start3A_224 = arith.constant 0 : i32
        %dma_start3A_225 = arith.constant 0 : i32
        %dma_start3A_226 = arith.constant 0 : i32
        %dma_start3A_227 = tpu.memref_slice %arg6[%dma_start3A_203, %dma_start3A_204, %dma_start3A_224, %dma_start3A_225, %dma_start3A_226] : memref<2x4x8x8x128xf32, #tpu.memory_space<vmem>> -> memref<1x1x8x8x128xf32, #tpu.memory_space<vmem>>
        %dma_start3A_228 = tpu.memref_squeeze %dma_start3A_227 : memref<1x1x8x8x128xf32, #tpu.memory_space<vmem>> -> memref<8x8x128xf32, #tpu.memory_space<vmem>>
        tpu.enqueue_dma source(%dma_start3A_228 : memref<8x8x128xf32, #tpu.memory_space<vmem>>) target(%dma_start3A_223 : memref<8x8x128xf32, #tpu.memory_space<hbm>>) target_semaphore(%dma_start3A_218 : memref<!tpu.dma_semaphore, #tpu.memory_space<semaphore_mem>>)
      } else {
      }
      %add3A_194 = arith.constant 3 : i32
      %add3A_195 = arith.addi %mul3A_2, %add3A_194 : i32
      %lt3A_196 = arith.constant 125 : i32
      %lt3A_197 = arith.cmpi slt, %add3A_195, %lt3A_196 : i32
      %convert_element_type3A_198 = arith.extui %lt3A_197 : i1 to i32
      %cond3A_199 = arith.constant 0 : i32
      %cond3A_200 = arith.cmpi ne, %convert_element_type3A_198, %cond3A_199 : i32
      scf.if %cond3A_200 {
        %add3A_201 = arith.constant 3 : i32
        %add3A_202 = arith.addi %mul3A_2, %add3A_201 : i32
        %dma_start3A_203 = arith.constant 1 : i32
        %dma_start3A_204 = arith.constant 3 : i32
        %dma_start3A_205 = arith.constant 1 : i32
        %dma_start3A_206 = arith.constant 3 : i32
        %dma_start3A_207 = arith.constant 0 : i32
        %dma_start3A_208 = arith.constant 0 : i32
        %dma_start3A_209 = arith.constant 0 : i32
        %dma_start3A_210 = tpu.memref_slice %arg6[%dma_start3A_203, %dma_start3A_204, %dma_start3A_207, %dma_start3A_208, %dma_start3A_209] : memref<2x4x8x8x128xf32, #tpu.memory_space<vmem>> -> memref<1x1x8x8x128xf32, #tpu.memory_space<vmem>>
        %dma_start3A_211 = tpu.memref_squeeze %dma_start3A_210 : memref<1x1x8x8x128xf32, #tpu.memory_space<vmem>> -> memref<8x8x128xf32, #tpu.memory_space<vmem>>
        %dma_start3A_212 = arith.constant 0 : i32
        %dma_start3A_213 = arith.constant 0 : i32
        %dma_start3A_214 = arith.constant 0 : i32
        %dma_start3A_215 = tpu.memref_slice %arg4[%add3A_141, %add3A_202, %dma_start3A_212, %dma_start3A_213, %dma_start3A_214] : memref<50x125x8x8x128xf32, #tpu.memory_space<hbm>> -> memref<1x1x8x8x128xf32, #tpu.memory_space<hbm>>
        %dma_start3A_216 = tpu.memref_squeeze %dma_start3A_215 : memref<1x1x8x8x128xf32, #tpu.memory_space<hbm>> -> memref<8x8x128xf32, #tpu.memory_space<hbm>>
        %dma_start3A_217 = tpu.memref_slice %arg8[%dma_start3A_205, %dma_start3A_206] : memref<2x4x!tpu.dma_semaphore, #tpu.memory_space<semaphore_mem>> -> memref<1x1x!tpu.dma_semaphore, #tpu.memory_space<semaphore_mem>>
        %dma_start3A_218 = tpu.memref_squeeze %dma_start3A_217 : memref<1x1x!tpu.dma_semaphore, #tpu.memory_space<semaphore_mem>> -> memref<!tpu.dma_semaphore, #tpu.memory_space<semaphore_mem>>
        %dma_start3A_219 = arith.constant 0 : i32
        %dma_start3A_220 = arith.constant 0 : i32
        %dma_start3A_221 = arith.constant 0 : i32
        %dma_start3A_222 = tpu.memref_slice %arg4[%add3A_141, %add3A_202, %dma_start3A_219, %dma_start3A_220, %dma_start3A_221] : memref<50x125x8x8x128xf32, #tpu.memory_space<hbm>> -> memref<1x1x8x8x128xf32, #tpu.memory_space<hbm>>
        %dma_start3A_223 = tpu.memref_squeeze %dma_start3A_222 : memref<1x1x8x8x128xf32, #tpu.memory_space<hbm>> -> memref<8x8x128xf32, #tpu.memory_space<hbm>>
        %dma_start3A_224 = arith.constant 0 : i32
        %dma_start3A_225 = arith.constant 0 : i32
        %dma_start3A_226 = arith.constant 0 : i32
        %dma_start3A_227 = tpu.memref_slice %arg6[%dma_start3A_203, %dma_start3A_204, %dma_start3A_224, %dma_start3A_225, %dma_start3A_226] : memref<2x4x8x8x128xf32, #tpu.memory_space<vmem>> -> memref<1x1x8x8x128xf32, #tpu.memory_space<vmem>>
        %dma_start3A_228 = tpu.memref_squeeze %dma_start3A_227 : memref<1x1x8x8x128xf32, #tpu.memory_space<vmem>> -> memref<8x8x128xf32, #tpu.memory_space<vmem>>
        tpu.enqueue_dma source(%dma_start3A_228 : memref<8x8x128xf32, #tpu.memory_space<vmem>>) target(%dma_start3A_223 : memref<8x8x128xf32, #tpu.memory_space<hbm>>) target_semaphore(%dma_start3A_218 : memref<!tpu.dma_semaphore, #tpu.memory_space<semaphore_mem>>)
      } else {
      }
    }
    %scan3A_23 = arith.constant 25 : i32
    %add3A_24 = arith.constant 0 : i32
    %add3A_25 = arith.addi %mul3A_2, %add3A_24 : i32
    %lt3A = arith.constant 125 : i32
    %lt3A_26 = arith.cmpi slt, %add3A_25, %lt3A : i32
    %convert_element_type3A = arith.extui %lt3A_26 : i1 to i32
    %cond3A = arith.constant 0 : i32
    %cond3A_27 = arith.cmpi ne, %convert_element_type3A, %cond3A : i32
    scf.if %cond3A_27 {
      %add3A_77 = arith.constant 0 : i32
      %add3A_78 = arith.addi %mul3A_2, %add3A_77 : i32
      %dma_wait3A = arith.constant 0 : i32
      %dma_wait3A_79 = arith.constant 0 : i32
      %dma_wait3A_80 = arith.constant 48 : i32
      %dma_wait3A_81 = arith.constant 0 : i32
      %dma_wait3A_82 = arith.constant 0 : i32
      %dma_wait3A_83 = arith.constant 0 : i32
      %dma_wait3A_84 = arith.constant 0 : i32
      %dma_wait3A_85 = arith.constant 0 : i32
      %dma_wait3A_86 = tpu.memref_slice %arg6[%dma_wait3A, %dma_wait3A_79, %dma_wait3A_83, %dma_wait3A_84, %dma_wait3A_85] : memref<2x4x8x8x128xf32, #tpu.memory_space<vmem>> -> memref<1x1x8x8x128xf32, #tpu.memory_space<vmem>>
      %dma_wait3A_87 = tpu.memref_squeeze %dma_wait3A_86 : memref<1x1x8x8x128xf32, #tpu.memory_space<vmem>> -> memref<8x8x128xf32, #tpu.memory_space<vmem>>
      %dma_wait3A_88 = arith.constant 0 : i32
      %dma_wait3A_89 = arith.constant 0 : i32
      %dma_wait3A_90 = arith.constant 0 : i32
      %dma_wait3A_91 = tpu.memref_slice %arg4[%dma_wait3A_80, %add3A_78, %dma_wait3A_88, %dma_wait3A_89, %dma_wait3A_90] : memref<50x125x8x8x128xf32, #tpu.memory_space<hbm>> -> memref<1x1x8x8x128xf32, #tpu.memory_space<hbm>>
      %dma_wait3A_92 = tpu.memref_squeeze %dma_wait3A_91 : memref<1x1x8x8x128xf32, #tpu.memory_space<hbm>> -> memref<8x8x128xf32, #tpu.memory_space<hbm>>
      %dma_wait3A_93 = tpu.memref_slice %arg8[%dma_wait3A_81, %dma_wait3A_82] : memref<2x4x!tpu.dma_semaphore, #tpu.memory_space<semaphore_mem>> -> memref<1x1x!tpu.dma_semaphore, #tpu.memory_space<semaphore_mem>>
      %dma_wait3A_94 = tpu.memref_squeeze %dma_wait3A_93 : memref<1x1x!tpu.dma_semaphore, #tpu.memory_space<semaphore_mem>> -> memref<!tpu.dma_semaphore, #tpu.memory_space<semaphore_mem>>
      %dma_wait3A_95 = arith.constant 0 : i32
      %dma_wait3A_96 = arith.constant 0 : i32
      %dma_wait3A_97 = arith.constant 0 : i32
      %dma_wait3A_98 = tpu.memref_slice %arg4[%dma_wait3A_80, %add3A_78, %dma_wait3A_95, %dma_wait3A_96, %dma_wait3A_97] : memref<50x125x8x8x128xf32, #tpu.memory_space<hbm>> -> memref<1x1x8x8x128xf32, #tpu.memory_space<hbm>>
      %dma_wait3A_99 = tpu.memref_squeeze %dma_wait3A_98 : memref<1x1x8x8x128xf32, #tpu.memory_space<hbm>> -> memref<8x8x128xf32, #tpu.memory_space<hbm>>
      %dma_wait3A_100 = arith.constant 0 : i32
      %dma_wait3A_101 = arith.constant 0 : i32
      %dma_wait3A_102 = arith.constant 0 : i32
      %dma_wait3A_103 = tpu.memref_slice %arg6[%dma_wait3A, %dma_wait3A_79, %dma_wait3A_100, %dma_wait3A_101, %dma_wait3A_102] : memref<2x4x8x8x128xf32, #tpu.memory_space<vmem>> -> memref<1x1x8x8x128xf32, #tpu.memory_space<vmem>>
      %dma_wait3A_104 = tpu.memref_squeeze %dma_wait3A_103 : memref<1x1x8x8x128xf32, #tpu.memory_space<vmem>> -> memref<8x8x128xf32, #tpu.memory_space<vmem>>
      tpu.wait_dma2 semaphore(%dma_wait3A_94 : memref<!tpu.dma_semaphore, #tpu.memory_space<semaphore_mem>>) src(%dma_wait3A_104 : memref<8x8x128xf32, #tpu.memory_space<vmem>>) dst(%dma_wait3A_99 : memref<8x8x128xf32, #tpu.memory_space<hbm>>)
    } else {
    }
    %add3A_28 = arith.constant 1 : i32
    %add3A_29 = arith.addi %mul3A_2, %add3A_28 : i32
    %lt3A_30 = arith.constant 125 : i32
    %lt3A_31 = arith.cmpi slt, %add3A_29, %lt3A_30 : i32
    %convert_element_type3A_32 = arith.extui %lt3A_31 : i1 to i32
    %cond3A_33 = arith.constant 0 : i32
    %cond3A_34 = arith.cmpi ne, %convert_element_type3A_32, %cond3A_33 : i32
    scf.if %cond3A_34 {
      %add3A_77 = arith.constant 1 : i32
      %add3A_78 = arith.addi %mul3A_2, %add3A_77 : i32
      %dma_wait3A = arith.constant 0 : i32
      %dma_wait3A_79 = arith.constant 1 : i32
      %dma_wait3A_80 = arith.constant 48 : i32
      %dma_wait3A_81 = arith.constant 0 : i32
      %dma_wait3A_82 = arith.constant 1 : i32
      %dma_wait3A_83 = arith.constant 0 : i32
      %dma_wait3A_84 = arith.constant 0 : i32
      %dma_wait3A_85 = arith.constant 0 : i32
      %dma_wait3A_86 = tpu.memref_slice %arg6[%dma_wait3A, %dma_wait3A_79, %dma_wait3A_83, %dma_wait3A_84, %dma_wait3A_85] : memref<2x4x8x8x128xf32, #tpu.memory_space<vmem>> -> memref<1x1x8x8x128xf32, #tpu.memory_space<vmem>>
      %dma_wait3A_87 = tpu.memref_squeeze %dma_wait3A_86 : memref<1x1x8x8x128xf32, #tpu.memory_space<vmem>> -> memref<8x8x128xf32, #tpu.memory_space<vmem>>
      %dma_wait3A_88 = arith.constant 0 : i32
      %dma_wait3A_89 = arith.constant 0 : i32
      %dma_wait3A_90 = arith.constant 0 : i32
      %dma_wait3A_91 = tpu.memref_slice %arg4[%dma_wait3A_80, %add3A_78, %dma_wait3A_88, %dma_wait3A_89, %dma_wait3A_90] : memref<50x125x8x8x128xf32, #tpu.memory_space<hbm>> -> memref<1x1x8x8x128xf32, #tpu.memory_space<hbm>>
      %dma_wait3A_92 = tpu.memref_squeeze %dma_wait3A_91 : memref<1x1x8x8x128xf32, #tpu.memory_space<hbm>> -> memref<8x8x128xf32, #tpu.memory_space<hbm>>
      %dma_wait3A_93 = tpu.memref_slice %arg8[%dma_wait3A_81, %dma_wait3A_82] : memref<2x4x!tpu.dma_semaphore, #tpu.memory_space<semaphore_mem>> -> memref<1x1x!tpu.dma_semaphore, #tpu.memory_space<semaphore_mem>>
      %dma_wait3A_94 = tpu.memref_squeeze %dma_wait3A_93 : memref<1x1x!tpu.dma_semaphore, #tpu.memory_space<semaphore_mem>> -> memref<!tpu.dma_semaphore, #tpu.memory_space<semaphore_mem>>
      %dma_wait3A_95 = arith.constant 0 : i32
      %dma_wait3A_96 = arith.constant 0 : i32
      %dma_wait3A_97 = arith.constant 0 : i32
      %dma_wait3A_98 = tpu.memref_slice %arg4[%dma_wait3A_80, %add3A_78, %dma_wait3A_95, %dma_wait3A_96, %dma_wait3A_97] : memref<50x125x8x8x128xf32, #tpu.memory_space<hbm>> -> memref<1x1x8x8x128xf32, #tpu.memory_space<hbm>>
      %dma_wait3A_99 = tpu.memref_squeeze %dma_wait3A_98 : memref<1x1x8x8x128xf32, #tpu.memory_space<hbm>> -> memref<8x8x128xf32, #tpu.memory_space<hbm>>
      %dma_wait3A_100 = arith.constant 0 : i32
      %dma_wait3A_101 = arith.constant 0 : i32
      %dma_wait3A_102 = arith.constant 0 : i32
      %dma_wait3A_103 = tpu.memref_slice %arg6[%dma_wait3A, %dma_wait3A_79, %dma_wait3A_100, %dma_wait3A_101, %dma_wait3A_102] : memref<2x4x8x8x128xf32, #tpu.memory_space<vmem>> -> memref<1x1x8x8x128xf32, #tpu.memory_space<vmem>>
      %dma_wait3A_104 = tpu.memref_squeeze %dma_wait3A_103 : memref<1x1x8x8x128xf32, #tpu.memory_space<vmem>> -> memref<8x8x128xf32, #tpu.memory_space<vmem>>
      tpu.wait_dma2 semaphore(%dma_wait3A_94 : memref<!tpu.dma_semaphore, #tpu.memory_space<semaphore_mem>>) src(%dma_wait3A_104 : memref<8x8x128xf32, #tpu.memory_space<vmem>>) dst(%dma_wait3A_99 : memref<8x8x128xf32, #tpu.memory_space<hbm>>)
    } else {
    }
    %add3A_35 = arith.constant 2 : i32
    %add3A_36 = arith.addi %mul3A_2, %add3A_35 : i32
    %lt3A_37 = arith.constant 125 : i32
    %lt3A_38 = arith.cmpi slt, %add3A_36, %lt3A_37 : i32
    %convert_element_type3A_39 = arith.extui %lt3A_38 : i1 to i32
    %cond3A_40 = arith.constant 0 : i32
    %cond3A_41 = arith.cmpi ne, %convert_element_type3A_39, %cond3A_40 : i32
    scf.if %cond3A_41 {
      %add3A_77 = arith.constant 2 : i32
      %add3A_78 = arith.addi %mul3A_2, %add3A_77 : i32
      %dma_wait3A = arith.constant 0 : i32
      %dma_wait3A_79 = arith.constant 2 : i32
      %dma_wait3A_80 = arith.constant 48 : i32
      %dma_wait3A_81 = arith.constant 0 : i32
      %dma_wait3A_82 = arith.constant 2 : i32
      %dma_wait3A_83 = arith.constant 0 : i32
      %dma_wait3A_84 = arith.constant 0 : i32
      %dma_wait3A_85 = arith.constant 0 : i32
      %dma_wait3A_86 = tpu.memref_slice %arg6[%dma_wait3A, %dma_wait3A_79, %dma_wait3A_83, %dma_wait3A_84, %dma_wait3A_85] : memref<2x4x8x8x128xf32, #tpu.memory_space<vmem>> -> memref<1x1x8x8x128xf32, #tpu.memory_space<vmem>>
      %dma_wait3A_87 = tpu.memref_squeeze %dma_wait3A_86 : memref<1x1x8x8x128xf32, #tpu.memory_space<vmem>> -> memref<8x8x128xf32, #tpu.memory_space<vmem>>
      %dma_wait3A_88 = arith.constant 0 : i32
      %dma_wait3A_89 = arith.constant 0 : i32
      %dma_wait3A_90 = arith.constant 0 : i32
      %dma_wait3A_91 = tpu.memref_slice %arg4[%dma_wait3A_80, %add3A_78, %dma_wait3A_88, %dma_wait3A_89, %dma_wait3A_90] : memref<50x125x8x8x128xf32, #tpu.memory_space<hbm>> -> memref<1x1x8x8x128xf32, #tpu.memory_space<hbm>>
      %dma_wait3A_92 = tpu.memref_squeeze %dma_wait3A_91 : memref<1x1x8x8x128xf32, #tpu.memory_space<hbm>> -> memref<8x8x128xf32, #tpu.memory_space<hbm>>
      %dma_wait3A_93 = tpu.memref_slice %arg8[%dma_wait3A_81, %dma_wait3A_82] : memref<2x4x!tpu.dma_semaphore, #tpu.memory_space<semaphore_mem>> -> memref<1x1x!tpu.dma_semaphore, #tpu.memory_space<semaphore_mem>>
      %dma_wait3A_94 = tpu.memref_squeeze %dma_wait3A_93 : memref<1x1x!tpu.dma_semaphore, #tpu.memory_space<semaphore_mem>> -> memref<!tpu.dma_semaphore, #tpu.memory_space<semaphore_mem>>
      %dma_wait3A_95 = arith.constant 0 : i32
      %dma_wait3A_96 = arith.constant 0 : i32
      %dma_wait3A_97 = arith.constant 0 : i32
      %dma_wait3A_98 = tpu.memref_slice %arg4[%dma_wait3A_80, %add3A_78, %dma_wait3A_95, %dma_wait3A_96, %dma_wait3A_97] : memref<50x125x8x8x128xf32, #tpu.memory_space<hbm>> -> memref<1x1x8x8x128xf32, #tpu.memory_space<hbm>>
      %dma_wait3A_99 = tpu.memref_squeeze %dma_wait3A_98 : memref<1x1x8x8x128xf32, #tpu.memory_space<hbm>> -> memref<8x8x128xf32, #tpu.memory_space<hbm>>
      %dma_wait3A_100 = arith.constant 0 : i32
      %dma_wait3A_101 = arith.constant 0 : i32
      %dma_wait3A_102 = arith.constant 0 : i32
      %dma_wait3A_103 = tpu.memref_slice %arg6[%dma_wait3A, %dma_wait3A_79, %dma_wait3A_100, %dma_wait3A_101, %dma_wait3A_102] : memref<2x4x8x8x128xf32, #tpu.memory_space<vmem>> -> memref<1x1x8x8x128xf32, #tpu.memory_space<vmem>>
      %dma_wait3A_104 = tpu.memref_squeeze %dma_wait3A_103 : memref<1x1x8x8x128xf32, #tpu.memory_space<vmem>> -> memref<8x8x128xf32, #tpu.memory_space<vmem>>
      tpu.wait_dma2 semaphore(%dma_wait3A_94 : memref<!tpu.dma_semaphore, #tpu.memory_space<semaphore_mem>>) src(%dma_wait3A_104 : memref<8x8x128xf32, #tpu.memory_space<vmem>>) dst(%dma_wait3A_99 : memref<8x8x128xf32, #tpu.memory_space<hbm>>)
    } else {
    }
    %add3A_42 = arith.constant 3 : i32
    %add3A_43 = arith.addi %mul3A_2, %add3A_42 : i32
    %lt3A_44 = arith.constant 125 : i32
    %lt3A_45 = arith.cmpi slt, %add3A_43, %lt3A_44 : i32
    %convert_element_type3A_46 = arith.extui %lt3A_45 : i1 to i32
    %cond3A_47 = arith.constant 0 : i32
    %cond3A_48 = arith.cmpi ne, %convert_element_type3A_46, %cond3A_47 : i32
    scf.if %cond3A_48 {
      %add3A_77 = arith.constant 3 : i32
      %add3A_78 = arith.addi %mul3A_2, %add3A_77 : i32
      %dma_wait3A = arith.constant 0 : i32
      %dma_wait3A_79 = arith.constant 3 : i32
      %dma_wait3A_80 = arith.constant 48 : i32
      %dma_wait3A_81 = arith.constant 0 : i32
      %dma_wait3A_82 = arith.constant 3 : i32
      %dma_wait3A_83 = arith.constant 0 : i32
      %dma_wait3A_84 = arith.constant 0 : i32
      %dma_wait3A_85 = arith.constant 0 : i32
      %dma_wait3A_86 = tpu.memref_slice %arg6[%dma_wait3A, %dma_wait3A_79, %dma_wait3A_83, %dma_wait3A_84, %dma_wait3A_85] : memref<2x4x8x8x128xf32, #tpu.memory_space<vmem>> -> memref<1x1x8x8x128xf32, #tpu.memory_space<vmem>>
      %dma_wait3A_87 = tpu.memref_squeeze %dma_wait3A_86 : memref<1x1x8x8x128xf32, #tpu.memory_space<vmem>> -> memref<8x8x128xf32, #tpu.memory_space<vmem>>
      %dma_wait3A_88 = arith.constant 0 : i32
      %dma_wait3A_89 = arith.constant 0 : i32
      %dma_wait3A_90 = arith.constant 0 : i32
      %dma_wait3A_91 = tpu.memref_slice %arg4[%dma_wait3A_80, %add3A_78, %dma_wait3A_88, %dma_wait3A_89, %dma_wait3A_90] : memref<50x125x8x8x128xf32, #tpu.memory_space<hbm>> -> memref<1x1x8x8x128xf32, #tpu.memory_space<hbm>>
      %dma_wait3A_92 = tpu.memref_squeeze %dma_wait3A_91 : memref<1x1x8x8x128xf32, #tpu.memory_space<hbm>> -> memref<8x8x128xf32, #tpu.memory_space<hbm>>
      %dma_wait3A_93 = tpu.memref_slice %arg8[%dma_wait3A_81, %dma_wait3A_82] : memref<2x4x!tpu.dma_semaphore, #tpu.memory_space<semaphore_mem>> -> memref<1x1x!tpu.dma_semaphore, #tpu.memory_space<semaphore_mem>>
      %dma_wait3A_94 = tpu.memref_squeeze %dma_wait3A_93 : memref<1x1x!tpu.dma_semaphore, #tpu.memory_space<semaphore_mem>> -> memref<!tpu.dma_semaphore, #tpu.memory_space<semaphore_mem>>
      %dma_wait3A_95 = arith.constant 0 : i32
      %dma_wait3A_96 = arith.constant 0 : i32
      %dma_wait3A_97 = arith.constant 0 : i32
      %dma_wait3A_98 = tpu.memref_slice %arg4[%dma_wait3A_80, %add3A_78, %dma_wait3A_95, %dma_wait3A_96, %dma_wait3A_97] : memref<50x125x8x8x128xf32, #tpu.memory_space<hbm>> -> memref<1x1x8x8x128xf32, #tpu.memory_space<hbm>>
      %dma_wait3A_99 = tpu.memref_squeeze %dma_wait3A_98 : memref<1x1x8x8x128xf32, #tpu.memory_space<hbm>> -> memref<8x8x128xf32, #tpu.memory_space<hbm>>
      %dma_wait3A_100 = arith.constant 0 : i32
      %dma_wait3A_101 = arith.constant 0 : i32
      %dma_wait3A_102 = arith.constant 0 : i32
      %dma_wait3A_103 = tpu.memref_slice %arg6[%dma_wait3A, %dma_wait3A_79, %dma_wait3A_100, %dma_wait3A_101, %dma_wait3A_102] : memref<2x4x8x8x128xf32, #tpu.memory_space<vmem>> -> memref<1x1x8x8x128xf32, #tpu.memory_space<vmem>>
      %dma_wait3A_104 = tpu.memref_squeeze %dma_wait3A_103 : memref<1x1x8x8x128xf32, #tpu.memory_space<vmem>> -> memref<8x8x128xf32, #tpu.memory_space<vmem>>
      tpu.wait_dma2 semaphore(%dma_wait3A_94 : memref<!tpu.dma_semaphore, #tpu.memory_space<semaphore_mem>>) src(%dma_wait3A_104 : memref<8x8x128xf32, #tpu.memory_space<vmem>>) dst(%dma_wait3A_99 : memref<8x8x128xf32, #tpu.memory_space<hbm>>)
    } else {
    }
    %add3A_49 = arith.constant 0 : i32
    %add3A_50 = arith.addi %mul3A_2, %add3A_49 : i32
    %lt3A_51 = arith.constant 125 : i32
    %lt3A_52 = arith.cmpi slt, %add3A_50, %lt3A_51 : i32
    %convert_element_type3A_53 = arith.extui %lt3A_52 : i1 to i32
    %cond3A_54 = arith.constant 0 : i32
    %cond3A_55 = arith.cmpi ne, %convert_element_type3A_53, %cond3A_54 : i32
    scf.if %cond3A_55 {
      %add3A_77 = arith.constant 0 : i32
      %add3A_78 = arith.addi %mul3A_2, %add3A_77 : i32
      %dma_wait3A = arith.constant 1 : i32
      %dma_wait3A_79 = arith.constant 0 : i32
      %dma_wait3A_80 = arith.constant 49 : i32
      %dma_wait3A_81 = arith.constant 1 : i32
      %dma_wait3A_82 = arith.constant 0 : i32
      %dma_wait3A_83 = arith.constant 0 : i32
      %dma_wait3A_84 = arith.constant 0 : i32
      %dma_wait3A_85 = arith.constant 0 : i32
      %dma_wait3A_86 = tpu.memref_slice %arg6[%dma_wait3A, %dma_wait3A_79, %dma_wait3A_83, %dma_wait3A_84, %dma_wait3A_85] : memref<2x4x8x8x128xf32, #tpu.memory_space<vmem>> -> memref<1x1x8x8x128xf32, #tpu.memory_space<vmem>>
      %dma_wait3A_87 = tpu.memref_squeeze %dma_wait3A_86 : memref<1x1x8x8x128xf32, #tpu.memory_space<vmem>> -> memref<8x8x128xf32, #tpu.memory_space<vmem>>
      %dma_wait3A_88 = arith.constant 0 : i32
      %dma_wait3A_89 = arith.constant 0 : i32
      %dma_wait3A_90 = arith.constant 0 : i32
      %dma_wait3A_91 = tpu.memref_slice %arg4[%dma_wait3A_80, %add3A_78, %dma_wait3A_88, %dma_wait3A_89, %dma_wait3A_90] : memref<50x125x8x8x128xf32, #tpu.memory_space<hbm>> -> memref<1x1x8x8x128xf32, #tpu.memory_space<hbm>>
      %dma_wait3A_92 = tpu.memref_squeeze %dma_wait3A_91 : memref<1x1x8x8x128xf32, #tpu.memory_space<hbm>> -> memref<8x8x128xf32, #tpu.memory_space<hbm>>
      %dma_wait3A_93 = tpu.memref_slice %arg8[%dma_wait3A_81, %dma_wait3A_82] : memref<2x4x!tpu.dma_semaphore, #tpu.memory_space<semaphore_mem>> -> memref<1x1x!tpu.dma_semaphore, #tpu.memory_space<semaphore_mem>>
      %dma_wait3A_94 = tpu.memref_squeeze %dma_wait3A_93 : memref<1x1x!tpu.dma_semaphore, #tpu.memory_space<semaphore_mem>> -> memref<!tpu.dma_semaphore, #tpu.memory_space<semaphore_mem>>
      %dma_wait3A_95 = arith.constant 0 : i32
      %dma_wait3A_96 = arith.constant 0 : i32
      %dma_wait3A_97 = arith.constant 0 : i32
      %dma_wait3A_98 = tpu.memref_slice %arg4[%dma_wait3A_80, %add3A_78, %dma_wait3A_95, %dma_wait3A_96, %dma_wait3A_97] : memref<50x125x8x8x128xf32, #tpu.memory_space<hbm>> -> memref<1x1x8x8x128xf32, #tpu.memory_space<hbm>>
      %dma_wait3A_99 = tpu.memref_squeeze %dma_wait3A_98 : memref<1x1x8x8x128xf32, #tpu.memory_space<hbm>> -> memref<8x8x128xf32, #tpu.memory_space<hbm>>
      %dma_wait3A_100 = arith.constant 0 : i32
      %dma_wait3A_101 = arith.constant 0 : i32
      %dma_wait3A_102 = arith.constant 0 : i32
      %dma_wait3A_103 = tpu.memref_slice %arg6[%dma_wait3A, %dma_wait3A_79, %dma_wait3A_100, %dma_wait3A_101, %dma_wait3A_102] : memref<2x4x8x8x128xf32, #tpu.memory_space<vmem>> -> memref<1x1x8x8x128xf32, #tpu.memory_space<vmem>>
      %dma_wait3A_104 = tpu.memref_squeeze %dma_wait3A_103 : memref<1x1x8x8x128xf32, #tpu.memory_space<vmem>> -> memref<8x8x128xf32, #tpu.memory_space<vmem>>
      tpu.wait_dma2 semaphore(%dma_wait3A_94 : memref<!tpu.dma_semaphore, #tpu.memory_space<semaphore_mem>>) src(%dma_wait3A_104 : memref<8x8x128xf32, #tpu.memory_space<vmem>>) dst(%dma_wait3A_99 : memref<8x8x128xf32, #tpu.memory_space<hbm>>)
    } else {
    }
    %add3A_56 = arith.constant 1 : i32
    %add3A_57 = arith.addi %mul3A_2, %add3A_56 : i32
    %lt3A_58 = arith.constant 125 : i32
    %lt3A_59 = arith.cmpi slt, %add3A_57, %lt3A_58 : i32
    %convert_element_type3A_60 = arith.extui %lt3A_59 : i1 to i32
    %cond3A_61 = arith.constant 0 : i32
    %cond3A_62 = arith.cmpi ne, %convert_element_type3A_60, %cond3A_61 : i32
    scf.if %cond3A_62 {
      %add3A_77 = arith.constant 1 : i32
      %add3A_78 = arith.addi %mul3A_2, %add3A_77 : i32
      %dma_wait3A = arith.constant 1 : i32
      %dma_wait3A_79 = arith.constant 1 : i32
      %dma_wait3A_80 = arith.constant 49 : i32
      %dma_wait3A_81 = arith.constant 1 : i32
      %dma_wait3A_82 = arith.constant 1 : i32
      %dma_wait3A_83 = arith.constant 0 : i32
      %dma_wait3A_84 = arith.constant 0 : i32
      %dma_wait3A_85 = arith.constant 0 : i32
      %dma_wait3A_86 = tpu.memref_slice %arg6[%dma_wait3A, %dma_wait3A_79, %dma_wait3A_83, %dma_wait3A_84, %dma_wait3A_85] : memref<2x4x8x8x128xf32, #tpu.memory_space<vmem>> -> memref<1x1x8x8x128xf32, #tpu.memory_space<vmem>>
      %dma_wait3A_87 = tpu.memref_squeeze %dma_wait3A_86 : memref<1x1x8x8x128xf32, #tpu.memory_space<vmem>> -> memref<8x8x128xf32, #tpu.memory_space<vmem>>
      %dma_wait3A_88 = arith.constant 0 : i32
      %dma_wait3A_89 = arith.constant 0 : i32
      %dma_wait3A_90 = arith.constant 0 : i32
      %dma_wait3A_91 = tpu.memref_slice %arg4[%dma_wait3A_80, %add3A_78, %dma_wait3A_88, %dma_wait3A_89, %dma_wait3A_90] : memref<50x125x8x8x128xf32, #tpu.memory_space<hbm>> -> memref<1x1x8x8x128xf32, #tpu.memory_space<hbm>>
      %dma_wait3A_92 = tpu.memref_squeeze %dma_wait3A_91 : memref<1x1x8x8x128xf32, #tpu.memory_space<hbm>> -> memref<8x8x128xf32, #tpu.memory_space<hbm>>
      %dma_wait3A_93 = tpu.memref_slice %arg8[%dma_wait3A_81, %dma_wait3A_82] : memref<2x4x!tpu.dma_semaphore, #tpu.memory_space<semaphore_mem>> -> memref<1x1x!tpu.dma_semaphore, #tpu.memory_space<semaphore_mem>>
      %dma_wait3A_94 = tpu.memref_squeeze %dma_wait3A_93 : memref<1x1x!tpu.dma_semaphore, #tpu.memory_space<semaphore_mem>> -> memref<!tpu.dma_semaphore, #tpu.memory_space<semaphore_mem>>
      %dma_wait3A_95 = arith.constant 0 : i32
      %dma_wait3A_96 = arith.constant 0 : i32
      %dma_wait3A_97 = arith.constant 0 : i32
      %dma_wait3A_98 = tpu.memref_slice %arg4[%dma_wait3A_80, %add3A_78, %dma_wait3A_95, %dma_wait3A_96, %dma_wait3A_97] : memref<50x125x8x8x128xf32, #tpu.memory_space<hbm>> -> memref<1x1x8x8x128xf32, #tpu.memory_space<hbm>>
      %dma_wait3A_99 = tpu.memref_squeeze %dma_wait3A_98 : memref<1x1x8x8x128xf32, #tpu.memory_space<hbm>> -> memref<8x8x128xf32, #tpu.memory_space<hbm>>
      %dma_wait3A_100 = arith.constant 0 : i32
      %dma_wait3A_101 = arith.constant 0 : i32
      %dma_wait3A_102 = arith.constant 0 : i32
      %dma_wait3A_103 = tpu.memref_slice %arg6[%dma_wait3A, %dma_wait3A_79, %dma_wait3A_100, %dma_wait3A_101, %dma_wait3A_102] : memref<2x4x8x8x128xf32, #tpu.memory_space<vmem>> -> memref<1x1x8x8x128xf32, #tpu.memory_space<vmem>>
      %dma_wait3A_104 = tpu.memref_squeeze %dma_wait3A_103 : memref<1x1x8x8x128xf32, #tpu.memory_space<vmem>> -> memref<8x8x128xf32, #tpu.memory_space<vmem>>
      tpu.wait_dma2 semaphore(%dma_wait3A_94 : memref<!tpu.dma_semaphore, #tpu.memory_space<semaphore_mem>>) src(%dma_wait3A_104 : memref<8x8x128xf32, #tpu.memory_space<vmem>>) dst(%dma_wait3A_99 : memref<8x8x128xf32, #tpu.memory_space<hbm>>)
    } else {
    }
    %add3A_63 = arith.constant 2 : i32
    %add3A_64 = arith.addi %mul3A_2, %add3A_63 : i32
    %lt3A_65 = arith.constant 125 : i32
    %lt3A_66 = arith.cmpi slt, %add3A_64, %lt3A_65 : i32
    %convert_element_type3A_67 = arith.extui %lt3A_66 : i1 to i32
    %cond3A_68 = arith.constant 0 : i32
    %cond3A_69 = arith.cmpi ne, %convert_element_type3A_67, %cond3A_68 : i32
    scf.if %cond3A_69 {
      %add3A_77 = arith.constant 2 : i32
      %add3A_78 = arith.addi %mul3A_2, %add3A_77 : i32
      %dma_wait3A = arith.constant 1 : i32
      %dma_wait3A_79 = arith.constant 2 : i32
      %dma_wait3A_80 = arith.constant 49 : i32
      %dma_wait3A_81 = arith.constant 1 : i32
      %dma_wait3A_82 = arith.constant 2 : i32
      %dma_wait3A_83 = arith.constant 0 : i32
      %dma_wait3A_84 = arith.constant 0 : i32
      %dma_wait3A_85 = arith.constant 0 : i32
      %dma_wait3A_86 = tpu.memref_slice %arg6[%dma_wait3A, %dma_wait3A_79, %dma_wait3A_83, %dma_wait3A_84, %dma_wait3A_85] : memref<2x4x8x8x128xf32, #tpu.memory_space<vmem>> -> memref<1x1x8x8x128xf32, #tpu.memory_space<vmem>>
      %dma_wait3A_87 = tpu.memref_squeeze %dma_wait3A_86 : memref<1x1x8x8x128xf32, #tpu.memory_space<vmem>> -> memref<8x8x128xf32, #tpu.memory_space<vmem>>
      %dma_wait3A_88 = arith.constant 0 : i32
      %dma_wait3A_89 = arith.constant 0 : i32
      %dma_wait3A_90 = arith.constant 0 : i32
      %dma_wait3A_91 = tpu.memref_slice %arg4[%dma_wait3A_80, %add3A_78, %dma_wait3A_88, %dma_wait3A_89, %dma_wait3A_90] : memref<50x125x8x8x128xf32, #tpu.memory_space<hbm>> -> memref<1x1x8x8x128xf32, #tpu.memory_space<hbm>>
      %dma_wait3A_92 = tpu.memref_squeeze %dma_wait3A_91 : memref<1x1x8x8x128xf32, #tpu.memory_space<hbm>> -> memref<8x8x128xf32, #tpu.memory_space<hbm>>
      %dma_wait3A_93 = tpu.memref_slice %arg8[%dma_wait3A_81, %dma_wait3A_82] : memref<2x4x!tpu.dma_semaphore, #tpu.memory_space<semaphore_mem>> -> memref<1x1x!tpu.dma_semaphore, #tpu.memory_space<semaphore_mem>>
      %dma_wait3A_94 = tpu.memref_squeeze %dma_wait3A_93 : memref<1x1x!tpu.dma_semaphore, #tpu.memory_space<semaphore_mem>> -> memref<!tpu.dma_semaphore, #tpu.memory_space<semaphore_mem>>
      %dma_wait3A_95 = arith.constant 0 : i32
      %dma_wait3A_96 = arith.constant 0 : i32
      %dma_wait3A_97 = arith.constant 0 : i32
      %dma_wait3A_98 = tpu.memref_slice %arg4[%dma_wait3A_80, %add3A_78, %dma_wait3A_95, %dma_wait3A_96, %dma_wait3A_97] : memref<50x125x8x8x128xf32, #tpu.memory_space<hbm>> -> memref<1x1x8x8x128xf32, #tpu.memory_space<hbm>>
      %dma_wait3A_99 = tpu.memref_squeeze %dma_wait3A_98 : memref<1x1x8x8x128xf32, #tpu.memory_space<hbm>> -> memref<8x8x128xf32, #tpu.memory_space<hbm>>
      %dma_wait3A_100 = arith.constant 0 : i32
      %dma_wait3A_101 = arith.constant 0 : i32
      %dma_wait3A_102 = arith.constant 0 : i32
      %dma_wait3A_103 = tpu.memref_slice %arg6[%dma_wait3A, %dma_wait3A_79, %dma_wait3A_100, %dma_wait3A_101, %dma_wait3A_102] : memref<2x4x8x8x128xf32, #tpu.memory_space<vmem>> -> memref<1x1x8x8x128xf32, #tpu.memory_space<vmem>>
      %dma_wait3A_104 = tpu.memref_squeeze %dma_wait3A_103 : memref<1x1x8x8x128xf32, #tpu.memory_space<vmem>> -> memref<8x8x128xf32, #tpu.memory_space<vmem>>
      tpu.wait_dma2 semaphore(%dma_wait3A_94 : memref<!tpu.dma_semaphore, #tpu.memory_space<semaphore_mem>>) src(%dma_wait3A_104 : memref<8x8x128xf32, #tpu.memory_space<vmem>>) dst(%dma_wait3A_99 : memref<8x8x128xf32, #tpu.memory_space<hbm>>)
    } else {
    }
    %add3A_70 = arith.constant 3 : i32
    %add3A_71 = arith.addi %mul3A_2, %add3A_70 : i32
    %lt3A_72 = arith.constant 125 : i32
    %lt3A_73 = arith.cmpi slt, %add3A_71, %lt3A_72 : i32
    %convert_element_type3A_74 = arith.extui %lt3A_73 : i1 to i32
    %cond3A_75 = arith.constant 0 : i32
    %cond3A_76 = arith.cmpi ne, %convert_element_type3A_74, %cond3A_75 : i32
    scf.if %cond3A_76 {
      %add3A_77 = arith.constant 3 : i32
      %add3A_78 = arith.addi %mul3A_2, %add3A_77 : i32
      %dma_wait3A = arith.constant 1 : i32
      %dma_wait3A_79 = arith.constant 3 : i32
      %dma_wait3A_80 = arith.constant 49 : i32
      %dma_wait3A_81 = arith.constant 1 : i32
      %dma_wait3A_82 = arith.constant 3 : i32
      %dma_wait3A_83 = arith.constant 0 : i32
      %dma_wait3A_84 = arith.constant 0 : i32
      %dma_wait3A_85 = arith.constant 0 : i32
      %dma_wait3A_86 = tpu.memref_slice %arg6[%dma_wait3A, %dma_wait3A_79, %dma_wait3A_83, %dma_wait3A_84, %dma_wait3A_85] : memref<2x4x8x8x128xf32, #tpu.memory_space<vmem>> -> memref<1x1x8x8x128xf32, #tpu.memory_space<vmem>>
      %dma_wait3A_87 = tpu.memref_squeeze %dma_wait3A_86 : memref<1x1x8x8x128xf32, #tpu.memory_space<vmem>> -> memref<8x8x128xf32, #tpu.memory_space<vmem>>
      %dma_wait3A_88 = arith.constant 0 : i32
      %dma_wait3A_89 = arith.constant 0 : i32
      %dma_wait3A_90 = arith.constant 0 : i32
      %dma_wait3A_91 = tpu.memref_slice %arg4[%dma_wait3A_80, %add3A_78, %dma_wait3A_88, %dma_wait3A_89, %dma_wait3A_90] : memref<50x125x8x8x128xf32, #tpu.memory_space<hbm>> -> memref<1x1x8x8x128xf32, #tpu.memory_space<hbm>>
      %dma_wait3A_92 = tpu.memref_squeeze %dma_wait3A_91 : memref<1x1x8x8x128xf32, #tpu.memory_space<hbm>> -> memref<8x8x128xf32, #tpu.memory_space<hbm>>
      %dma_wait3A_93 = tpu.memref_slice %arg8[%dma_wait3A_81, %dma_wait3A_82] : memref<2x4x!tpu.dma_semaphore, #tpu.memory_space<semaphore_mem>> -> memref<1x1x!tpu.dma_semaphore, #tpu.memory_space<semaphore_mem>>
      %dma_wait3A_94 = tpu.memref_squeeze %dma_wait3A_93 : memref<1x1x!tpu.dma_semaphore, #tpu.memory_space<semaphore_mem>> -> memref<!tpu.dma_semaphore, #tpu.memory_space<semaphore_mem>>
      %dma_wait3A_95 = arith.constant 0 : i32
      %dma_wait3A_96 = arith.constant 0 : i32
      %dma_wait3A_97 = arith.constant 0 : i32
      %dma_wait3A_98 = tpu.memref_slice %arg4[%dma_wait3A_80, %add3A_78, %dma_wait3A_95, %dma_wait3A_96, %dma_wait3A_97] : memref<50x125x8x8x128xf32, #tpu.memory_space<hbm>> -> memref<1x1x8x8x128xf32, #tpu.memory_space<hbm>>
      %dma_wait3A_99 = tpu.memref_squeeze %dma_wait3A_98 : memref<1x1x8x8x128xf32, #tpu.memory_space<hbm>> -> memref<8x8x128xf32, #tpu.memory_space<hbm>>
      %dma_wait3A_100 = arith.constant 0 : i32
      %dma_wait3A_101 = arith.constant 0 : i32
      %dma_wait3A_102 = arith.constant 0 : i32
      %dma_wait3A_103 = tpu.memref_slice %arg6[%dma_wait3A, %dma_wait3A_79, %dma_wait3A_100, %dma_wait3A_101, %dma_wait3A_102] : memref<2x4x8x8x128xf32, #tpu.memory_space<vmem>> -> memref<1x1x8x8x128xf32, #tpu.memory_space<vmem>>
      %dma_wait3A_104 = tpu.memref_squeeze %dma_wait3A_103 : memref<1x1x8x8x128xf32, #tpu.memory_space<vmem>> -> memref<8x8x128xf32, #tpu.memory_space<vmem>>
      tpu.wait_dma2 semaphore(%dma_wait3A_94 : memref<!tpu.dma_semaphore, #tpu.memory_space<semaphore_mem>>) src(%dma_wait3A_104 : memref<8x8x128xf32, #tpu.memory_space<vmem>>) dst(%dma_wait3A_99 : memref<8x8x128xf32, #tpu.memory_space<hbm>>)
    } else {
    }
    return
  }
}

</mosaic_0001>

<sc_bundles>
// kernel: kernel.3.cloned.1.call-start
scs
__scs_entry_jumppad:
0x0: {  	(pc) =	sbr.rel $0x88, $3  }
0x1: {  	(tag) =	ssettag $0x0;
	lr =	simm.s32 $0x1  }
0x2: {  	[smem:$0x3F9F] =	sst lr;
	_ =	strace $0xD0000000  }
0x3: {  	_ = 	snop  }
0x4: {  	_ = 	snop  }
0x5: {  	_ = 	snop  }
0x6: {  	_ = 	snop  }
0x7: {  	_ = 	snop  }
__scs_overlays_trampoline_lowered:
0x8: {  	[smem:$0x3FAE] =	sst s0  }
0x9: {  	[smem:$0x3FAF] =	sst s1  }
0xa: {  	[smem:$0x3FB0] =	sst s2  }
0xb: {  	[smem:$0x3FB1] =	sst s3  }
0xc: {  	[smem:$0x3FB2] =	sst s4  }
0xd: {  	[smem:$0x3FB3] =	sst s5  }
0xe: {  	[smem:$0x3FB4] =	sst s6  }
0xf: {  	[smem:$0x3FB5] =	sst s7  }
0x10: {  	[smem:$0x3FB6] =	sst s8  }
0x11: {  	[smem:$0x3FB7] =	sst s9;
	s0 =	simm.s32 @!p0 $0x0  }
0x12: {  	s1 =	sld [smem:$0x3F9D];
	s0 =	simm.s32 @p0 $0x1  }
0x13: {  	[smem:$0x3FB8] =	sst s0;
	s0 =	simm.s32 @!p1 $0x0  }
0x14: {  	s2 =	sld [smem:$0x3F9C];
	s0 =	simm.s32 @p1 $0x1  }
0x15: {  	[smem:$0x3FB9] =	sst s0;
	s0 =	simm.s32 @!p2 $0x0  }
0x16: {  	s3 =	sld [smem:$0x3FDB];
	s0 =	simm.s32 @p2 $0x1  }
0x17: {  	s4 =	simm.s32 $0x1BF5;
	[smem:$0x3FBB] =	sst s0  }
0x18: {  	s0 =	sld [smem:$0x3F9E];
	_ =	swait.ge [sflag:s4], $0x0  }
0x19: {  	s7 =	sld [smem:$0x3F9F]  }
0x1a: {  	s8 =	sadd.s32 $0xFFFFE003, lr  }
0x1b: {  	s9 =	sadd.s32 $0xFFFFFEF7, lr;
	s5 =	simm.s32 $0xFFFFFFFF;
	p2 =	slt.u32 s8, $0xFFFFF086  }
0x1c: {  	p1 =	slt.u32 s9, $0xF7A;
	s5 =	simm.s32 @!p2 $0x0  }
0x1d: {  	s5 =	simm.s32 @p1 $0x1;
	p0 =	seq.s32 s7, s2  }
0x1e: {  	s7 =	smul.u32 @!p0 $0xF7A, s2;
	p2 =	seq.s32 @!p0 s5, $0x0  }
0x1f: {  	s9 =	smul.u32 $0xF7A, s1;
	s8 =	simm.s32 @!p0 $0x1BF5;
	p2 =	por !p2, p0  }
0x20: {  	[sflag:s8] =	ssyncset.s32 @!p0 $0xFFFFF086;
	s6 =	sadd.s32 @!p0 s3, s7;
	s7 =	simm.s32 @!p0 $0x108  }
0x21: {  	s3 =	sadd.s32 s3, s9;
	s6 =	sadd.s32 @!p0 $0x88, s6;
	s7 =	simm.s32 @p2 $0x1082  }
0x22: {  	[simem:s7], [sflag:s8] =	dma.local @!p0 [hbm:s6], $0xF7A  }
0x23: {  	s9 =	sor.u32 $0xD0000000, s2;
	s6 =	simm.s32 $0x108;
	_ =	swait.ge @!p0 [sflag:s8], $0x0  }
0x24: {  	s3 =	sadd.s32 $0x88, s3;
	s6 =	simm.s32 @!p1 $0x1082;
	[sflag:s4] =	ssyncset.s32 $0xFFFFF086  }
0x25: {  	[simem:s6], [sflag:s4] =	dma.local [hbm:s3], $0xF7A  }
0x26: {  	[smem:$0x3F9F] =	sst s1;
	(tag) =	ssettag s2;
	_ =	strace s9  }
0x27: {  	s1 =	sld [smem:$0x3FAF]  }
0x28: {  	s2 =	sld [smem:$0x3FB0]  }
0x29: {  	s4 =	sld [smem:$0x3FB2]  }
0x2a: {  	p0 =	seq.s32 s5, $0x0;
	s5 =	sld [smem:$0x3FB3]  }
0x2b: {  	s6 =	sld [smem:$0x3FB4]  }
0x2c: {  	s7 =	sld [smem:$0x3FB5]  }
0x2d: {  	s3 =	simm.s32 $0x108;
	s8 =	sld [smem:$0x3FB6]  }
0x2e: {  	s3 =	simm.s32 @!p0 $0x1082;
	s9 =	sld [smem:$0x3FB7]  }
0x2f: {  	lr =	sadd.s32 s0, s3;
	s0 =	sld [smem:$0x3FAE]  }
0x30: {  	s3 =	sld [smem:$0x3FB1]  }
0x31: {  	[smem:$0x3FBA] =	sst s10  }
0x32: {  	s10 =	sld [smem:$0x3FB8];
	_ =	sdelay $0x3  }
0x33: {  	p0 =	seq.s32 s10, $0x1;
	s10 =	sld [smem:$0x3FBA];
	_ =	sdelay $0x3  }
0x34: {  	[smem:$0x3FBA] =	sst s10  }
0x35: {  	s10 =	sld [smem:$0x3FB9];
	_ =	sdelay $0x3  }
0x36: {  	p1 =	seq.s32 s10, $0x1;
	s10 =	sld [smem:$0x3FBA];
	_ =	sdelay $0x3  }
0x37: {  	[smem:$0x3FBA] =	sst s10  }
0x38: {  	s10 =	sld [smem:$0x3FBB]  }
0x39: {  	_ = 	snop;
	(pc) =	sbr.ind lr, $3  }
0x3a: {  	_ = 	snop  }
0x3b: {  	_ = 	snop  }
0x3c: {  	p2 =	seq.s32 s10, $0x1;
	s10 =	sld [smem:$0x3FBA]  }
0x3d: {  	_ =	shalt  }
0x3e: {  	_ =	shalt  }
0x3f: {  	_ =	shalt  }
0x40: {  	_ =	shalt  }
0x41: {  	_ =	shalt  }
0x42: {  	_ =	shalt  }
0x43: {  	_ =	shalt  }
0x44: {  	_ =	shalt  }
0x45: {  	_ =	shalt  }
0x46: {  	_ =	shalt  }
0x47: {  	_ =	shalt  }
0x48: {  	_ =	shalt  }
0x49: {  	_ =	shalt  }
0x4a: {  	_ =	shalt  }
0x4b: {  	_ =	shalt  }
0x4c: {  	_ =	shalt  }
0x4d: {  	_ =	shalt  }
0x4e: {  	_ =	shalt  }
0x4f: {  	_ =	shalt  }
0x50: {  	_ =	shalt  }
0x51: {  	_ =	shalt  }
0x52: {  	_ =	shalt  }
0x53: {  	_ =	shalt  }
0x54: {  	_ =	shalt  }
0x55: {  	_ =	shalt  }
0x56: {  	_ =	shalt  }
0x57: {  	_ =	shalt  }
0x58: {  	_ =	shalt  }
0x59: {  	_ =	shalt  }
0x5a: {  	_ =	shalt  }
0x5b: {  	_ =	shalt  }
0x5c: {  	_ =	shalt  }
0x5d: {  	_ =	shalt  }
0x5e: {  	_ =	shalt  }
0x5f: {  	_ =	shalt  }
0x60: {  	_ =	shalt  }
0x61: {  	_ =	shalt  }
0x62: {  	_ =	shalt  }
0x63: {  	_ =	shalt  }
0x64: {  	_ =	shalt  }
0x65: {  	_ =	shalt  }
0x66: {  	_ =	shalt  }
0x67: {  	_ =	shalt  }
0x68: {  	_ =	shalt  }
0x69: {  	_ =	shalt  }
0x6a: {  	_ =	shalt  }
0x6b: {  	_ =	shalt  }
0x6c: {  	_ =	shalt  }
0x6d: {  	_ =	shalt  }
0x6e: {  	_ =	shalt  }
0x6f: {  	_ =	shalt  }
0x70: {  	_ =	shalt  }
0x71: {  	_ =	shalt  }
0x72: {  	_ =	shalt  }
0x73: {  	_ =	shalt  }
0x74: {  	_ =	shalt  }
0x75: {  	_ =	shalt  }
0x76: {  	_ =	shalt  }
0x77: {  	_ =	shalt  }
0x78: {  	_ =	shalt  }
0x79: {  	_ =	shalt  }
0x7a: {  	_ =	shalt  }
0x7b: {  	_ =	shalt  }
0x7c: {  	_ =	shalt  }
0x7d: {  	_ =	shalt  }
0x7e: {  	_ =	shalt  }
0x7f: {  	_ =	shalt  }
0x80: {  	_ =	shalt  }
0x81: {  	_ =	shalt  }
0x82: {  	_ =	shalt  }
0x83: {  	_ =	shalt  }
0x84: {  	_ =	shalt  }
0x85: {  	_ =	shalt  }
0x86: {  	_ =	shalt  }
0x87: {  	_ =	shalt  }
.Lfunc_end0:
.L_simem_size_0:
called_computation_lowered:
.L_overlay_start_0:
0x88: {  	s2 =	sld [smem:$0x3FD9]  }
0x89: {  	s3 =	sld [smem:$0x3FFE];
	_ =	sdelay $0x1  }
0x8a: {  	s1 =	srdreg.scid  }
0x8b: {  	s0 =	sand.u32 $0x1, s1  }
0x8c: {  	s17 =	sshll.u32 s0, $0xA;
	s2 =	sadd.s32 s3, s2  }
0x8d: {  	s2 =	sadd.s32 s2, s17  }
0x8e: {  	[smem:$0x3FC6] =	sst s2  }
0x8f: {  	_ = 	snop  }
0x90: {  	s2 =	sld [smem:$0x3FD0];
	(tm) =	ssettm $0x1  }
0x91: {  	s18 =	sld [smem:$0x3FFB];
	_ =	sdelay $0x3  }
0x92: {  	_ =	strace s18  }
0x93: {  	s3 =	sld [smem:$0x3FFC];
	_ =	sdelay $0x3  }
0x94: {  	_ =	strace s3  }
0x95: {  	s3 =	sld [smem:$0x3FFD];
	_ =	sdelay $0x3  }
0x96: {  	_ =	strace s3  }
0x97: {  	_ =	strace $0x8FFFFFFF  }
0x98: {  	s19 =	sld [smem:$0x3FDB];
	_ =	sdelay $0x1  }
0x99: {  	s4 =	simm.s32 $_scs_section_size  }
0x9a: {  	s5 =	simm.s32 $_size__tile_overlayer_lowered;
	s6 =	simm.s32 $_tile_overlayer_lowered  }
0x9b: {  	s22 =	simm.s32 $0x1BFF;
	s21 =	sshll.u32 s6, $0x1;
	s3 =	sadd.s32 s4, s19  }
0x9c: {  	s7 =	simm.s32 $0x0;
	s20 =	sshll.u32 s5, $0x1;
	s5 =	sadd.s32 s21, s3  }
0x9d: {  	[timem:s7], [sflag:s22] =	dma.local [hbm:s5], s20  }
0x9e: {  	_ =	swait.ge [sflag:s22], s20  }
0x9f: {  	s4 =	ssub.s32 $0x0, s20;
	[sflag:s22] =	ssyncset.done $0x0  }
0xa0: {  	[sflag:s22] =	ssyncadd.s32 s4;
	_ =	sdelay $0x1  }
0xa1: {  	s23 =	simm.s32 $0x1B8B  }
0xa2: {  	_ =	swait.ge [sflag:s23], $0x1  }
0xa3: {  	[sflag:s23] =	ssyncset.done $0x0  }
0xa4: {  	s25 =	simm.s32 $0x1B8E;
	s24 =	sld [smem:$0x3FFE];
	[sflag:s23] =	ssyncadd.s32 $0xFFFFFFFF  }
0xa5: {  	s26 =	simm.s32 $execute0_lowered;
	[smem:$0x3FD2] =	sst s25  }
0xa6: {  	s5 =	sshll.u32 s26, $0x1;
	_ =	strace $0x80000046;
	[dreg:$0x1] =	wrdreg $0xFFFFFFFF  }
0xa7: {  	s28 =	simm.s32 $_size_execute0_lowered;
	s3 =	sadd.s32 s3, s5;
	[dreg:$0x0] =	wrdreg $0x0  }
0xa8: {  	s5 =	sshll.u32 s28, $0x1;
	[dreg:$0x2] =	wrdreg s3  }
0xa9: {  	[dreg:$0x3] =	wrdreg s5  }
0xaa: {  	[dreg:$0x4] =	wrdreg $0xC0  }
0xab: {  	_ =	task [dreg:s7], $0x5FFFF  }
0xac: {  	[dreg:$0x1] =	wrdreg $0xFFFFFFFF  }
0xad: {  	[dreg:$0x0] =	wrdreg $0x60  }
0xae: {  	[dreg:$0x2] =	wrdreg s24  }
0xaf: {  	[dreg:$0x3] =	wrdreg s2  }
0xb0: {  	[dreg:$0x4] =	wrdreg $0x9  }
0xb1: {  	_ =	task.clear_ibuf [dreg:s7], $0x5FFFF;
	_ =	strace $0x90000046  }
0xb2: {  	s29 =	simm.s32 $0x9;
	_ =	strace $0x80000048  }
0xb3: {  	_ =	swait.ge [sflag:s29], $0x1  }
0xb4: {  	[sflag:s29] =	ssyncadd.s32 $0xFFFFFFFF  }
0xb5: {  	_ =	strace $0x90000048  }
0xb6: {  	_ =	sfence  }
0xb7: {  	s30 =	sld [smem:$0x0];
	_ =	sdelay $0x2  }
0xb8: {  	s31 =	sshll.u32 s1, $0xD;
	s1 =	sshrl.u32 s1, $0x2  }
0xb9: {  	s3 =	sand.u32 $0x4000, s31;
	s1 =	sadd.s32 s1, s30  }
0xba: {  	s0 =	sor.u32 s3, s0;
	s1 =	sshll.u32 s1, $0x11  }
0xbb: {  	s0 =	sor.u32 s1, s0  }
0xbc: {  	s0 =	sadd.s32 $0x8F2B, s0  }
0xbd: {  	[sflag:s0] =	ssyncadd.remote.s32 $0x1  }
0xbe: {  	_ =	sfence.sel $0xFFFF  }
0xbf: {  	[dreg:$0x0] =	wrdreg $0xFFFFFFFF;
	(pc) =	sbr.abs _section_cstart, $3  }
0xc0: {  	[dreg:$0x1] =	wrdreg $0xFFFFFFFF  }
0xc1: {  	_ =	task.clear_ibuf [dreg:s7], $0x2FFFF;
	_ =	strace $0x9FFFFFFF  }
0xc2: {  	(tm) =	ssettm $0x7FFFFFFF  }
0xc3: {  	_ =	shalt  }
tec
execute0_lowered:
.L_overlay_start_1:
0x0: {  	(tag) =	ssettag $0x1  }
0x1: {  	s0 =	srdreg.scid  }
0x2: {  	s2 =	stileid.u32;
	s0 =	sand.u32 $0x1, s0  }
0x3: {  	s2 =	sshll.u32 s2, $0x3;
	s3 =	sshll.u32 s0, $0x2  }
0x4: {  	s1 =	rddreg [dreg:$0x0];
	s5 =	simm.s32 $0x0;
	s4 =	sor.u32 s3, s2  }
0x5: {  	[smem:$0x7FF] =	sst s5;
	s2 =	smul.u32 $0x3E8, s4  }
0x6: {  	s6 =	sadd.s32 $0x400, s1;
	s0 =	ssub.s32 $0x2, s0;
	_ =	strace $0x80000047  }
0x7: {  	[dreg:$0x1e] =	wrdreg s6;
	s26 =	sshrl.u32 s0, $0x1;
	s2 =	sadd.s32 s2, s1  }
0x8: {  	s0 =	ssub.s32 s0, s26;
	[dreg:$0x1d] =	wrdreg s4;
	s2 =	sadd.s32 $0x1E00, s2  }
0x9: {  	s28 =	sshll.u32 s4, $0xD;
	[smem:$0x7F0] =	sst s2;
	s2 =	sor.u32 $0x2, s4  }
0xa: {  	p1 =	seq.s32 s4, $0x7C;
	[dreg:$0x1f] =	wrdreg s28;
	p0 =	slt.u32 s2, $0x7D  }
0xb: {  	s29 =	sor.u32 $0x2000, s28;
	s0 =	smax.u32 s0, $0x1;
	s3 =	simm.s32 @!p0 $0x0  }
0xc: {  	[smem:$0x7F1] =	sst s29;
	s3 =	simm.s32 @p0 $0x1;
	p0 =	sgt.u32 @!p1 s2, $0x7C  }
0xd: {  	[smem:$0x7F6] =	sst s0;
	p0 =	por p0, p1  }
0xe: {  	[smem:$0x7F2] =	sst s3;
	s3 =	sor.u32 $0x3, s4;
	s0 =	simm.s32 @!p0 $0x0  }
0xf: {  	s1 =	sadd.s32 $0x500, s1;
	s0 =	simm.s32 @p0 $0x1;
	p0 =	sgt.u32 @!p1 s3, $0x7C  }
0x10: {  	[smem:$0x7F5] =	sst s1;
	p2 =	por p0, p1  }
0x11: {  	s30 =	sshll.u32 s2, $0xD;
	[smem:$0x7F7] =	sst s0;
	s0 =	simm.s32 @!p2 $0x0  }
0x12: {  	[smem:$0x7F3] =	sst s30;
	p0 =	por !p0, p1;
	s0 =	simm.s32 @p2 $0x1  }
0x13: {  	[smem:$0x7F8] =	sst s0;
	s0 =	simm.s32 @!p0 $0x0  }
0x14: {  	s2 =	simm.s32 @p1 $0x7E;
	s0 =	simm.s32 @p0 $0x1;
	p0 =	sgt.u32 @!p1 s4, $0x7A  }
0x15: {  	s11 =	simm.s32 $0x1F40;
	[smem:$0x7FB] =	sst s2;
	p2 =	por p0, p1  }
0x16: {  	s31 =	sshll.u32 s3, $0xD;
	[smem:$0x7F9] =	sst s0;
	s0 =	simm.s32 @!p2 $0x0  }
0x17: {  	[smem:$0x7F4] =	sst s31;
	p0 =	por !p0, p1;
	s0 =	simm.s32 @p2 $0x1  }
0x18: {  	s3 =	simm.s32 @p1 $0x7F;
	[smem:$0x7FC] =	sst s0;
	s0 =	simm.s32 @!p0 $0x0  }
0x19: {  	s12 =	simm.s32 $0x3E80;
	[smem:$0x7FA] =	sst s3;
	s0 =	simm.s32 @p0 $0x1  }
0x1a: {  	s13 =	simm.s32 $0x5DC0;
	s2 =	simm.s32 $0x0;
	[smem:$0x7FD] =	sst s0  }
.LBB2_1:
0x1b: {  	s0 =	sld [smem:$0x7F0];
	_ =	sdelay $0x1  }
0x1c: {  	[smem:$0x7EF] =	sst s2;
	s30 =	simm.s32 $0xB  }
0x1d: {  	[tilespmem:s5], [sflag:$0xB] =	stream.linear.gather [hbm4b:s0+s5], $0x7D00, $0x38;
	[tilespmem:$0x18500] =	vst v63  }
0x1e: {  	_ =	swait.ge [sflag:s30], $0x7D00  }
0x1f: {  	s1 =	simm.s32 $0x17D00;
	[sflag:s30] =	ssyncset.done $0x0  }
0x20: {  	s2 =	simm.s32 $0x0;
	s31 =	rddreg [dreg:$0x1e];
	[sflag:s30] =	ssyncadd.s32 $0xFFFF8300  }
0x21: {  	[tilespmem:s1], [sflag:$0x9] =	stream.linear.gather [hbm4b:s31+s5], $0x400, $0x38;
	[tilespmem:$0x18500] =	vst v63  }
.LBB2_2:
0x22: {  	s1 =	simm.s32 $0x9  }
0x23: {  	s0 =	sshllo.u32 s2, $0x1;
	_ =	swait.ge [sflag:s1], $0x400  }
0x24: {  	s21 =	simm.s32 $0x18100;
	p0 =	seq.s32 s2, $0x0;
	[smem:$0x7ED] =	sst s0  }
0x25: {  	[sflag:s1] =	ssyncset.done $0x0;
	s0 =	sshll.u32 s0, $0x7;
	s20 =	rddreg [dreg:$0x1e]  }
0x26: {  	[smem:$0x7EE] =	sst s2;
	[sflag:s1] =	ssyncadd.s32 $0xFFFFFC00;
	s0 =	sadd.s32 s20, s0  }
0x27: {  	[tilespmem:s21], [sflag:$0xA] =	stream.linear.gather [hbm4b:s0+s5], $0x400, $0x38;
	[tilespmem:$0x18500] =	vst v63  }
0x28: {  	s1 =	rddreg [dreg:$0x1d];
	s0 =	simm.s32 @!p0 $0x1  }
0x29: {  	p5 =	seq.s32 @!p0 s1, $0x7C;
	_ =	swait.ge @!p0 [sflag:s0], $0x2000  }
0x2a: {  	p6 =	por p5, p0;
	[sflag:s0] =	ssyncset.done @!p0 $0x0  }
0x2b: {  	p4 =	sgt.u32 @!p6 s1, $0x7A;
	[sflag:s0] =	ssyncadd.s32 @!p0 $0xFFFFE000;
	s0 =	simm.s32 @!p6 $0x2  }
0x2c: {  	p4 =	por @!p0 p4, p5;
	_ =	swait.ge @!p6 [sflag:s0], $0x2000  }
0x2d: {  	p0 =	por p4, p0;
	[sflag:s0] =	ssyncset.done @!p6 $0x0  }
0x2e: {  	[sflag:s0] =	ssyncadd.s32 @!p6 $0xFFFFE000;
	s0 =	simm.s32 @!p0 $0x3  }
0x2f: {  	_ =	swait.ge @!p0 [sflag:s0], $0x2000  }
0x30: {  	[sflag:s0] =	ssyncset.done @!p0 $0x0  }
0x31: {  	[sflag:s0] =	ssyncadd.s32 @!p0 $0xFFFFE000;
	s0 =	simm.s32 @!p0 $0x4  }
0x32: {  	_ =	swait.ge @!p0 [sflag:s0], $0x2000  }
0x33: {  	[sflag:s0] =	ssyncset.done @!p0 $0x0  }
0x34: {  	s22 =	simm.s32 $0x17D10;
	[sflag:s0] =	ssyncadd.s32 @!p0 $0xFFFFE000  }
0x35: {  	v0 =	vld [tilespmem:s22+$0x0];
	_ =	sdelay $0x3  }
0x36: {  	v4 =	vld [tilespmem:s22+$0xFFFFFFF0];
	_ =	sdelay $0x3  }
0x37: {  	v2 =	vld.idx.msk [tilespmem:v0+s5+$0x0], $0xffff  }
0x38: {  	v3 =	vld.idx.msk [tilespmem:v0+s11+$0x0], $0xffff  }
0x39: {  	v1 =	vadd.s32 $0x3E8, v0;
	v12 =	vld.idx.msk [tilespmem:v0+s12+$0x0], $0xffff  }
0x3a: {  	s31 =	simm.s32 $0x0;
	v13 =	vld.idx.msk [tilespmem:v0+s13+$0x0], $0xffff  }
0x3b: {  	s30 =	simm.s32 $0x1F40;
	v53 =	vld.idx.msk [tilespmem:v4+s31+$0x0], $0xffff  }
0x3c: {  	s17 =	simm.s32 $0x3E80;
	v54 =	vld.idx.msk [tilespmem:v4+s30+$0x0], $0xffff  }
0x3d: {  	v5 =	vadd.s32 $0x7D0, v0;
	v55 =	vld.idx.msk [tilespmem:v4+s17+$0x0], $0xffff  }
0x3e: {  	v14 =	vld.idx.msk [tilespmem:v1+s5+$0x0], $0xffff  }
0x3f: {  	v15 =	vld.idx.msk [tilespmem:v1+s11+$0x0], $0xffff  }
0x40: {  	v16 =	vld.idx.msk [tilespmem:v1+s12+$0x0], $0xffff  }
0x41: {  	v6 =	vadd.s32 $0xBB8, v0;
	v1 =	vld.idx.msk [tilespmem:v1+s13+$0x0], $0xffff  }
0x42: {  	v18 =	vld.idx.msk [tilespmem:v5+s5+$0x0], $0xffff  }
0x43: {  	v19 =	vld.idx.msk [tilespmem:v5+s11+$0x0], $0xffff  }
0x44: {  	v20 =	vld.idx.msk [tilespmem:v5+s12+$0x0], $0xffff  }
0x45: {  	v8 =	vadd.s32 $0x3E8, v4;
	v22 =	vld.idx.msk [tilespmem:v5+s13+$0x0], $0xffff  }
0x46: {  	v17 =	vadd.s32 $0x7D0, v4;
	v23 =	vld.idx.msk [tilespmem:v6+s5+$0x0], $0xffff  }
0x47: {  	v24 =	vld.idx.msk [tilespmem:v6+s11+$0x0], $0xffff  }
0x48: {  	v26 =	vld.idx.msk [tilespmem:v6+s12+$0x0], $0xffff  }
0x49: {  	v5 =	vadd.s32 $0xFA0, v0;
	v28 =	vld.idx.msk [tilespmem:v6+s13+$0x0], $0xffff  }
0x4a: {  	v7 =	vld.idx.msk [tilespmem:v8+s5+$0x0], $0xffff  }
0x4b: {  	v9 =	vld.idx.msk [tilespmem:v17+s5+$0x0], $0xffff  }
0x4c: {  	v10 =	vld.idx.msk [tilespmem:v17+s11+$0x0], $0xffff  }
0x4d: {  	v6 =	vadd.s32 $0x1388, v0;
	v11 =	vld.idx.msk [tilespmem:v17+s12+$0x0], $0xffff  }
0x4e: {  	v29 =	vld.idx.msk [tilespmem:v5+s5+$0x0], $0xffff  }
0x4f: {  	v32 =	vld.idx.msk [tilespmem:v5+s11+$0x0], $0xffff  }
0x50: {  	v33 =	vld.idx.msk [tilespmem:v5+s12+$0x0], $0xffff  }
0x51: {  	v34 =	vld.idx.msk [tilespmem:v5+s13+$0x0], $0xffff;
	v5 =	vadd.s32 $0x1770, v0  }
0x52: {  	v35 =	vld.idx.msk [tilespmem:v6+s5+$0x0], $0xffff  }
0x53: {  	v36 =	vld.idx.msk [tilespmem:v6+s11+$0x0], $0xffff  }
0x54: {  	v37 =	vld.idx.msk [tilespmem:v6+s12+$0x0], $0xffff  }
0x55: {  	v38 =	vld.idx.msk [tilespmem:v6+s13+$0x0], $0xffff;
	v0 =	vadd.s32 $0x1B58, v0  }
0x56: {  	v39 =	vld.idx.msk [tilespmem:v5+s5+$0x0], $0xffff  }
0x57: {  	v40 =	vld.idx.msk [tilespmem:v5+s11+$0x0], $0xffff  }
0x58: {  	v41 =	vld.idx.msk [tilespmem:v5+s12+$0x0], $0xffff  }
0x59: {  	s23 =	simm.s32 $0x0;
	v42 =	vld.idx.msk [tilespmem:v5+s13+$0x0], $0xffff  }
0x5a: {  	s3 =	simm.s32 $0x10;
	s2 =	sand.u32 $0x1C00, s23;
	v43 =	vld.idx.msk [tilespmem:v0+s5+$0x0], $0xffff  }
0x5b: {  	s9 =	sand.u32 $0x70, s3;
	s1 =	sadd.s32 $0x7D00, s2;
	v44 =	vld.idx.msk [tilespmem:v0+s11+$0x0], $0xffff  }
0x5c: {  	s6 =	sadd.s32 $0x9D00, s2;
	s3 =	sor.u32 s9, s1;
	v31 =	vld.idx.msk [tilespmem:v0+s12+$0x0], $0xffff  }
0x5d: {  	s4 =	sor.u32 s9, s6;
	s0 =	sadd.s32 $0xBD00, s2;
	v30 =	vld.idx.msk [tilespmem:v0+s13+$0x0], $0xffff;
	v0 =	vadd.s32 $0xBB8, v4;
	[tilespmem:s3+$0x0] =	vst v2  }
0x5e: {  	s7 =	sadd.s32 $0xDD00, s2;
	s24 =	sor.u32 s9, s0;
	v6 =	vld.idx.msk [tilespmem:v8+s12+$0x0], $0xffff;
	[tilespmem:s4+$0x0] =	vst v3  }
0x5f: {  	s25 =	sor.u32 s9, s7;
	v5 =	vld.idx.msk [tilespmem:v8+s11+$0x0], $0xffff;
	[tilespmem:s24+$0x0] =	vst v12  }
0x60: {  	s10 =	sadd.s32 $0x9D80, s2;
	v8 =	vld.idx.msk [tilespmem:v8+s13+$0x0], $0xffff;
	[tilespmem:s25+$0x0] =	vst v13  }
0x61: {  	s8 =	sadd.s32 $0xBD80, s2;
	s26 =	sor.u32 s9, s10;
	v2 =	vadd.s32 $0xFA0, v4;
	v12 =	vld.idx.msk [tilespmem:v17+s13+$0x0], $0xffff;
	[tilespmem:s3+$0x80] =	vst v14  }
0x62: {  	s5 =	sor.u32 s9, s8;
	v14 =	vld.idx.msk [tilespmem:v0+s11+$0x0], $0xffff;
	s11 =	sadd.s32 $0xDD80, s2;
	[tilespmem:s26+$0x0] =	vst v15  }
0x63: {  	v3 =	vadd.s32 $0x1388, v4;
	v13 =	vld.idx.msk [tilespmem:v0+s31+$0x0], $0xffff;
	[tilespmem:s5+$0x0] =	vst v16;
	s14 =	sor.u32 s9, s11  }
0x64: {  	v16 =	vld.idx.msk [tilespmem:v0+s13+$0x0], $0xffff;
	s13 =	sadd.s32 $0x9E00, s2;
	[tilespmem:s14+$0x0] =	vst v1  }
0x65: {  	v15 =	vld.idx.msk [tilespmem:v0+s12+$0x0], $0xffff;
	s12 =	sadd.s32 $0xBE00, s2;
	s15 =	sor.u32 s9, s13;
	[tilespmem:s3+$0x100] =	vst v18  }
0x66: {  	s28 =	simm.s32 $0x5DC0;
	v17 =	vld.idx.msk [tilespmem:v2+s31+$0x0], $0xffff;
	s16 =	sor.u32 s9, s12;
	s14 =	sadd.s32 $0xDE00, s2;
	[tilespmem:s15+$0x0] =	vst v19  }
0x67: {  	v21 =	vld.idx.msk [tilespmem:v2+s28+$0x0], $0xffff;
	s18 =	sor.u32 s9, s14;
	[tilespmem:s16+$0x0] =	vst v20  }
0x68: {  	v25 =	vld.idx.msk [tilespmem:v3+s17+$0x0], $0xffff;
	s16 =	sadd.s32 $0x9E80, s2;
	[tilespmem:s18+$0x0] =	vst v22  }
0x69: {  	s26 =	simm.s32 $0x17D30;
	v27 =	vld.idx.msk [tilespmem:v3+s28+$0x0], $0xffff;
	s15 =	sadd.s32 $0xBE80, s2;
	s19 =	sor.u32 s9, s16;
	[tilespmem:s3+$0x180] =	vst v23  }
0x6a: {  	s29 =	sadd.s32 $0xDE80, s2;
	v63 =	vld [tilespmem:s26+$0x0];
	s20 =	sor.u32 s9, s15;
	[tilespmem:s19+$0x0] =	vst v24  }
0x6b: {  	s21 =	sor.u32 s9, s29;
	v1 =	vld [tilespmem:s26+$0xFFFFFFF0];
	[tilespmem:s20+$0x0] =	vst v26  }
0x6c: {  	v0 =	vadd.s32 $0x1770, v4;
	v18 =	vld.idx.msk [tilespmem:v2+s30+$0x0], $0xffff;
	s19 =	sadd.s32 $0x9F00, s2;
	[tilespmem:s21+$0x0] =	vst v28  }
0x6d: {  	v19 =	vld.idx.msk [tilespmem:v2+s17+$0x0], $0xffff;
	s18 =	sadd.s32 $0xBF00, s2;
	s22 =	sor.u32 s9, s19;
	[tilespmem:s3+$0x200] =	vst v29  }
0x6e: {  	v2 =	vadd.s32 $0x1B58, v4;
	v4 =	vld.idx.msk [tilespmem:v4+s28+$0x0], $0xffff;
	s23 =	sor.u32 s9, s18;
	s20 =	sadd.s32 $0xDF00, s2;
	[tilespmem:s22+$0x0] =	vst v32  }
0x6f: {  	v22 =	vld.idx.msk [tilespmem:v3+s31+$0x0], $0xffff;
	s24 =	sor.u32 s9, s20;
	[tilespmem:s23+$0x0] =	vst v33  }
0x70: {  	v23 =	vld.idx.msk [tilespmem:v3+s30+$0x0], $0xffff;
	s22 =	sadd.s32 $0x9F80, s2;
	[tilespmem:s24+$0x0] =	vst v34  }
0x71: {  	v24 =	vld.idx.msk [tilespmem:v0+s28+$0x0], $0xffff;
	s21 =	sadd.s32 $0xBF80, s2;
	s25 =	sor.u32 s9, s22;
	[tilespmem:s3+$0x280] =	vst v35  }
0x72: {  	v26 =	vld.idx.msk [tilespmem:v0+s17+$0x0], $0xffff;
	s23 =	sadd.s32 $0xDF80, s2;
	s24 =	sor.u32 s9, s21;
	[tilespmem:s25+$0x0] =	vst v36  }
0x73: {  	v20 =	vld.idx.msk [tilespmem:v2+s31+$0x0], $0xffff;
	s25 =	sor.u32 s9, s23;
	[tilespmem:s24+$0x0] =	vst v37  }
0x74: {  	v56 =	vld.idx.msk [tilespmem:v2+s30+$0x0], $0xffff;
	s24 =	sor.u32 $0xA000, s2;
	[tilespmem:s25+$0x0] =	vst v38  }
0x75: {  	v58 =	vld.idx.msk [tilespmem:v2+s17+$0x0], $0xffff;
	s25 =	sor.u32 $0xC000, s2;
	s26 =	sor.u32 s9, s24;
	[tilespmem:s3+$0x300] =	vst v39  }
0x76: {  	v57 =	vld.idx.msk [tilespmem:v2+s28+$0x0], $0xffff;
	s5 =	sor.u32 s9, s25;
	[tilespmem:s26+$0x0] =	vst v40;
	s26 =	sor.u32 $0xE000, s2  }
0x77: {  	v59 =	vadd.s32 $0x3E8, v63;
	v60 =	vld.idx.msk [tilespmem:v63+s31+$0x0], $0xffff;
	[tilespmem:s5+$0x0] =	vst v41;
	s5 =	sor.u32 s9, s26  }
0x78: {  	s4 =	sor.u32 $0xA080, s2;
	v61 =	vld.idx.msk [tilespmem:v63+s30+$0x0], $0xffff;
	[tilespmem:s5+$0x0] =	vst v42  }
0x79: {  	v62 =	vld.idx.msk [tilespmem:v63+s17+$0x0], $0xffff;
	s5 =	sor.u32 $0xC080, s2;
	[tilespmem:s3+$0x380] =	vst v43;
	s3 =	sor.u32 s9, s4  }
0x7a: {  	v28 =	vld.idx.msk [tilespmem:v0+s31+$0x0], $0xffff;
	s2 =	sor.u32 $0xE080, s2;
	s28 =	sor.u32 s9, s5;
	[tilespmem:s3+$0x0] =	vst v44;
	s3 =	simm.s32 $0x0  }
0x7b: {  	v29 =	vld.idx.msk [tilespmem:v0+s30+$0x0], $0xffff;
	s9 =	sor.u32 s9, s2;
	[tilespmem:s28+$0x0] =	vst v31;
	s3 =	sand.u32 $0x60, s3  }
0x7c: {  	v42 =	vld.idx.msk [tilespmem:v59+s31+$0x0], $0xffff;
	[tilespmem:s9+$0x0] =	vst v30;
	s28 =	sor.u32 s3, s1;
	v30 =	vadd.s32 $0x7D0, v63  }
0x7d: {  	v43 =	vld.idx.msk [tilespmem:v59+s30+$0x0], $0xffff;
	s9 =	sor.u32 s3, s6;
	[tilespmem:s28+$0x0] =	vst v53  }
0x7e: {  	v44 =	vld.idx.msk [tilespmem:v59+s17+$0x0], $0xffff;
	s6 =	simm.s32 $0x5DC0;
	s0 =	sor.u32 s3, s0;
	[tilespmem:s9+$0x0] =	vst v54  }
0x7f: {  	v41 =	vld.idx.msk [tilespmem:v63+s6+$0x0], $0xffff;
	s9 =	sor.u32 s3, s7;
	[tilespmem:s0+$0x0] =	vst v55  }
0x80: {  	v45 =	vld.idx.msk [tilespmem:v59+s6+$0x0], $0xffff;
	[tilespmem:s9+$0x0] =	vst v4;
	v4 =	vadd.s32 $0xBB8, v63  }
0x81: {  	v46 =	vld.idx.msk [tilespmem:v30+s31+$0x0], $0xffff  }
0x82: {  	v47 =	vld.idx.msk [tilespmem:v30+s30+$0x0], $0xffff  }
0x83: {  	s6 =	simm.s32 $0x5DC0;
	s7 =	sor.u32 s3, s10;
	[tilespmem:s28+$0x80] =	vst v7;
	v48 =	vld.idx.msk [tilespmem:v30+s17+$0x0], $0xffff  }
0x84: {  	s9 =	sor.u32 s3, s8;
	v49 =	vld.idx.msk [tilespmem:v30+s6+$0x0], $0xffff;
	[tilespmem:s7+$0x0] =	vst v5;
	v5 =	vadd.s32 $0xFA0, v63  }
0x85: {  	s10 =	sor.u32 s3, s11;
	[tilespmem:s9+$0x0] =	vst v6;
	v50 =	vld.idx.msk [tilespmem:v4+s31+$0x0], $0xffff  }
0x86: {  	[tilespmem:s10+$0x0] =	vst v8;
	v51 =	vld.idx.msk [tilespmem:v4+s30+$0x0], $0xffff  }
0x87: {  	s11 =	sor.u32 s3, s13;
	[tilespmem:s28+$0x100] =	vst v9;
	v52 =	vld.idx.msk [tilespmem:v4+s17+$0x0], $0xffff  }
0x88: {  	s12 =	sor.u32 s3, s12;
	v53 =	vld.idx.msk [tilespmem:v4+s6+$0x0], $0xffff;
	v4 =	vadd.s32 $0x1388, v63;
	[tilespmem:s11+$0x0] =	vst v10  }
0x89: {  	s13 =	sor.u32 s3, s14;
	[tilespmem:s12+$0x0] =	vst v11;
	v54 =	vld.idx.msk [tilespmem:v5+s31+$0x0], $0xffff  }
0x8a: {  	v55 =	vld.idx.msk [tilespmem:v5+s30+$0x0], $0xffff;
	[tilespmem:s13+$0x0] =	vst v12  }
0x8b: {  	s14 =	sor.u32 s3, s16;
	v37 =	vld.idx.msk [tilespmem:v5+s17+$0x0], $0xffff;
	[tilespmem:s28+$0x180] =	vst v13  }
0x8c: {  	s15 =	sor.u32 s3, s15;
	v10 =	vld.idx.msk [tilespmem:v5+s6+$0x0], $0xffff;
	v5 =	vadd.s32 $0x1770, v63;
	[tilespmem:s14+$0x0] =	vst v14  }
0x8d: {  	s16 =	sor.u32 s3, s29;
	v30 =	vld.idx.msk [tilespmem:v4+s31+$0x0], $0xffff;
	[tilespmem:s15+$0x0] =	vst v15  }
0x8e: {  	v34 =	vld.idx.msk [tilespmem:v4+s30+$0x0], $0xffff;
	[tilespmem:s16+$0x0] =	vst v16  }
0x8f: {  	s1 =	sor.u32 s3, s19;
	v32 =	vld.idx.msk [tilespmem:v4+s17+$0x0], $0xffff;
	[tilespmem:s28+$0x200] =	vst v17  }
0x90: {  	s7 =	sor.u32 s3, s18;
	v33 =	vld.idx.msk [tilespmem:v4+s6+$0x0], $0xffff;
	v4 =	vadd.s32 $0x1B58, v63;
	[tilespmem:s1+$0x0] =	vst v18  }
0x91: {  	s8 =	sor.u32 s3, s20;
	v36 =	vld.idx.msk [tilespmem:v5+s31+$0x0], $0xffff;
	[tilespmem:s7+$0x0] =	vst v19  }
0x92: {  	v35 =	vld.idx.msk [tilespmem:v5+s30+$0x0], $0xffff;
	[tilespmem:s8+$0x0] =	vst v21  }
0x93: {  	s9 =	sor.u32 s3, s22;
	v31 =	vld.idx.msk [tilespmem:v5+s17+$0x0], $0xffff;
	[tilespmem:s28+$0x280] =	vst v22  }
0x94: {  	s0 =	simm.s32 $0x100;
	s10 =	sor.u32 s3, s21;
	v13 =	vld.idx.msk [tilespmem:v5+s6+$0x0], $0xffff;
	[tilespmem:s9+$0x0] =	vst v23  }
0x95: {  	s11 =	sor.u32 s3, s23;
	s1 =	simm.s32 $0x30;
	v14 =	vld.idx.msk [tilespmem:v4+s31+$0x0], $0xffff;
	s9 =	sand.u32 $0x1C00, s0;
	[tilespmem:s10+$0x0] =	vst v25  }
0x96: {  	v16 =	vld.idx.msk [tilespmem:v4+s30+$0x0], $0xffff;
	s7 =	sadd.s32 $0x7D00, s9;
	s10 =	sand.u32 $0x70, s1;
	[tilespmem:s11+$0x0] =	vst v27  }
0x97: {  	s15 =	simm.s32 $0x5DC0;
	v17 =	vld.idx.msk [tilespmem:v4+s17+$0x0], $0xffff;
	s6 =	sor.u32 s10, s7;
	[tilespmem:s28+$0x300] =	vst v28  }
0x98: {  	s12 =	sor.u32 s3, s24;
	v18 =	vld.idx.msk [tilespmem:v4+s15+$0x0], $0xffff;
	s8 =	sadd.s32 $0x9D00, s9;
	[tilespmem:s6+$0x0] =	vst v60  }
0x99: {  	v7 =	vadd.s32 $0x3E8, v1;
	s16 =	sor.u32 s10, s8;
	[tilespmem:s12+$0x0] =	vst v29  }
0x9a: {  	s13 =	sor.u32 s3, s25;
	s11 =	sadd.s32 $0xBD00, s9;
	[tilespmem:s16+$0x0] =	vst v61  }
0x9b: {  	v12 =	vadd.s32 $0x7D0, v1;
	s18 =	sor.u32 s10, s11;
	[tilespmem:s13+$0x0] =	vst v26  }
0x9c: {  	s14 =	sor.u32 s3, s26;
	[tilespmem:s18+$0x0] =	vst v62  }
0x9d: {  	[tilespmem:s14+$0x0] =	vst v24;
	s14 =	sadd.s32 $0xDD00, s9  }
0x9e: {  	v59 =	vld.idx.msk [tilespmem:v7+s30+$0x0], $0xffff;
	[tilespmem:s28+$0x380] =	vst v20;
	s19 =	sor.u32 s10, s14  }
0x9f: {  	v6 =	vld.idx.msk [tilespmem:v7+s15+$0x0], $0xffff;
	s16 =	sadd.s32 $0x9D80, s9;
	[tilespmem:s19+$0x0] =	vst v41  }
0xa0: {  	v8 =	vld.idx.msk [tilespmem:v12+s31+$0x0], $0xffff;
	s12 =	sadd.s32 $0xBD80, s9;
	s20 =	sor.u32 s10, s16;
	[tilespmem:s6+$0x80] =	vst v42  }
0xa1: {  	v9 =	vld.idx.msk [tilespmem:v12+s30+$0x0], $0xffff;
	s21 =	sor.u32 s10, s12;
	[tilespmem:s20+$0x0] =	vst v43  }
0xa2: {  	s4 =	sor.u32 s3, s4;
	v4 =	vld.idx.msk [tilespmem:v7+s31+$0x0], $0xffff;
	s18 =	sadd.s32 $0xDD80, s9;
	[tilespmem:s21+$0x0] =	vst v44  }
0xa3: {  	v21 =	vadd.s32 $0xBB8, v1;
	v60 =	vld.idx.msk [tilespmem:v7+s17+$0x0], $0xffff;
	s23 =	sor.u32 s10, s18;
	[dreg:$0x6] =	wrdreg s4  }
0xa4: {  	s5 =	sor.u32 s3, s5;
	[tilespmem:s23+$0x0] =	vst v45  }
0xa5: {  	s4 =	sadd.s32 $0x9E00, s9;
	v11 =	vld.idx.msk [tilespmem:v12+s17+$0x0], $0xffff;
	[dreg:$0x7] =	wrdreg s5  }
0xa6: {  	s22 =	simm.s32 $0x5DC0;
	s24 =	sor.u32 s10, s4;
	[tilespmem:s6+$0x100] =	vst v46  }
0xa7: {  	s2 =	sor.u32 s3, s2;
	s25 =	simm.s32 $0x20;
	s19 =	sadd.s32 $0xBE00, s9;
	v12 =	vld.idx.msk [tilespmem:v12+s22+$0x0], $0xffff;
	[tilespmem:s24+$0x0] =	vst v47  }
0xa8: {  	s26 =	sor.u32 s10, s19;
	s5 =	sand.u32 $0x60, s25;
	v15 =	vld.idx.msk [tilespmem:v21+s31+$0x0], $0xffff;
	[dreg:$0x8] =	wrdreg s2  }
0xa9: {  	s3 =	simm.s32 $0x1F40;
	s20 =	sadd.s32 $0xDE00, s9;
	s8 =	sor.u32 s5, s8;
	[tilespmem:s26+$0x0] =	vst v48  }
0xaa: {  	s13 =	sor.u32 s10, s20;
	v19 =	vld.idx.msk [tilespmem:v21+s3+$0x0], $0xffff;
	[dreg:$0x14] =	wrdreg s8  }
0xab: {  	v25 =	vadd.s32 $0xFA0, v1;
	s15 =	sor.u32 s5, s11;
	[tilespmem:s13+$0x0] =	vst v49  }
0xac: {  	v20 =	vld.idx.msk [tilespmem:v21+s17+$0x0], $0xffff;
	[dreg:$0x16] =	wrdreg s15  }
0xad: {  	s21 =	sadd.s32 $0x9E80, s9;
	s23 =	sor.u32 s5, s14;
	[tilespmem:s6+$0x180] =	vst v50  }
0xae: {  	v21 =	vld.idx.msk [tilespmem:v21+s22+$0x0], $0xffff;
	s22 =	sor.u32 s10, s21;
	[dreg:$0x18] =	wrdreg s23  }
0xaf: {  	s25 =	sor.u32 s5, s16;
	[tilespmem:s22+$0x0] =	vst v51  }
0xb0: {  	s11 =	sadd.s32 $0xBE80, s9;
	s26 =	sor.u32 s5, s12;
	v22 =	vld.idx.msk [tilespmem:v25+s31+$0x0], $0xffff;
	[dreg:$0x19] =	wrdreg s25  }
0xb1: {  	v29 =	vadd.s32 $0x1388, v1;
	s7 =	sor.u32 s5, s7;
	s24 =	sor.u32 s10, s11;
	[dreg:$0x1a] =	wrdreg s26  }
0xb2: {  	s14 =	sadd.s32 $0xDE80, s9;
	s16 =	simm.s32 $0x5DC0;
	s13 =	sor.u32 s5, s18;
	[tilespmem:s24+$0x0] =	vst v52  }
0xb3: {  	s2 =	sor.u32 s5, s21;
	s12 =	sor.u32 s10, s14;
	v23 =	vld.idx.msk [tilespmem:v25+s3+$0x0], $0xffff;
	[dreg:$0x1b] =	wrdreg s13  }
0xb4: {  	s8 =	simm.s32 $0x5DC0;
	s18 =	sadd.s32 $0xBF00, s9;
	s15 =	sadd.s32 $0x9F00, s9;
	v24 =	vld.idx.msk [tilespmem:v25+s17+$0x0], $0xffff;
	[tilespmem:s12+$0x0] =	vst v53  }
0xb5: {  	v63 =	vadd.s32 $0x1770, v1;
	s23 =	sor.u32 s5, s19;
	s19 =	sor.u32 s10, s15;
	s25 =	sor.u32 s10, s18;
	v25 =	vld.idx.msk [tilespmem:v25+s16+$0x0], $0xffff;
	[tilespmem:s6+$0x200] =	vst v54  }
0xb6: {  	s3 =	simm.s32 $0x1F40;
	s24 =	sor.u32 s5, s20;
	s20 =	sadd.s32 $0xDF00, s9;
	v26 =	vld.idx.msk [tilespmem:v29+s31+$0x0], $0xffff;
	[tilespmem:s19+$0x0] =	vst v55  }
0xb7: {  	s29 =	sor.u32 s5, s18;
	s28 =	sor.u32 s5, s15;
	s26 =	sor.u32 s10, s20;
	v27 =	vld.idx.msk [tilespmem:v29+s3+$0x0], $0xffff;
	[tilespmem:s25+$0x0] =	vst v37  }
0xb8: {  	s22 =	sor.u32 s5, s4;
	s18 =	sadd.s32 $0xDF80, s9;
	s13 =	sadd.s32 $0x9F80, s9;
	v28 =	vld.idx.msk [tilespmem:v29+s17+$0x0], $0xffff;
	[tilespmem:s26+$0x0] =	vst v10  }
0xb9: {  	s21 =	sor.u32 s10, s18;
	v29 =	vld.idx.msk [tilespmem:v29+s16+$0x0], $0xffff;
	s15 =	sor.u32 s10, s13;
	s19 =	sadd.s32 $0xBF80, s9;
	v10 =	vadd.s32 $0x1B58, v1;
	[tilespmem:s6+$0x280] =	vst v30  }
0xba: {  	s30 =	sor.u32 s5, s20;
	s4 =	sor.u32 s5, s13;
	s20 =	sor.u32 s10, s19;
	v30 =	vld.idx.msk [tilespmem:v63+s31+$0x0], $0xffff;
	[tilespmem:s15+$0x0] =	vst v34  }
0xbb: {  	s13 =	sor.u32 $0xA000, s9;
	s12 =	simm.s32 $0x17D50;
	s25 =	sor.u32 s5, s11;
	v34 =	vld.idx.msk [tilespmem:v63+s17+$0x0], $0xffff;
	[tilespmem:s20+$0x0] =	vst v32  }
0xbc: {  	s19 =	sor.u32 s5, s19;
	s11 =	simm.s32 $0x2;
	s26 =	sor.u32 s5, s14;
	v32 =	vld.idx.msk [tilespmem:v63+s3+$0x0], $0xffff;
	[tilespmem:s21+$0x0] =	vst v33  }
0xbd: {  	s14 =	sor.u32 s10, s13;
	s15 =	sor.u32 $0xC000, s9;
	s17 =	sor.u32 $0xE000, s9;
	v33 =	vld.idx.msk [tilespmem:v63+s8+$0x0], $0xffff;
	[tilespmem:s6+$0x300] =	vst v36  }
0xbe: {  	s20 =	sor.u32 s5, s18;
	s16 =	sor.u32 s5, s15;
	s18 =	sor.u32 s10, s15;
	[tilespmem:s14+$0x0] =	vst v35;
	v35 =	vld.idx.msk [tilespmem:v10+s31+$0x0], $0xffff  }
0xbf: {  	s21 =	sor.u32 s5, s13;
	s31 =	sor.u32 s5, s17;
	s14 =	sor.u32 s10, s17;
	[tilespmem:s18+$0x0] =	vst v31;
	v31 =	vld.idx.msk [tilespmem:v10+s3+$0x0], $0xffff  }
.LBB2_3:
0xc0: {  	v40 =	vld [tilespmem:s12+$0x0];
	s13 =	sor.u32 $0xA080, s9;
	[tilespmem:s14+$0x0] =	vst v13;
	s3 =	sor.u32 $0xC080, s9;
	s18 =	simm.s32 $0x3E80  }
0xc1: {  	v13 =	vld [tilespmem:s12+$0xFFFFFFF0];
	s17 =	sor.u32 $0xE080, s9;
	s8 =	simm.s32 $0x5DC0;
	[tilespmem:s6+$0x380] =	vst v14;
	s15 =	sor.u32 s10, s13  }
0xc2: {  	s14 =	sor.u32 s5, s13;
	v14 =	vld.idx.msk [tilespmem:v10+s18+$0x0], $0xffff;
	s13 =	sor.u32 s5, s3;
	s3 =	sor.u32 s10, s3;
	[tilespmem:s15+$0x0] =	vst v16  }
0xc3: {  	s9 =	sor.u32 s10, s17;
	v16 =	vld.idx.msk [tilespmem:v10+s8+$0x0], $0xffff;
	s15 =	simm.s32 $0x0;
	[tilespmem:s3+$0x0] =	vst v17  }
0xc4: {  	s5 =	sor.u32 s5, s17;
	s17 =	simm.s32 $0x1F40;
	s10 =	rddreg [dreg:$0x6];
	v17 =	vld.idx.msk [tilespmem:v1+s15+$0x0], $0xffff;
	[tilespmem:s9+$0x0] =	vst v18  }
0xc5: {  	v18 =	vld.idx.msk [tilespmem:v1+s17+$0x0], $0xffff;
	[tilespmem:s10+$0x0] =	vst v56;
	s9 =	rddreg [dreg:$0x7]  }
0xc6: {  	v0 =	vmov v31;
	v41 =	vld.idx.msk [tilespmem:v1+s18+$0x0], $0xffff;
	[tilespmem:s9+$0x0] =	vst v58  }
0xc7: {  	v42 =	vadd.s32 $0x3E8, v40;
	v43 =	vld.idx.msk [tilespmem:v1+s8+$0x0], $0xffff  }
0xc8: {  	s10 =	smov.u32 s13;
	s13 =	rddreg [dreg:$0x8];
	v5 =	vmov v59;
	[tilespmem:$0x1FFF0] =	vst v0;
	v59 =	vld.idx.msk [tilespmem:v40+s15+$0x0], $0xffff  }
0xc9: {  	s6 =	smov.u32 s14;
	s14 =	smov.u32 s5;
	s5 =	rddreg [dreg:$0x14];
	[tilespmem:s13+$0x0] =	vst v57;
	v7 =	vmov v14;
	v14 =	vmov v60;
	v0 =	vmov v16;
	v60 =	vld.idx.msk [tilespmem:v40+s17+$0x0], $0xffff  }
0xca: {  	[dreg:$0x6] =	wrdreg s6;
	v50 =	vadd.s32 $0x3E8, v13;
	v39 =	vadd.s32 $0x7D0, v13;
	v38 =	vadd.s32 $0xBB8, v13;
	[tilespmem:$0x1FFE0] =	vst v0;
	v61 =	vld.idx.msk [tilespmem:v40+s18+$0x0], $0xffff  }
0xcb: {  	s6 =	rddreg [dreg:$0x16];
	v37 =	vadd.s32 $0xFA0, v13;
	v36 =	vadd.s32 $0x1388, v13;
	v1 =	vmovc v13;
	v13 =	vadd.s32 $0x7D0, v40;
	[tilespmem:s7+$0x0] =	vst v17;
	v62 =	vld.idx.msk [tilespmem:v40+s8+$0x0], $0xffff  }
0xcc: {  	[dreg:$0x8] =	wrdreg s14;
	[tilespmem:s5+$0x0] =	vst v18;
	v63 =	vld.idx.msk [tilespmem:v42+s15+$0x0], $0xffff  }
0xcd: {  	s9 =	rddreg [dreg:$0x18];
	[tilespmem:s6+$0x0] =	vst v41;
	v0 =	vld.idx.msk [tilespmem:v42+s17+$0x0], $0xffff  }
0xce: {  	[dreg:$0x7] =	wrdreg s10;
	v2 =	vld.idx.msk [tilespmem:v42+s18+$0x0], $0xffff;
	[tilespmem:s9+$0x0] =	vst v43  }
0xcf: {  	s10 =	rddreg [dreg:$0x19];
	v3 =	vld.idx.msk [tilespmem:v42+s8+$0x0], $0xffff;
	[tilespmem:s7+$0x80] =	vst v4;
	v4 =	vadd.s32 $0xBB8, v40  }
0xd0: {  	s13 =	rddreg [dreg:$0x1a];
	v58 =	vld.idx.msk [tilespmem:v13+s17+$0x0], $0xffff;
	[tilespmem:s10+$0x0] =	vst v5  }
0xd1: {  	s14 =	rddreg [dreg:$0x1b];
	v57 =	vld.idx.msk [tilespmem:v13+s18+$0x0], $0xffff;
	[tilespmem:s13+$0x0] =	vst v14  }
0xd2: {  	v56 =	vld.idx.msk [tilespmem:v13+s8+$0x0], $0xffff;
	[tilespmem:s14+$0x0] =	vst v6  }
0xd3: {  	v5 =	vld.idx.msk [tilespmem:v13+s15+$0x0], $0xffff;
	v6 =	vadd.s32 $0xFA0, v40;
	[tilespmem:s7+$0x100] =	vst v8  }
0xd4: {  	[tilespmem:s22+$0x0] =	vst v9;
	v55 =	vld.idx.msk [tilespmem:v4+s15+$0x0], $0xffff  }
0xd5: {  	v54 =	vld.idx.msk [tilespmem:v4+s17+$0x0], $0xffff;
	[tilespmem:s23+$0x0] =	vst v11  }
0xd6: {  	v53 =	vld.idx.msk [tilespmem:v4+s18+$0x0], $0xffff;
	[tilespmem:s24+$0x0] =	vst v12  }
0xd7: {  	v52 =	vld.idx.msk [tilespmem:v4+s8+$0x0], $0xffff;
	v4 =	vadd.s32 $0x1388, v40;
	[tilespmem:s7+$0x180] =	vst v15  }
0xd8: {  	v51 =	vld.idx.msk [tilespmem:v6+s15+$0x0], $0xffff;
	[tilespmem:s2+$0x0] =	vst v19  }
0xd9: {  	v49 =	vld.idx.msk [tilespmem:v6+s17+$0x0], $0xffff;
	[tilespmem:s25+$0x0] =	vst v20  }
0xda: {  	v48 =	vld.idx.msk [tilespmem:v6+s18+$0x0], $0xffff;
	[tilespmem:s26+$0x0] =	vst v21  }
0xdb: {  	v47 =	vld.idx.msk [tilespmem:v6+s8+$0x0], $0xffff;
	v6 =	vadd.s32 $0x1770, v40;
	[tilespmem:s7+$0x200] =	vst v22  }
0xdc: {  	v46 =	vld.idx.msk [tilespmem:v4+s15+$0x0], $0xffff;
	[tilespmem:s28+$0x0] =	vst v23  }
0xdd: {  	v45 =	vld.idx.msk [tilespmem:v4+s17+$0x0], $0xffff;
	[tilespmem:s29+$0x0] =	vst v24  }
0xde: {  	v44 =	vld.idx.msk [tilespmem:v4+s18+$0x0], $0xffff;
	[tilespmem:s30+$0x0] =	vst v25  }
0xdf: {  	v43 =	vld.idx.msk [tilespmem:v4+s8+$0x0], $0xffff;
	v4 =	vadd.s32 $0x1B58, v40;
	[tilespmem:s7+$0x280] =	vst v26  }
0xe0: {  	v42 =	vld.idx.msk [tilespmem:v6+s15+$0x0], $0xffff;
	[tilespmem:s4+$0x0] =	vst v27  }
0xe1: {  	v41 =	vld.idx.msk [tilespmem:v6+s17+$0x0], $0xffff;
	[tilespmem:s19+$0x0] =	vst v28  }
0xe2: {  	v40 =	vld.idx.msk [tilespmem:v6+s18+$0x0], $0xffff;
	[tilespmem:s20+$0x0] =	vst v29  }
0xe3: {  	v13 =	vld.idx.msk [tilespmem:v6+s8+$0x0], $0xffff;
	[tilespmem:s7+$0x300] =	vst v30  }
0xe4: {  	v14 =	vld.idx.msk [tilespmem:v4+s15+$0x0], $0xffff;
	[tilespmem:s21+$0x0] =	vst v32  }
0xe5: {  	s0 =	sadd.s32 $0x100, s0;
	v16 =	vld.idx.msk [tilespmem:v4+s17+$0x0], $0xffff;
	[tilespmem:s16+$0x0] =	vst v34  }
0xe6: {  	s1 =	sadd.s32 $0x20, s1;
	s9 =	sand.u32 $0x1C00, s0;
	v17 =	vld.idx.msk [tilespmem:v4+s18+$0x0], $0xffff;
	[tilespmem:s31+$0x0] =	vst v33  }
0xe7: {  	s10 =	sand.u32 $0x70, s1;
	s26 =	sadd.s32 $0x7D00, s9;
	v18 =	vld.idx.msk [tilespmem:v4+s8+$0x0], $0xffff;
	[tilespmem:s7+$0x380] =	vst v35  }
0xe8: {  	s25 =	sadd.s32 $0xFFFFFFF0, s1;
	s6 =	sor.u32 s10, s26;
	s4 =	sadd.s32 $0x9D00, s9;
	v4 =	vld.idx.msk [tilespmem:v50+s15+$0x0], $0xffff  }
0xe9: {  	s13 =	sadd.s32 $0xBD00, s9;
	s5 =	sand.u32 $0x60, s25;
	[tilespmem:s6+$0x0] =	vst v59;
	s14 =	sor.u32 s10, s4;
	v59 =	vld.idx.msk [tilespmem:v50+s17+$0x0], $0xffff  }
0xea: {  	s2 =	sor.u32 s5, s4;
	s19 =	sor.u32 s10, s13;
	[tilespmem:s14+$0x0] =	vst v60;
	s16 =	sadd.s32 $0xDD00, s9;
	v60 =	vld.idx.msk [tilespmem:v50+s18+$0x0], $0xffff  }
0xeb: {  	[dreg:$0x14] =	wrdreg s2;
	[tilespmem:s19+$0x0] =	vst v61;
	s2 =	sor.u32 s10, s16;
	v6 =	vld.idx.msk [tilespmem:v50+s8+$0x0], $0xffff  }
0xec: {  	s3 =	sor.u32 s5, s13;
	s21 =	sadd.s32 $0x9D80, s9;
	[tilespmem:s2+$0x0] =	vst v62;
	v8 =	vld.idx.msk [tilespmem:v39+s15+$0x0], $0xffff  }
0xed: {  	s23 =	sadd.s32 $0xBD80, s9;
	[dreg:$0x16] =	wrdreg s3;
	s3 =	sor.u32 s10, s21;
	[tilespmem:s6+$0x80] =	vst v63;
	v9 =	vld.idx.msk [tilespmem:v39+s17+$0x0], $0xffff  }
0xee: {  	s25 =	sadd.s32 $0xDD80, s9;
	s2 =	sor.u32 s10, s23;
	v11 =	vld.idx.msk [tilespmem:v39+s18+$0x0], $0xffff;
	[tilespmem:s3+$0x0] =	vst v0  }
0xef: {  	v12 =	vld.idx.msk [tilespmem:v39+s8+$0x0], $0xffff;
	s3 =	sor.u32 s10, s25;
	[tilespmem:s2+$0x0] =	vst v2  }
0xf0: {  	s11 =	sadd.s32 $0x2, s11;
	s4 =	sadd.s32 $0x9E00, s9;
	v15 =	vld.idx.msk [tilespmem:v38+s15+$0x0], $0xffff;
	[tilespmem:s3+$0x0] =	vst v3  }
0xf1: {  	s24 =	sor.u32 s5, s23;
	s13 =	sadd.s32 $0xBE00, s9;
	v19 =	vld.idx.msk [tilespmem:v38+s17+$0x0], $0xffff;
	s3 =	sor.u32 s10, s4;
	[tilespmem:s6+$0x100] =	vst v5  }
0xf2: {  	[dreg:$0x1a] =	wrdreg s24;
	s14 =	sadd.s32 $0xDE00, s9;
	v20 =	vld.idx.msk [tilespmem:v38+s18+$0x0], $0xffff;
	s2 =	sor.u32 s10, s13;
	[tilespmem:s3+$0x0] =	vst v58  }
0xf3: {  	s24 =	sor.u32 s5, s14;
	s20 =	sor.u32 s5, s16;
	s16 =	sor.u32 s10, s14;
	v21 =	vld.idx.msk [tilespmem:v38+s8+$0x0], $0xffff;
	[tilespmem:s2+$0x0] =	vst v57  }
0xf4: {  	s19 =	sadd.s32 $0x9E80, s9;
	s22 =	sor.u32 s5, s21;
	s21 =	sadd.s32 $0xDE80, s9;
	v22 =	vld.idx.msk [tilespmem:v37+s15+$0x0], $0xffff;
	[tilespmem:s16+$0x0] =	vst v56  }
0xf5: {  	[dreg:$0x18] =	wrdreg s20;
	s20 =	sadd.s32 $0xBE80, s9;
	v23 =	vld.idx.msk [tilespmem:v37+s17+$0x0], $0xffff;
	s3 =	sor.u32 s10, s19;
	[tilespmem:s6+$0x180] =	vst v55  }
0xf6: {  	[dreg:$0x19] =	wrdreg s22;
	s22 =	sor.u32 s5, s4;
	v24 =	vld.idx.msk [tilespmem:v37+s18+$0x0], $0xffff;
	s4 =	sor.u32 s10, s20;
	[tilespmem:s3+$0x0] =	vst v54  }
0xf7: {  	v31 =	vadd.s32 $0x1770, v1;
	s14 =	sor.u32 s10, s21;
	s7 =	sor.u32 s5, s26;
	s26 =	sor.u32 s5, s25;
	v25 =	vld.idx.msk [tilespmem:v37+s8+$0x0], $0xffff;
	[tilespmem:s4+$0x0] =	vst v53  }
0xf8: {  	[dreg:$0x1b] =	wrdreg s26;
	v26 =	vld.idx.msk [tilespmem:v36+s15+$0x0], $0xffff;
	s25 =	sor.u32 s5, s20;
	s16 =	sadd.s32 $0x9F00, s9;
	[tilespmem:s14+$0x0] =	vst v52  }
0xf9: {  	v27 =	vld.idx.msk [tilespmem:v36+s17+$0x0], $0xffff;
	s2 =	sor.u32 s5, s19;
	s19 =	sadd.s32 $0xBF00, s9;
	s20 =	sor.u32 s10, s16;
	[tilespmem:s6+$0x200] =	vst v51  }
0xfa: {  	s26 =	sor.u32 s5, s21;
	s21 =	sadd.s32 $0xDF00, s9;
	v28 =	vld.idx.msk [tilespmem:v36+s18+$0x0], $0xffff;
	s14 =	sor.u32 s10, s19;
	[tilespmem:s20+$0x0] =	vst v49  }
0xfb: {  	p0 =	slt.u32 s11, $0x3E;
	v10 =	vadd.s32 $0x1B58, v1;
	v29 =	vld.idx.msk [tilespmem:v36+s8+$0x0], $0xffff;
	s28 =	sor.u32 s5, s16;
	s16 =	sor.u32 s10, s21;
	[tilespmem:s14+$0x0] =	vst v48  }
0xfc: {  	s23 =	sor.u32 s5, s13;
	v30 =	vld.idx.msk [tilespmem:v31+s15+$0x0], $0xffff;
	s29 =	sor.u32 s5, s19;
	s19 =	sadd.s32 $0x9F80, s9;
	[tilespmem:s16+$0x0] =	vst v47  }
0xfd: {  	v34 =	vld.idx.msk [tilespmem:v31+s18+$0x0], $0xffff;
	s18 =	sor.u32 $0xA000, s9;
	s13 =	sor.u32 s10, s19;
	s20 =	sadd.s32 $0xBF80, s9;
	[tilespmem:s6+$0x280] =	vst v46  }
0xfe: {  	v32 =	vld.idx.msk [tilespmem:v31+s17+$0x0], $0xffff;
	s30 =	sor.u32 s5, s21;
	s21 =	sadd.s32 $0xDF80, s9;
	s3 =	sor.u32 s10, s20;
	[tilespmem:s13+$0x0] =	vst v45  }
.Ltmp0:
0xff: {  	v33 =	vld.idx.msk [tilespmem:v31+s8+$0x0], $0xffff;
	s4 =	sor.u32 s5, s19;
	s16 =	sor.u32 s10, s21;
	[tilespmem:s3+$0x0] =	vst v44;
	(pc) =	sbr.rel @p0 .LBB2_3-.Ltmp0, $4  }
0x100: {  	v35 =	vld.idx.msk [tilespmem:v10+s15+$0x0], $0xffff;
	s19 =	sor.u32 s5, s20;
	s20 =	sor.u32 s5, s21;
	s14 =	sor.u32 $0xC000, s9;
	[tilespmem:s16+$0x0] =	vst v43  }
0x101: {  	v31 =	vld.idx.msk [tilespmem:v10+s17+$0x0], $0xffff;
	s21 =	sor.u32 s5, s18;
	s13 =	sor.u32 s10, s18;
	s18 =	sor.u32 $0xE000, s9;
	[tilespmem:s6+$0x300] =	vst v42  }
0x102: {  	s12 =	sadd.s32 $0x20, s12;
	v57 =	vld [tilespmem:$0x1FFE0];
	s3 =	sor.u32 s10, s14;
	s31 =	sor.u32 s5, s18;
	[tilespmem:s13+$0x0] =	vst v41  }
0x103: {  	v58 =	vmov v7;
	v56 =	vld [tilespmem:$0x1FFF0];
	s16 =	sor.u32 s5, s14;
	s14 =	sor.u32 s10, s18;
	s13 =	simm.s32 $0x1F40;
	[tilespmem:s3+$0x0] =	vst v40  }
0x104: {  	[tilespmem:s14+$0x0] =	vst v13;
	s0 =	sor.u32 $0xA080, s9  }
0x105: {  	s1 =	sor.u32 $0xC080, s9;
	[tilespmem:s6+$0x380] =	vst v14;
	s3 =	sor.u32 s10, s0  }
0x106: {  	s9 =	sor.u32 $0xE080, s9;
	s11 =	sor.u32 s10, s1;
	[tilespmem:s3+$0x0] =	vst v16  }
0x107: {  	s14 =	simm.s32 $0x0;
	s12 =	sor.u32 s10, s9;
	[tilespmem:s11+$0x0] =	vst v17  }
0x108: {  	v2 =	vld.idx.msk [tilespmem:v1+s14+$0x0], $0xffff;
	[tilespmem:s12+$0x0] =	vst v18  }
0x109: {  	s8 =	simm.s32 $0x3E80;
	v3 =	vld.idx.msk [tilespmem:v1+s13+$0x0], $0xffff;
	s6 =	rddreg [dreg:$0x6]  }
0x10a: {  	v0 =	vld.idx.msk [tilespmem:v10+s8+$0x0], $0xffff;
	[tilespmem:s6+$0x0] =	vst v56  }
0x10b: {  	s15 =	simm.s32 $0x5DC0;
	v5 =	vld.idx.msk [tilespmem:v1+s8+$0x0], $0xffff;
	s6 =	rddreg [dreg:$0x7]  }
0x10c: {  	v62 =	vld.idx.msk [tilespmem:v1+s15+$0x0], $0xffff;
	[tilespmem:s6+$0x0] =	vst v58  }
0x10d: {  	v63 =	vld.idx.msk [tilespmem:v10+s15+$0x0], $0xffff;
	s17 =	rddreg [dreg:$0x8];
	[tilespmem:s7+$0x0] =	vst v2  }
0x10e: {  	[tilespmem:s17+$0x0] =	vst v57  }
0x10f: {  	s18 =	rddreg [dreg:$0x14]  }
0x110: {  	[tilespmem:s18+$0x0] =	vst v3  }
0x111: {  	s6 =	rddreg [dreg:$0x16]  }
0x112: {  	[tilespmem:s6+$0x0] =	vst v5  }
0x113: {  	s6 =	rddreg [dreg:$0x18]  }
0x114: {  	[tilespmem:s6+$0x0] =	vst v62  }
0x115: {  	[tilespmem:s7+$0x80] =	vst v4  }
0x116: {  	s6 =	rddreg [dreg:$0x19]  }
0x117: {  	[tilespmem:s6+$0x0] =	vst v59  }
0x118: {  	s6 =	rddreg [dreg:$0x1a]  }
0x119: {  	[tilespmem:s6+$0x0] =	vst v60  }
0x11a: {  	s6 =	rddreg [dreg:$0x1b]  }
0x11b: {  	[tilespmem:s6+$0x0] =	vst v6  }
0x11c: {  	[tilespmem:s7+$0x100] =	vst v8  }
0x11d: {  	[tilespmem:s22+$0x0] =	vst v9  }
0x11e: {  	[tilespmem:s23+$0x0] =	vst v11  }
0x11f: {  	[tilespmem:s24+$0x0] =	vst v12  }
0x120: {  	[tilespmem:s7+$0x180] =	vst v15  }
0x121: {  	[tilespmem:s2+$0x0] =	vst v19  }
0x122: {  	[tilespmem:s25+$0x0] =	vst v20  }
0x123: {  	[tilespmem:s26+$0x0] =	vst v21  }
0x124: {  	[tilespmem:s7+$0x200] =	vst v22  }
0x125: {  	[tilespmem:s28+$0x0] =	vst v23  }
0x126: {  	[tilespmem:s29+$0x0] =	vst v24  }
0x127: {  	[tilespmem:s30+$0x0] =	vst v25  }
0x128: {  	[tilespmem:s7+$0x280] =	vst v26  }
0x129: {  	[tilespmem:s4+$0x0] =	vst v27  }
0x12a: {  	[tilespmem:s19+$0x0] =	vst v28  }
0x12b: {  	[tilespmem:s20+$0x0] =	vst v29  }
0x12c: {  	[tilespmem:s7+$0x300] =	vst v30  }
0x12d: {  	[tilespmem:s21+$0x0] =	vst v32  }
0x12e: {  	[tilespmem:s16+$0x0] =	vst v34  }
0x12f: {  	[tilespmem:s31+$0x0] =	vst v33  }
0x130: {  	s6 =	sld [smem:$0x7EE];
	_ =	sdelay $0x1  }
0x131: {  	s0 =	sor.u32 s5, s0;
	[tilespmem:s7+$0x380] =	vst v35  }
0x132: {  	[tilespmem:s0+$0x0] =	vst v31;
	s2 =	smul.u32 $0x1F4000, s6  }
0x133: {  	s0 =	rddreg [dreg:$0x1f]  }
0x134: {  	s1 =	sor.u32 s5, s1;
	s0 =	sadd.s32 s0, s2  }
0x135: {  	s3 =	sor.u32 s5, s9;
	s4 =	rddreg [dreg:$0x1];
	[tilespmem:s1+$0x0] =	vst v0;
	s0 =	sshrl.u32 s0, $0x3  }
0x136: {  	s25 =	simm.s32 $0x7D00;
	[tilespmem:s3+$0x0] =	vst v63;
	s0 =	sadd.s32 s4, s0  }
0x137: {  	[hbm4b:s0+s14] =	stream.linear.scatter [tilespmem:s25], [sflag:$0x1], $0x2000, $0x38;
	[tilespmem:$0x18500] =	vst v63  }
0x138: {  	s0 =	sld [smem:$0x7F1];
	_ =	sdelay $0x2  }
0x139: {  	s0 =	sadd.s32 @!p1 s0, s2  }
0x13a: {  	s1 =	simm.s32 @!p1 $0x0;
	s0 =	sshrl.u32 @!p1 s0, $0x3  }
0x13b: {  	s3 =	simm.s32 @!p1 $0x9D00;
	s26 =	sld [smem:$0x7F7];
	s0 =	sadd.s32 @!p1 s4, s0  }
0x13c: {  	[hbm4b:s0+s1] =	stream.linear.scatter @!p1 [tilespmem:s3], [sflag:$0x2], $0x2000, $0x38;
	[tilespmem:$0x18500] =	vst v63  }
0x13d: {  	s0 =	sld [smem:$0x7F3];
	_ =	sdelay $0x1  }
0x13e: {  	p0 =	seq.s32 s26, $0x1  }
0x13f: {  	s0 =	sadd.s32 @!p0 s0, s2  }
0x140: {  	s28 =	sld [smem:$0x7F8];
	s0 =	sshrl.u32 @!p0 s0, $0x3  }
0x141: {  	s1 =	simm.s32 @!p0 $0x0;
	s3 =	simm.s32 @!p0 $0xBD00;
	s0 =	sadd.s32 @!p0 s4, s0  }
0x142: {  	[hbm4b:s0+s1] =	stream.linear.scatter @!p0 [tilespmem:s3], [sflag:$0x3], $0x2000, $0x38;
	[tilespmem:$0x18500] =	vst v63  }
0x143: {  	s0 =	sld [smem:$0x7F4];
	_ =	sdelay $0x1  }
0x144: {  	p3 =	seq.s32 s28, $0x1  }
0x145: {  	s0 =	sadd.s32 @!p3 s0, s2  }
0x146: {  	s29 =	simm.s32 $0xA;
	s0 =	sshrl.u32 @!p3 s0, $0x3  }
0x147: {  	s1 =	simm.s32 @!p3 $0x0;
	s2 =	simm.s32 @!p3 $0xDD00;
	s0 =	sadd.s32 @!p3 s4, s0  }
0x148: {  	[hbm4b:s0+s1] =	stream.linear.scatter @!p3 [tilespmem:s2], [sflag:$0x4], $0x2000, $0x38;
	[tilespmem:$0x18500] =	vst v63  }
0x149: {  	_ =	swait.ge [sflag:s29], $0x400  }
0x14a: {  	p4 =	por @!p1 $0x0, $0x0;
	s1 =	sld [smem:$0x7F5]  }
0x14b: {  	p2 =	por @!p3 $0x1, $0x1;
	p0 =	seq.s32 s6, $0x18;
	s30 =	sld [smem:$0x7F9]  }
0x14c: {  	s0 =	sshll.u32 @!p0 s6, $0x8;
	s2 =	simm.s32 @!p0 $0x17D00;
	[sflag:s29] =	ssyncset.done $0x0  }
0x14d: {  	p3 =	por @!p3 $0x1, $0x1;
	s31 =	sld [smem:$0x7F2];
	[sflag:s29] =	ssyncadd.s32 $0xFFFFFC00  }
0x14e: {  	s0 =	sadd.s32 @!p0 s0, s1;
	s1 =	simm.s32 @!p0 $0x0;
	p5 =	seq.s32 s30, $0x1  }
0x14f: {  	[tilespmem:s2], [sflag:$0x9] =	stream.linear.gather @!p0 [hbm4b:s0+s1], $0x400, $0x38;
	[tilespmem:$0x18500] =	vst v63  }
0x150: {  	p3 =	por @!p5 p4, p4;
	p4 =	seq.s32 s31, $0x1  }
0x151: {  	p2 =	por @!p5 p4, p4;
	p4 =	seq.s32 @!p0 s6, $0x0  }
0x152: {  	p0 =	por p0, !p4  }
.Ltmp1:
0x153: {  	_ = 	snop;
	(pc) =	sbr.rel @!p0 .LBB2_6-.Ltmp1, $4  }
0x154: {  	_ = 	snop  }
0x155: {  	p6 =	por $0x0, $0x0;
	s10 =	simm.s32 $0x3E80  }
0x156: {  	s11 =	simm.s32 $0x5DC0;
	s3 =	simm.s32 $0x1F40;
	p5 =	por $0x0, $0x0  }
0x157: {  	s2 =	simm.s32 $0x0;
	p6 =	por @!p1 p3, p3;
	p5 =	por @!p1 p2, p2  }
0x158: {  	s0 =	simm.s32 $0x5  }
0x159: {  	_ =	swait.ge [sflag:s0], $0x2000  }
0x15a: {  	[sflag:s0] =	ssyncset.done $0x0  }
0x15b: {  	[sflag:s0] =	ssyncadd.s32 $0xFFFFE000;
	s0 =	simm.s32 @!p1 $0x6  }
0x15c: {  	_ =	swait.ge @!p1 [sflag:s0], $0x2000  }
0x15d: {  	[sflag:s0] =	ssyncset.done @!p1 $0x0  }
0x15e: {  	[sflag:s0] =	ssyncadd.s32 @!p1 $0xFFFFE000;
	s0 =	simm.s32 @p5 $0x7  }
0x15f: {  	_ =	swait.ge @p5 [sflag:s0], $0x2000  }
0x160: {  	[sflag:s0] =	ssyncset.done @p5 $0x0  }
0x161: {  	[sflag:s0] =	ssyncadd.s32 @p5 $0xFFFFE000;
	s0 =	simm.s32 @p6 $0x8  }
0x162: {  	_ =	swait.ge @p6 [sflag:s0], $0x2000  }
0x163: {  	[sflag:s0] =	ssyncset.done @p6 $0x0  }
0x164: {  	[sflag:s0] =	ssyncadd.s32 @p6 $0xFFFFE000  }
.LBB2_6:
0x165: {  	s0 =	simm.s32 $0x18110  }
0x166: {  	v0 =	vld [tilespmem:s0+$0x0];
	_ =	sdelay $0x6  }
0x167: {  	v4 =	vld [tilespmem:s0+$0xFFFFFFF0];
	v1 =	vadd.s32 $0x3E8, v0  }
0x168: {  	v2 =	vld.idx.msk [tilespmem:v0+s2+$0x0], $0xffff  }
0x169: {  	v3 =	vld.idx.msk [tilespmem:v0+s3+$0x0], $0xffff  }
0x16a: {  	v12 =	vld.idx.msk [tilespmem:v0+s10+$0x0], $0xffff  }
0x16b: {  	v5 =	vadd.s32 $0x7D0, v0;
	v13 =	vld.idx.msk [tilespmem:v0+s11+$0x0], $0xffff  }
0x16c: {  	v14 =	vld.idx.msk [tilespmem:v1+s2+$0x0], $0xffff  }
0x16d: {  	v15 =	vld.idx.msk [tilespmem:v1+s3+$0x0], $0xffff  }
0x16e: {  	v16 =	vld.idx.msk [tilespmem:v1+s10+$0x0], $0xffff  }
0x16f: {  	v6 =	vadd.s32 $0xBB8, v0;
	v1 =	vld.idx.msk [tilespmem:v1+s11+$0x0], $0xffff  }
0x170: {  	v18 =	vld.idx.msk [tilespmem:v5+s2+$0x0], $0xffff  }
0x171: {  	v19 =	vld.idx.msk [tilespmem:v5+s3+$0x0], $0xffff  }
0x172: {  	v20 =	vld.idx.msk [tilespmem:v5+s10+$0x0], $0xffff  }
0x173: {  	v7 =	vadd.s32 $0x3E8, v4;
	v21 =	vld.idx.msk [tilespmem:v5+s11+$0x0], $0xffff  }
0x174: {  	v5 =	vadd.s32 $0xFA0, v0;
	v22 =	vld.idx.msk [tilespmem:v6+s2+$0x0], $0xffff  }
0x175: {  	v23 =	vld.idx.msk [tilespmem:v6+s3+$0x0], $0xffff  }
0x176: {  	v25 =	vld.idx.msk [tilespmem:v6+s10+$0x0], $0xffff  }
0x177: {  	v26 =	vld.idx.msk [tilespmem:v6+s11+$0x0], $0xffff  }
0x178: {  	v6 =	vadd.s32 $0x1388, v0;
	v11 =	vld.idx.msk [tilespmem:v7+s2+$0x0], $0xffff  }
0x179: {  	v34 =	vld.idx.msk [tilespmem:v5+s2+$0x0], $0xffff  }
0x17a: {  	v35 =	vld.idx.msk [tilespmem:v5+s3+$0x0], $0xffff  }
0x17b: {  	v36 =	vld.idx.msk [tilespmem:v5+s10+$0x0], $0xffff  }
0x17c: {  	v37 =	vld.idx.msk [tilespmem:v5+s11+$0x0], $0xffff  }
0x17d: {  	v5 =	vadd.s32 $0x1770, v0;
	v38 =	vld.idx.msk [tilespmem:v6+s2+$0x0], $0xffff  }
0x17e: {  	v39 =	vld.idx.msk [tilespmem:v6+s3+$0x0], $0xffff  }
0x17f: {  	v40 =	vld.idx.msk [tilespmem:v6+s10+$0x0], $0xffff  }
0x180: {  	v41 =	vld.idx.msk [tilespmem:v6+s11+$0x0], $0xffff  }
0x181: {  	v0 =	vadd.s32 $0x1B58, v0;
	v6 =	vld.idx.msk [tilespmem:v7+s10+$0x0], $0xffff  }
0x182: {  	v42 =	vld.idx.msk [tilespmem:v5+s2+$0x0], $0xffff  }
0x183: {  	v43 =	vld.idx.msk [tilespmem:v5+s3+$0x0], $0xffff  }
0x184: {  	v33 =	vld.idx.msk [tilespmem:v5+s10+$0x0], $0xffff  }
0x185: {  	v32 =	vld.idx.msk [tilespmem:v5+s11+$0x0], $0xffff  }
0x186: {  	v31 =	vld.idx.msk [tilespmem:v0+s2+$0x0], $0xffff  }
0x187: {  	s21 =	simm.s32 $0x0;
	v17 =	vadd.s32 $0x7D0, v4;
	v30 =	vld.idx.msk [tilespmem:v0+s3+$0x0], $0xffff  }
0x188: {  	s9 =	sand.u32 $0x1C00, s21;
	v29 =	vld.idx.msk [tilespmem:v0+s10+$0x0], $0xffff  }
0x189: {  	s0 =	sadd.s32 $0xFD00, s9;
	v28 =	vld.idx.msk [tilespmem:v0+s11+$0x0], $0xffff  }
0x18a: {  	s1 =	simm.s32 $0x10;
	s4 =	sadd.s32 $0x11D00, s9;
	v5 =	vld.idx.msk [tilespmem:v7+s3+$0x0], $0xffff;
	[smem:$0x7E5] =	sst s0  }
0x18b: {  	s7 =	sand.u32 $0x70, s1;
	s22 =	sadd.s32 $0x13D00, s9;
	v7 =	vld.idx.msk [tilespmem:v7+s11+$0x0], $0xffff;
	[smem:$0x7E6] =	sst s4  }
0x18c: {  	s0 =	sor.u32 s7, s0;
	v8 =	vld.idx.msk [tilespmem:v17+s2+$0x0], $0xffff;
	[smem:$0x7E7] =	sst s22  }
0x18d: {  	s24 =	sadd.s32 $0x15D00, s9;
	[tilespmem:s0+$0x0] =	vst v2  }
0x18e: {  	s23 =	sor.u32 s7, s4;
	v9 =	vld.idx.msk [tilespmem:v17+s3+$0x0], $0xffff;
	[smem:$0x7E8] =	sst s24  }
0x18f: {  	s26 =	sadd.s32 $0xFD80, s9;
	v0 =	vadd.s32 $0xBB8, v4;
	[tilespmem:s23+$0x0] =	vst v3  }
0x190: {  	s25 =	sor.u32 s7, s22;
	v10 =	vld.idx.msk [tilespmem:v17+s10+$0x0], $0xffff;
	[smem:$0x7E9] =	sst s26  }
0x191: {  	s6 =	sadd.s32 $0x11D80, s9;
	[tilespmem:s25+$0x0] =	vst v12  }
0x192: {  	s5 =	sor.u32 s7, s24;
	v12 =	vld.idx.msk [tilespmem:v17+s11+$0x0], $0xffff;
	[smem:$0x7EA] =	sst s6  }
0x193: {  	s12 =	sadd.s32 $0x13D80, s9;
	[tilespmem:s5+$0x0] =	vst v13  }
0x194: {  	s8 =	sor.u32 s7, s26;
	v13 =	vld.idx.msk [tilespmem:v0+s2+$0x0], $0xffff;
	[smem:$0x7EB] =	sst s12  }
0x195: {  	s14 =	sadd.s32 $0x15D80, s9;
	[tilespmem:s8+$0x0] =	vst v14  }
0x196: {  	s13 =	sor.u32 s7, s6;
	v14 =	vld.idx.msk [tilespmem:v0+s3+$0x0], $0xffff;
	[smem:$0x7EC] =	sst s14  }
0x197: {  	s15 =	sor.u32 s7, s12;
	[tilespmem:s13+$0x0] =	vst v15  }
0x198: {  	s16 =	sor.u32 s7, s14;
	s4 =	sadd.s32 $0xFE00, s9;
	[tilespmem:s15+$0x0] =	vst v16  }
0x199: {  	s17 =	sor.u32 s7, s4;
	v16 =	vld.idx.msk [tilespmem:v0+s11+$0x0], $0xffff;
	s11 =	sadd.s32 $0x11E00, s9;
	[tilespmem:s16+$0x0] =	vst v1  }
0x19a: {  	s12 =	sadd.s32 $0x13E00, s9;
	s18 =	sor.u32 s7, s11;
	[tilespmem:s17+$0x0] =	vst v18  }
0x19b: {  	s19 =	sor.u32 s7, s12;
	s13 =	sadd.s32 $0x15E00, s9;
	[tilespmem:s18+$0x0] =	vst v19  }
0x19c: {  	v2 =	vadd.s32 $0xFA0, v4;
	s14 =	sadd.s32 $0xFE80, s9;
	s20 =	sor.u32 s7, s13;
	[tilespmem:s19+$0x0] =	vst v20  }
0x19d: {  	v3 =	vadd.s32 $0x1388, v4;
	s22 =	sor.u32 s7, s14;
	s15 =	sadd.s32 $0x11E80, s9;
	[tilespmem:s20+$0x0] =	vst v21  }
0x19e: {  	s16 =	sadd.s32 $0x13E80, s9;
	s24 =	sor.u32 s7, s15;
	[tilespmem:s22+$0x0] =	vst v22  }
0x19f: {  	v15 =	vld.idx.msk [tilespmem:v0+s10+$0x0], $0xffff;
	s10 =	sadd.s32 $0x15E80, s9;
	s25 =	sor.u32 s7, s16;
	[tilespmem:s24+$0x0] =	vst v23  }
0x1a0: {  	s23 =	simm.s32 $0x0;
	s26 =	sor.u32 s7, s10;
	s18 =	sadd.s32 $0xFF00, s9;
	[tilespmem:s25+$0x0] =	vst v25  }
0x1a1: {  	s21 =	simm.s32 $0x5DC0;
	v17 =	vld.idx.msk [tilespmem:v2+s23+$0x0], $0xffff;
	s19 =	sadd.s32 $0x11F00, s9;
	s1 =	sor.u32 s7, s18;
	[tilespmem:s26+$0x0] =	vst v26  }
0x1a2: {  	v27 =	vld.idx.msk [tilespmem:v3+s21+$0x0], $0xffff;
	s20 =	sadd.s32 $0x13F00, s9;
	s2 =	sor.u32 s7, s19;
	[tilespmem:s1+$0x0] =	vst v34  }
0x1a3: {  	s28 =	simm.s32 $0x1F40;
	s8 =	sadd.s32 $0x15F00, s9;
	v60 =	vld.idx.msk [tilespmem:v4+s23+$0x0], $0xffff;
	s3 =	sor.u32 s7, s20;
	[tilespmem:s2+$0x0] =	vst v35  }
0x1a4: {  	s5 =	simm.s32 $0x18130;
	v61 =	vld.idx.msk [tilespmem:v4+s28+$0x0], $0xffff;
	s22 =	sadd.s32 $0xFF80, s9;
	s24 =	sor.u32 s7, s8;
	[tilespmem:s3+$0x0] =	vst v36  }
0x1a5: {  	s6 =	sadd.s32 $0x11F80, s9;
	v0 =	vld [tilespmem:s5+$0xFFFFFFF0];
	s25 =	sor.u32 s7, s22;
	[tilespmem:s24+$0x0] =	vst v37  }
0x1a6: {  	v18 =	vld.idx.msk [tilespmem:v2+s28+$0x0], $0xffff;
	s17 =	simm.s32 $0x3E80;
	s26 =	sor.u32 s7, s6;
	s24 =	sadd.s32 $0x13F80, s9;
	[tilespmem:s25+$0x0] =	vst v38  }
0x1a7: {  	v19 =	vld.idx.msk [tilespmem:v2+s17+$0x0], $0xffff;
	s25 =	sadd.s32 $0x15F80, s9;
	s1 =	sor.u32 s7, s24;
	[tilespmem:s26+$0x0] =	vst v39  }
0x1a8: {  	v24 =	vld.idx.msk [tilespmem:v3+s17+$0x0], $0xffff;
	s26 =	sor.u32 $0x10000, s9;
	s2 =	sor.u32 s7, s25;
	[tilespmem:s1+$0x0] =	vst v40  }
0x1a9: {  	v34 =	vld [tilespmem:s5+$0x0];
	s5 =	sor.u32 $0x12000, s9;
	s3 =	sor.u32 s7, s26;
	[tilespmem:s2+$0x0] =	vst v41  }
0x1aa: {  	s29 =	sor.u32 $0x14000, s9;
	v1 =	vadd.s32 $0x1770, v4;
	v62 =	vld.idx.msk [tilespmem:v4+s17+$0x0], $0xffff;
	s1 =	sor.u32 s7, s5;
	[tilespmem:s3+$0x0] =	vst v42  }
0x1ab: {  	s30 =	sor.u32 $0x16000, s9;
	v20 =	vld.idx.msk [tilespmem:v2+s21+$0x0], $0xffff;
	s2 =	sor.u32 s7, s29;
	[tilespmem:s1+$0x0] =	vst v43  }
0x1ac: {  	s31 =	sor.u32 $0x10080, s9;
	v2 =	vadd.s32 $0x1B58, v4;
	v4 =	vld.idx.msk [tilespmem:v4+s21+$0x0], $0xffff;
	s3 =	sor.u32 s7, s30;
	[tilespmem:s2+$0x0] =	vst v33  }
0x1ad: {  	v21 =	vld.idx.msk [tilespmem:v3+s23+$0x0], $0xffff;
	s1 =	sor.u32 s7, s31;
	s2 =	sor.u32 $0x12080, s9;
	[tilespmem:s3+$0x0] =	vst v32  }
0x1ae: {  	v22 =	vld.idx.msk [tilespmem:v3+s28+$0x0], $0xffff;
	s3 =	sor.u32 s7, s2;
	[tilespmem:s1+$0x0] =	vst v31;
	s1 =	sor.u32 $0x14080, s9  }
0x1af: {  	v23 =	vld.idx.msk [tilespmem:v1+s17+$0x0], $0xffff;
	s9 =	sor.u32 $0x16080, s9;
	[tilespmem:s3+$0x0] =	vst v30;
	s3 =	sor.u32 s7, s1  }
0x1b0: {  	v25 =	vld.idx.msk [tilespmem:v1+s23+$0x0], $0xffff;
	s7 =	sor.u32 s7, s9;
	[tilespmem:s3+$0x0] =	vst v29  }
0x1b1: {  	v26 =	vld.idx.msk [tilespmem:v1+s28+$0x0], $0xffff;
	[tilespmem:s7+$0x0] =	vst v28  }
0x1b2: {  	v56 =	vld.idx.msk [tilespmem:v2+s28+$0x0], $0xffff;
	s3 =	sld [smem:$0x7E5]  }
0x1b3: {  	s0 =	simm.s32 $0x0;
	v58 =	vld.idx.msk [tilespmem:v2+s17+$0x0], $0xffff  }
0x1b4: {  	s0 =	sand.u32 $0x60, s0;
	v57 =	vld.idx.msk [tilespmem:v2+s21+$0x0], $0xffff  }
0x1b5: {  	v36 =	vld.idx.msk [tilespmem:v2+s23+$0x0], $0xffff;
	s3 =	sor.u32 s0, s3  }
0x1b6: {  	v38 =	vld.idx.msk [tilespmem:v1+s21+$0x0], $0xffff;
	[tilespmem:s3+$0x0] =	vst v60  }
0x1b7: {  	s3 =	sld [smem:$0x7E6];
	_ =	sdelay $0x2  }
0x1b8: {  	s3 =	sor.u32 s0, s3  }
0x1b9: {  	[tilespmem:s3+$0x0] =	vst v61  }
0x1ba: {  	s3 =	sld [smem:$0x7E7];
	_ =	sdelay $0x2  }
0x1bb: {  	s3 =	sor.u32 s0, s3  }
0x1bc: {  	[tilespmem:s3+$0x0] =	vst v62  }
0x1bd: {  	s3 =	sld [smem:$0x7E8];
	_ =	sdelay $0x2  }
0x1be: {  	s3 =	sor.u32 s0, s3  }
0x1bf: {  	[tilespmem:s3+$0x0] =	vst v4  }
0x1c0: {  	s3 =	sld [smem:$0x7E9];
	_ =	sdelay $0x2  }
0x1c1: {  	s3 =	sor.u32 s0, s3  }
0x1c2: {  	[tilespmem:s3+$0x0] =	vst v11  }
0x1c3: {  	s3 =	sld [smem:$0x7EA];
	_ =	sdelay $0x2  }
0x1c4: {  	s3 =	sor.u32 s0, s3  }
0x1c5: {  	v31 =	vadd.s32 $0x3E8, v34;
	[tilespmem:s3+$0x0] =	vst v5  }
0x1c6: {  	v48 =	vld.idx.msk [tilespmem:v34+s23+$0x0], $0xffff;
	s3 =	sld [smem:$0x7EB]  }
0x1c7: {  	v49 =	vld.idx.msk [tilespmem:v34+s28+$0x0], $0xffff  }
0x1c8: {  	v50 =	vld.idx.msk [tilespmem:v34+s17+$0x0], $0xffff;
	v28 =	vadd.s32 $0x7D0, v34  }
0x1c9: {  	v51 =	vld.idx.msk [tilespmem:v34+s21+$0x0], $0xffff;
	s3 =	sor.u32 s0, s3  }
0x1ca: {  	v52 =	vld.idx.msk [tilespmem:v31+s23+$0x0], $0xffff;
	[tilespmem:s3+$0x0] =	vst v6  }
0x1cb: {  	v53 =	vld.idx.msk [tilespmem:v31+s28+$0x0], $0xffff;
	s3 =	sld [smem:$0x7EC]  }
0x1cc: {  	v54 =	vld.idx.msk [tilespmem:v31+s17+$0x0], $0xffff;
	v4 =	vadd.s32 $0xBB8, v34  }
0x1cd: {  	v47 =	vld.idx.msk [tilespmem:v28+s23+$0x0], $0xffff  }
0x1ce: {  	v46 =	vld.idx.msk [tilespmem:v28+s28+$0x0], $0xffff;
	s3 =	sor.u32 s0, s3  }
0x1cf: {  	s4 =	sor.u32 s0, s4;
	v45 =	vld.idx.msk [tilespmem:v28+s17+$0x0], $0xffff;
	[tilespmem:s3+$0x0] =	vst v7  }
0x1d0: {  	s7 =	sor.u32 s0, s11;
	v44 =	vld.idx.msk [tilespmem:v28+s21+$0x0], $0xffff;
	v5 =	vadd.s32 $0xFA0, v34;
	[tilespmem:s4+$0x0] =	vst v8  }
0x1d1: {  	s11 =	sor.u32 s0, s12;
	v43 =	vld.idx.msk [tilespmem:v4+s23+$0x0], $0xffff;
	[tilespmem:s7+$0x0] =	vst v9  }
0x1d2: {  	s12 =	sor.u32 s0, s13;
	v42 =	vld.idx.msk [tilespmem:v4+s28+$0x0], $0xffff;
	[tilespmem:s11+$0x0] =	vst v10  }
0x1d3: {  	s13 =	sor.u32 s0, s14;
	v40 =	vld.idx.msk [tilespmem:v4+s17+$0x0], $0xffff;
	[tilespmem:s12+$0x0] =	vst v12  }
0x1d4: {  	s14 =	sor.u32 s0, s15;
	v39 =	vld.idx.msk [tilespmem:v4+s21+$0x0], $0xffff;
	[tilespmem:s13+$0x0] =	vst v13  }
0x1d5: {  	s15 =	sor.u32 s0, s16;
	v4 =	vadd.s32 $0x1388, v34;
	v63 =	vld.idx.msk [tilespmem:v5+s23+$0x0], $0xffff;
	[tilespmem:s14+$0x0] =	vst v14  }
0x1d6: {  	s16 =	sor.u32 s0, s10;
	v37 =	vld.idx.msk [tilespmem:v5+s28+$0x0], $0xffff;
	[tilespmem:s15+$0x0] =	vst v15  }
0x1d7: {  	s18 =	sor.u32 s0, s18;
	v29 =	vld.idx.msk [tilespmem:v5+s17+$0x0], $0xffff;
	[tilespmem:s16+$0x0] =	vst v16  }
0x1d8: {  	s19 =	sor.u32 s0, s19;
	v28 =	vld.idx.msk [tilespmem:v5+s21+$0x0], $0xffff;
	v5 =	vadd.s32 $0x1770, v34;
	[tilespmem:s18+$0x0] =	vst v17  }
0x1d9: {  	s20 =	sor.u32 s0, s20;
	v55 =	vld.idx.msk [tilespmem:v31+s21+$0x0], $0xffff;
	[tilespmem:s19+$0x0] =	vst v18  }
0x1da: {  	v31 =	vld.idx.msk [tilespmem:v4+s28+$0x0], $0xffff;
	s7 =	sor.u32 s0, s8;
	[tilespmem:s20+$0x0] =	vst v19  }
0x1db: {  	v32 =	vld.idx.msk [tilespmem:v4+s17+$0x0], $0xffff;
	s8 =	sor.u32 s0, s22;
	[tilespmem:s7+$0x0] =	vst v20  }
0x1dc: {  	s10 =	sor.u32 s0, s6;
	v59 =	vld.idx.msk [tilespmem:v4+s21+$0x0], $0xffff;
	[tilespmem:s8+$0x0] =	vst v21  }
0x1dd: {  	v60 =	vld.idx.msk [tilespmem:v5+s23+$0x0], $0xffff;
	s11 =	sor.u32 s0, s24;
	[tilespmem:s10+$0x0] =	vst v22  }
0x1de: {  	s12 =	sor.u32 s0, s25;
	v13 =	vld.idx.msk [tilespmem:v4+s23+$0x0], $0xffff;
	v4 =	vadd.s32 $0x1B58, v34;
	[tilespmem:s11+$0x0] =	vst v24  }
0x1df: {  	v61 =	vld.idx.msk [tilespmem:v5+s28+$0x0], $0xffff;
	s13 =	sor.u32 s0, s26;
	[tilespmem:s12+$0x0] =	vst v27  }
0x1e0: {  	s2 =	sor.u32 s0, s2;
	v30 =	vld.idx.msk [tilespmem:v5+s17+$0x0], $0xffff;
	[tilespmem:s13+$0x0] =	vst v25  }
0x1e1: {  	v10 =	vld.idx.msk [tilespmem:v5+s21+$0x0], $0xffff;
	s14 =	sor.u32 s0, s5;
	[dreg:$0x3] =	wrdreg s2  }
0x1e2: {  	s1 =	sor.u32 s0, s1;
	s15 =	sor.u32 s0, s29;
	s16 =	simm.s32 $0x100;
	[tilespmem:s14+$0x0] =	vst v26  }
0x1e3: {  	s18 =	sand.u32 $0x1C00, s16;
	s19 =	sor.u32 s0, s30;
	v11 =	vld.idx.msk [tilespmem:v4+s23+$0x0], $0xffff;
	[dreg:$0x4] =	wrdreg s1  }
0x1e4: {  	s20 =	sor.u32 s0, s31;
	s0 =	sor.u32 s0, s9;
	s7 =	simm.s32 $0x30;
	[tilespmem:s15+$0x0] =	vst v23  }
0x1e5: {  	s22 =	sadd.s32 $0xFD00, s18;
	s24 =	sand.u32 $0x70, s7;
	v14 =	vld.idx.msk [tilespmem:v4+s28+$0x0], $0xffff;
	[dreg:$0x5] =	wrdreg s0  }
0x1e6: {  	v7 =	vadd.s32 $0x3E8, v0;
	s25 =	simm.s32 $0x20;
	s5 =	sor.u32 s24, s22;
	[tilespmem:s19+$0x0] =	vst v38;
	v15 =	vld.idx.msk [tilespmem:v4+s17+$0x0], $0xffff  }
0x1e7: {  	s14 =	sand.u32 $0x60, s25;
	v16 =	vld.idx.msk [tilespmem:v4+s21+$0x0], $0xffff;
	[tilespmem:s5+$0x0] =	vst v48  }
0x1e8: {  	s26 =	sadd.s32 $0x11D00, s18;
	s0 =	sor.u32 s14, s22;
	[tilespmem:s20+$0x0] =	vst v36  }
0x1e9: {  	s8 =	sor.u32 s24, s26;
	[dreg:$0x9] =	wrdreg s0  }
0x1ea: {  	s6 =	sadd.s32 $0x13D00, s18;
	s2 =	sor.u32 s14, s26;
	[tilespmem:s8+$0x0] =	vst v49  }
0x1eb: {  	s10 =	sor.u32 s24, s6;
	v48 =	vld.idx.msk [tilespmem:v7+s23+$0x0], $0xffff;
	[dreg:$0xa] =	wrdreg s2  }
0x1ec: {  	s9 =	sadd.s32 $0x15D00, s18;
	s1 =	sor.u32 s14, s6;
	[tilespmem:s10+$0x0] =	vst v50  }
0x1ed: {  	s12 =	sor.u32 s24, s9;
	v49 =	vld.idx.msk [tilespmem:v7+s28+$0x0], $0xffff;
	[dreg:$0xb] =	wrdreg s1  }
0x1ee: {  	v17 =	vadd.s32 $0x7D0, v0;
	s11 =	sadd.s32 $0xFD80, s18;
	s0 =	sor.u32 s14, s9;
	[tilespmem:s12+$0x0] =	vst v51  }
0x1ef: {  	s15 =	sor.u32 s24, s11;
	v50 =	vld.idx.msk [tilespmem:v7+s17+$0x0], $0xffff;
	[dreg:$0xc] =	wrdreg s0  }
0x1f0: {  	s13 =	sadd.s32 $0x11D80, s18;
	s2 =	sor.u32 s14, s11;
	[tilespmem:s15+$0x0] =	vst v52  }
0x1f1: {  	s20 =	sor.u32 s24, s13;
	v5 =	vld.idx.msk [tilespmem:v7+s21+$0x0], $0xffff;
	[dreg:$0xd] =	wrdreg s2  }
0x1f2: {  	s19 =	sadd.s32 $0x13D80, s18;
	s1 =	sor.u32 s14, s13;
	[tilespmem:s20+$0x0] =	vst v53  }
0x1f3: {  	s25 =	sor.u32 s24, s19;
	v6 =	vld.idx.msk [tilespmem:v17+s23+$0x0], $0xffff;
	[dreg:$0xe] =	wrdreg s1  }
0x1f4: {  	s22 =	sadd.s32 $0x15D80, s18;
	s0 =	sor.u32 s14, s19;
	[tilespmem:s25+$0x0] =	vst v54  }
0x1f5: {  	s4 =	sor.u32 s24, s22;
	v9 =	vld.idx.msk [tilespmem:v17+s28+$0x0], $0xffff;
	[dreg:$0xf] =	wrdreg s0  }
0x1f6: {  	v21 =	vadd.s32 $0xBB8, v0;
	s26 =	sadd.s32 $0xFE00, s18;
	s2 =	sor.u32 s14, s22;
	[tilespmem:s4+$0x0] =	vst v55  }
0x1f7: {  	s6 =	sor.u32 s24, s26;
	v12 =	vld.idx.msk [tilespmem:v17+s17+$0x0], $0xffff;
	[dreg:$0x10] =	wrdreg s2  }
0x1f8: {  	s5 =	sadd.s32 $0x11E00, s18;
	s1 =	sor.u32 s14, s26;
	[tilespmem:s6+$0x0] =	vst v47  }
0x1f9: {  	s9 =	sor.u32 s24, s5;
	v17 =	vld.idx.msk [tilespmem:v17+s21+$0x0], $0xffff;
	[dreg:$0x11] =	wrdreg s1  }
0x1fa: {  	s8 =	sadd.s32 $0x13E00, s18;
	s0 =	sor.u32 s14, s5;
	[tilespmem:s9+$0x0] =	vst v46  }
0x1fb: {  	s11 =	sor.u32 s24, s8;
	v18 =	vld.idx.msk [tilespmem:v21+s23+$0x0], $0xffff;
	[dreg:$0x12] =	wrdreg s0  }
0x1fc: {  	s10 =	sadd.s32 $0x15E00, s18;
	s2 =	sor.u32 s14, s8;
	[tilespmem:s11+$0x0] =	vst v45  }
0x1fd: {  	v25 =	vadd.s32 $0xFA0, v0;
	s13 =	sor.u32 s24, s10;
	v19 =	vld.idx.msk [tilespmem:v21+s28+$0x0], $0xffff;
	[dreg:$0x13] =	wrdreg s2  }
0x1fe: {  	s12 =	sadd.s32 $0xFE80, s18;
	s1 =	sor.u32 s14, s10;
	[tilespmem:s13+$0x0] =	vst v44  }
0x1ff: {  	s19 =	sor.u32 s24, s12;
	v20 =	vld.idx.msk [tilespmem:v21+s17+$0x0], $0xffff;
	[dreg:$0x15] =	wrdreg s1  }
0x200: {  	s15 =	sadd.s32 $0x11E80, s18;
	s0 =	sor.u32 s14, s12;
	[tilespmem:s19+$0x0] =	vst v43  }
0x201: {  	v62 =	vadd.s32 $0x1388, v0;
	s22 =	sor.u32 s24, s15;
	s20 =	sadd.s32 $0x13E80, s18;
	v21 =	vld.idx.msk [tilespmem:v21+s21+$0x0], $0xffff;
	[dreg:$0x17] =	wrdreg s0  }
0x202: {  	s3 =	sadd.s32 $0xFF00, s18;
	s26 =	sor.u32 s24, s20;
	s25 =	sadd.s32 $0x15E80, s18;
	v22 =	vld.idx.msk [tilespmem:v25+s23+$0x0], $0xffff;
	[tilespmem:s22+$0x0] =	vst v42  }
0x203: {  	s29 =	sor.u32 s14, s3;
	s5 =	sor.u32 s24, s25;
	v23 =	vld.idx.msk [tilespmem:v25+s28+$0x0], $0xffff;
	[tilespmem:s26+$0x0] =	vst v40  }
0x204: {  	s30 =	sor.u32 s14, s20;
	s6 =	sadd.s32 $0x11F00, s18;
	s9 =	sor.u32 s24, s3;
	v24 =	vld.idx.msk [tilespmem:v25+s17+$0x0], $0xffff;
	[tilespmem:s5+$0x0] =	vst v39  }
0x205: {  	s8 =	sor.u32 s14, s15;
	s12 =	sor.u32 s24, s6;
	s11 =	sadd.s32 $0x13F00, s18;
	v25 =	vld.idx.msk [tilespmem:v25+s21+$0x0], $0xffff;
	[tilespmem:s9+$0x0] =	vst v63;
	v63 =	vadd.s32 $0x1770, v0  }
0x206: {  	s31 =	sor.u32 s14, s6;
	s15 =	sor.u32 s24, s11;
	s13 =	sadd.s32 $0x15F00, s18;
	v26 =	vld.idx.msk [tilespmem:v62+s23+$0x0], $0xffff;
	[tilespmem:s12+$0x0] =	vst v37  }
0x207: {  	s10 =	sor.u32 $0x16000, s18;
	s20 =	sor.u32 s24, s13;
	s19 =	sadd.s32 $0xFF80, s18;
	v27 =	vld.idx.msk [tilespmem:v62+s28+$0x0], $0xffff;
	[tilespmem:s15+$0x0] =	vst v29  }
0x208: {  	s2 =	sor.u32 s14, s25;
	s25 =	sor.u32 s24, s19;
	s22 =	sadd.s32 $0x11F80, s18;
	v29 =	vld.idx.msk [tilespmem:v62+s21+$0x0], $0xffff;
	[tilespmem:s20+$0x0] =	vst v28  }
0x209: {  	s1 =	sor.u32 s14, s11;
	s26 =	sadd.s32 $0x13F80, s18;
	s3 =	sor.u32 s24, s22;
	v28 =	vld.idx.msk [tilespmem:v62+s17+$0x0], $0xffff;
	[tilespmem:s25+$0x0] =	vst v13;
	v13 =	vadd.s32 $0x1B58, v0  }
0x20a: {  	s0 =	sor.u32 s14, s13;
	s5 =	sadd.s32 $0x15F80, s18;
	s6 =	sor.u32 s24, s26;
	[tilespmem:s3+$0x0] =	vst v31;
	v31 =	vld.idx.msk [tilespmem:v63+s23+$0x0], $0xffff  }
0x20b: {  	s4 =	sor.u32 s14, s19;
	s9 =	sor.u32 s24, s5;
	s15 =	sor.u32 $0x10000, s18;
	v33 =	vld.idx.msk [tilespmem:v63+s17+$0x0], $0xffff;
	[tilespmem:s6+$0x0] =	vst v32  }
0x20c: {  	s19 =	sor.u32 s14, s22;
	s22 =	sor.u32 $0x12000, s18;
	s13 =	sor.u32 s24, s15;
	v34 =	vld.idx.msk [tilespmem:v63+s21+$0x0], $0xffff;
	[tilespmem:s9+$0x0] =	vst v59  }
0x20d: {  	s20 =	sor.u32 s14, s26;
	s26 =	sor.u32 $0x14000, s18;
	s17 =	sor.u32 s24, s22;
	v32 =	vld.idx.msk [tilespmem:v63+s28+$0x0], $0xffff;
	[tilespmem:s13+$0x0] =	vst v60  }
0x20e: {  	s11 =	simm.s32 $0x18150;
	s12 =	sor.u32 $0x10080, s18;
	s25 =	sor.u32 s24, s26;
	[tilespmem:s17+$0x0] =	vst v61;
	v35 =	vld.idx.msk [tilespmem:v13+s23+$0x0], $0xffff  }
0x20f: {  	s21 =	sor.u32 s14, s5;
	s13 =	simm.s32 $0x2;
	[tilespmem:s25+$0x0] =	vst v30;
	v30 =	vld.idx.msk [tilespmem:v13+s28+$0x0], $0xffff;
	s28 =	sor.u32 s24, s10  }
.LBB2_7:
0x210: {  	s3 =	sor.u32 s14, s15  }
0x211: {  	v39 =	vld [tilespmem:s11+$0x0];
	s9 =	sor.u32 $0x12080, s18;
	[tilespmem:s28+$0x0] =	vst v10;
	s17 =	sor.u32 s24, s12;
	s5 =	sor.u32 $0x14080, s18  }
0x212: {  	v10 =	vld [tilespmem:s11+$0xFFFFFFF0];
	s25 =	simm.s32 $0x3E80;
	s6 =	simm.s32 $0x5DC0;
	[tilespmem:s17+$0x0] =	vst v11;
	s23 =	sor.u32 s24, s9  }
0x213: {  	[dreg:$0x1c] =	wrdreg s3;
	v11 =	vld.idx.msk [tilespmem:v13+s25+$0x0], $0xffff;
	s3 =	sor.u32 $0x16080, s18;
	s17 =	sor.u32 s24, s5;
	[tilespmem:s23+$0x0] =	vst v14  }
0x214: {  	s15 =	sor.u32 s14, s12;
	v14 =	vld.idx.msk [tilespmem:v13+s6+$0x0], $0xffff;
	s23 =	simm.s32 $0x0;
	[tilespmem:s17+$0x0] =	vst v15;
	s17 =	sor.u32 s24, s3  }
0x215: {  	s12 =	sor.u32 s14, s3;
	v15 =	vld.idx.msk [tilespmem:v0+s23+$0x0], $0xffff;
	s3 =	simm.s32 $0x1F40;
	s24 =	rddreg [dreg:$0x3];
	[tilespmem:s17+$0x0] =	vst v16  }
0x216: {  	s28 =	sor.u32 s14, s22;
	v16 =	vld.idx.msk [tilespmem:v0+s3+$0x0], $0xffff;
	[tilespmem:s24+$0x0] =	vst v56;
	s17 =	rddreg [dreg:$0x4]  }
0x217: {  	s26 =	sor.u32 s14, s26;
	s22 =	sor.u32 s14, s10;
	s9 =	sor.u32 s14, s9;
	v40 =	vld.idx.msk [tilespmem:v0+s25+$0x0], $0xffff;
	[tilespmem:s17+$0x0] =	vst v58  }
0x218: {  	s10 =	rddreg [dreg:$0x9];
	s5 =	sor.u32 s14, s5;
	s14 =	smov.u32 s9;
	v41 =	vadd.s32 $0x3E8, v39;
	v42 =	vld.idx.msk [tilespmem:v0+s6+$0x0], $0xffff  }
0x219: {  	[dreg:$0x3] =	wrdreg s14;
	v61 =	vld.idx.msk [tilespmem:v39+s23+$0x0], $0xffff  }
0x21a: {  	s9 =	smov.u32 s12;
	s12 =	rddreg [dreg:$0xa];
	v1 =	vmov v30;
	v62 =	vld.idx.msk [tilespmem:v39+s3+$0x0], $0xffff  }
0x21b: {  	s24 =	rddreg [dreg:$0x5];
	[tilespmem:$0x1FFD0] =	vst v1;
	v53 =	vadd.s32 $0x3E8, v10;
	v43 =	vadd.s32 $0x7D0, v10;
	v38 =	vadd.s32 $0xBB8, v10;
	v63 =	vld.idx.msk [tilespmem:v39+s25+$0x0], $0xffff  }
0x21c: {  	s18 =	smov.u32 s5;
	s14 =	rddreg [dreg:$0xb];
	v37 =	vadd.s32 $0xFA0, v10;
	v36 =	vadd.s32 $0x1388, v10;
	[tilespmem:s24+$0x0] =	vst v57;
	v0 =	vmovc v10;
	v10 =	vadd.s32 $0x7D0, v39;
	v1 =	vld.idx.msk [tilespmem:v39+s6+$0x0], $0xffff  }
0x21d: {  	[dreg:$0x4] =	wrdreg s18;
	[tilespmem:s10+$0x0] =	vst v15;
	v2 =	vld.idx.msk [tilespmem:v41+s23+$0x0], $0xffff  }
0x21e: {  	[dreg:$0x5] =	wrdreg s9;
	[tilespmem:s12+$0x0] =	vst v16;
	v3 =	vld.idx.msk [tilespmem:v41+s3+$0x0], $0xffff  }
0x21f: {  	s17 =	rddreg [dreg:$0xc];
	[tilespmem:s14+$0x0] =	vst v40;
	v4 =	vld.idx.msk [tilespmem:v41+s25+$0x0], $0xffff  }
0x220: {  	s18 =	rddreg [dreg:$0xd];
	v8 =	vmov v11;
	v11 =	vadd.s32 $0xBB8, v39;
	v60 =	vld.idx.msk [tilespmem:v41+s6+$0x0], $0xffff;
	[tilespmem:s17+$0x0] =	vst v42  }
0x221: {  	s24 =	rddreg [dreg:$0xe];
	v59 =	vld.idx.msk [tilespmem:v10+s23+$0x0], $0xffff;
	[tilespmem:s18+$0x0] =	vst v48  }
0x222: {  	s9 =	rddreg [dreg:$0xf];
	v58 =	vld.idx.msk [tilespmem:v10+s3+$0x0], $0xffff;
	[tilespmem:s24+$0x0] =	vst v49  }
0x223: {  	s10 =	rddreg [dreg:$0x10];
	v57 =	vld.idx.msk [tilespmem:v10+s25+$0x0], $0xffff;
	[tilespmem:s9+$0x0] =	vst v50  }
0x224: {  	v56 =	vld.idx.msk [tilespmem:v10+s6+$0x0], $0xffff;
	[tilespmem:s10+$0x0] =	vst v5;
	v5 =	vadd.s32 $0xFA0, v39  }
0x225: {  	v55 =	vld.idx.msk [tilespmem:v11+s23+$0x0], $0xffff  }
0x226: {  	v54 =	vld.idx.msk [tilespmem:v11+s3+$0x0], $0xffff  }
0x227: {  	s12 =	rddreg [dreg:$0x11];
	v52 =	vld.idx.msk [tilespmem:v11+s25+$0x0], $0xffff  }
0x228: {  	v51 =	vld.idx.msk [tilespmem:v11+s6+$0x0], $0xffff;
	[tilespmem:s12+$0x0] =	vst v6;
	v6 =	vadd.s32 $0x1388, v39  }
0x229: {  	v50 =	vld.idx.msk [tilespmem:v5+s23+$0x0], $0xffff  }
0x22a: {  	v49 =	vld.idx.msk [tilespmem:v5+s3+$0x0], $0xffff  }
0x22b: {  	v48 =	vld.idx.msk [tilespmem:v5+s25+$0x0], $0xffff  }
0x22c: {  	v47 =	vld.idx.msk [tilespmem:v5+s6+$0x0], $0xffff;
	v5 =	vadd.s32 $0x1770, v39  }
0x22d: {  	s14 =	rddreg [dreg:$0x12];
	v46 =	vld.idx.msk [tilespmem:v6+s23+$0x0], $0xffff  }
0x22e: {  	s17 =	rddreg [dreg:$0x13];
	[tilespmem:s14+$0x0] =	vst v9;
	v45 =	vld.idx.msk [tilespmem:v6+s3+$0x0], $0xffff  }
0x22f: {  	s18 =	rddreg [dreg:$0x15];
	[tilespmem:s17+$0x0] =	vst v12;
	v44 =	vld.idx.msk [tilespmem:v6+s25+$0x0], $0xffff  }
0x230: {  	s24 =	rddreg [dreg:$0x17];
	[tilespmem:s18+$0x0] =	vst v17;
	v42 =	vld.idx.msk [tilespmem:v6+s6+$0x0], $0xffff;
	v6 =	vadd.s32 $0x1B58, v39  }
0x231: {  	[tilespmem:s24+$0x0] =	vst v18;
	v41 =	vld.idx.msk [tilespmem:v5+s23+$0x0], $0xffff  }
0x232: {  	[tilespmem:s8+$0x0] =	vst v19;
	v40 =	vld.idx.msk [tilespmem:v5+s3+$0x0], $0xffff  }
0x233: {  	[tilespmem:s30+$0x0] =	vst v20;
	v39 =	vld.idx.msk [tilespmem:v5+s25+$0x0], $0xffff  }
0x234: {  	s16 =	sadd.s32 $0x100, s16;
	[tilespmem:s2+$0x0] =	vst v21;
	v10 =	vld.idx.msk [tilespmem:v5+s6+$0x0], $0xffff  }
0x235: {  	s7 =	sadd.s32 $0x20, s7;
	s18 =	sand.u32 $0x1C00, s16;
	[tilespmem:s29+$0x0] =	vst v22;
	v11 =	vld.idx.msk [tilespmem:v6+s23+$0x0], $0xffff  }
0x236: {  	v7 =	vmov v14;
	s24 =	sand.u32 $0x70, s7;
	s8 =	sadd.s32 $0xFD00, s18;
	[tilespmem:s31+$0x0] =	vst v23;
	v14 =	vld.idx.msk [tilespmem:v6+s3+$0x0], $0xffff  }
0x237: {  	s10 =	sor.u32 s24, s8;
	[tilespmem:s1+$0x0] =	vst v24;
	v15 =	vld.idx.msk [tilespmem:v6+s25+$0x0], $0xffff  }
0x238: {  	v16 =	vld.idx.msk [tilespmem:v6+s6+$0x0], $0xffff;
	[tilespmem:s10+$0x0] =	vst v61  }
0x239: {  	[tilespmem:s0+$0x0] =	vst v25  }
0x23a: {  	[tilespmem:s4+$0x0] =	vst v26  }
0x23b: {  	[tilespmem:s19+$0x0] =	vst v27  }
0x23c: {  	s13 =	sadd.s32 $0x2, s13;
	[tilespmem:s20+$0x0] =	vst v28  }
0x23d: {  	s11 =	sadd.s32 $0x20, s11;
	s5 =	sadd.s32 $0xFFFFFFF0, s7;
	s4 =	rddreg [dreg:$0x1c];
	[tilespmem:s21+$0x0] =	vst v29  }
0x23e: {  	p0 =	slt.u32 s13, $0x3E;
	s14 =	sand.u32 $0x60, s5;
	s9 =	sadd.s32 $0x11D00, s18;
	[tilespmem:s4+$0x0] =	vst v31  }
0x23f: {  	s12 =	sadd.s32 $0x13D00, s18;
	s17 =	sadd.s32 $0x15D00, s18;
	s1 =	sor.u32 s14, s8;
	[tilespmem:s28+$0x0] =	vst v32  }
0x240: {  	s8 =	sadd.s32 $0x15D80, s18;
	[dreg:$0x9] =	wrdreg s1;
	s0 =	sor.u32 s14, s9;
	[tilespmem:s26+$0x0] =	vst v33  }
0x241: {  	s10 =	sadd.s32 $0xFE00, s18;
	s1 =	sor.u32 s14, s12;
	[dreg:$0xa] =	wrdreg s0;
	[tilespmem:s22+$0x0] =	vst v34  }
0x242: {  	[dreg:$0xb] =	wrdreg s1;
	s0 =	sor.u32 s14, s17;
	s19 =	sor.u32 s24, s12;
	[tilespmem:s15+$0x0] =	vst v35  }
0x243: {  	[dreg:$0xc] =	wrdreg s0;
	s20 =	sadd.s32 $0xFD80, s18;
	s15 =	sor.u32 s24, s9;
	v28 =	vld.idx.msk [tilespmem:v53+s23+$0x0], $0xffff  }
0x244: {  	s12 =	sor.u32 s24, s8;
	s21 =	sor.u32 s24, s17;
	s1 =	sor.u32 s14, s20;
	[tilespmem:s15+$0x0] =	vst v62;
	v27 =	vld.idx.msk [tilespmem:v53+s3+$0x0], $0xffff  }
0x245: {  	s17 =	sor.u32 s24, s10;
	[dreg:$0xd] =	wrdreg s1;
	s4 =	sadd.s32 $0x13D80, s18;
	v26 =	vld.idx.msk [tilespmem:v53+s25+$0x0], $0xffff;
	[tilespmem:s19+$0x0] =	vst v63  }
0x246: {  	s1 =	sor.u32 s14, s4;
	s26 =	sor.u32 s24, s20;
	s22 =	sadd.s32 $0x11D80, s18;
	v5 =	vld.idx.msk [tilespmem:v53+s6+$0x0], $0xffff;
	[tilespmem:s21+$0x0] =	vst v1  }
0x247: {  	[dreg:$0xf] =	wrdreg s1;
	s1 =	sor.u32 s14, s10;
	s5 =	sor.u32 s24, s22;
	v6 =	vld.idx.msk [tilespmem:v43+s23+$0x0], $0xffff;
	[tilespmem:s26+$0x0] =	vst v2  }
0x248: {  	[dreg:$0x11] =	wrdreg s1;
	s0 =	sor.u32 s14, s22;
	s9 =	sor.u32 s24, s4;
	v9 =	vld.idx.msk [tilespmem:v43+s3+$0x0], $0xffff;
	[tilespmem:s5+$0x0] =	vst v3  }
0x249: {  	[dreg:$0xe] =	wrdreg s0;
	v12 =	vld.idx.msk [tilespmem:v43+s25+$0x0], $0xffff;
	s0 =	sor.u32 s14, s8;
	s15 =	sadd.s32 $0x11E00, s18;
	[tilespmem:s9+$0x0] =	vst v4  }
0x24a: {  	v17 =	vld.idx.msk [tilespmem:v43+s6+$0x0], $0xffff;
	[dreg:$0x10] =	wrdreg s0;
	s19 =	sadd.s32 $0x13E00, s18;
	s0 =	sor.u32 s14, s15;
	[tilespmem:s12+$0x0] =	vst v60  }
0x24b: {  	v18 =	vld.idx.msk [tilespmem:v38+s23+$0x0], $0xffff;
	s20 =	sor.u32 s24, s15;
	[dreg:$0x12] =	wrdreg s0;
	s1 =	sor.u32 s14, s19;
	[tilespmem:s17+$0x0] =	vst v59  }
0x24c: {  	v19 =	vld.idx.msk [tilespmem:v38+s3+$0x0], $0xffff;
	s21 =	sadd.s32 $0x15E00, s18;
	s22 =	sor.u32 s24, s19;
	[dreg:$0x13] =	wrdreg s1;
	[tilespmem:s20+$0x0] =	vst v58  }
0x24d: {  	v20 =	vld.idx.msk [tilespmem:v38+s25+$0x0], $0xffff;
	s26 =	sadd.s32 $0xFE80, s18;
	s4 =	sor.u32 s24, s21;
	s0 =	sor.u32 s14, s21;
	[tilespmem:s22+$0x0] =	vst v57  }
0x24e: {  	v21 =	vld.idx.msk [tilespmem:v38+s6+$0x0], $0xffff;
	[dreg:$0x15] =	wrdreg s0;
	s5 =	sadd.s32 $0x11E80, s18;
	s8 =	sor.u32 s24, s26;
	[tilespmem:s4+$0x0] =	vst v56  }
0x24f: {  	v30 =	vadd.s32 $0x1770, v0;
	v22 =	vld.idx.msk [tilespmem:v37+s23+$0x0], $0xffff;
	s1 =	sor.u32 s14, s26;
	s9 =	sadd.s32 $0x13E80, s18;
	s10 =	sor.u32 s24, s5;
	[tilespmem:s8+$0x0] =	vst v55  }
0x250: {  	v23 =	vld.idx.msk [tilespmem:v37+s3+$0x0], $0xffff;
	[dreg:$0x17] =	wrdreg s1;
	s12 =	sadd.s32 $0x15E80, s18;
	s15 =	sor.u32 s24, s9;
	[tilespmem:s10+$0x0] =	vst v54  }
0x251: {  	v24 =	vld.idx.msk [tilespmem:v37+s25+$0x0], $0xffff;
	s30 =	sor.u32 s14, s9;
	s17 =	sadd.s32 $0xFF00, s18;
	s19 =	sor.u32 s24, s12;
	[tilespmem:s15+$0x0] =	vst v52  }
0x252: {  	v25 =	vld.idx.msk [tilespmem:v37+s6+$0x0], $0xffff;
	s2 =	sor.u32 s14, s12;
	s20 =	sadd.s32 $0x11F00, s18;
	s21 =	sor.u32 s24, s17;
	[tilespmem:s19+$0x0] =	vst v51  }
0x253: {  	v13 =	vadd.s32 $0x1B58, v0;
	v29 =	vld.idx.msk [tilespmem:v36+s6+$0x0], $0xffff;
	s29 =	sor.u32 s14, s17;
	s22 =	sadd.s32 $0x13F00, s18;
	s26 =	sor.u32 s24, s20;
	[tilespmem:s21+$0x0] =	vst v50  }
0x254: {  	v31 =	vld.idx.msk [tilespmem:v30+s23+$0x0], $0xffff;
	s31 =	sor.u32 s14, s20;
	s12 =	sor.u32 s24, s22;
	s10 =	sadd.s32 $0x15F00, s18;
	[tilespmem:s26+$0x0] =	vst v49  }
0x255: {  	v32 =	vld.idx.msk [tilespmem:v30+s3+$0x0], $0xffff;
	s1 =	sor.u32 s14, s22;
	s15 =	sadd.s32 $0xFF80, s18;
	s17 =	sor.u32 s24, s10;
	[tilespmem:s12+$0x0] =	vst v48  }
0x256: {  	v33 =	vld.idx.msk [tilespmem:v30+s25+$0x0], $0xffff;
	s8 =	sor.u32 s14, s5;
	s19 =	sadd.s32 $0x11F80, s18;
	s26 =	sor.u32 s24, s15;
	[tilespmem:s17+$0x0] =	vst v47  }
0x257: {  	v34 =	vld.idx.msk [tilespmem:v30+s6+$0x0], $0xffff;
	s0 =	sor.u32 s14, s10;
	s20 =	sor.u32 s24, s19;
	s12 =	sadd.s32 $0x13F80, s18;
	[tilespmem:s26+$0x0] =	vst v46  }
0x258: {  	v35 =	vld.idx.msk [tilespmem:v13+s23+$0x0], $0xffff;
	s4 =	sor.u32 s14, s15;
	s21 =	sadd.s32 $0x15F80, s18;
	s22 =	sor.u32 s24, s12;
	[tilespmem:s20+$0x0] =	vst v45  }
.Ltmp2:
0x259: {  	v30 =	vld.idx.msk [tilespmem:v13+s3+$0x0], $0xffff;
	s15 =	sor.u32 $0x10000, s18;
	s26 =	sor.u32 s24, s21;
	[tilespmem:s22+$0x0] =	vst v44;
	(pc) =	sbr.rel @p0 .LBB2_7-.Ltmp2, $4  }
0x25a: {  	v56 =	vld [tilespmem:$0x1FFD0];
	s19 =	sor.u32 s14, s19;
	s10 =	sor.u32 s24, s15;
	s22 =	sor.u32 $0x12000, s18;
	[tilespmem:s26+$0x0] =	vst v42  }
0x25b: {  	v50 =	vmov v26;
	v26 =	vld.idx.msk [tilespmem:v36+s23+$0x0], $0xffff;
	s21 =	sor.u32 s14, s21;
	s26 =	sor.u32 $0x14000, s18;
	s17 =	sor.u32 s24, s22;
	[tilespmem:s10+$0x0] =	vst v41  }
0x25c: {  	v48 =	vmov v28;
	v28 =	vld.idx.msk [tilespmem:v36+s25+$0x0], $0xffff;
	s20 =	sor.u32 s14, s12;
	s10 =	sor.u32 $0x16000, s18;
	s25 =	sor.u32 s24, s26;
	[tilespmem:s17+$0x0] =	vst v40  }
0x25d: {  	v58 =	vmov v8;
	v57 =	vmov v7;
	v49 =	vmov v27;
	v27 =	vld.idx.msk [tilespmem:v36+s3+$0x0], $0xffff;
	s12 =	sor.u32 $0x10080, s18;
	s17 =	simm.s32 $0x1F40;
	s28 =	sor.u32 s24, s10;
	[tilespmem:s25+$0x0] =	vst v39  }
0x25e: {  	[tilespmem:s28+$0x0] =	vst v10;
	s5 =	sor.u32 $0x12080, s18;
	s7 =	sor.u32 s24, s12  }
0x25f: {  	s28 =	sor.u32 $0x14080, s18;
	[tilespmem:s7+$0x0] =	vst v11;
	s9 =	sor.u32 s24, s5  }
0x260: {  	s11 =	sor.u32 s24, s28;
	[tilespmem:s9+$0x0] =	vst v14;
	s9 =	sor.u32 $0x16080, s18  }
0x261: {  	[tilespmem:s11+$0x0] =	vst v15;
	s6 =	sor.u32 s24, s9  }
0x262: {  	[tilespmem:s6+$0x0] =	vst v16  }
0x263: {  	s6 =	rddreg [dreg:$0x3]  }
0x264: {  	s13 =	simm.s32 $0x0;
	[tilespmem:s6+$0x0] =	vst v56  }
0x265: {  	v2 =	vld.idx.msk [tilespmem:v0+s13+$0x0], $0xffff;
	s16 =	rddreg [dreg:$0x4]  }
0x266: {  	s3 =	simm.s32 $0x3E80;
	v3 =	vld.idx.msk [tilespmem:v0+s17+$0x0], $0xffff;
	[tilespmem:s16+$0x0] =	vst v58  }
0x267: {  	v1 =	vld.idx.msk [tilespmem:v13+s3+$0x0], $0xffff;
	s6 =	rddreg [dreg:$0x5]  }
0x268: {  	s17 =	simm.s32 $0x5DC0;
	v4 =	vld.idx.msk [tilespmem:v0+s3+$0x0], $0xffff;
	[tilespmem:s6+$0x0] =	vst v57  }
0x269: {  	v62 =	vld.idx.msk [tilespmem:v0+s17+$0x0], $0xffff;
	s18 =	rddreg [dreg:$0x9]  }
0x26a: {  	v63 =	vld.idx.msk [tilespmem:v13+s17+$0x0], $0xffff;
	[tilespmem:s18+$0x0] =	vst v2  }
0x26b: {  	s3 =	rddreg [dreg:$0xa]  }
0x26c: {  	[tilespmem:s3+$0x0] =	vst v3  }
0x26d: {  	s3 =	rddreg [dreg:$0xb]  }
0x26e: {  	[tilespmem:s3+$0x0] =	vst v4  }
0x26f: {  	s3 =	rddreg [dreg:$0xc]  }
0x270: {  	[tilespmem:s3+$0x0] =	vst v62  }
0x271: {  	s3 =	rddreg [dreg:$0xd]  }
0x272: {  	[tilespmem:s3+$0x0] =	vst v48  }
0x273: {  	s3 =	rddreg [dreg:$0xe]  }
0x274: {  	[tilespmem:s3+$0x0] =	vst v49  }
0x275: {  	s3 =	rddreg [dreg:$0xf]  }
0x276: {  	[tilespmem:s3+$0x0] =	vst v50  }
0x277: {  	s3 =	rddreg [dreg:$0x10]  }
0x278: {  	[tilespmem:s3+$0x0] =	vst v5  }
0x279: {  	s3 =	rddreg [dreg:$0x11]  }
0x27a: {  	[tilespmem:s3+$0x0] =	vst v6  }
0x27b: {  	s3 =	rddreg [dreg:$0x12]  }
0x27c: {  	[tilespmem:s3+$0x0] =	vst v9  }
0x27d: {  	s3 =	rddreg [dreg:$0x13]  }
0x27e: {  	[tilespmem:s3+$0x0] =	vst v12  }
0x27f: {  	s3 =	rddreg [dreg:$0x15]  }
0x280: {  	[tilespmem:s3+$0x0] =	vst v17  }
0x281: {  	s3 =	rddreg [dreg:$0x17]  }
0x282: {  	[tilespmem:s3+$0x0] =	vst v18  }
0x283: {  	[tilespmem:s8+$0x0] =	vst v19  }
0x284: {  	[tilespmem:s30+$0x0] =	vst v20  }
0x285: {  	[tilespmem:s2+$0x0] =	vst v21  }
0x286: {  	[tilespmem:s29+$0x0] =	vst v22  }
0x287: {  	[tilespmem:s31+$0x0] =	vst v23  }
0x288: {  	[tilespmem:s1+$0x0] =	vst v24  }
0x289: {  	[tilespmem:s0+$0x0] =	vst v25  }
0x28a: {  	[tilespmem:s4+$0x0] =	vst v26  }
0x28b: {  	[tilespmem:s19+$0x0] =	vst v27  }
0x28c: {  	[tilespmem:s20+$0x0] =	vst v28  }
0x28d: {  	[tilespmem:s21+$0x0] =	vst v29;
	s21 =	sor.u32 s14, s15  }
0x28e: {  	s22 =	sor.u32 s14, s22;
	[tilespmem:s21+$0x0] =	vst v31  }
0x28f: {  	s23 =	sor.u32 s14, s26;
	[tilespmem:s22+$0x0] =	vst v32  }
0x290: {  	s24 =	sor.u32 s14, s10;
	[tilespmem:s23+$0x0] =	vst v33  }
0x291: {  	[tilespmem:s24+$0x0] =	vst v34  }
0x292: {  	s1 =	sld [smem:$0x7ED]  }
0x293: {  	s25 =	sor.u32 s14, s12  }
0x294: {  	s26 =	sor.u32 s14, s5;
	[tilespmem:s25+$0x0] =	vst v35  }
0x295: {  	[tilespmem:s26+$0x0] =	vst v30;
	s1 =	smul.u32 $0xFA000, s1  }
0x296: {  	s0 =	rddreg [dreg:$0x1f]  }
0x297: {  	s28 =	sor.u32 s14, s28;
	s0 =	sadd.s32 s0, s1  }
0x298: {  	s29 =	sor.u32 s14, s9;
	s4 =	rddreg [dreg:$0x1];
	[tilespmem:s28+$0x0] =	vst v1;
	s0 =	sshrl.u32 s0, $0x3  }
0x299: {  	s30 =	simm.s32 $0xFD00;
	[tilespmem:s29+$0x0] =	vst v63;
	s0 =	sadd.s32 s4, s0  }
0x29a: {  	[hbm4b:s0+s13] =	stream.linear.scatter [tilespmem:s30], [sflag:$0x5], $0x2000, $0x38;
	[tilespmem:$0x18500] =	vst v63  }
0x29b: {  	s0 =	sld [smem:$0x7F1];
	_ =	sdelay $0x2  }
0x29c: {  	s0 =	sadd.s32 @!p1 s0, s1  }
0x29d: {  	s0 =	sshrl.u32 @!p1 s0, $0x3  }
0x29e: {  	s3 =	simm.s32 @!p1 $0x11D00;
	s2 =	simm.s32 @!p1 $0x0;
	s0 =	sadd.s32 @!p1 s4, s0  }
0x29f: {  	[hbm4b:s0+s2] =	stream.linear.scatter @!p1 [tilespmem:s3], [sflag:$0x6], $0x2000, $0x38;
	[tilespmem:$0x18500] =	vst v63  }
0x2a0: {  	s0 =	sld [smem:$0x7FB];
	_ =	sdelay $0x2  }
0x2a1: {  	s0 =	sshll.u32 @p5 s0, $0xD  }
0x2a2: {  	s0 =	sadd.s32 @p5 s1, s0  }
0x2a3: {  	s0 =	sshrl.u32 @p5 s0, $0x3  }
0x2a4: {  	s2 =	simm.s32 @p5 $0x0;
	s3 =	simm.s32 @p5 $0x13D00;
	s0 =	sadd.s32 @p5 s4, s0  }
0x2a5: {  	[hbm4b:s0+s2] =	stream.linear.scatter @p5 [tilespmem:s3], [sflag:$0x7], $0x2000, $0x38;
	[tilespmem:$0x18500] =	vst v63  }
0x2a6: {  	s0 =	sld [smem:$0x7FA];
	_ =	sdelay $0x2  }
0x2a7: {  	s0 =	sshll.u32 @p6 s0, $0xD  }
0x2a8: {  	s0 =	sadd.s32 @p6 s1, s0  }
0x2a9: {  	s31 =	sld [smem:$0x7EE];
	s0 =	sshrl.u32 @p6 s0, $0x3  }
0x2aa: {  	s2 =	simm.s32 @p6 $0x15D00;
	s1 =	simm.s32 @p6 $0x0;
	s0 =	sadd.s32 @p6 s4, s0  }
0x2ab: {  	[hbm4b:s0+s1] =	stream.linear.scatter @p6 [tilespmem:s2], [sflag:$0x8], $0x2000, $0x38;
	[tilespmem:$0x18500] =	vst v63  }
0x2ac: {  	s2 =	sadd.s32 $0x1, s31  }
0x2ad: {  	p0 =	sne.s32 s2, $0x19  }
.Ltmp3:
0x2ae: {  	_ = 	snop;
	(pc) =	sbr.rel @p0 .LBB2_2-.Ltmp3, $3  }
0x2af: {  	_ =	sdelay $0x1  }
0x2b0: {  	s12 =	simm.s32 $0x3E80  }
0x2b1: {  	s5 =	simm.s32 $0x0;
	s11 =	simm.s32 $0x1F40;
	s13 =	simm.s32 $0x5DC0  }
0x2b2: {  	s0 =	simm.s32 $0x1  }
0x2b3: {  	_ =	swait.ge [sflag:s0], $0x2000  }
0x2b4: {  	[sflag:s0] =	ssyncset.done $0x0  }
0x2b5: {  	[sflag:s0] =	ssyncadd.s32 $0xFFFFE000;
	s0 =	simm.s32 @!p1 $0x2  }
0x2b6: {  	_ =	swait.ge @!p1 [sflag:s0], $0x2000  }
0x2b7: {  	s29 =	sld [smem:$0x7FC];
	_ =	sdelay $0x2  }
0x2b8: {  	[sflag:s0] =	ssyncset.done @!p1 $0x0;
	p0 =	seq.s32 s29, $0x1  }
0x2b9: {  	[sflag:s0] =	ssyncadd.s32 @!p1 $0xFFFFE000;
	s0 =	simm.s32 @!p0 $0x3  }
0x2ba: {  	_ =	swait.ge @!p0 [sflag:s0], $0x2000  }
0x2bb: {  	[sflag:s0] =	ssyncset.done @!p0 $0x0  }
0x2bc: {  	[sflag:s0] =	ssyncadd.s32 @!p0 $0xFFFFE000;
	s0 =	simm.s32 @!p0 $0x4  }
0x2bd: {  	_ =	swait.ge @!p0 [sflag:s0], $0x2000  }
0x2be: {  	[sflag:s0] =	ssyncset.done @!p0 $0x0  }
0x2bf: {  	[sflag:s0] =	ssyncadd.s32 @!p0 $0xFFFFE000;
	s0 =	simm.s32 @!p0 $0x5  }
0x2c0: {  	_ =	swait.ge @!p0 [sflag:s0], $0x2000  }
0x2c1: {  	[sflag:s0] =	ssyncset.done @!p0 $0x0  }
0x2c2: {  	[sflag:s0] =	ssyncadd.s32 @!p0 $0xFFFFE000;
	s0 =	simm.s32 @!p0 $0x6  }
0x2c3: {  	_ =	swait.ge @!p0 [sflag:s0], $0x2000  }
0x2c4: {  	s30 =	sld [smem:$0x7FD];
	_ =	sdelay $0x1  }
0x2c5: {  	[sflag:s0] =	ssyncset.done @!p0 $0x0  }
0x2c6: {  	s1 =	simm.s32 @!p1 $0x5;
	[sflag:s0] =	ssyncadd.s32 @!p0 $0xFFFFE000;
	p0 =	seq.s32 s30, $0x1  }
0x2c7: {  	s1 =	simm.s32 @p0 $0x7  }
0x2c8: {  	s0 =	simm.s32 @!p1 $0x6;
	_ =	swait.ge @!p1 [sflag:s1], $0x2000  }
0x2c9: {  	s0 =	simm.s32 @p0 $0x8;
	[sflag:s1] =	ssyncset.done @!p1 $0x0  }
0x2ca: {  	s0 =	simm.s32 @p1 $0x5;
	[sflag:s1] =	ssyncadd.s32 @!p1 $0xFFFFE000  }
0x2cb: {  	_ =	swait.ge [sflag:s0], $0x2000  }
0x2cc: {  	s2 =	sld [smem:$0x7EF]  }
0x2cd: {  	s31 =	sld [smem:$0x7F6];
	_ =	sdelay $0x1  }
0x2ce: {  	s2 =	sadd.s32 $0x1, s2  }
0x2cf: {  	p0 =	sne.s32 s2, s31  }
.Ltmp4:
0x2d0: {  	_ = 	snop;
	(pc) =	sbr.rel @p0 .LBB2_1-.Ltmp4, $3  }
0x2d1: {  	_ =	sdelay $0x1  }
0x2d2: {  	[sflag:s0] =	ssyncset.done $0x0  }
0x2d3: {  	[sflag:s0] =	ssyncadd.s32 $0xFFFFE000  }
0x2d4: {  	_ =	sfence.sel $0x180000  }
0x2d5: {  	[bflag:$0x0] =	sbarrier.arrive $0xFFFF  }
0x2d6: {  	_ =	strace $0x90000047  }
0x2d7: {  	s0 =	stileid.u32;
	[bflag:$0x2] =	sbarrier.arrive $0xFFFF  }
0x2d8: {  	p0 =	sne.s32 s0, $0x0;
	s0 =	rddreg [dreg:$0x2]  }
0x2d9: {  	s0 =	sadd.s32 @!p0 $0x100000, s0  }
0x2da: {  	[sflag:s0] =	ssyncadd.tile.s32 @!p0 $0x1;
	_ =	shalt  }
.Lfunc_end2:
_tile_overlayer_lowered:
.L_overlay_start_2:
0x2db: {  	(tag) =	ssettag $0x2  }
0x2dc: {  	s0 =	rddreg [dreg:$0x0];
	s2 =	stileid.u32  }
0x2dd: {  	s1 =	rddreg [dreg:$0x1];
	p0 =	sne.s32 s2, $0x0  }
0x2de: {  	s3 =	rddreg [dreg:$0x2];
	[bflag:$0x3] =	sbarrier.arrive $0xFFFF;
	s2 =	simm.s32 @!p0 $0x1C0B  }
0x2df: {  	[timem:s3], [sflag:s2] =	dma.local @!p0 [hbm:s0], s1  }
0x2e0: {  	s0 =	simm.s32 @!p0 $0xB  }
0x2e1: {  	_ =	swait.ge @!p0 [sflag:s0], s1  }
0x2e2: {  	s1 =	ssub.s32 @!p0 $0x0, s1;
	[sflag:s0] =	ssyncset.done @!p0 $0x0  }
0x2e3: {  	[sflag:s0] =	ssyncadd.s32 @!p0 s1  }
0x2e4: {  	[bflag:$0x3] =	sbarrier.arrive $0xFFFF  }
0x2e5: {  	_ =	shalt  }

</sc_bundles>
